<compile_context>
chip_gen: v7x
topology: tpu7x:2x2x1
jax: 0.10.2.dev20260603
libtpu: 0.0.44.dev20260713+nightly
codegen_flags: <defaults>
</compile_context>

<pallas_src>
import dataclasses

import jax
import jax.numpy as jnp
from jax import lax
from jax.experimental import pallas as pl
from jax.experimental.pallas import tpu as pltpu
from jax.experimental.pallas import tpu_sc as plsc

N = 10000
E = 64000
D_IN = 1028
D_GAT = 256
B = 16
L = 625
B_POS = 8

_PREC = jax.lax.Precision.DEFAULT

NPW = 320
W_ACC = 256
CHUNK = 2000
K = 32



def _stage1_body(x_ref, w_ref, b_ref, out_ref):
    acc = jnp.dot(x_ref[...], w_ref[...], precision=_PREC,
                  preferred_element_type=jnp.float32) + b_ref[...]
    out_ref[...] = acc.reshape(acc.shape[0], 2, D_GAT)


def _stage1(x, w_cat, b_cat):
    bm = 400
    out = pl.pallas_call(
        _stage1_body,
        grid=(N // bm,),
        in_specs=[
            pl.BlockSpec((bm, D_IN), lambda i: (i, 0)),
            pl.BlockSpec((D_IN, 2 * D_GAT), lambda i: (0, 0)),
            pl.BlockSpec((1, 2 * D_GAT), lambda i: (0, 0)),
        ],
        out_specs=pl.BlockSpec((bm, 2, D_GAT), lambda i: (i, 0, 0)),
        out_shape=jax.ShapeDtypeStruct((N, 2, D_GAT), jnp.float32),
    )(x, w_cat, b_cat)
    return out.reshape(2 * N, D_GAT)



def _edge_body(xlr_hbm, src_hbm, dst_hbm, att_hbm, num_hbm, den_hbm,
               num_tile, src_ch, dst_ch, pair_cb, pairs0, pairs1, sidx,
               att_v, den_tile, sem1, sem2):
    c = lax.axis_index("c")
    s = lax.axis_index("s")
    wid = c * 16 + s
    lo = wid * NPW

    @pl.loop(0, NPW * W_ACC // 256)
    def _(r):
        z = jnp.zeros((16,), jnp.float32)
        for q in range(16):
            num_tile[pl.ds(r * 256 + q * 16, 16)] = z

    @pl.loop(0, NPW // 16)
    def _(r):
        den_tile[pl.ds(r * 16, 16)] = jnp.zeros((16,), jnp.float32)

    pltpu.sync_copy(att_hbm, att_v)

    ii16 = lax.iota(jnp.int32, 16)

    @pl.loop(0, E // CHUNK)
    def _(ch):
        pltpu.sync_copy(src_hbm.at[pl.ds(ch * CHUNK, CHUNK)], src_ch)
        pltpu.sync_copy(dst_hbm.at[pl.ds(ch * CHUNK, CHUNK)], dst_ch)

        def scan_body(i, pos):
            sv = src_ch[pl.ds(i * 16, 16)]
            dv = dst_ch[pl.ds(i * 16, 16)]
            m = (dv >= lo) & (dv < lo + NPW)
            cs = lax.cumsum(m.astype(jnp.int32), axis=0)
            offs = pos + cs - 1
            plsc.store_scatter(pair_cb, [2 * offs], 2 * sv, mask=m)
            plsc.store_scatter(pair_cb, [2 * offs + 1], 2 * dv + 1, mask=m)
            return pos + jnp.max(cs)

        cnt = lax.fori_loop(0, CHUNK // 16, scan_body, jnp.int32(0))

        for w in range(K // 16 * 2):
            idxp = 2 * cnt + w * 16 + ii16
            plsc.store_scatter(pair_cb, [idxp], idxp & 1, mask=None)

        nb = (cnt + (K - 1)) // K

        def gather_args(b, buf, sem):
            return (xlr_hbm.at[pair_cb.at[pl.ds(b * 2 * K, 2 * K)]], buf, sem)

        @pl.when(nb > 0)
        def _():
            pltpu.async_copy(*gather_args(0, pairs0, sem1))

        def bb_body(bb, carry):
            for par in range(2):
                b = bb * 2 + par
                pbuf = (pairs0, pairs1)[par]
                psem = (sem1, sem2)[par]
                nbuf = (pairs1, pairs0)[par]
                nsem = (sem2, sem1)[par]

                @pl.when(b < nb)
                def _():
                    pltpu.make_async_copy(*gather_args(b, pbuf, psem)).wait()

                    @pl.when(b + 1 < nb)
                    def _():
                        pltpu.async_copy(*gather_args(b + 1, nbuf, nsem))

                    for q in range(K // 16):
                        gi = b * 2 * K + q * 32 + 1 + 2 * ii16
                        v = plsc.load_gather(pair_cb, [gi])
                        dsto = lax.shift_right_arithmetic(v - 1, 1) - lo
                        sidx[pl.ds(q * 16, 16)] = \
                            jnp.minimum(jnp.maximum(dsto, 0), NPW - 1)

                    att_r = [att_v[pl.ds(j * 16, 16)] for j in range(16)]

                    @pl.loop(0, K // 2)
                    def _(kk):
                        for u in range(2):
                            k = 2 * kk + u
                            partial = jnp.zeros((16,), jnp.float32)
                            vals = []
                            for j in range(16):
                                a = pbuf[2 * k, pl.ds(j * 16, 16)]
                                bb_ = pbuf[2 * k + 1, pl.ds(j * 16, 16)]
                                t = a + bb_
                                t = jnp.where(t >= 0, t, 0.2 * t)
                                partial = partial + t * att_r[j]
                                vals.append(a)
                            sc = jnp.sum(partial)
                            gate = ((b * K + k) < cnt).astype(jnp.float32)
                            ex = gate * jnp.exp(
                                jnp.full((16,), sc, jnp.float32))
                            grp = lax.shift_right_logical(k, 4) * 16
                            di_v = sidx[pl.ds(grp, 16)]
                            msk = ii16 == (k - grp)
                            dspl = lax.gather(
                                di_v,
                                jnp.full((16, 1), k - grp, jnp.int32),
                                lax.GatherDimensionNumbers(
                                    offset_dims=(),
                                    collapsed_slice_dims=(0,),
                                    start_index_map=(0,)),
                                slice_sizes=(1,),
                                mode=lax.GatherScatterMode.PROMISE_IN_BOUNDS)
                            ibase = dspl * W_ACC + ii16
                            for j in range(16):
                                plsc.addupdate_scatter(
                                    num_tile, [ibase + j * 16], ex * vals[j],
                                    mask=None)
                            plsc.addupdate_scatter(den_tile, [di_v], ex,
                                                   mask=msk)

            return carry

        lax.fori_loop(0, (nb + 1) // 2, bb_body, jnp.int32(0))

    pltpu.sync_copy(num_tile, num_hbm.at[pl.ds(lo * W_ACC, NPW * W_ACC)])
    pltpu.sync_copy(den_tile.at[pl.ds(0, NPW)], den_hbm.at[pl.ds(lo, NPW)])


def _edge_sc(xlr, src, dst, att):
    mesh = plsc.VectorSubcoreMesh(core_axis_name="c", subcore_axis_name="s")
    cp = pltpu.CompilerParams()
    if "needs_layout_passes" in pltpu.CompilerParams.__dataclass_fields__:
        cp = dataclasses.replace(cp, needs_layout_passes=False)
    kern = pl.kernel(
        _edge_body,
        out_type=[
            jax.ShapeDtypeStruct((32 * NPW * W_ACC,), jnp.float32),
            jax.ShapeDtypeStruct((32 * NPW,), jnp.float32),
        ],
        mesh=mesh,
        compiler_params=cp,
        scratch_types=[
            pltpu.VMEM((NPW * W_ACC,), jnp.float32),
            pltpu.VMEM((CHUNK,), jnp.int32),
            pltpu.VMEM((CHUNK,), jnp.int32),
            pltpu.VMEM((2 * (CHUNK + K),), jnp.int32),
            pltpu.VMEM((2 * K, D_GAT), jnp.float32),
            pltpu.VMEM((2 * K, D_GAT), jnp.float32),
            pltpu.VMEM((K,), jnp.int32),
            pltpu.VMEM((D_GAT,), jnp.float32),
            pltpu.VMEM((NPW + 64,), jnp.float32),
            pltpu.SemaphoreType.DMA,
            pltpu.SemaphoreType.DMA,
        ],
    )
    return kern(xlr, src, dst, att)



def _stage3_body(num_ref, den_ref, w_ref, b_ref, bout_ref, out_ref):
    num = num_ref[0]
    den = den_ref[0]
    gat = num / jnp.maximum(den, 1e-16) + bout_ref[...]
    gr = jnp.dot(gat, w_ref[...], precision=_PREC,
                 preferred_element_type=jnp.float32) + b_ref[...]
    out_ref[...] = jnp.mean(gr, axis=0).reshape(1, 1, D_GAT)


def _stage3(num, den, pre_W, pre_b, b_out):
    out = pl.pallas_call(
        _stage3_body,
        grid=(B,),
        in_specs=[
            pl.BlockSpec((1, L, D_GAT), lambda i: (i, 0, 0)),
            pl.BlockSpec((1, L, 1), lambda i: (i, 0, 0)),
            pl.BlockSpec((D_GAT, D_GAT), lambda i: (0, 0)),
            pl.BlockSpec((1, D_GAT), lambda i: (0, 0)),
            pl.BlockSpec((1, D_GAT), lambda i: (0, 0)),
        ],
        out_specs=pl.BlockSpec((1, 1, D_GAT), lambda i: (i, 0, 0)),
        out_shape=jax.ShapeDtypeStruct((B, 1, D_GAT), jnp.float32),
    )(num.reshape(B, L, D_GAT), den.reshape(B, L, 1), pre_W, pre_b, b_out)
    return out.reshape(B, D_GAT)



def _stage4_body(gr_ref, emb_ref, pmw_ref, pmb_ref, comb_w_ref, comb_b_ref,
                 ln_g_ref, ln_b_ref, projw_ref, projb_ref, radius_ref, out_ref):
    mean_out = jnp.dot(emb_ref[...], pmw_ref[...], precision=_PREC,
                       preferred_element_type=jnp.float32) + pmb_ref[...]
    h = jnp.concatenate([mean_out, gr_ref[...]], axis=1)
    for i in range(4):
        h = jnp.dot(h, comb_w_ref[i], precision=_PREC,
                    preferred_element_type=jnp.float32) + comb_b_ref[i]
        h = jnp.where(h >= 0, h, 0.01 * h)
        mu = jnp.mean(h, axis=-1, keepdims=True)
        var = jnp.mean((h - mu) ** 2, axis=-1, keepdims=True)
        h = (h - mu) / jnp.sqrt(var + 1e-5) * ln_g_ref[i] + ln_b_ref[i]
    proj = jnp.dot(h, projw_ref[...], precision=_PREC,
                   preferred_element_type=jnp.float32) + projb_ref[...]
    pos_proto = jnp.mean(proj[:B_POS], axis=0)
    q = proj[B_POS:] - pos_proto[None, :]
    d = jnp.sqrt(jnp.sum(q * q, axis=1, keepdims=True))
    coeff = jnp.log(jnp.float32(2.0)) / radius_ref[0, 0]
    pin = jnp.exp(-d * coeff)
    out_ref[...] = jnp.concatenate([pin, 1.0 - pin], axis=1)


def _stage4(gat_read, embed1D, params):
    comb_W = jnp.stack(params['comb_W'])
    comb_b = jnp.stack(params['comb_b'])
    ln_g = jnp.stack(params['ln_g'])
    ln_b = jnp.stack(params['ln_b'])
    full = lambda shape: [pl.BlockSpec(shape, lambda i: tuple(0 for _ in shape))]
    in_specs = (
        full((B, D_GAT)) + full((B, D_IN)) + full((D_IN, 256)) + full((1, 256))
        + full((4, 512, 512)) + full((4, 1, 512)) + full((4, 1, 512))
        + full((4, 1, 512)) + full((512, 32)) + full((1, 32)) + full((1, 1))
    )
    return pl.pallas_call(
        _stage4_body,
        grid=(1,),
        in_specs=in_specs,
        out_specs=pl.BlockSpec((B - B_POS, 2), lambda i: (0, 0)),
        out_shape=jax.ShapeDtypeStruct((B - B_POS, 2), jnp.float32),
    )(gat_read, embed1D, params['pm_W'], params['pm_b'].reshape(1, 256),
      comb_W, comb_b.reshape(4, 1, 512), ln_g.reshape(4, 1, 512),
      ln_b.reshape(4, 1, 512), params['proj_W'],
      params['proj_b'].reshape(1, 32), params['radius'].reshape(1, 1))


def kernel(x, edge_index, embed1D, params):
    w_cat = jnp.concatenate([params['W_l'], params['W_r']], axis=1)
    b_cat = jnp.concatenate([params['b_l'], params['b_r']]).reshape(1, 2 * D_GAT)
    xlr = _stage1(x, w_cat, b_cat)
    num_p, den_p = _edge_sc(xlr, edge_index[0], edge_index[1],
                            params['att'])
    num = num_p.reshape(32 * NPW, W_ACC)[:N]
    den = den_p[:N]
    gat_read = _stage3(num, den, params['pre_W'],
                       params['pre_b'].reshape(1, D_GAT),
                       params['b_out'].reshape(1, D_GAT))
    return _stage4(gat_read, embed1D, params)

# --- scband reference (transcript-rebuilt; emitter-appended) ---
"""Pipeline reference for scband-ball-classifier-74302934220975 (READ-ONLY COPY).

The authoritative reference and input builder live on the scoring server;
editing this copy changes nothing except your own understanding.
"""

import jax, jax.numpy as jnp
import numpy as np

N = 10000
E = 64000
D_IN = 1028
D_GAT = 256
B = 16
L = 625
B_POS = 8


def _layernorm(h, gamma, beta):
    mu = jnp.mean(h, axis=-1, keepdims=True)
    var = jnp.var(h, axis=-1, keepdims=True)
    return (h - mu) / jnp.sqrt(var + 1e-5) * gamma + beta


def make_params(key):
    ks = jax.random.split(key, 32)

    def lin(k, fin, fout):
        return jax.random.normal(k, (fin, fout), dtype=jnp.float32) * (1.0 / np.sqrt(fin))

    p = {}
    # GATv2Conv(1028 -> 256, heads=1, v2): lin_l, lin_r, att, output bias
    p['W_l'] = lin(ks[0], D_IN, D_GAT)
    p['b_l'] = jnp.zeros((D_GAT,), jnp.float32)
    p['W_r'] = lin(ks[1], D_IN, D_GAT)
    p['b_r'] = jnp.zeros((D_GAT,), jnp.float32)
    p['att'] = jax.random.normal(ks[2], (D_GAT,), jnp.float32) * 0.1
    p['b_out'] = jnp.zeros((D_GAT,), jnp.float32)
    # preReadout Linear(256,256)
    p['pre_W'] = lin(ks[3], 256, 256)
    p['pre_b'] = jnp.zeros((256,), jnp.float32)
    # postMean Linear(1028,256)
    p['pm_W'] = lin(ks[4], D_IN, 256)
    p['pm_b'] = jnp.zeros((256,), jnp.float32)
    # postCombination: 4 x (Linear(512,512), LeakyReLU, LayerNorm(512))
    p['comb_W'] = [lin(ks[5 + i], 512, 512) for i in range(4)]
    p['comb_b'] = [jnp.zeros((512,), jnp.float32) for _ in range(4)]
    p['ln_g'] = [jnp.ones((512,), jnp.float32) for _ in range(4)]
    p['ln_b'] = [jnp.zeros((512,), jnp.float32) for _ in range(4)]
    # projection Linear(512,32)
    p['proj_W'] = lin(ks[10], 512, 32)
    p['proj_b'] = jnp.zeros((32,), jnp.float32)
    # ball radius parameter
    p['radius'] = jnp.ones((1,), jnp.float32)
    return p


def _forward(x, edge_index, embed1D, params):
    src = edge_index[0]
    dst = edge_index[1]
    # GATv2 layer (single layer, heads=1)
    xl = x @ params['W_l'] + params['b_l']
    xr = x @ params['W_r'] + params['b_r']
    e = jax.nn.leaky_relu(xl[src] + xr[dst], 0.2)
    score = e @ params['att']
    m = jax.ops.segment_max(score, dst, num_segments=N)
    m = jnp.where(jnp.isfinite(m), m, 0.0)
    ex = jnp.exp(score - m[dst])
    denom = jax.ops.segment_sum(ex, dst, num_segments=N)
    gat = jax.ops.segment_sum(ex[:, None] * xl[src], dst, num_segments=N)
    gat = gat / jnp.maximum(denom, 1e-16)[:, None] + params['b_out']
    # ProteinEmbedder head
    gatReadable = gat @ params['pre_W'] + params['pre_b']
    gatRead = gatReadable.reshape(B, L, 256).mean(axis=1)
    meanOut = embed1D @ params['pm_W'] + params['pm_b']
    h = jnp.concatenate([meanOut, gatRead], axis=1)
    for i in range(4):
        h = jax.nn.leaky_relu(h @ params['comb_W'][i] + params['comb_b'][i], 0.01)
        h = _layernorm(h, params['ln_g'][i], params['ln_b'][i])
    proj = h @ params['proj_W'] + params['proj_b']
    # ballClassifier: prototype of positive embeddings, distances for query embeddings
    posProto = jnp.mean(proj[:B_POS], axis=0)
    q = proj[B_POS:] - posProto[None, :]
    d = jnp.sqrt(jnp.sum(q * q, axis=1))
    coeff = jnp.log(jnp.asarray(2.0, jnp.float32)) / params['radius'][0]
    pin = jnp.exp(-d * coeff)
    return jnp.stack([pin, 1.0 - pin], axis=1)


def setup_inputs(seed: int = 0):
    key = jax.random.key(seed)
    k1, k2, k3, k4 = jax.random.split(key, 4)
    x = jax.random.normal(k1, (N, D_IN), dtype=jnp.float32)
    edge_index = jax.random.randint(k2, (2, E), 0, N, dtype=jnp.int32)
    embed1D = jax.random.normal(k3, (B, D_IN), dtype=jnp.float32)
    params = make_params(k4)
    return {'x': x, 'edge_index': edge_index, 'embed1D': embed1D, 'params': params}


def reference(x, edge_index, embed1D, params):
    return _forward(x, edge_index, embed1D, params)

if __name__ == "__main__":
    import jax
    _d = setup_inputs()
    print(jax.jit(kernel)(*tuple(_d.values())))

</pallas_src>

<mosaic_0001>
#map = affine_map<(d0, d1) -> (0, 0)>
#map1 = affine_map<(d0, d1) -> (0)>
module attributes {stable_mosaic.version = 14 : i64} {
  func.func @_edge_body(%arg0: i32, %arg1: i32, %arg2: memref<20000x256xf32, #tpu.memory_space<hbm>>, %arg3: memref<64000xi32, #tpu.memory_space<hbm>>, %arg4: memref<64000xi32, #tpu.memory_space<hbm>>, %arg5: memref<256xf32, #tpu.memory_space<hbm>>, %arg6: memref<2621440xf32, #tpu.memory_space<hbm>>, %arg7: memref<10240xf32, #tpu.memory_space<hbm>>, %arg8: memref<81920xf32, #tpu.memory_space<vmem>>, %arg9: memref<2000xi32, #tpu.memory_space<vmem>>, %arg10: memref<2000xi32, #tpu.memory_space<vmem>>, %arg11: memref<4064xi32, #tpu.memory_space<vmem>>, %arg12: memref<64x256xf32, #tpu.memory_space<vmem>>, %arg13: memref<64x256xf32, #tpu.memory_space<vmem>>, %arg14: memref<32xi32, #tpu.memory_space<vmem>>, %arg15: memref<256xf32, #tpu.memory_space<vmem>>, %arg16: memref<384xf32, #tpu.memory_space<vmem>>, %arg17: memref<!tpu.dma_semaphore, #tpu.memory_space<semaphore_mem>>, %arg18: memref<!tpu.dma_semaphore, #tpu.memory_space<semaphore_mem>>) attributes {dimension_semantics = [#tpu.dimension_semantics<core_parallel>, #tpu.dimension_semantics<subcore_parallel>], iteration_bounds = array<i64: 2, 16>, scalar_prefetch = 0 : i64, scratch_operands = 11 : i64, tpu.core_type = #tpu.core_type<sc_vector_subcore>, window_params = [{transform_indices = #map}, {transform_indices = #map1}, {transform_indices = #map1}, {transform_indices = #map1}, {transform_indices = #map1}, {transform_indices = #map1}]} {
    %mul3A = arith.constant 16 : i32
    %mul3A_0 = arith.muli %arg0, %mul3A : i32
    %add3A = arith.addi %mul3A_0, %arg1 : i32
    %mul3A_1 = arith.constant 320 : i32
    %mul3A_2 = arith.muli %add3A, %mul3A_1 : i32
    %scan3A = arith.constant 0 : i32
    %scan3A_3 = arith.constant 320 : i32
    %scan3A_4 = arith.addi %scan3A, %scan3A_3 : i32
    %scan3A_5 = arith.constant 1 : i32
    scf.for %scan3A_19 = %scan3A to %scan3A_4 step %scan3A_5  : i32 {
      %mul3A_20 = arith.constant 1 : i32
      %mul3A_21 = arith.muli %scan3A_19, %mul3A_20 : i32
      %add3A_22 = arith.constant 0 : i32
      %add3A_23 = arith.addi %add3A_22, %mul3A_21 : i32
      %broadcast_in_dim3A = arith.constant 0.000000e+00 : f32
      %broadcast_in_dim3A_24 = vector.broadcast %broadcast_in_dim3A : f32 to vector<16xf32>
      %mul3A_25 = arith.constant 256 : i32
      %mul3A_26 = arith.muli %add3A_23, %mul3A_25 : i32
      %add3A_27 = arith.constant 0 : i32
      %add3A_28 = arith.addi %mul3A_26, %add3A_27 : i32
      %swap3A = arith.index_cast %add3A_28 : i32 to index
      %swap3A_29 = tpu.vector_load %arg8[%swap3A] {strides = array<i32>} : memref<81920xf32, #tpu.memory_space<vmem>>, vector<16xf32>,
      tpu.vector_store %arg8[%swap3A], %broadcast_in_dim3A_24 {strides = array<i32>} : memref<81920xf32, #tpu.memory_space<vmem>>, vector<16xf32>,
      %mul3A_30 = arith.constant 256 : i32
      %mul3A_31 = arith.muli %add3A_23, %mul3A_30 : i32
      %add3A_32 = arith.constant 16 : i32
      %add3A_33 = arith.addi %mul3A_31, %add3A_32 : i32
      %swap3A_34 = arith.index_cast %add3A_33 : i32 to index
      %swap3A_35 = tpu.vector_load %arg8[%swap3A_34] {strides = array<i32>} : memref<81920xf32, #tpu.memory_space<vmem>>, vector<16xf32>,
      tpu.vector_store %arg8[%swap3A_34], %broadcast_in_dim3A_24 {strides = array<i32>} : memref<81920xf32, #tpu.memory_space<vmem>>, vector<16xf32>,
      %mul3A_36 = arith.constant 256 : i32
      %mul3A_37 = arith.muli %add3A_23, %mul3A_36 : i32
      %add3A_38 = arith.constant 32 : i32
      %add3A_39 = arith.addi %mul3A_37, %add3A_38 : i32
      %swap3A_40 = arith.index_cast %add3A_39 : i32 to index
      %swap3A_41 = tpu.vector_load %arg8[%swap3A_40] {strides = array<i32>} : memref<81920xf32, #tpu.memory_space<vmem>>, vector<16xf32>,
      tpu.vector_store %arg8[%swap3A_40], %broadcast_in_dim3A_24 {strides = array<i32>} : memref<81920xf32, #tpu.memory_space<vmem>>, vector<16xf32>,
      %mul3A_42 = arith.constant 256 : i32
      %mul3A_43 = arith.muli %add3A_23, %mul3A_42 : i32
      %add3A_44 = arith.constant 48 : i32
      %add3A_45 = arith.addi %mul3A_43, %add3A_44 : i32
      %swap3A_46 = arith.index_cast %add3A_45 : i32 to index
      %swap3A_47 = tpu.vector_load %arg8[%swap3A_46] {strides = array<i32>} : memref<81920xf32, #tpu.memory_space<vmem>>, vector<16xf32>,
      tpu.vector_store %arg8[%swap3A_46], %broadcast_in_dim3A_24 {strides = array<i32>} : memref<81920xf32, #tpu.memory_space<vmem>>, vector<16xf32>,
      %mul3A_48 = arith.constant 256 : i32
      %mul3A_49 = arith.muli %add3A_23, %mul3A_48 : i32
      %add3A_50 = arith.constant 64 : i32
      %add3A_51 = arith.addi %mul3A_49, %add3A_50 : i32
      %swap3A_52 = arith.index_cast %add3A_51 : i32 to index
      %swap3A_53 = tpu.vector_load %arg8[%swap3A_52] {strides = array<i32>} : memref<81920xf32, #tpu.memory_space<vmem>>, vector<16xf32>,
      tpu.vector_store %arg8[%swap3A_52], %broadcast_in_dim3A_24 {strides = array<i32>} : memref<81920xf32, #tpu.memory_space<vmem>>, vector<16xf32>,
      %mul3A_54 = arith.constant 256 : i32
      %mul3A_55 = arith.muli %add3A_23, %mul3A_54 : i32
      %add3A_56 = arith.constant 80 : i32
      %add3A_57 = arith.addi %mul3A_55, %add3A_56 : i32
      %swap3A_58 = arith.index_cast %add3A_57 : i32 to index
      %swap3A_59 = tpu.vector_load %arg8[%swap3A_58] {strides = array<i32>} : memref<81920xf32, #tpu.memory_space<vmem>>, vector<16xf32>,
      tpu.vector_store %arg8[%swap3A_58], %broadcast_in_dim3A_24 {strides = array<i32>} : memref<81920xf32, #tpu.memory_space<vmem>>, vector<16xf32>,
      %mul3A_60 = arith.constant 256 : i32
      %mul3A_61 = arith.muli %add3A_23, %mul3A_60 : i32
      %add3A_62 = arith.constant 96 : i32
      %add3A_63 = arith.addi %mul3A_61, %add3A_62 : i32
      %swap3A_64 = arith.index_cast %add3A_63 : i32 to index
      %swap3A_65 = tpu.vector_load %arg8[%swap3A_64] {strides = array<i32>} : memref<81920xf32, #tpu.memory_space<vmem>>, vector<16xf32>,
      tpu.vector_store %arg8[%swap3A_64], %broadcast_in_dim3A_24 {strides = array<i32>} : memref<81920xf32, #tpu.memory_space<vmem>>, vector<16xf32>,
      %mul3A_66 = arith.constant 256 : i32
      %mul3A_67 = arith.muli %add3A_23, %mul3A_66 : i32
      %add3A_68 = arith.constant 112 : i32
      %add3A_69 = arith.addi %mul3A_67, %add3A_68 : i32
      %swap3A_70 = arith.index_cast %add3A_69 : i32 to index
      %swap3A_71 = tpu.vector_load %arg8[%swap3A_70] {strides = array<i32>} : memref<81920xf32, #tpu.memory_space<vmem>>, vector<16xf32>,
      tpu.vector_store %arg8[%swap3A_70], %broadcast_in_dim3A_24 {strides = array<i32>} : memref<81920xf32, #tpu.memory_space<vmem>>, vector<16xf32>,
      %mul3A_72 = arith.constant 256 : i32
      %mul3A_73 = arith.muli %add3A_23, %mul3A_72 : i32
      %add3A_74 = arith.constant 128 : i32
      %add3A_75 = arith.addi %mul3A_73, %add3A_74 : i32
      %swap3A_76 = arith.index_cast %add3A_75 : i32 to index
      %swap3A_77 = tpu.vector_load %arg8[%swap3A_76] {strides = array<i32>} : memref<81920xf32, #tpu.memory_space<vmem>>, vector<16xf32>,
      tpu.vector_store %arg8[%swap3A_76], %broadcast_in_dim3A_24 {strides = array<i32>} : memref<81920xf32, #tpu.memory_space<vmem>>, vector<16xf32>,
      %mul3A_78 = arith.constant 256 : i32
      %mul3A_79 = arith.muli %add3A_23, %mul3A_78 : i32
      %add3A_80 = arith.constant 144 : i32
      %add3A_81 = arith.addi %mul3A_79, %add3A_80 : i32
      %swap3A_82 = arith.index_cast %add3A_81 : i32 to index
      %swap3A_83 = tpu.vector_load %arg8[%swap3A_82] {strides = array<i32>} : memref<81920xf32, #tpu.memory_space<vmem>>, vector<16xf32>,
      tpu.vector_store %arg8[%swap3A_82], %broadcast_in_dim3A_24 {strides = array<i32>} : memref<81920xf32, #tpu.memory_space<vmem>>, vector<16xf32>,
      %mul3A_84 = arith.constant 256 : i32
      %mul3A_85 = arith.muli %add3A_23, %mul3A_84 : i32
      %add3A_86 = arith.constant 160 : i32
      %add3A_87 = arith.addi %mul3A_85, %add3A_86 : i32
      %swap3A_88 = arith.index_cast %add3A_87 : i32 to index
      %swap3A_89 = tpu.vector_load %arg8[%swap3A_88] {strides = array<i32>} : memref<81920xf32, #tpu.memory_space<vmem>>, vector<16xf32>,
      tpu.vector_store %arg8[%swap3A_88], %broadcast_in_dim3A_24 {strides = array<i32>} : memref<81920xf32, #tpu.memory_space<vmem>>, vector<16xf32>,
      %mul3A_90 = arith.constant 256 : i32
      %mul3A_91 = arith.muli %add3A_23, %mul3A_90 : i32
      %add3A_92 = arith.constant 176 : i32
      %add3A_93 = arith.addi %mul3A_91, %add3A_92 : i32
      %swap3A_94 = arith.index_cast %add3A_93 : i32 to index
      %swap3A_95 = tpu.vector_load %arg8[%swap3A_94] {strides = array<i32>} : memref<81920xf32, #tpu.memory_space<vmem>>, vector<16xf32>,
      tpu.vector_store %arg8[%swap3A_94], %broadcast_in_dim3A_24 {strides = array<i32>} : memref<81920xf32, #tpu.memory_space<vmem>>, vector<16xf32>,
      %mul3A_96 = arith.constant 256 : i32
      %mul3A_97 = arith.muli %add3A_23, %mul3A_96 : i32
      %add3A_98 = arith.constant 192 : i32
      %add3A_99 = arith.addi %mul3A_97, %add3A_98 : i32
      %swap3A_100 = arith.index_cast %add3A_99 : i32 to index
      %swap3A_101 = tpu.vector_load %arg8[%swap3A_100] {strides = array<i32>} : memref<81920xf32, #tpu.memory_space<vmem>>, vector<16xf32>,
      tpu.vector_store %arg8[%swap3A_100], %broadcast_in_dim3A_24 {strides = array<i32>} : memref<81920xf32, #tpu.memory_space<vmem>>, vector<16xf32>,
      %mul3A_102 = arith.constant 256 : i32
      %mul3A_103 = arith.muli %add3A_23, %mul3A_102 : i32
      %add3A_104 = arith.constant 208 : i32
      %add3A_105 = arith.addi %mul3A_103, %add3A_104 : i32
      %swap3A_106 = arith.index_cast %add3A_105 : i32 to index
      %swap3A_107 = tpu.vector_load %arg8[%swap3A_106] {strides = array<i32>} : memref<81920xf32, #tpu.memory_space<vmem>>, vector<16xf32>,
      tpu.vector_store %arg8[%swap3A_106], %broadcast_in_dim3A_24 {strides = array<i32>} : memref<81920xf32, #tpu.memory_space<vmem>>, vector<16xf32>,
      %mul3A_108 = arith.constant 256 : i32
      %mul3A_109 = arith.muli %add3A_23, %mul3A_108 : i32
      %add3A_110 = arith.constant 224 : i32
      %add3A_111 = arith.addi %mul3A_109, %add3A_110 : i32
      %swap3A_112 = arith.index_cast %add3A_111 : i32 to index
      %swap3A_113 = tpu.vector_load %arg8[%swap3A_112] {strides = array<i32>} : memref<81920xf32, #tpu.memory_space<vmem>>, vector<16xf32>,
      tpu.vector_store %arg8[%swap3A_112], %broadcast_in_dim3A_24 {strides = array<i32>} : memref<81920xf32, #tpu.memory_space<vmem>>, vector<16xf32>,
      %mul3A_114 = arith.constant 256 : i32
      %mul3A_115 = arith.muli %add3A_23, %mul3A_114 : i32
      %add3A_116 = arith.constant 240 : i32
      %add3A_117 = arith.addi %mul3A_115, %add3A_116 : i32
      %swap3A_118 = arith.index_cast %add3A_117 : i32 to index
      %swap3A_119 = tpu.vector_load %arg8[%swap3A_118] {strides = array<i32>} : memref<81920xf32, #tpu.memory_space<vmem>>, vector<16xf32>,
      tpu.vector_store %arg8[%swap3A_118], %broadcast_in_dim3A_24 {strides = array<i32>} : memref<81920xf32, #tpu.memory_space<vmem>>, vector<16xf32>,
    }
    %scan3A_6 = arith.constant 320 : i32
    %scan3A_7 = arith.constant 0 : i32
    %scan3A_8 = arith.constant 20 : i32
    %scan3A_9 = arith.addi %scan3A_7, %scan3A_8 : i32
    %scan3A_10 = arith.constant 1 : i32
    scf.for %scan3A_19 = %scan3A_7 to %scan3A_9 step %scan3A_10  : i32 {
      %mul3A_20 = arith.constant 1 : i32
      %mul3A_21 = arith.muli %scan3A_19, %mul3A_20 : i32
      %add3A_22 = arith.constant 0 : i32
      %add3A_23 = arith.addi %add3A_22, %mul3A_21 : i32
      %broadcast_in_dim3A = arith.constant 0.000000e+00 : f32
      %broadcast_in_dim3A_24 = vector.broadcast %broadcast_in_dim3A : f32 to vector<16xf32>
      %mul3A_25 = arith.constant 16 : i32
      %mul3A_26 = arith.muli %add3A_23, %mul3A_25 : i32
      %swap3A = arith.index_cast %mul3A_26 : i32 to index
      %swap3A_27 = tpu.vector_load %arg16[%swap3A] {strides = array<i32>} : memref<384xf32, #tpu.memory_space<vmem>>, vector<16xf32>,
      tpu.vector_store %arg16[%swap3A], %broadcast_in_dim3A_24 {strides = array<i32>} : memref<384xf32, #tpu.memory_space<vmem>>, vector<16xf32>,
    }
    %scan3A_11 = arith.constant 20 : i32
    "tpu.region"() ({
      %run_scoped3A = tpu.sem_alloc : memref<!tpu.dma_semaphore, #tpu.memory_space<semaphore_mem>>
      tpu.enqueue_dma source(%arg5 : memref<256xf32, #tpu.memory_space<hbm>>) target(%arg15 : memref<256xf32, #tpu.memory_space<vmem>>) target_semaphore(%run_scoped3A : memref<!tpu.dma_semaphore, #tpu.memory_space<semaphore_mem>>)
      tpu.wait_dma2 semaphore(%run_scoped3A : memref<!tpu.dma_semaphore, #tpu.memory_space<semaphore_mem>>) src(%arg5 : memref<256xf32, #tpu.memory_space<hbm>>) dst(%arg15 : memref<256xf32, #tpu.memory_space<vmem>>)
      tpu.yield
    }) : () -> ()
    %iota3A = tpu.iota {dimensions = array<i32: 0>} : vector<16xi32>
    %scan3A_12 = arith.constant 0 : i32
    %scan3A_13 = arith.constant 32 : i32
    %scan3A_14 = arith.addi %scan3A_12, %scan3A_13 : i32
    %scan3A_15 = arith.constant 1 : i32
    scf.for %scan3A_19 = %scan3A_12 to %scan3A_14 step %scan3A_15  : i32 {
      %mul3A_20 = arith.constant 1 : i32
      %mul3A_21 = arith.muli %scan3A_19, %mul3A_20 : i32
      %add3A_22 = arith.constant 0 : i32
      %add3A_23 = arith.addi %add3A_22, %mul3A_21 : i32
      %mul3A_24 = arith.constant 2000 : i32
      %mul3A_25 = arith.muli %add3A_23, %mul3A_24 : i32
      "tpu.region"() ({
        %run_scoped3A = tpu.sem_alloc : memref<!tpu.dma_semaphore, #tpu.memory_space<semaphore_mem>>
        %dma_start3A = tpu.memref_slice %arg3[%mul3A_25] : memref<64000xi32, #tpu.memory_space<hbm>> -> memref<2000xi32, #tpu.memory_space<hbm>>
        %dma_start3A_126 = tpu.memref_slice %arg3[%mul3A_25] : memref<64000xi32, #tpu.memory_space<hbm>> -> memref<2000xi32, #tpu.memory_space<hbm>>
        tpu.enqueue_dma source(%dma_start3A_126 : memref<2000xi32, #tpu.memory_space<hbm>>) target(%arg9 : memref<2000xi32, #tpu.memory_space<vmem>>) target_semaphore(%run_scoped3A : memref<!tpu.dma_semaphore, #tpu.memory_space<semaphore_mem>>)
        %dma_wait3A = tpu.memref_slice %arg3[%mul3A_25] : memref<64000xi32, #tpu.memory_space<hbm>> -> memref<2000xi32, #tpu.memory_space<hbm>>
        %dma_wait3A_127 = tpu.memref_slice %arg3[%mul3A_25] : memref<64000xi32, #tpu.memory_space<hbm>> -> memref<2000xi32, #tpu.memory_space<hbm>>
        tpu.wait_dma2 semaphore(%run_scoped3A : memref<!tpu.dma_semaphore, #tpu.memory_space<semaphore_mem>>) src(%dma_wait3A_127 : memref<2000xi32, #tpu.memory_space<hbm>>) dst(%arg9 : memref<2000xi32, #tpu.memory_space<vmem>>)
        tpu.yield
      }) : () -> ()
      %mul3A_26 = arith.constant 2000 : i32
      %mul3A_27 = arith.muli %add3A_23, %mul3A_26 : i32
      "tpu.region"() ({
        %run_scoped3A = tpu.sem_alloc : memref<!tpu.dma_semaphore, #tpu.memory_space<semaphore_mem>>
        %dma_start3A = tpu.memref_slice %arg4[%mul3A_27] : memref<64000xi32, #tpu.memory_space<hbm>> -> memref<2000xi32, #tpu.memory_space<hbm>>
        %dma_start3A_126 = tpu.memref_slice %arg4[%mul3A_27] : memref<64000xi32, #tpu.memory_space<hbm>> -> memref<2000xi32, #tpu.memory_space<hbm>>
        tpu.enqueue_dma source(%dma_start3A_126 : memref<2000xi32, #tpu.memory_space<hbm>>) target(%arg10 : memref<2000xi32, #tpu.memory_space<vmem>>) target_semaphore(%run_scoped3A : memref<!tpu.dma_semaphore, #tpu.memory_space<semaphore_mem>>)
        %dma_wait3A = tpu.memref_slice %arg4[%mul3A_27] : memref<64000xi32, #tpu.memory_space<hbm>> -> memref<2000xi32, #tpu.memory_space<hbm>>
        %dma_wait3A_127 = tpu.memref_slice %arg4[%mul3A_27] : memref<64000xi32, #tpu.memory_space<hbm>> -> memref<2000xi32, #tpu.memory_space<hbm>>
        tpu.wait_dma2 semaphore(%run_scoped3A : memref<!tpu.dma_semaphore, #tpu.memory_space<semaphore_mem>>) src(%dma_wait3A_127 : memref<2000xi32, #tpu.memory_space<hbm>>) dst(%arg10 : memref<2000xi32, #tpu.memory_space<vmem>>)
        tpu.yield
      }) : () -> ()
      %scan3A_28 = arith.constant 0 : i32
      %scan3A_29 = arith.constant 0 : i32
      %scan3A_30 = arith.constant 125 : i32
      %scan3A_31 = arith.addi %scan3A_29, %scan3A_30 : i32
      %scan3A_32 = arith.constant 1 : i32
      %scan3A_33 = scf.for %scan3A_126 = %scan3A_29 to %scan3A_31 step %scan3A_32 iter_args(%scan3A_127 = %scan3A_28) -> (i32)  : i32 {
        %mul3A_128 = arith.constant 16 : i32
        %mul3A_129 = arith.muli %scan3A_126, %mul3A_128 : i32
        %get3A = arith.index_cast %mul3A_129 : i32 to index
        %get3A_130 = tpu.vector_load %arg9[%get3A] {strides = array<i32>} : memref<2000xi32, #tpu.memory_space<vmem>>, vector<16xi32>,
        %mul3A_131 = arith.constant 16 : i32
        %mul3A_132 = arith.muli %scan3A_126, %mul3A_131 : i32
        %get3A_133 = arith.index_cast %mul3A_132 : i32 to index
        %get3A_134 = tpu.vector_load %arg10[%get3A_133] {strides = array<i32>} : memref<2000xi32, #tpu.memory_space<vmem>>, vector<16xi32>,
        %ge3A = vector.broadcast %mul3A_2 : i32 to vector<16xi32>
        %ge3A_135 = arith.cmpi sge, %get3A_134, %ge3A : vector<16xi32>
        %add3A_136 = arith.constant 320 : i32
        %add3A_137 = arith.addi %mul3A_2, %add3A_136 : i32
        %lt3A = vector.broadcast %add3A_137 : i32 to vector<16xi32>
        %lt3A_138 = arith.cmpi slt, %get3A_134, %lt3A : vector<16xi32>
        %and3A_139 = arith.andi %ge3A_135, %lt3A_138 : vector<16xi1>
        %convert_element_type3A_140 = arith.extui %and3A_139 : vector<16xi1> to vector<16xi32>
        %cumsum3A = arith.constant true
        %cumsum3A_141 = vector.broadcast %cumsum3A : i1 to vector<16xi1>
        %cumsum3A_142 = tpu.scan <sum>, %convert_element_type3A_140 masked %cumsum3A_141 : vector<16xi32>, vector<16xi1> -> vector<16xi32>
        %add3A_143 = vector.broadcast %scan3A_127 : i32 to vector<16xi32>
        %add3A_144 = arith.addi %add3A_143, %cumsum3A_142 : vector<16xi32>
        %sub3A_145 = arith.constant 1 : i32
        %sub3A_146 = vector.broadcast %sub3A_145 : i32 to vector<16xi32>
        %sub3A_147 = arith.subi %add3A_144, %sub3A_146 : vector<16xi32>
        %mul3A_148 = arith.constant 2 : i32
        %mul3A_149 = vector.broadcast %mul3A_148 : i32 to vector<16xi32>
        %mul3A_150 = arith.muli %mul3A_149, %sub3A_147 : vector<16xi32>
        %mul3A_151 = arith.constant 2 : i32
        %mul3A_152 = vector.broadcast %mul3A_151 : i32 to vector<16xi32>
        %mul3A_153 = arith.muli %mul3A_152, %get3A_130 : vector<16xi32>
        tpu.vector_store_idx %arg11[%mul3A_150], %mul3A_153 masked %and3A_139 : memref<4064xi32, #tpu.memory_space<vmem>>[vector<16xi32>], vector<16xi32>, vector<16xi1>
        %mul3A_154 = arith.constant 2 : i32
        %mul3A_155 = vector.broadcast %mul3A_154 : i32 to vector<16xi32>
        %mul3A_156 = arith.muli %mul3A_155, %sub3A_147 : vector<16xi32>
        %add3A_157 = arith.constant 1 : i32
        %add3A_158 = vector.broadcast %add3A_157 : i32 to vector<16xi32>
        %add3A_159 = arith.addi %mul3A_156, %add3A_158 : vector<16xi32>
        %mul3A_160 = arith.constant 2 : i32
        %mul3A_161 = vector.broadcast %mul3A_160 : i32 to vector<16xi32>
        %mul3A_162 = arith.muli %mul3A_161, %get3A_134 : vector<16xi32>
        %add3A_163 = arith.constant 1 : i32
        %add3A_164 = vector.broadcast %add3A_163 : i32 to vector<16xi32>
        %add3A_165 = arith.addi %mul3A_162, %add3A_164 : vector<16xi32>
        tpu.vector_store_idx %arg11[%add3A_159], %add3A_165 masked %and3A_139 : memref<4064xi32, #tpu.memory_space<vmem>>[vector<16xi32>], vector<16xi32>, vector<16xi1>
        %reduce_max3A = arith.constant true
        %reduce_max3A_166 = vector.broadcast %reduce_max3A : i1 to vector<16xi1>
        %reduce_max3A_167 = arith.constant -2147483648 : i32
        %reduce_max3A_168 = vector.broadcast %reduce_max3A_167 : i32 to vector<16xi32>
        %reduce_max3A_169 = arith.xori %cumsum3A_142, %reduce_max3A_168 : vector<16xi32>
        %reduce_max3A_170 = tpu.scan <max>, %reduce_max3A_169 masked %reduce_max3A_166 : vector<16xi32>, vector<16xi1> -> vector<16xi32>
        %reduce_max3A_171 = arith.xori %reduce_max3A_170, %reduce_max3A_168 : vector<16xi32>
        %reduce_max3A_172 = vector.extract %reduce_max3A_171[15] : i32 from vector<16xi32>
        %add3A_173 = arith.addi %scan3A_127, %reduce_max3A_172 : i32
        scf.yield %add3A_173 : i32
      }
      %scan3A_34 = arith.constant 125 : i32
      %mul3A_35 = arith.constant 2 : i32
      %mul3A_36 = arith.muli %mul3A_35, %scan3A_33 : i32
      %add3A_37 = arith.constant 0 : i32
      %add3A_38 = arith.addi %mul3A_36, %add3A_37 : i32
      %add3A_39 = vector.broadcast %add3A_38 : i32 to vector<16xi32>
      %add3A_40 = arith.addi %add3A_39, %iota3A : vector<16xi32>
      %and3A = arith.constant 1 : i32
      %and3A_41 = vector.broadcast %and3A : i32 to vector<16xi32>
      %and3A_42 = arith.andi %add3A_40, %and3A_41 : vector<16xi32>
      tpu.vector_store_idx %arg11[%add3A_40], %and3A_42 : memref<4064xi32, #tpu.memory_space<vmem>>[vector<16xi32>], vector<16xi32>,
      %mul3A_43 = arith.constant 2 : i32
      %mul3A_44 = arith.muli %mul3A_43, %scan3A_33 : i32
      %add3A_45 = arith.constant 16 : i32
      %add3A_46 = arith.addi %mul3A_44, %add3A_45 : i32
      %add3A_47 = vector.broadcast %add3A_46 : i32 to vector<16xi32>
      %add3A_48 = arith.addi %add3A_47, %iota3A : vector<16xi32>
      %and3A_49 = arith.constant 1 : i32
      %and3A_50 = vector.broadcast %and3A_49 : i32 to vector<16xi32>
      %and3A_51 = arith.andi %add3A_48, %and3A_50 : vector<16xi32>
      tpu.vector_store_idx %arg11[%add3A_48], %and3A_51 : memref<4064xi32, #tpu.memory_space<vmem>>[vector<16xi32>], vector<16xi32>,
      %mul3A_52 = arith.constant 2 : i32
      %mul3A_53 = arith.muli %mul3A_52, %scan3A_33 : i32
      %add3A_54 = arith.constant 32 : i32
      %add3A_55 = arith.addi %mul3A_53, %add3A_54 : i32
      %add3A_56 = vector.broadcast %add3A_55 : i32 to vector<16xi32>
      %add3A_57 = arith.addi %add3A_56, %iota3A : vector<16xi32>
      %and3A_58 = arith.constant 1 : i32
      %and3A_59 = vector.broadcast %and3A_58 : i32 to vector<16xi32>
      %and3A_60 = arith.andi %add3A_57, %and3A_59 : vector<16xi32>
      tpu.vector_store_idx %arg11[%add3A_57], %and3A_60 : memref<4064xi32, #tpu.memory_space<vmem>>[vector<16xi32>], vector<16xi32>,
      %mul3A_61 = arith.constant 2 : i32
      %mul3A_62 = arith.muli %mul3A_61, %scan3A_33 : i32
      %add3A_63 = arith.constant 48 : i32
      %add3A_64 = arith.addi %mul3A_62, %add3A_63 : i32
      %add3A_65 = vector.broadcast %add3A_64 : i32 to vector<16xi32>
      %add3A_66 = arith.addi %add3A_65, %iota3A : vector<16xi32>
      %and3A_67 = arith.constant 1 : i32
      %and3A_68 = vector.broadcast %and3A_67 : i32 to vector<16xi32>
      %and3A_69 = arith.andi %add3A_66, %and3A_68 : vector<16xi32>
      tpu.vector_store_idx %arg11[%add3A_66], %and3A_69 : memref<4064xi32, #tpu.memory_space<vmem>>[vector<16xi32>], vector<16xi32>,
      %add3A_70 = arith.constant 31 : i32
      %add3A_71 = arith.addi %scan3A_33, %add3A_70 : i32
      %jit3A = arith.constant 32 : i32
      %div3A = arith.divsi %add3A_71, %jit3A : i32
      %sign3A = arith.constant 0 : i32
      %sign3A_72 = arith.cmpi sgt, %add3A_71, %sign3A : i32
      %sign3A_73 = arith.extui %sign3A_72 : i1 to i32
      %sign3A_74 = arith.constant 0 : i32
      %sign3A_75 = arith.cmpi slt, %add3A_71, %sign3A_74 : i32
      %sign3A_76 = arith.extui %sign3A_75 : i1 to i32
      %sign3A_77 = arith.subi %sign3A_73, %sign3A_76 : i32
      %sign3A_78 = arith.constant 0 : i32
      %sign3A_79 = arith.cmpi sgt, %jit3A, %sign3A_78 : i32
      %sign3A_80 = arith.extui %sign3A_79 : i1 to i32
      %sign3A_81 = arith.constant 0 : i32
      %sign3A_82 = arith.cmpi slt, %jit3A, %sign3A_81 : i32
      %sign3A_83 = arith.extui %sign3A_82 : i1 to i32
      %sign3A_84 = arith.subi %sign3A_80, %sign3A_83 : i32
      %ne3A = arith.cmpi ne, %sign3A_77, %sign3A_84 : i32
      %rem3A = arith.remsi %add3A_71, %jit3A : i32
      %ne3A_85 = arith.constant 0 : i32
      %ne3A_86 = arith.cmpi ne, %rem3A, %ne3A_85 : i32
      %and3A_87 = arith.andi %ne3A, %ne3A_86 : i1
      %sub3A = arith.constant 1 : i32
      %sub3A_88 = arith.subi %div3A, %sub3A : i32
      %select_n3A = arith.select %and3A_87, %sub3A_88, %div3A : i32
      %gt3A = arith.constant 0 : i32
      %gt3A_89 = arith.cmpi sgt, %select_n3A, %gt3A : i32
      %convert_element_type3A = arith.extui %gt3A_89 : i1 to i32
      %cond3A = arith.constant 0 : i32
      %cond3A_90 = arith.cmpi ne, %convert_element_type3A, %cond3A : i32
      scf.if %cond3A_90 {
        %dma_start3A = arith.constant 0 : i32
        %dma_start3A_126 = tpu.memref_slice %arg11[%dma_start3A] : memref<4064xi32, #tpu.memory_space<vmem>> -> memref<64xi32, #tpu.memory_space<vmem>>
        %dma_start3A_127 = arith.constant 0 : i32
        %dma_start3A_128 = arith.constant 0 : i32
        %dma_start3A_129 = tpu.memref_slice %arg2[%dma_start3A_127, %dma_start3A_128] : memref<20000x256xf32, #tpu.memory_space<hbm>> -> memref<20000x256xf32, #tpu.memory_space<hbm>>
        tpu.enqueue_indirect_dma source(%dma_start3A_129 : memref<20000x256xf32, #tpu.memory_space<hbm>>) target(%arg12 : memref<64x256xf32, #tpu.memory_space<vmem>>) offsets(%dma_start3A_126 : memref<64xi32, #tpu.memory_space<vmem>>) semaphore(%arg17 : memref<!tpu.dma_semaphore, #tpu.memory_space<semaphore_mem>>)
      } else {
      }
      %add3A_91 = arith.constant 1 : i32
      %add3A_92 = arith.addi %select_n3A, %add3A_91 : i32
      %jit3A_93 = arith.constant 2 : i32
      %div3A_94 = arith.divsi %add3A_92, %jit3A_93 : i32
      %sign3A_95 = arith.constant 0 : i32
      %sign3A_96 = arith.cmpi sgt, %add3A_92, %sign3A_95 : i32
      %sign3A_97 = arith.extui %sign3A_96 : i1 to i32
      %sign3A_98 = arith.constant 0 : i32
      %sign3A_99 = arith.cmpi slt, %add3A_92, %sign3A_98 : i32
      %sign3A_100 = arith.extui %sign3A_99 : i1 to i32
      %sign3A_101 = arith.subi %sign3A_97, %sign3A_100 : i32
      %sign3A_102 = arith.constant 0 : i32
      %sign3A_103 = arith.cmpi sgt, %jit3A_93, %sign3A_102 : i32
      %sign3A_104 = arith.extui %sign3A_103 : i1 to i32
      %sign3A_105 = arith.constant 0 : i32
      %sign3A_106 = arith.cmpi slt, %jit3A_93, %sign3A_105 : i32
      %sign3A_107 = arith.extui %sign3A_106 : i1 to i32
      %sign3A_108 = arith.subi %sign3A_104, %sign3A_107 : i32
      %ne3A_109 = arith.cmpi ne, %sign3A_101, %sign3A_108 : i32
      %rem3A_110 = arith.remsi %add3A_92, %jit3A_93 : i32
      %ne3A_111 = arith.constant 0 : i32
      %ne3A_112 = arith.cmpi ne, %rem3A_110, %ne3A_111 : i32
      %and3A_113 = arith.andi %ne3A_109, %ne3A_112 : i1
      %sub3A_114 = arith.constant 1 : i32
      %sub3A_115 = arith.subi %div3A_94, %sub3A_114 : i32
      %select_n3A_116 = arith.select %and3A_113, %sub3A_115, %div3A_94 : i32
      %while3A = arith.constant 0 : i32
      %while3A_117 = arith.constant 0 : i32
      %while3A_118 = arith.subi %select_n3A_116, %while3A_117 : i32
      %while3A_119 = arith.addi %while3A_117, %while3A_118 : i32
      %while3A_120 = arith.constant 1 : i32
      %while3A_121 = arith.divsi %while3A_118, %while3A_120 : i32
      %while3A_122 = arith.muli %while3A_121, %while3A_120 : i32
      %while3A_123 = arith.addi %while3A_117, %while3A_122 : i32
      %while3A_124 = arith.constant 1 : i32
      scf.for %while3A_126 = %while3A_117 to %while3A_123 step %while3A_124  : i32 {
        %mul3A_127 = arith.constant 2 : i32
        %mul3A_128 = arith.muli %while3A_126, %mul3A_127 : i32
        %add3A_129 = arith.constant 0 : i32
        %add3A_130 = arith.addi %mul3A_128, %add3A_129 : i32
        %lt3A = arith.cmpi slt, %add3A_130, %select_n3A : i32
        %convert_element_type3A_131 = arith.extui %lt3A : i1 to i32
        %cond3A_132 = arith.constant 0 : i32
        %cond3A_133 = arith.cmpi ne, %convert_element_type3A_131, %cond3A_132 : i32
        scf.if %cond3A_133 {
          %mul3A_142 = arith.constant 2 : i32
          %mul3A_143 = arith.muli %add3A_130, %mul3A_142 : i32
          %mul3A_144 = arith.constant 32 : i32
          %mul3A_145 = arith.muli %mul3A_143, %mul3A_144 : i32
          %dma_wait3A = tpu.memref_slice %arg11[%mul3A_145] : memref<4064xi32, #tpu.memory_space<vmem>> -> memref<64xi32, #tpu.memory_space<vmem>>
          %dma_wait3A_146 = arith.constant 0 : i32
          %dma_wait3A_147 = arith.constant 0 : i32
          %dma_wait3A_148 = tpu.memref_slice %arg2[%dma_wait3A_146, %dma_wait3A_147] : memref<20000x256xf32, #tpu.memory_space<hbm>> -> memref<20000x256xf32, #tpu.memory_space<hbm>>
          tpu.wait_indirect_dma semaphore(%arg17 : memref<!tpu.dma_semaphore, #tpu.memory_space<semaphore_mem>>) src(%dma_wait3A_148 : memref<20000x256xf32, #tpu.memory_space<hbm>>) dst(%arg12 : memref<64x256xf32, #tpu.memory_space<vmem>>)
          %add3A_149 = arith.constant 1 : i32
          %add3A_150 = arith.addi %add3A_130, %add3A_149 : i32
          %lt3A_151 = arith.cmpi slt, %add3A_150, %select_n3A : i32
          %convert_element_type3A_152 = arith.extui %lt3A_151 : i1 to i32
          %cond3A_153 = arith.constant 0 : i32
          %cond3A_154 = arith.cmpi ne, %convert_element_type3A_152, %cond3A_153 : i32
          scf.if %cond3A_154 {
            %add3A_246 = arith.constant 1 : i32
            %add3A_247 = arith.addi %add3A_130, %add3A_246 : i32
            %mul3A_248 = arith.constant 2 : i32
            %mul3A_249 = arith.muli %add3A_247, %mul3A_248 : i32
            %mul3A_250 = arith.constant 32 : i32
            %mul3A_251 = arith.muli %mul3A_249, %mul3A_250 : i32
            %dma_start3A = tpu.memref_slice %arg11[%mul3A_251] : memref<4064xi32, #tpu.memory_space<vmem>> -> memref<64xi32, #tpu.memory_space<vmem>>
            %dma_start3A_252 = arith.constant 0 : i32
            %dma_start3A_253 = arith.constant 0 : i32
            %dma_start3A_254 = tpu.memref_slice %arg2[%dma_start3A_252, %dma_start3A_253] : memref<20000x256xf32, #tpu.memory_space<hbm>> -> memref<20000x256xf32, #tpu.memory_space<hbm>>
            tpu.enqueue_indirect_dma source(%dma_start3A_254 : memref<20000x256xf32, #tpu.memory_space<hbm>>) target(%arg13 : memref<64x256xf32, #tpu.memory_space<vmem>>) offsets(%dma_start3A : memref<64xi32, #tpu.memory_space<vmem>>) semaphore(%arg18 : memref<!tpu.dma_semaphore, #tpu.memory_space<semaphore_mem>>)
          } else {
          }
          %mul3A_155 = arith.constant 2 : i32
          %mul3A_156 = arith.muli %add3A_130, %mul3A_155 : i32
          %mul3A_157 = arith.constant 32 : i32
          %mul3A_158 = arith.muli %mul3A_156, %mul3A_157 : i32
          %add3A_159 = arith.constant 0 : i32
          %add3A_160 = arith.addi %mul3A_158, %add3A_159 : i32
          %add3A_161 = arith.constant 1 : i32
          %add3A_162 = arith.addi %add3A_160, %add3A_161 : i32
          %mul3A_163 = arith.constant 2 : i32
          %mul3A_164 = vector.broadcast %mul3A_163 : i32 to vector<16xi32>
          %mul3A_165 = arith.muli %mul3A_164, %iota3A : vector<16xi32>
          %add3A_166 = vector.broadcast %add3A_162 : i32 to vector<16xi32>
          %add3A_167 = arith.addi %add3A_166, %mul3A_165 : vector<16xi32>
          %gather3A = tpu.vector_load_idx %arg11[%add3A_167] : memref<4064xi32, #tpu.memory_space<vmem>>[vector<16xi32>], vector<16xi32>,
          %sub3A_168 = arith.constant 1 : i32
          %sub3A_169 = vector.broadcast %sub3A_168 : i32 to vector<16xi32>
          %sub3A_170 = arith.subi %gather3A, %sub3A_169 : vector<16xi32>
          %shift_right_arithmetic3A = arith.constant 1 : i32
          %shift_right_arithmetic3A_171 = vector.broadcast %shift_right_arithmetic3A : i32 to vector<16xi32>
          %shift_right_arithmetic3A_172 = arith.shrsi %sub3A_170, %shift_right_arithmetic3A_171 : vector<16xi32>
          %sub3A_173 = vector.broadcast %mul3A_2 : i32 to vector<16xi32>
          %sub3A_174 = arith.subi %shift_right_arithmetic3A_172, %sub3A_173 : vector<16xi32>
          %max3A = arith.constant 0 : i32
          %max3A_175 = vector.broadcast %max3A : i32 to vector<16xi32>
          %max3A_176 = arith.maxsi %sub3A_174, %max3A_175 : vector<16xi32>
          %min3A = arith.constant 319 : i32
          %min3A_177 = vector.broadcast %min3A : i32 to vector<16xi32>
          %min3A_178 = arith.minsi %max3A_176, %min3A_177 : vector<16xi32>
          %swap3A = arith.constant 0 : index
          %swap3A_179 = tpu.vector_load %arg14[%swap3A] {strides = array<i32>} : memref<32xi32, #tpu.memory_space<vmem>>, vector<16xi32>,
          tpu.vector_store %arg14[%swap3A], %min3A_178 {strides = array<i32>} : memref<32xi32, #tpu.memory_space<vmem>>, vector<16xi32>,
          %mul3A_180 = arith.constant 2 : i32
          %mul3A_181 = arith.muli %add3A_130, %mul3A_180 : i32
          %mul3A_182 = arith.constant 32 : i32
          %mul3A_183 = arith.muli %mul3A_181, %mul3A_182 : i32
          %add3A_184 = arith.constant 32 : i32
          %add3A_185 = arith.addi %mul3A_183, %add3A_184 : i32
          %add3A_186 = arith.constant 1 : i32
          %add3A_187 = arith.addi %add3A_185, %add3A_186 : i32
          %mul3A_188 = arith.constant 2 : i32
          %mul3A_189 = vector.broadcast %mul3A_188 : i32 to vector<16xi32>
          %mul3A_190 = arith.muli %mul3A_189, %iota3A : vector<16xi32>
          %add3A_191 = vector.broadcast %add3A_187 : i32 to vector<16xi32>
          %add3A_192 = arith.addi %add3A_191, %mul3A_190 : vector<16xi32>
          %gather3A_193 = tpu.vector_load_idx %arg11[%add3A_192] : memref<4064xi32, #tpu.memory_space<vmem>>[vector<16xi32>], vector<16xi32>,
          %sub3A_194 = arith.constant 1 : i32
          %sub3A_195 = vector.broadcast %sub3A_194 : i32 to vector<16xi32>
          %sub3A_196 = arith.subi %gather3A_193, %sub3A_195 : vector<16xi32>
          %shift_right_arithmetic3A_197 = arith.constant 1 : i32
          %shift_right_arithmetic3A_198 = vector.broadcast %shift_right_arithmetic3A_197 : i32 to vector<16xi32>
          %shift_right_arithmetic3A_199 = arith.shrsi %sub3A_196, %shift_right_arithmetic3A_198 : vector<16xi32>
          %sub3A_200 = vector.broadcast %mul3A_2 : i32 to vector<16xi32>
          %sub3A_201 = arith.subi %shift_right_arithmetic3A_199, %sub3A_200 : vector<16xi32>
          %max3A_202 = arith.constant 0 : i32
          %max3A_203 = vector.broadcast %max3A_202 : i32 to vector<16xi32>
          %max3A_204 = arith.maxsi %sub3A_201, %max3A_203 : vector<16xi32>
          %min3A_205 = arith.constant 319 : i32
          %min3A_206 = vector.broadcast %min3A_205 : i32 to vector<16xi32>
          %min3A_207 = arith.minsi %max3A_204, %min3A_206 : vector<16xi32>
          %swap3A_208 = arith.constant 16 : index
          %swap3A_209 = tpu.vector_load %arg14[%swap3A_208] {strides = array<i32>} : memref<32xi32, #tpu.memory_space<vmem>>, vector<16xi32>,
          tpu.vector_store %arg14[%swap3A_208], %min3A_207 {strides = array<i32>} : memref<32xi32, #tpu.memory_space<vmem>>, vector<16xi32>,
          %get3A = arith.constant 0 : index
          %get3A_210 = tpu.vector_load %arg15[%get3A] {strides = array<i32>} : memref<256xf32, #tpu.memory_space<vmem>>, vector<16xf32>,
          %get3A_211 = arith.constant 16 : index
          %get3A_212 = tpu.vector_load %arg15[%get3A_211] {strides = array<i32>} : memref<256xf32, #tpu.memory_space<vmem>>, vector<16xf32>,
          %get3A_213 = arith.constant 32 : index
          %get3A_214 = tpu.vector_load %arg15[%get3A_213] {strides = array<i32>} : memref<256xf32, #tpu.memory_space<vmem>>, vector<16xf32>,
          %get3A_215 = arith.constant 48 : index
          %get3A_216 = tpu.vector_load %arg15[%get3A_215] {strides = array<i32>} : memref<256xf32, #tpu.memory_space<vmem>>, vector<16xf32>,
          %get3A_217 = arith.constant 64 : index
          %get3A_218 = tpu.vector_load %arg15[%get3A_217] {strides = array<i32>} : memref<256xf32, #tpu.memory_space<vmem>>, vector<16xf32>,
          %get3A_219 = arith.constant 80 : index
          %get3A_220 = tpu.vector_load %arg15[%get3A_219] {strides = array<i32>} : memref<256xf32, #tpu.memory_space<vmem>>, vector<16xf32>,
          %get3A_221 = arith.constant 96 : index
          %get3A_222 = tpu.vector_load %arg15[%get3A_221] {strides = array<i32>} : memref<256xf32, #tpu.memory_space<vmem>>, vector<16xf32>,
          %get3A_223 = arith.constant 112 : index
          %get3A_224 = tpu.vector_load %arg15[%get3A_223] {strides = array<i32>} : memref<256xf32, #tpu.memory_space<vmem>>, vector<16xf32>,
          %get3A_225 = arith.constant 128 : index
          %get3A_226 = tpu.vector_load %arg15[%get3A_225] {strides = array<i32>} : memref<256xf32, #tpu.memory_space<vmem>>, vector<16xf32>,
          %get3A_227 = arith.constant 144 : index
          %get3A_228 = tpu.vector_load %arg15[%get3A_227] {strides = array<i32>} : memref<256xf32, #tpu.memory_space<vmem>>, vector<16xf32>,
          %get3A_229 = arith.constant 160 : index
          %get3A_230 = tpu.vector_load %arg15[%get3A_229] {strides = array<i32>} : memref<256xf32, #tpu.memory_space<vmem>>, vector<16xf32>,
          %get3A_231 = arith.constant 176 : index
          %get3A_232 = tpu.vector_load %arg15[%get3A_231] {strides = array<i32>} : memref<256xf32, #tpu.memory_space<vmem>>, vector<16xf32>,
          %get3A_233 = arith.constant 192 : index
          %get3A_234 = tpu.vector_load %arg15[%get3A_233] {strides = array<i32>} : memref<256xf32, #tpu.memory_space<vmem>>, vector<16xf32>,
          %get3A_235 = arith.constant 208 : index
          %get3A_236 = tpu.vector_load %arg15[%get3A_235] {strides = array<i32>} : memref<256xf32, #tpu.memory_space<vmem>>, vector<16xf32>,
          %get3A_237 = arith.constant 224 : index
          %get3A_238 = tpu.vector_load %arg15[%get3A_237] {strides = array<i32>} : memref<256xf32, #tpu.memory_space<vmem>>, vector<16xf32>,
          %get3A_239 = arith.constant 240 : index
          %get3A_240 = tpu.vector_load %arg15[%get3A_239] {strides = array<i32>} : memref<256xf32, #tpu.memory_space<vmem>>, vector<16xf32>,
          %scan3A_241 = arith.constant 0 : i32
          %scan3A_242 = arith.constant 16 : i32
          %scan3A_243 = arith.addi %scan3A_241, %scan3A_242 : i32
          %scan3A_244 = arith.constant 1 : i32
          scf.for %scan3A_246 = %scan3A_241 to %scan3A_243 step %scan3A_244  : i32 {
            %mul3A_247 = arith.constant 1 : i32
            %mul3A_248 = arith.muli %scan3A_246, %mul3A_247 : i32
            %add3A_249 = arith.constant 0 : i32
            %add3A_250 = arith.addi %add3A_249, %mul3A_248 : i32
            %mul3A_251 = arith.constant 2 : i32
            %mul3A_252 = arith.muli %mul3A_251, %add3A_250 : i32
            %add3A_253 = arith.constant 0 : i32
            %add3A_254 = arith.addi %mul3A_252, %add3A_253 : i32
            %broadcast_in_dim3A = arith.constant 0.000000e+00 : f32
            %broadcast_in_dim3A_255 = vector.broadcast %broadcast_in_dim3A : f32 to vector<16xf32>
            %mul3A_256 = arith.constant 2 : i32
            %mul3A_257 = arith.muli %mul3A_256, %add3A_254 : i32
            %get3A_258 = arith.index_cast %mul3A_257 : i32 to index
            %get3A_259 = arith.constant 0 : index
            %get3A_260 = tpu.vector_load %arg12[%get3A_258, %get3A_259] {strides = array<i32>} : memref<64x256xf32, #tpu.memory_space<vmem>>, vector<16xf32>,
            %mul3A_261 = arith.constant 2 : i32
            %mul3A_262 = arith.muli %mul3A_261, %add3A_254 : i32
            %add3A_263 = arith.constant 1 : i32
            %add3A_264 = arith.addi %mul3A_262, %add3A_263 : i32
            %get3A_265 = arith.index_cast %add3A_264 : i32 to index
            %get3A_266 = arith.constant 0 : index
            %get3A_267 = tpu.vector_load %arg12[%get3A_265, %get3A_266] {strides = array<i32>} : memref<64x256xf32, #tpu.memory_space<vmem>>, vector<16xf32>,
            %add3A_268 = arith.addf %get3A_260, %get3A_267 : vector<16xf32>
            %ge3A = arith.constant 0.000000e+00 : f32
            %ge3A_269 = vector.broadcast %ge3A : f32 to vector<16xf32>
            %ge3A_270 = arith.cmpf oge, %add3A_268, %ge3A_269 : vector<16xf32>
            %mul3A_271 = arith.constant 2.000000e-01 : f32
            %mul3A_272 = vector.broadcast %mul3A_271 : f32 to vector<16xf32>
            %mul3A_273 = arith.mulf %mul3A_272, %add3A_268 : vector<16xf32>
            %select_n3A_274 = arith.select %ge3A_270, %add3A_268, %mul3A_273 : vector<16xi1>, vector<16xf32>
            %mul3A_275 = arith.mulf %select_n3A_274, %get3A_210 : vector<16xf32>
            %add3A_276 = arith.addf %broadcast_in_dim3A_255, %mul3A_275 : vector<16xf32>
            %mul3A_277 = arith.constant 2 : i32
            %mul3A_278 = arith.muli %mul3A_277, %add3A_254 : i32
            %get3A_279 = arith.index_cast %mul3A_278 : i32 to index
            %get3A_280 = arith.constant 16 : index
            %get3A_281 = tpu.vector_load %arg12[%get3A_279, %get3A_280] {strides = array<i32>} : memref<64x256xf32, #tpu.memory_space<vmem>>, vector<16xf32>,
            %mul3A_282 = arith.constant 2 : i32
            %mul3A_283 = arith.muli %mul3A_282, %add3A_254 : i32
            %add3A_284 = arith.constant 1 : i32
            %add3A_285 = arith.addi %mul3A_283, %add3A_284 : i32
            %get3A_286 = arith.index_cast %add3A_285 : i32 to index
            %get3A_287 = arith.constant 16 : index
            %get3A_288 = tpu.vector_load %arg12[%get3A_286, %get3A_287] {strides = array<i32>} : memref<64x256xf32, #tpu.memory_space<vmem>>, vector<16xf32>,
            %add3A_289 = arith.addf %get3A_281, %get3A_288 : vector<16xf32>
            %ge3A_290 = arith.constant 0.000000e+00 : f32
            %ge3A_291 = vector.broadcast %ge3A_290 : f32 to vector<16xf32>
            %ge3A_292 = arith.cmpf oge, %add3A_289, %ge3A_291 : vector<16xf32>
            %mul3A_293 = arith.constant 2.000000e-01 : f32
            %mul3A_294 = vector.broadcast %mul3A_293 : f32 to vector<16xf32>
            %mul3A_295 = arith.mulf %mul3A_294, %add3A_289 : vector<16xf32>
            %select_n3A_296 = arith.select %ge3A_292, %add3A_289, %mul3A_295 : vector<16xi1>, vector<16xf32>
            %mul3A_297 = arith.mulf %select_n3A_296, %get3A_212 : vector<16xf32>
            %add3A_298 = arith.addf %add3A_276, %mul3A_297 : vector<16xf32>
            %mul3A_299 = arith.constant 2 : i32
            %mul3A_300 = arith.muli %mul3A_299, %add3A_254 : i32
            %get3A_301 = arith.index_cast %mul3A_300 : i32 to index
            %get3A_302 = arith.constant 32 : index
            %get3A_303 = tpu.vector_load %arg12[%get3A_301, %get3A_302] {strides = array<i32>} : memref<64x256xf32, #tpu.memory_space<vmem>>, vector<16xf32>,
            %mul3A_304 = arith.constant 2 : i32
            %mul3A_305 = arith.muli %mul3A_304, %add3A_254 : i32
            %add3A_306 = arith.constant 1 : i32
            %add3A_307 = arith.addi %mul3A_305, %add3A_306 : i32
            %get3A_308 = arith.index_cast %add3A_307 : i32 to index
            %get3A_309 = arith.constant 32 : index
            %get3A_310 = tpu.vector_load %arg12[%get3A_308, %get3A_309] {strides = array<i32>} : memref<64x256xf32, #tpu.memory_space<vmem>>, vector<16xf32>,
            %add3A_311 = arith.addf %get3A_303, %get3A_310 : vector<16xf32>
            %ge3A_312 = arith.constant 0.000000e+00 : f32
            %ge3A_313 = vector.broadcast %ge3A_312 : f32 to vector<16xf32>
            %ge3A_314 = arith.cmpf oge, %add3A_311, %ge3A_313 : vector<16xf32>
            %mul3A_315 = arith.constant 2.000000e-01 : f32
            %mul3A_316 = vector.broadcast %mul3A_315 : f32 to vector<16xf32>
            %mul3A_317 = arith.mulf %mul3A_316, %add3A_311 : vector<16xf32>
            %select_n3A_318 = arith.select %ge3A_314, %add3A_311, %mul3A_317 : vector<16xi1>, vector<16xf32>
            %mul3A_319 = arith.mulf %select_n3A_318, %get3A_214 : vector<16xf32>
            %add3A_320 = arith.addf %add3A_298, %mul3A_319 : vector<16xf32>
            %mul3A_321 = arith.constant 2 : i32
            %mul3A_322 = arith.muli %mul3A_321, %add3A_254 : i32
            %get3A_323 = arith.index_cast %mul3A_322 : i32 to index
            %get3A_324 = arith.constant 48 : index
            %get3A_325 = tpu.vector_load %arg12[%get3A_323, %get3A_324] {strides = array<i32>} : memref<64x256xf32, #tpu.memory_space<vmem>>, vector<16xf32>,
            %mul3A_326 = arith.constant 2 : i32
            %mul3A_327 = arith.muli %mul3A_326, %add3A_254 : i32
            %add3A_328 = arith.constant 1 : i32
            %add3A_329 = arith.addi %mul3A_327, %add3A_328 : i32
            %get3A_330 = arith.index_cast %add3A_329 : i32 to index
            %get3A_331 = arith.constant 48 : index
            %get3A_332 = tpu.vector_load %arg12[%get3A_330, %get3A_331] {strides = array<i32>} : memref<64x256xf32, #tpu.memory_space<vmem>>, vector<16xf32>,
            %add3A_333 = arith.addf %get3A_325, %get3A_332 : vector<16xf32>
            %ge3A_334 = arith.constant 0.000000e+00 : f32
            %ge3A_335 = vector.broadcast %ge3A_334 : f32 to vector<16xf32>
            %ge3A_336 = arith.cmpf oge, %add3A_333, %ge3A_335 : vector<16xf32>
            %mul3A_337 = arith.constant 2.000000e-01 : f32
            %mul3A_338 = vector.broadcast %mul3A_337 : f32 to vector<16xf32>
            %mul3A_339 = arith.mulf %mul3A_338, %add3A_333 : vector<16xf32>
            %select_n3A_340 = arith.select %ge3A_336, %add3A_333, %mul3A_339 : vector<16xi1>, vector<16xf32>
            %mul3A_341 = arith.mulf %select_n3A_340, %get3A_216 : vector<16xf32>
            %add3A_342 = arith.addf %add3A_320, %mul3A_341 : vector<16xf32>
            %mul3A_343 = arith.constant 2 : i32
            %mul3A_344 = arith.muli %mul3A_343, %add3A_254 : i32
            %get3A_345 = arith.index_cast %mul3A_344 : i32 to index
            %get3A_346 = arith.constant 64 : index
            %get3A_347 = tpu.vector_load %arg12[%get3A_345, %get3A_346] {strides = array<i32>} : memref<64x256xf32, #tpu.memory_space<vmem>>, vector<16xf32>,
            %mul3A_348 = arith.constant 2 : i32
            %mul3A_349 = arith.muli %mul3A_348, %add3A_254 : i32
            %add3A_350 = arith.constant 1 : i32
            %add3A_351 = arith.addi %mul3A_349, %add3A_350 : i32
            %get3A_352 = arith.index_cast %add3A_351 : i32 to index
            %get3A_353 = arith.constant 64 : index
            %get3A_354 = tpu.vector_load %arg12[%get3A_352, %get3A_353] {strides = array<i32>} : memref<64x256xf32, #tpu.memory_space<vmem>>, vector<16xf32>,
            %add3A_355 = arith.addf %get3A_347, %get3A_354 : vector<16xf32>
            %ge3A_356 = arith.constant 0.000000e+00 : f32
            %ge3A_357 = vector.broadcast %ge3A_356 : f32 to vector<16xf32>
            %ge3A_358 = arith.cmpf oge, %add3A_355, %ge3A_357 : vector<16xf32>
            %mul3A_359 = arith.constant 2.000000e-01 : f32
            %mul3A_360 = vector.broadcast %mul3A_359 : f32 to vector<16xf32>
            %mul3A_361 = arith.mulf %mul3A_360, %add3A_355 : vector<16xf32>
            %select_n3A_362 = arith.select %ge3A_358, %add3A_355, %mul3A_361 : vector<16xi1>, vector<16xf32>
            %mul3A_363 = arith.mulf %select_n3A_362, %get3A_218 : vector<16xf32>
            %add3A_364 = arith.addf %add3A_342, %mul3A_363 : vector<16xf32>
            %mul3A_365 = arith.constant 2 : i32
            %mul3A_366 = arith.muli %mul3A_365, %add3A_254 : i32
            %get3A_367 = arith.index_cast %mul3A_366 : i32 to index
            %get3A_368 = arith.constant 80 : index
            %get3A_369 = tpu.vector_load %arg12[%get3A_367, %get3A_368] {strides = array<i32>} : memref<64x256xf32, #tpu.memory_space<vmem>>, vector<16xf32>,
            %mul3A_370 = arith.constant 2 : i32
            %mul3A_371 = arith.muli %mul3A_370, %add3A_254 : i32
            %add3A_372 = arith.constant 1 : i32
            %add3A_373 = arith.addi %mul3A_371, %add3A_372 : i32
            %get3A_374 = arith.index_cast %add3A_373 : i32 to index
            %get3A_375 = arith.constant 80 : index
            %get3A_376 = tpu.vector_load %arg12[%get3A_374, %get3A_375] {strides = array<i32>} : memref<64x256xf32, #tpu.memory_space<vmem>>, vector<16xf32>,
            %add3A_377 = arith.addf %get3A_369, %get3A_376 : vector<16xf32>
            %ge3A_378 = arith.constant 0.000000e+00 : f32
            %ge3A_379 = vector.broadcast %ge3A_378 : f32 to vector<16xf32>
            %ge3A_380 = arith.cmpf oge, %add3A_377, %ge3A_379 : vector<16xf32>
            %mul3A_381 = arith.constant 2.000000e-01 : f32
            %mul3A_382 = vector.broadcast %mul3A_381 : f32 to vector<16xf32>
            %mul3A_383 = arith.mulf %mul3A_382, %add3A_377 : vector<16xf32>
            %select_n3A_384 = arith.select %ge3A_380, %add3A_377, %mul3A_383 : vector<16xi1>, vector<16xf32>
            %mul3A_385 = arith.mulf %select_n3A_384, %get3A_220 : vector<16xf32>
            %add3A_386 = arith.addf %add3A_364, %mul3A_385 : vector<16xf32>
            %mul3A_387 = arith.constant 2 : i32
            %mul3A_388 = arith.muli %mul3A_387, %add3A_254 : i32
            %get3A_389 = arith.index_cast %mul3A_388 : i32 to index
            %get3A_390 = arith.constant 96 : index
            %get3A_391 = tpu.vector_load %arg12[%get3A_389, %get3A_390] {strides = array<i32>} : memref<64x256xf32, #tpu.memory_space<vmem>>, vector<16xf32>,
            %mul3A_392 = arith.constant 2 : i32
            %mul3A_393 = arith.muli %mul3A_392, %add3A_254 : i32
            %add3A_394 = arith.constant 1 : i32
            %add3A_395 = arith.addi %mul3A_393, %add3A_394 : i32
            %get3A_396 = arith.index_cast %add3A_395 : i32 to index
            %get3A_397 = arith.constant 96 : index
            %get3A_398 = tpu.vector_load %arg12[%get3A_396, %get3A_397] {strides = array<i32>} : memref<64x256xf32, #tpu.memory_space<vmem>>, vector<16xf32>,
            %add3A_399 = arith.addf %get3A_391, %get3A_398 : vector<16xf32>
            %ge3A_400 = arith.constant 0.000000e+00 : f32
            %ge3A_401 = vector.broadcast %ge3A_400 : f32 to vector<16xf32>
            %ge3A_402 = arith.cmpf oge, %add3A_399, %ge3A_401 : vector<16xf32>
            %mul3A_403 = arith.constant 2.000000e-01 : f32
            %mul3A_404 = vector.broadcast %mul3A_403 : f32 to vector<16xf32>
            %mul3A_405 = arith.mulf %mul3A_404, %add3A_399 : vector<16xf32>
            %select_n3A_406 = arith.select %ge3A_402, %add3A_399, %mul3A_405 : vector<16xi1>, vector<16xf32>
            %mul3A_407 = arith.mulf %select_n3A_406, %get3A_222 : vector<16xf32>
            %add3A_408 = arith.addf %add3A_386, %mul3A_407 : vector<16xf32>
            %mul3A_409 = arith.constant 2 : i32
            %mul3A_410 = arith.muli %mul3A_409, %add3A_254 : i32
            %get3A_411 = arith.index_cast %mul3A_410 : i32 to index
            %get3A_412 = arith.constant 112 : index
            %get3A_413 = tpu.vector_load %arg12[%get3A_411, %get3A_412] {strides = array<i32>} : memref<64x256xf32, #tpu.memory_space<vmem>>, vector<16xf32>,
            %mul3A_414 = arith.constant 2 : i32
            %mul3A_415 = arith.muli %mul3A_414, %add3A_254 : i32
            %add3A_416 = arith.constant 1 : i32
            %add3A_417 = arith.addi %mul3A_415, %add3A_416 : i32
            %get3A_418 = arith.index_cast %add3A_417 : i32 to index
            %get3A_419 = arith.constant 112 : index
            %get3A_420 = tpu.vector_load %arg12[%get3A_418, %get3A_419] {strides = array<i32>} : memref<64x256xf32, #tpu.memory_space<vmem>>, vector<16xf32>,
            %add3A_421 = arith.addf %get3A_413, %get3A_420 : vector<16xf32>
            %ge3A_422 = arith.constant 0.000000e+00 : f32
            %ge3A_423 = vector.broadcast %ge3A_422 : f32 to vector<16xf32>
            %ge3A_424 = arith.cmpf oge, %add3A_421, %ge3A_423 : vector<16xf32>
            %mul3A_425 = arith.constant 2.000000e-01 : f32
            %mul3A_426 = vector.broadcast %mul3A_425 : f32 to vector<16xf32>
            %mul3A_427 = arith.mulf %mul3A_426, %add3A_421 : vector<16xf32>
            %select_n3A_428 = arith.select %ge3A_424, %add3A_421, %mul3A_427 : vector<16xi1>, vector<16xf32>
            %mul3A_429 = arith.mulf %select_n3A_428, %get3A_224 : vector<16xf32>
            %add3A_430 = arith.addf %add3A_408, %mul3A_429 : vector<16xf32>
            %mul3A_431 = arith.constant 2 : i32
            %mul3A_432 = arith.muli %mul3A_431, %add3A_254 : i32
            %get3A_433 = arith.index_cast %mul3A_432 : i32 to index
            %get3A_434 = arith.constant 128 : index
            %get3A_435 = tpu.vector_load %arg12[%get3A_433, %get3A_434] {strides = array<i32>} : memref<64x256xf32, #tpu.memory_space<vmem>>, vector<16xf32>,
            %mul3A_436 = arith.constant 2 : i32
            %mul3A_437 = arith.muli %mul3A_436, %add3A_254 : i32
            %add3A_438 = arith.constant 1 : i32
            %add3A_439 = arith.addi %mul3A_437, %add3A_438 : i32
            %get3A_440 = arith.index_cast %add3A_439 : i32 to index
            %get3A_441 = arith.constant 128 : index
            %get3A_442 = tpu.vector_load %arg12[%get3A_440, %get3A_441] {strides = array<i32>} : memref<64x256xf32, #tpu.memory_space<vmem>>, vector<16xf32>,
            %add3A_443 = arith.addf %get3A_435, %get3A_442 : vector<16xf32>
            %ge3A_444 = arith.constant 0.000000e+00 : f32
            %ge3A_445 = vector.broadcast %ge3A_444 : f32 to vector<16xf32>
            %ge3A_446 = arith.cmpf oge, %add3A_443, %ge3A_445 : vector<16xf32>
            %mul3A_447 = arith.constant 2.000000e-01 : f32
            %mul3A_448 = vector.broadcast %mul3A_447 : f32 to vector<16xf32>
            %mul3A_449 = arith.mulf %mul3A_448, %add3A_443 : vector<16xf32>
            %select_n3A_450 = arith.select %ge3A_446, %add3A_443, %mul3A_449 : vector<16xi1>, vector<16xf32>
            %mul3A_451 = arith.mulf %select_n3A_450, %get3A_226 : vector<16xf32>
            %add3A_452 = arith.addf %add3A_430, %mul3A_451 : vector<16xf32>
            %mul3A_453 = arith.constant 2 : i32
            %mul3A_454 = arith.muli %mul3A_453, %add3A_254 : i32
            %get3A_455 = arith.index_cast %mul3A_454 : i32 to index
            %get3A_456 = arith.constant 144 : index
            %get3A_457 = tpu.vector_load %arg12[%get3A_455, %get3A_456] {strides = array<i32>} : memref<64x256xf32, #tpu.memory_space<vmem>>, vector<16xf32>,
            %mul3A_458 = arith.constant 2 : i32
            %mul3A_459 = arith.muli %mul3A_458, %add3A_254 : i32
            %add3A_460 = arith.constant 1 : i32
            %add3A_461 = arith.addi %mul3A_459, %add3A_460 : i32
            %get3A_462 = arith.index_cast %add3A_461 : i32 to index
            %get3A_463 = arith.constant 144 : index
            %get3A_464 = tpu.vector_load %arg12[%get3A_462, %get3A_463] {strides = array<i32>} : memref<64x256xf32, #tpu.memory_space<vmem>>, vector<16xf32>,
            %add3A_465 = arith.addf %get3A_457, %get3A_464 : vector<16xf32>
            %ge3A_466 = arith.constant 0.000000e+00 : f32
            %ge3A_467 = vector.broadcast %ge3A_466 : f32 to vector<16xf32>
            %ge3A_468 = arith.cmpf oge, %add3A_465, %ge3A_467 : vector<16xf32>
            %mul3A_469 = arith.constant 2.000000e-01 : f32
            %mul3A_470 = vector.broadcast %mul3A_469 : f32 to vector<16xf32>
            %mul3A_471 = arith.mulf %mul3A_470, %add3A_465 : vector<16xf32>
            %select_n3A_472 = arith.select %ge3A_468, %add3A_465, %mul3A_471 : vector<16xi1>, vector<16xf32>
            %mul3A_473 = arith.mulf %select_n3A_472, %get3A_228 : vector<16xf32>
            %add3A_474 = arith.addf %add3A_452, %mul3A_473 : vector<16xf32>
            %mul3A_475 = arith.constant 2 : i32
            %mul3A_476 = arith.muli %mul3A_475, %add3A_254 : i32
            %get3A_477 = arith.index_cast %mul3A_476 : i32 to index
            %get3A_478 = arith.constant 160 : index
            %get3A_479 = tpu.vector_load %arg12[%get3A_477, %get3A_478] {strides = array<i32>} : memref<64x256xf32, #tpu.memory_space<vmem>>, vector<16xf32>,
            %mul3A_480 = arith.constant 2 : i32
            %mul3A_481 = arith.muli %mul3A_480, %add3A_254 : i32
            %add3A_482 = arith.constant 1 : i32
            %add3A_483 = arith.addi %mul3A_481, %add3A_482 : i32
            %get3A_484 = arith.index_cast %add3A_483 : i32 to index
            %get3A_485 = arith.constant 160 : index
            %get3A_486 = tpu.vector_load %arg12[%get3A_484, %get3A_485] {strides = array<i32>} : memref<64x256xf32, #tpu.memory_space<vmem>>, vector<16xf32>,
            %add3A_487 = arith.addf %get3A_479, %get3A_486 : vector<16xf32>
            %ge3A_488 = arith.constant 0.000000e+00 : f32
            %ge3A_489 = vector.broadcast %ge3A_488 : f32 to vector<16xf32>
            %ge3A_490 = arith.cmpf oge, %add3A_487, %ge3A_489 : vector<16xf32>
            %mul3A_491 = arith.constant 2.000000e-01 : f32
            %mul3A_492 = vector.broadcast %mul3A_491 : f32 to vector<16xf32>
            %mul3A_493 = arith.mulf %mul3A_492, %add3A_487 : vector<16xf32>
            %select_n3A_494 = arith.select %ge3A_490, %add3A_487, %mul3A_493 : vector<16xi1>, vector<16xf32>
            %mul3A_495 = arith.mulf %select_n3A_494, %get3A_230 : vector<16xf32>
            %add3A_496 = arith.addf %add3A_474, %mul3A_495 : vector<16xf32>
            %mul3A_497 = arith.constant 2 : i32
            %mul3A_498 = arith.muli %mul3A_497, %add3A_254 : i32
            %get3A_499 = arith.index_cast %mul3A_498 : i32 to index
            %get3A_500 = arith.constant 176 : index
            %get3A_501 = tpu.vector_load %arg12[%get3A_499, %get3A_500] {strides = array<i32>} : memref<64x256xf32, #tpu.memory_space<vmem>>, vector<16xf32>,
            %mul3A_502 = arith.constant 2 : i32
            %mul3A_503 = arith.muli %mul3A_502, %add3A_254 : i32
            %add3A_504 = arith.constant 1 : i32
            %add3A_505 = arith.addi %mul3A_503, %add3A_504 : i32
            %get3A_506 = arith.index_cast %add3A_505 : i32 to index
            %get3A_507 = arith.constant 176 : index
            %get3A_508 = tpu.vector_load %arg12[%get3A_506, %get3A_507] {strides = array<i32>} : memref<64x256xf32, #tpu.memory_space<vmem>>, vector<16xf32>,
            %add3A_509 = arith.addf %get3A_501, %get3A_508 : vector<16xf32>
            %ge3A_510 = arith.constant 0.000000e+00 : f32
            %ge3A_511 = vector.broadcast %ge3A_510 : f32 to vector<16xf32>
            %ge3A_512 = arith.cmpf oge, %add3A_509, %ge3A_511 : vector<16xf32>
            %mul3A_513 = arith.constant 2.000000e-01 : f32
            %mul3A_514 = vector.broadcast %mul3A_513 : f32 to vector<16xf32>
            %mul3A_515 = arith.mulf %mul3A_514, %add3A_509 : vector<16xf32>
            %select_n3A_516 = arith.select %ge3A_512, %add3A_509, %mul3A_515 : vector<16xi1>, vector<16xf32>
            %mul3A_517 = arith.mulf %select_n3A_516, %get3A_232 : vector<16xf32>
            %add3A_518 = arith.addf %add3A_496, %mul3A_517 : vector<16xf32>
            %mul3A_519 = arith.constant 2 : i32
            %mul3A_520 = arith.muli %mul3A_519, %add3A_254 : i32
            %get3A_521 = arith.index_cast %mul3A_520 : i32 to index
            %get3A_522 = arith.constant 192 : index
            %get3A_523 = tpu.vector_load %arg12[%get3A_521, %get3A_522] {strides = array<i32>} : memref<64x256xf32, #tpu.memory_space<vmem>>, vector<16xf32>,
            %mul3A_524 = arith.constant 2 : i32
            %mul3A_525 = arith.muli %mul3A_524, %add3A_254 : i32
            %add3A_526 = arith.constant 1 : i32
            %add3A_527 = arith.addi %mul3A_525, %add3A_526 : i32
            %get3A_528 = arith.index_cast %add3A_527 : i32 to index
            %get3A_529 = arith.constant 192 : index
            %get3A_530 = tpu.vector_load %arg12[%get3A_528, %get3A_529] {strides = array<i32>} : memref<64x256xf32, #tpu.memory_space<vmem>>, vector<16xf32>,
            %add3A_531 = arith.addf %get3A_523, %get3A_530 : vector<16xf32>
            %ge3A_532 = arith.constant 0.000000e+00 : f32
            %ge3A_533 = vector.broadcast %ge3A_532 : f32 to vector<16xf32>
            %ge3A_534 = arith.cmpf oge, %add3A_531, %ge3A_533 : vector<16xf32>
            %mul3A_535 = arith.constant 2.000000e-01 : f32
            %mul3A_536 = vector.broadcast %mul3A_535 : f32 to vector<16xf32>
            %mul3A_537 = arith.mulf %mul3A_536, %add3A_531 : vector<16xf32>
            %select_n3A_538 = arith.select %ge3A_534, %add3A_531, %mul3A_537 : vector<16xi1>, vector<16xf32>
            %mul3A_539 = arith.mulf %select_n3A_538, %get3A_234 : vector<16xf32>
            %add3A_540 = arith.addf %add3A_518, %mul3A_539 : vector<16xf32>
            %mul3A_541 = arith.constant 2 : i32
            %mul3A_542 = arith.muli %mul3A_541, %add3A_254 : i32
            %get3A_543 = arith.index_cast %mul3A_542 : i32 to index
            %get3A_544 = arith.constant 208 : index
            %get3A_545 = tpu.vector_load %arg12[%get3A_543, %get3A_544] {strides = array<i32>} : memref<64x256xf32, #tpu.memory_space<vmem>>, vector<16xf32>,
            %mul3A_546 = arith.constant 2 : i32
            %mul3A_547 = arith.muli %mul3A_546, %add3A_254 : i32
            %add3A_548 = arith.constant 1 : i32
            %add3A_549 = arith.addi %mul3A_547, %add3A_548 : i32
            %get3A_550 = arith.index_cast %add3A_549 : i32 to index
            %get3A_551 = arith.constant 208 : index
            %get3A_552 = tpu.vector_load %arg12[%get3A_550, %get3A_551] {strides = array<i32>} : memref<64x256xf32, #tpu.memory_space<vmem>>, vector<16xf32>,
            %add3A_553 = arith.addf %get3A_545, %get3A_552 : vector<16xf32>
            %ge3A_554 = arith.constant 0.000000e+00 : f32
            %ge3A_555 = vector.broadcast %ge3A_554 : f32 to vector<16xf32>
            %ge3A_556 = arith.cmpf oge, %add3A_553, %ge3A_555 : vector<16xf32>
            %mul3A_557 = arith.constant 2.000000e-01 : f32
            %mul3A_558 = vector.broadcast %mul3A_557 : f32 to vector<16xf32>
            %mul3A_559 = arith.mulf %mul3A_558, %add3A_553 : vector<16xf32>
            %select_n3A_560 = arith.select %ge3A_556, %add3A_553, %mul3A_559 : vector<16xi1>, vector<16xf32>
            %mul3A_561 = arith.mulf %select_n3A_560, %get3A_236 : vector<16xf32>
            %add3A_562 = arith.addf %add3A_540, %mul3A_561 : vector<16xf32>
            %mul3A_563 = arith.constant 2 : i32
            %mul3A_564 = arith.muli %mul3A_563, %add3A_254 : i32
            %get3A_565 = arith.index_cast %mul3A_564 : i32 to index
            %get3A_566 = arith.constant 224 : index
            %get3A_567 = tpu.vector_load %arg12[%get3A_565, %get3A_566] {strides = array<i32>} : memref<64x256xf32, #tpu.memory_space<vmem>>, vector<16xf32>,
            %mul3A_568 = arith.constant 2 : i32
            %mul3A_569 = arith.muli %mul3A_568, %add3A_254 : i32
            %add3A_570 = arith.constant 1 : i32
            %add3A_571 = arith.addi %mul3A_569, %add3A_570 : i32
            %get3A_572 = arith.index_cast %add3A_571 : i32 to index
            %get3A_573 = arith.constant 224 : index
            %get3A_574 = tpu.vector_load %arg12[%get3A_572, %get3A_573] {strides = array<i32>} : memref<64x256xf32, #tpu.memory_space<vmem>>, vector<16xf32>,
            %add3A_575 = arith.addf %get3A_567, %get3A_574 : vector<16xf32>
            %ge3A_576 = arith.constant 0.000000e+00 : f32
            %ge3A_577 = vector.broadcast %ge3A_576 : f32 to vector<16xf32>
            %ge3A_578 = arith.cmpf oge, %add3A_575, %ge3A_577 : vector<16xf32>
            %mul3A_579 = arith.constant 2.000000e-01 : f32
            %mul3A_580 = vector.broadcast %mul3A_579 : f32 to vector<16xf32>
            %mul3A_581 = arith.mulf %mul3A_580, %add3A_575 : vector<16xf32>
            %select_n3A_582 = arith.select %ge3A_578, %add3A_575, %mul3A_581 : vector<16xi1>, vector<16xf32>
            %mul3A_583 = arith.mulf %select_n3A_582, %get3A_238 : vector<16xf32>
            %add3A_584 = arith.addf %add3A_562, %mul3A_583 : vector<16xf32>
            %mul3A_585 = arith.constant 2 : i32
            %mul3A_586 = arith.muli %mul3A_585, %add3A_254 : i32
            %get3A_587 = arith.index_cast %mul3A_586 : i32 to index
            %get3A_588 = arith.constant 240 : index
            %get3A_589 = tpu.vector_load %arg12[%get3A_587, %get3A_588] {strides = array<i32>} : memref<64x256xf32, #tpu.memory_space<vmem>>, vector<16xf32>,
            %mul3A_590 = arith.constant 2 : i32
            %mul3A_591 = arith.muli %mul3A_590, %add3A_254 : i32
            %add3A_592 = arith.constant 1 : i32
            %add3A_593 = arith.addi %mul3A_591, %add3A_592 : i32
            %get3A_594 = arith.index_cast %add3A_593 : i32 to index
            %get3A_595 = arith.constant 240 : index
            %get3A_596 = tpu.vector_load %arg12[%get3A_594, %get3A_595] {strides = array<i32>} : memref<64x256xf32, #tpu.memory_space<vmem>>, vector<16xf32>,
            %add3A_597 = arith.addf %get3A_589, %get3A_596 : vector<16xf32>
            %ge3A_598 = arith.constant 0.000000e+00 : f32
            %ge3A_599 = vector.broadcast %ge3A_598 : f32 to vector<16xf32>
            %ge3A_600 = arith.cmpf oge, %add3A_597, %ge3A_599 : vector<16xf32>
            %mul3A_601 = arith.constant 2.000000e-01 : f32
            %mul3A_602 = vector.broadcast %mul3A_601 : f32 to vector<16xf32>
            %mul3A_603 = arith.mulf %mul3A_602, %add3A_597 : vector<16xf32>
            %select_n3A_604 = arith.select %ge3A_600, %add3A_597, %mul3A_603 : vector<16xi1>, vector<16xf32>
            %mul3A_605 = arith.mulf %select_n3A_604, %get3A_240 : vector<16xf32>
            %add3A_606 = arith.addf %add3A_584, %mul3A_605 : vector<16xf32>
            %reduce_sum3A = arith.constant true
            %reduce_sum3A_607 = vector.broadcast %reduce_sum3A : i1 to vector<16xi1>
            %reduce_sum3A_608 = tpu.scan <sum>, %add3A_606 masked %reduce_sum3A_607 : vector<16xf32>, vector<16xi1> -> vector<16xf32>
            %reduce_sum3A_609 = vector.extract %reduce_sum3A_608[15] : f32 from vector<16xf32>
            %mul3A_610 = arith.constant 32 : i32
            %mul3A_611 = arith.muli %add3A_130, %mul3A_610 : i32
            %add3A_612 = arith.addi %mul3A_611, %add3A_254 : i32
            %lt3A_613 = arith.cmpi slt, %add3A_612, %scan3A_33 : i32
            %convert_element_type3A_614 = arith.extui %lt3A_613 : i1 to i32
            %convert_element_type3A_615 = arith.sitofp %convert_element_type3A_614 : i32 to f32
            %broadcast_in_dim3A_616 = vector.broadcast %reduce_sum3A_609 : f32 to vector<16xf32>
            %exp3A = math.exp %broadcast_in_dim3A_616 : vector<16xf32>
            %mul3A_617 = vector.broadcast %convert_element_type3A_615 : f32 to vector<16xf32>
            %mul3A_618 = arith.mulf %mul3A_617, %exp3A : vector<16xf32>
            %shift_right_logical3A = arith.constant 4 : i32
            %shift_right_logical3A_619 = arith.shrui %add3A_254, %shift_right_logical3A : i32
            %mul3A_620 = arith.constant 16 : i32
            %mul3A_621 = arith.muli %shift_right_logical3A_619, %mul3A_620 : i32
            %get3A_622 = arith.index_cast %mul3A_621 : i32 to index
            %get3A_623 = tpu.vector_load %arg14[%get3A_622] {strides = array<i32>} : memref<32xi32, #tpu.memory_space<vmem>>, vector<16xi32>,
            %sub3A_624 = arith.subi %add3A_254, %mul3A_621 : i32
            %eq3A = vector.broadcast %sub3A_624 : i32 to vector<16xi32>
            %eq3A_625 = arith.cmpi eq, %iota3A, %eq3A : vector<16xi32>
            %sub3A_626 = arith.subi %add3A_254, %mul3A_621 : i32
            %broadcast_in_dim3A_627 = vector.broadcast %sub3A_626 : i32 to vector<16x1xi32>
            %gather3A_628 = vector.shape_cast %broadcast_in_dim3A_627 : vector<16x1xi32> to vector<16xi32>
            %gather3A_629 = tpu.dynamic_gather %get3A_623[%gather3A_628] in [0] : vector<16xi32>, vector<16xi32> -> vector<16xi32>
            %mul3A_630 = arith.constant 256 : i32
            %mul3A_631 = vector.broadcast %mul3A_630 : i32 to vector<16xi32>
            %mul3A_632 = arith.muli %gather3A_629, %mul3A_631 : vector<16xi32>
            %add3A_633 = arith.addi %mul3A_632, %iota3A : vector<16xi32>
            %add3A_634 = arith.constant 0 : i32
            %add3A_635 = vector.broadcast %add3A_634 : i32 to vector<16xi32>
            %add3A_636 = arith.addi %add3A_633, %add3A_635 : vector<16xi32>
            %mul3A_637 = arith.mulf %mul3A_618, %get3A_260 : vector<16xf32>
            tpu.vector_store_idx %arg8[%add3A_636], %mul3A_637 {add = true} : memref<81920xf32, #tpu.memory_space<vmem>>[vector<16xi32>], vector<16xf32>,
            %add3A_638 = arith.constant 16 : i32
            %add3A_639 = vector.broadcast %add3A_638 : i32 to vector<16xi32>
            %add3A_640 = arith.addi %add3A_633, %add3A_639 : vector<16xi32>
            %mul3A_641 = arith.mulf %mul3A_618, %get3A_281 : vector<16xf32>
            tpu.vector_store_idx %arg8[%add3A_640], %mul3A_641 {add = true} : memref<81920xf32, #tpu.memory_space<vmem>>[vector<16xi32>], vector<16xf32>,
            %add3A_642 = arith.constant 32 : i32
            %add3A_643 = vector.broadcast %add3A_642 : i32 to vector<16xi32>
            %add3A_644 = arith.addi %add3A_633, %add3A_643 : vector<16xi32>
            %mul3A_645 = arith.mulf %mul3A_618, %get3A_303 : vector<16xf32>
            tpu.vector_store_idx %arg8[%add3A_644], %mul3A_645 {add = true} : memref<81920xf32, #tpu.memory_space<vmem>>[vector<16xi32>], vector<16xf32>,
            %add3A_646 = arith.constant 48 : i32
            %add3A_647 = vector.broadcast %add3A_646 : i32 to vector<16xi32>
            %add3A_648 = arith.addi %add3A_633, %add3A_647 : vector<16xi32>
            %mul3A_649 = arith.mulf %mul3A_618, %get3A_325 : vector<16xf32>
            tpu.vector_store_idx %arg8[%add3A_648], %mul3A_649 {add = true} : memref<81920xf32, #tpu.memory_space<vmem>>[vector<16xi32>], vector<16xf32>,
            %add3A_650 = arith.constant 64 : i32
            %add3A_651 = vector.broadcast %add3A_650 : i32 to vector<16xi32>
            %add3A_652 = arith.addi %add3A_633, %add3A_651 : vector<16xi32>
            %mul3A_653 = arith.mulf %mul3A_618, %get3A_347 : vector<16xf32>
            tpu.vector_store_idx %arg8[%add3A_652], %mul3A_653 {add = true} : memref<81920xf32, #tpu.memory_space<vmem>>[vector<16xi32>], vector<16xf32>,
            %add3A_654 = arith.constant 80 : i32
            %add3A_655 = vector.broadcast %add3A_654 : i32 to vector<16xi32>
            %add3A_656 = arith.addi %add3A_633, %add3A_655 : vector<16xi32>
            %mul3A_657 = arith.mulf %mul3A_618, %get3A_369 : vector<16xf32>
            tpu.vector_store_idx %arg8[%add3A_656], %mul3A_657 {add = true} : memref<81920xf32, #tpu.memory_space<vmem>>[vector<16xi32>], vector<16xf32>,
            %add3A_658 = arith.constant 96 : i32
            %add3A_659 = vector.broadcast %add3A_658 : i32 to vector<16xi32>
            %add3A_660 = arith.addi %add3A_633, %add3A_659 : vector<16xi32>
            %mul3A_661 = arith.mulf %mul3A_618, %get3A_391 : vector<16xf32>
            tpu.vector_store_idx %arg8[%add3A_660], %mul3A_661 {add = true} : memref<81920xf32, #tpu.memory_space<vmem>>[vector<16xi32>], vector<16xf32>,
            %add3A_662 = arith.constant 112 : i32
            %add3A_663 = vector.broadcast %add3A_662 : i32 to vector<16xi32>
            %add3A_664 = arith.addi %add3A_633, %add3A_663 : vector<16xi32>
            %mul3A_665 = arith.mulf %mul3A_618, %get3A_413 : vector<16xf32>
            tpu.vector_store_idx %arg8[%add3A_664], %mul3A_665 {add = true} : memref<81920xf32, #tpu.memory_space<vmem>>[vector<16xi32>], vector<16xf32>,
            %add3A_666 = arith.constant 128 : i32
            %add3A_667 = vector.broadcast %add3A_666 : i32 to vector<16xi32>
            %add3A_668 = arith.addi %add3A_633, %add3A_667 : vector<16xi32>
            %mul3A_669 = arith.mulf %mul3A_618, %get3A_435 : vector<16xf32>
            tpu.vector_store_idx %arg8[%add3A_668], %mul3A_669 {add = true} : memref<81920xf32, #tpu.memory_space<vmem>>[vector<16xi32>], vector<16xf32>,
            %add3A_670 = arith.constant 144 : i32
            %add3A_671 = vector.broadcast %add3A_670 : i32 to vector<16xi32>
            %add3A_672 = arith.addi %add3A_633, %add3A_671 : vector<16xi32>
            %mul3A_673 = arith.mulf %mul3A_618, %get3A_457 : vector<16xf32>
            tpu.vector_store_idx %arg8[%add3A_672], %mul3A_673 {add = true} : memref<81920xf32, #tpu.memory_space<vmem>>[vector<16xi32>], vector<16xf32>,
            %add3A_674 = arith.constant 160 : i32
            %add3A_675 = vector.broadcast %add3A_674 : i32 to vector<16xi32>
            %add3A_676 = arith.addi %add3A_633, %add3A_675 : vector<16xi32>
            %mul3A_677 = arith.mulf %mul3A_618, %get3A_479 : vector<16xf32>
            tpu.vector_store_idx %arg8[%add3A_676], %mul3A_677 {add = true} : memref<81920xf32, #tpu.memory_space<vmem>>[vector<16xi32>], vector<16xf32>,
            %add3A_678 = arith.constant 176 : i32
            %add3A_679 = vector.broadcast %add3A_678 : i32 to vector<16xi32>
            %add3A_680 = arith.addi %add3A_633, %add3A_679 : vector<16xi32>
            %mul3A_681 = arith.mulf %mul3A_618, %get3A_501 : vector<16xf32>
            tpu.vector_store_idx %arg8[%add3A_680], %mul3A_681 {add = true} : memref<81920xf32, #tpu.memory_space<vmem>>[vector<16xi32>], vector<16xf32>,
            %add3A_682 = arith.constant 192 : i32
            %add3A_683 = vector.broadcast %add3A_682 : i32 to vector<16xi32>
            %add3A_684 = arith.addi %add3A_633, %add3A_683 : vector<16xi32>
            %mul3A_685 = arith.mulf %mul3A_618, %get3A_523 : vector<16xf32>
            tpu.vector_store_idx %arg8[%add3A_684], %mul3A_685 {add = true} : memref<81920xf32, #tpu.memory_space<vmem>>[vector<16xi32>], vector<16xf32>,
            %add3A_686 = arith.constant 208 : i32
            %add3A_687 = vector.broadcast %add3A_686 : i32 to vector<16xi32>
            %add3A_688 = arith.addi %add3A_633, %add3A_687 : vector<16xi32>
            %mul3A_689 = arith.mulf %mul3A_618, %get3A_545 : vector<16xf32>
            tpu.vector_store_idx %arg8[%add3A_688], %mul3A_689 {add = true} : memref<81920xf32, #tpu.memory_space<vmem>>[vector<16xi32>], vector<16xf32>,
            %add3A_690 = arith.constant 224 : i32
            %add3A_691 = vector.broadcast %add3A_690 : i32 to vector<16xi32>
            %add3A_692 = arith.addi %add3A_633, %add3A_691 : vector<16xi32>
            %mul3A_693 = arith.mulf %mul3A_618, %get3A_567 : vector<16xf32>
            tpu.vector_store_idx %arg8[%add3A_692], %mul3A_693 {add = true} : memref<81920xf32, #tpu.memory_space<vmem>>[vector<16xi32>], vector<16xf32>,
            %add3A_694 = arith.constant 240 : i32
            %add3A_695 = vector.broadcast %add3A_694 : i32 to vector<16xi32>
            %add3A_696 = arith.addi %add3A_633, %add3A_695 : vector<16xi32>
            %mul3A_697 = arith.mulf %mul3A_618, %get3A_589 : vector<16xf32>
            tpu.vector_store_idx %arg8[%add3A_696], %mul3A_697 {add = true} : memref<81920xf32, #tpu.memory_space<vmem>>[vector<16xi32>], vector<16xf32>,
            tpu.vector_store_idx %arg16[%get3A_623], %mul3A_618 masked %eq3A_625 {add = true} : memref<384xf32, #tpu.memory_space<vmem>>[vector<16xi32>], vector<16xf32>, vector<16xi1>
            %mul3A_698 = arith.constant 2 : i32
            %mul3A_699 = arith.muli %mul3A_698, %add3A_250 : i32
            %add3A_700 = arith.constant 1 : i32
            %add3A_701 = arith.addi %mul3A_699, %add3A_700 : i32
            %broadcast_in_dim3A_702 = arith.constant 0.000000e+00 : f32
            %broadcast_in_dim3A_703 = vector.broadcast %broadcast_in_dim3A_702 : f32 to vector<16xf32>
            %mul3A_704 = arith.constant 2 : i32
            %mul3A_705 = arith.muli %mul3A_704, %add3A_701 : i32
            %get3A_706 = arith.index_cast %mul3A_705 : i32 to index
            %get3A_707 = arith.constant 0 : index
            %get3A_708 = tpu.vector_load %arg12[%get3A_706, %get3A_707] {strides = array<i32>} : memref<64x256xf32, #tpu.memory_space<vmem>>, vector<16xf32>,
            %mul3A_709 = arith.constant 2 : i32
            %mul3A_710 = arith.muli %mul3A_709, %add3A_701 : i32
            %add3A_711 = arith.constant 1 : i32
            %add3A_712 = arith.addi %mul3A_710, %add3A_711 : i32
            %get3A_713 = arith.index_cast %add3A_712 : i32 to index
            %get3A_714 = arith.constant 0 : index
            %get3A_715 = tpu.vector_load %arg12[%get3A_713, %get3A_714] {strides = array<i32>} : memref<64x256xf32, #tpu.memory_space<vmem>>, vector<16xf32>,
            %add3A_716 = arith.addf %get3A_708, %get3A_715 : vector<16xf32>
            %ge3A_717 = arith.constant 0.000000e+00 : f32
            %ge3A_718 = vector.broadcast %ge3A_717 : f32 to vector<16xf32>
            %ge3A_719 = arith.cmpf oge, %add3A_716, %ge3A_718 : vector<16xf32>
            %mul3A_720 = arith.constant 2.000000e-01 : f32
            %mul3A_721 = vector.broadcast %mul3A_720 : f32 to vector<16xf32>
            %mul3A_722 = arith.mulf %mul3A_721, %add3A_716 : vector<16xf32>
            %select_n3A_723 = arith.select %ge3A_719, %add3A_716, %mul3A_722 : vector<16xi1>, vector<16xf32>
            %mul3A_724 = arith.mulf %select_n3A_723, %get3A_210 : vector<16xf32>
            %add3A_725 = arith.addf %broadcast_in_dim3A_703, %mul3A_724 : vector<16xf32>
            %mul3A_726 = arith.constant 2 : i32
            %mul3A_727 = arith.muli %mul3A_726, %add3A_701 : i32
            %get3A_728 = arith.index_cast %mul3A_727 : i32 to index
            %get3A_729 = arith.constant 16 : index
            %get3A_730 = tpu.vector_load %arg12[%get3A_728, %get3A_729] {strides = array<i32>} : memref<64x256xf32, #tpu.memory_space<vmem>>, vector<16xf32>,
            %mul3A_731 = arith.constant 2 : i32
            %mul3A_732 = arith.muli %mul3A_731, %add3A_701 : i32
            %add3A_733 = arith.constant 1 : i32
            %add3A_734 = arith.addi %mul3A_732, %add3A_733 : i32
            %get3A_735 = arith.index_cast %add3A_734 : i32 to index
            %get3A_736 = arith.constant 16 : index
            %get3A_737 = tpu.vector_load %arg12[%get3A_735, %get3A_736] {strides = array<i32>} : memref<64x256xf32, #tpu.memory_space<vmem>>, vector<16xf32>,
            %add3A_738 = arith.addf %get3A_730, %get3A_737 : vector<16xf32>
            %ge3A_739 = arith.constant 0.000000e+00 : f32
            %ge3A_740 = vector.broadcast %ge3A_739 : f32 to vector<16xf32>
            %ge3A_741 = arith.cmpf oge, %add3A_738, %ge3A_740 : vector<16xf32>
            %mul3A_742 = arith.constant 2.000000e-01 : f32
            %mul3A_743 = vector.broadcast %mul3A_742 : f32 to vector<16xf32>
            %mul3A_744 = arith.mulf %mul3A_743, %add3A_738 : vector<16xf32>
            %select_n3A_745 = arith.select %ge3A_741, %add3A_738, %mul3A_744 : vector<16xi1>, vector<16xf32>
            %mul3A_746 = arith.mulf %select_n3A_745, %get3A_212 : vector<16xf32>
            %add3A_747 = arith.addf %add3A_725, %mul3A_746 : vector<16xf32>
            %mul3A_748 = arith.constant 2 : i32
            %mul3A_749 = arith.muli %mul3A_748, %add3A_701 : i32
            %get3A_750 = arith.index_cast %mul3A_749 : i32 to index
            %get3A_751 = arith.constant 32 : index
            %get3A_752 = tpu.vector_load %arg12[%get3A_750, %get3A_751] {strides = array<i32>} : memref<64x256xf32, #tpu.memory_space<vmem>>, vector<16xf32>,
            %mul3A_753 = arith.constant 2 : i32
            %mul3A_754 = arith.muli %mul3A_753, %add3A_701 : i32
            %add3A_755 = arith.constant 1 : i32
            %add3A_756 = arith.addi %mul3A_754, %add3A_755 : i32
            %get3A_757 = arith.index_cast %add3A_756 : i32 to index
            %get3A_758 = arith.constant 32 : index
            %get3A_759 = tpu.vector_load %arg12[%get3A_757, %get3A_758] {strides = array<i32>} : memref<64x256xf32, #tpu.memory_space<vmem>>, vector<16xf32>,
            %add3A_760 = arith.addf %get3A_752, %get3A_759 : vector<16xf32>
            %ge3A_761 = arith.constant 0.000000e+00 : f32
            %ge3A_762 = vector.broadcast %ge3A_761 : f32 to vector<16xf32>
            %ge3A_763 = arith.cmpf oge, %add3A_760, %ge3A_762 : vector<16xf32>
            %mul3A_764 = arith.constant 2.000000e-01 : f32
            %mul3A_765 = vector.broadcast %mul3A_764 : f32 to vector<16xf32>
            %mul3A_766 = arith.mulf %mul3A_765, %add3A_760 : vector<16xf32>
            %select_n3A_767 = arith.select %ge3A_763, %add3A_760, %mul3A_766 : vector<16xi1>, vector<16xf32>
            %mul3A_768 = arith.mulf %select_n3A_767, %get3A_214 : vector<16xf32>
            %add3A_769 = arith.addf %add3A_747, %mul3A_768 : vector<16xf32>
            %mul3A_770 = arith.constant 2 : i32
            %mul3A_771 = arith.muli %mul3A_770, %add3A_701 : i32
            %get3A_772 = arith.index_cast %mul3A_771 : i32 to index
            %get3A_773 = arith.constant 48 : index
            %get3A_774 = tpu.vector_load %arg12[%get3A_772, %get3A_773] {strides = array<i32>} : memref<64x256xf32, #tpu.memory_space<vmem>>, vector<16xf32>,
            %mul3A_775 = arith.constant 2 : i32
            %mul3A_776 = arith.muli %mul3A_775, %add3A_701 : i32
            %add3A_777 = arith.constant 1 : i32
            %add3A_778 = arith.addi %mul3A_776, %add3A_777 : i32
            %get3A_779 = arith.index_cast %add3A_778 : i32 to index
            %get3A_780 = arith.constant 48 : index
            %get3A_781 = tpu.vector_load %arg12[%get3A_779, %get3A_780] {strides = array<i32>} : memref<64x256xf32, #tpu.memory_space<vmem>>, vector<16xf32>,
            %add3A_782 = arith.addf %get3A_774, %get3A_781 : vector<16xf32>
            %ge3A_783 = arith.constant 0.000000e+00 : f32
            %ge3A_784 = vector.broadcast %ge3A_783 : f32 to vector<16xf32>
            %ge3A_785 = arith.cmpf oge, %add3A_782, %ge3A_784 : vector<16xf32>
            %mul3A_786 = arith.constant 2.000000e-01 : f32
            %mul3A_787 = vector.broadcast %mul3A_786 : f32 to vector<16xf32>
            %mul3A_788 = arith.mulf %mul3A_787, %add3A_782 : vector<16xf32>
            %select_n3A_789 = arith.select %ge3A_785, %add3A_782, %mul3A_788 : vector<16xi1>, vector<16xf32>
            %mul3A_790 = arith.mulf %select_n3A_789, %get3A_216 : vector<16xf32>
            %add3A_791 = arith.addf %add3A_769, %mul3A_790 : vector<16xf32>
            %mul3A_792 = arith.constant 2 : i32
            %mul3A_793 = arith.muli %mul3A_792, %add3A_701 : i32
            %get3A_794 = arith.index_cast %mul3A_793 : i32 to index
            %get3A_795 = arith.constant 64 : index
            %get3A_796 = tpu.vector_load %arg12[%get3A_794, %get3A_795] {strides = array<i32>} : memref<64x256xf32, #tpu.memory_space<vmem>>, vector<16xf32>,
            %mul3A_797 = arith.constant 2 : i32
            %mul3A_798 = arith.muli %mul3A_797, %add3A_701 : i32
            %add3A_799 = arith.constant 1 : i32
            %add3A_800 = arith.addi %mul3A_798, %add3A_799 : i32
            %get3A_801 = arith.index_cast %add3A_800 : i32 to index
            %get3A_802 = arith.constant 64 : index
            %get3A_803 = tpu.vector_load %arg12[%get3A_801, %get3A_802] {strides = array<i32>} : memref<64x256xf32, #tpu.memory_space<vmem>>, vector<16xf32>,
            %add3A_804 = arith.addf %get3A_796, %get3A_803 : vector<16xf32>
            %ge3A_805 = arith.constant 0.000000e+00 : f32
            %ge3A_806 = vector.broadcast %ge3A_805 : f32 to vector<16xf32>
            %ge3A_807 = arith.cmpf oge, %add3A_804, %ge3A_806 : vector<16xf32>
            %mul3A_808 = arith.constant 2.000000e-01 : f32
            %mul3A_809 = vector.broadcast %mul3A_808 : f32 to vector<16xf32>
            %mul3A_810 = arith.mulf %mul3A_809, %add3A_804 : vector<16xf32>
            %select_n3A_811 = arith.select %ge3A_807, %add3A_804, %mul3A_810 : vector<16xi1>, vector<16xf32>
            %mul3A_812 = arith.mulf %select_n3A_811, %get3A_218 : vector<16xf32>
            %add3A_813 = arith.addf %add3A_791, %mul3A_812 : vector<16xf32>
            %mul3A_814 = arith.constant 2 : i32
            %mul3A_815 = arith.muli %mul3A_814, %add3A_701 : i32
            %get3A_816 = arith.index_cast %mul3A_815 : i32 to index
            %get3A_817 = arith.constant 80 : index
            %get3A_818 = tpu.vector_load %arg12[%get3A_816, %get3A_817] {strides = array<i32>} : memref<64x256xf32, #tpu.memory_space<vmem>>, vector<16xf32>,
            %mul3A_819 = arith.constant 2 : i32
            %mul3A_820 = arith.muli %mul3A_819, %add3A_701 : i32
            %add3A_821 = arith.constant 1 : i32
            %add3A_822 = arith.addi %mul3A_820, %add3A_821 : i32
            %get3A_823 = arith.index_cast %add3A_822 : i32 to index
            %get3A_824 = arith.constant 80 : index
            %get3A_825 = tpu.vector_load %arg12[%get3A_823, %get3A_824] {strides = array<i32>} : memref<64x256xf32, #tpu.memory_space<vmem>>, vector<16xf32>,
            %add3A_826 = arith.addf %get3A_818, %get3A_825 : vector<16xf32>
            %ge3A_827 = arith.constant 0.000000e+00 : f32
            %ge3A_828 = vector.broadcast %ge3A_827 : f32 to vector<16xf32>
            %ge3A_829 = arith.cmpf oge, %add3A_826, %ge3A_828 : vector<16xf32>
            %mul3A_830 = arith.constant 2.000000e-01 : f32
            %mul3A_831 = vector.broadcast %mul3A_830 : f32 to vector<16xf32>
            %mul3A_832 = arith.mulf %mul3A_831, %add3A_826 : vector<16xf32>
            %select_n3A_833 = arith.select %ge3A_829, %add3A_826, %mul3A_832 : vector<16xi1>, vector<16xf32>
            %mul3A_834 = arith.mulf %select_n3A_833, %get3A_220 : vector<16xf32>
            %add3A_835 = arith.addf %add3A_813, %mul3A_834 : vector<16xf32>
            %mul3A_836 = arith.constant 2 : i32
            %mul3A_837 = arith.muli %mul3A_836, %add3A_701 : i32
            %get3A_838 = arith.index_cast %mul3A_837 : i32 to index
            %get3A_839 = arith.constant 96 : index
            %get3A_840 = tpu.vector_load %arg12[%get3A_838, %get3A_839] {strides = array<i32>} : memref<64x256xf32, #tpu.memory_space<vmem>>, vector<16xf32>,
            %mul3A_841 = arith.constant 2 : i32
            %mul3A_842 = arith.muli %mul3A_841, %add3A_701 : i32
            %add3A_843 = arith.constant 1 : i32
            %add3A_844 = arith.addi %mul3A_842, %add3A_843 : i32
            %get3A_845 = arith.index_cast %add3A_844 : i32 to index
            %get3A_846 = arith.constant 96 : index
            %get3A_847 = tpu.vector_load %arg12[%get3A_845, %get3A_846] {strides = array<i32>} : memref<64x256xf32, #tpu.memory_space<vmem>>, vector<16xf32>,
            %add3A_848 = arith.addf %get3A_840, %get3A_847 : vector<16xf32>
            %ge3A_849 = arith.constant 0.000000e+00 : f32
            %ge3A_850 = vector.broadcast %ge3A_849 : f32 to vector<16xf32>
            %ge3A_851 = arith.cmpf oge, %add3A_848, %ge3A_850 : vector<16xf32>
            %mul3A_852 = arith.constant 2.000000e-01 : f32
            %mul3A_853 = vector.broadcast %mul3A_852 : f32 to vector<16xf32>
            %mul3A_854 = arith.mulf %mul3A_853, %add3A_848 : vector<16xf32>
            %select_n3A_855 = arith.select %ge3A_851, %add3A_848, %mul3A_854 : vector<16xi1>, vector<16xf32>
            %mul3A_856 = arith.mulf %select_n3A_855, %get3A_222 : vector<16xf32>
            %add3A_857 = arith.addf %add3A_835, %mul3A_856 : vector<16xf32>
            %mul3A_858 = arith.constant 2 : i32
            %mul3A_859 = arith.muli %mul3A_858, %add3A_701 : i32
            %get3A_860 = arith.index_cast %mul3A_859 : i32 to index
            %get3A_861 = arith.constant 112 : index
            %get3A_862 = tpu.vector_load %arg12[%get3A_860, %get3A_861] {strides = array<i32>} : memref<64x256xf32, #tpu.memory_space<vmem>>, vector<16xf32>,
            %mul3A_863 = arith.constant 2 : i32
            %mul3A_864 = arith.muli %mul3A_863, %add3A_701 : i32
            %add3A_865 = arith.constant 1 : i32
            %add3A_866 = arith.addi %mul3A_864, %add3A_865 : i32
            %get3A_867 = arith.index_cast %add3A_866 : i32 to index
            %get3A_868 = arith.constant 112 : index
            %get3A_869 = tpu.vector_load %arg12[%get3A_867, %get3A_868] {strides = array<i32>} : memref<64x256xf32, #tpu.memory_space<vmem>>, vector<16xf32>,
            %add3A_870 = arith.addf %get3A_862, %get3A_869 : vector<16xf32>
            %ge3A_871 = arith.constant 0.000000e+00 : f32
            %ge3A_872 = vector.broadcast %ge3A_871 : f32 to vector<16xf32>
            %ge3A_873 = arith.cmpf oge, %add3A_870, %ge3A_872 : vector<16xf32>
            %mul3A_874 = arith.constant 2.000000e-01 : f32
            %mul3A_875 = vector.broadcast %mul3A_874 : f32 to vector<16xf32>
            %mul3A_876 = arith.mulf %mul3A_875, %add3A_870 : vector<16xf32>
            %select_n3A_877 = arith.select %ge3A_873, %add3A_870, %mul3A_876 : vector<16xi1>, vector<16xf32>
            %mul3A_878 = arith.mulf %select_n3A_877, %get3A_224 : vector<16xf32>
            %add3A_879 = arith.addf %add3A_857, %mul3A_878 : vector<16xf32>
            %mul3A_880 = arith.constant 2 : i32
            %mul3A_881 = arith.muli %mul3A_880, %add3A_701 : i32
            %get3A_882 = arith.index_cast %mul3A_881 : i32 to index
            %get3A_883 = arith.constant 128 : index
            %get3A_884 = tpu.vector_load %arg12[%get3A_882, %get3A_883] {strides = array<i32>} : memref<64x256xf32, #tpu.memory_space<vmem>>, vector<16xf32>,
            %mul3A_885 = arith.constant 2 : i32
            %mul3A_886 = arith.muli %mul3A_885, %add3A_701 : i32
            %add3A_887 = arith.constant 1 : i32
            %add3A_888 = arith.addi %mul3A_886, %add3A_887 : i32
            %get3A_889 = arith.index_cast %add3A_888 : i32 to index
            %get3A_890 = arith.constant 128 : index
            %get3A_891 = tpu.vector_load %arg12[%get3A_889, %get3A_890] {strides = array<i32>} : memref<64x256xf32, #tpu.memory_space<vmem>>, vector<16xf32>,
            %add3A_892 = arith.addf %get3A_884, %get3A_891 : vector<16xf32>
            %ge3A_893 = arith.constant 0.000000e+00 : f32
            %ge3A_894 = vector.broadcast %ge3A_893 : f32 to vector<16xf32>
            %ge3A_895 = arith.cmpf oge, %add3A_892, %ge3A_894 : vector<16xf32>
            %mul3A_896 = arith.constant 2.000000e-01 : f32
            %mul3A_897 = vector.broadcast %mul3A_896 : f32 to vector<16xf32>
            %mul3A_898 = arith.mulf %mul3A_897, %add3A_892 : vector<16xf32>
            %select_n3A_899 = arith.select %ge3A_895, %add3A_892, %mul3A_898 : vector<16xi1>, vector<16xf32>
            %mul3A_900 = arith.mulf %select_n3A_899, %get3A_226 : vector<16xf32>
            %add3A_901 = arith.addf %add3A_879, %mul3A_900 : vector<16xf32>
            %mul3A_902 = arith.constant 2 : i32
            %mul3A_903 = arith.muli %mul3A_902, %add3A_701 : i32
            %get3A_904 = arith.index_cast %mul3A_903 : i32 to index
            %get3A_905 = arith.constant 144 : index
            %get3A_906 = tpu.vector_load %arg12[%get3A_904, %get3A_905] {strides = array<i32>} : memref<64x256xf32, #tpu.memory_space<vmem>>, vector<16xf32>,
            %mul3A_907 = arith.constant 2 : i32
            %mul3A_908 = arith.muli %mul3A_907, %add3A_701 : i32
            %add3A_909 = arith.constant 1 : i32
            %add3A_910 = arith.addi %mul3A_908, %add3A_909 : i32
            %get3A_911 = arith.index_cast %add3A_910 : i32 to index
            %get3A_912 = arith.constant 144 : index
            %get3A_913 = tpu.vector_load %arg12[%get3A_911, %get3A_912] {strides = array<i32>} : memref<64x256xf32, #tpu.memory_space<vmem>>, vector<16xf32>,
            %add3A_914 = arith.addf %get3A_906, %get3A_913 : vector<16xf32>
            %ge3A_915 = arith.constant 0.000000e+00 : f32
            %ge3A_916 = vector.broadcast %ge3A_915 : f32 to vector<16xf32>
            %ge3A_917 = arith.cmpf oge, %add3A_914, %ge3A_916 : vector<16xf32>
            %mul3A_918 = arith.constant 2.000000e-01 : f32
            %mul3A_919 = vector.broadcast %mul3A_918 : f32 to vector<16xf32>
            %mul3A_920 = arith.mulf %mul3A_919, %add3A_914 : vector<16xf32>
            %select_n3A_921 = arith.select %ge3A_917, %add3A_914, %mul3A_920 : vector<16xi1>, vector<16xf32>
            %mul3A_922 = arith.mulf %select_n3A_921, %get3A_228 : vector<16xf32>
            %add3A_923 = arith.addf %add3A_901, %mul3A_922 : vector<16xf32>
            %mul3A_924 = arith.constant 2 : i32
            %mul3A_925 = arith.muli %mul3A_924, %add3A_701 : i32
            %get3A_926 = arith.index_cast %mul3A_925 : i32 to index
            %get3A_927 = arith.constant 160 : index
            %get3A_928 = tpu.vector_load %arg12[%get3A_926, %get3A_927] {strides = array<i32>} : memref<64x256xf32, #tpu.memory_space<vmem>>, vector<16xf32>,
            %mul3A_929 = arith.constant 2 : i32
            %mul3A_930 = arith.muli %mul3A_929, %add3A_701 : i32
            %add3A_931 = arith.constant 1 : i32
            %add3A_932 = arith.addi %mul3A_930, %add3A_931 : i32
            %get3A_933 = arith.index_cast %add3A_932 : i32 to index
            %get3A_934 = arith.constant 160 : index
            %get3A_935 = tpu.vector_load %arg12[%get3A_933, %get3A_934] {strides = array<i32>} : memref<64x256xf32, #tpu.memory_space<vmem>>, vector<16xf32>,
            %add3A_936 = arith.addf %get3A_928, %get3A_935 : vector<16xf32>
            %ge3A_937 = arith.constant 0.000000e+00 : f32
            %ge3A_938 = vector.broadcast %ge3A_937 : f32 to vector<16xf32>
            %ge3A_939 = arith.cmpf oge, %add3A_936, %ge3A_938 : vector<16xf32>
            %mul3A_940 = arith.constant 2.000000e-01 : f32
            %mul3A_941 = vector.broadcast %mul3A_940 : f32 to vector<16xf32>
            %mul3A_942 = arith.mulf %mul3A_941, %add3A_936 : vector<16xf32>
            %select_n3A_943 = arith.select %ge3A_939, %add3A_936, %mul3A_942 : vector<16xi1>, vector<16xf32>
            %mul3A_944 = arith.mulf %select_n3A_943, %get3A_230 : vector<16xf32>
            %add3A_945 = arith.addf %add3A_923, %mul3A_944 : vector<16xf32>
            %mul3A_946 = arith.constant 2 : i32
            %mul3A_947 = arith.muli %mul3A_946, %add3A_701 : i32
            %get3A_948 = arith.index_cast %mul3A_947 : i32 to index
            %get3A_949 = arith.constant 176 : index
            %get3A_950 = tpu.vector_load %arg12[%get3A_948, %get3A_949] {strides = array<i32>} : memref<64x256xf32, #tpu.memory_space<vmem>>, vector<16xf32>,
            %mul3A_951 = arith.constant 2 : i32
            %mul3A_952 = arith.muli %mul3A_951, %add3A_701 : i32
            %add3A_953 = arith.constant 1 : i32
            %add3A_954 = arith.addi %mul3A_952, %add3A_953 : i32
            %get3A_955 = arith.index_cast %add3A_954 : i32 to index
            %get3A_956 = arith.constant 176 : index
            %get3A_957 = tpu.vector_load %arg12[%get3A_955, %get3A_956] {strides = array<i32>} : memref<64x256xf32, #tpu.memory_space<vmem>>, vector<16xf32>,
            %add3A_958 = arith.addf %get3A_950, %get3A_957 : vector<16xf32>
            %ge3A_959 = arith.constant 0.000000e+00 : f32
            %ge3A_960 = vector.broadcast %ge3A_959 : f32 to vector<16xf32>
            %ge3A_961 = arith.cmpf oge, %add3A_958, %ge3A_960 : vector<16xf32>
            %mul3A_962 = arith.constant 2.000000e-01 : f32
            %mul3A_963 = vector.broadcast %mul3A_962 : f32 to vector<16xf32>
            %mul3A_964 = arith.mulf %mul3A_963, %add3A_958 : vector<16xf32>
            %select_n3A_965 = arith.select %ge3A_961, %add3A_958, %mul3A_964 : vector<16xi1>, vector<16xf32>
            %mul3A_966 = arith.mulf %select_n3A_965, %get3A_232 : vector<16xf32>
            %add3A_967 = arith.addf %add3A_945, %mul3A_966 : vector<16xf32>
            %mul3A_968 = arith.constant 2 : i32
            %mul3A_969 = arith.muli %mul3A_968, %add3A_701 : i32
            %get3A_970 = arith.index_cast %mul3A_969 : i32 to index
            %get3A_971 = arith.constant 192 : index
            %get3A_972 = tpu.vector_load %arg12[%get3A_970, %get3A_971] {strides = array<i32>} : memref<64x256xf32, #tpu.memory_space<vmem>>, vector<16xf32>,
            %mul3A_973 = arith.constant 2 : i32
            %mul3A_974 = arith.muli %mul3A_973, %add3A_701 : i32
            %add3A_975 = arith.constant 1 : i32
            %add3A_976 = arith.addi %mul3A_974, %add3A_975 : i32
            %get3A_977 = arith.index_cast %add3A_976 : i32 to index
            %get3A_978 = arith.constant 192 : index
            %get3A_979 = tpu.vector_load %arg12[%get3A_977, %get3A_978] {strides = array<i32>} : memref<64x256xf32, #tpu.memory_space<vmem>>, vector<16xf32>,
            %add3A_980 = arith.addf %get3A_972, %get3A_979 : vector<16xf32>
            %ge3A_981 = arith.constant 0.000000e+00 : f32
            %ge3A_982 = vector.broadcast %ge3A_981 : f32 to vector<16xf32>
            %ge3A_983 = arith.cmpf oge, %add3A_980, %ge3A_982 : vector<16xf32>
            %mul3A_984 = arith.constant 2.000000e-01 : f32
            %mul3A_985 = vector.broadcast %mul3A_984 : f32 to vector<16xf32>
            %mul3A_986 = arith.mulf %mul3A_985, %add3A_980 : vector<16xf32>
            %select_n3A_987 = arith.select %ge3A_983, %add3A_980, %mul3A_986 : vector<16xi1>, vector<16xf32>
            %mul3A_988 = arith.mulf %select_n3A_987, %get3A_234 : vector<16xf32>
            %add3A_989 = arith.addf %add3A_967, %mul3A_988 : vector<16xf32>
            %mul3A_990 = arith.constant 2 : i32
            %mul3A_991 = arith.muli %mul3A_990, %add3A_701 : i32
            %get3A_992 = arith.index_cast %mul3A_991 : i32 to index
            %get3A_993 = arith.constant 208 : index
            %get3A_994 = tpu.vector_load %arg12[%get3A_992, %get3A_993] {strides = array<i32>} : memref<64x256xf32, #tpu.memory_space<vmem>>, vector<16xf32>,
            %mul3A_995 = arith.constant 2 : i32
            %mul3A_996 = arith.muli %mul3A_995, %add3A_701 : i32
            %add3A_997 = arith.constant 1 : i32
            %add3A_998 = arith.addi %mul3A_996, %add3A_997 : i32
            %get3A_999 = arith.index_cast %add3A_998 : i32 to index
            %get3A_1000 = arith.constant 208 : index
            %get3A_1001 = tpu.vector_load %arg12[%get3A_999, %get3A_1000] {strides = array<i32>} : memref<64x256xf32, #tpu.memory_space<vmem>>, vector<16xf32>,
            %add3A_1002 = arith.addf %get3A_994, %get3A_1001 : vector<16xf32>
            %ge3A_1003 = arith.constant 0.000000e+00 : f32
            %ge3A_1004 = vector.broadcast %ge3A_1003 : f32 to vector<16xf32>
            %ge3A_1005 = arith.cmpf oge, %add3A_1002, %ge3A_1004 : vector<16xf32>
            %mul3A_1006 = arith.constant 2.000000e-01 : f32
            %mul3A_1007 = vector.broadcast %mul3A_1006 : f32 to vector<16xf32>
            %mul3A_1008 = arith.mulf %mul3A_1007, %add3A_1002 : vector<16xf32>
            %select_n3A_1009 = arith.select %ge3A_1005, %add3A_1002, %mul3A_1008 : vector<16xi1>, vector<16xf32>
            %mul3A_1010 = arith.mulf %select_n3A_1009, %get3A_236 : vector<16xf32>
            %add3A_1011 = arith.addf %add3A_989, %mul3A_1010 : vector<16xf32>
            %mul3A_1012 = arith.constant 2 : i32
            %mul3A_1013 = arith.muli %mul3A_1012, %add3A_701 : i32
            %get3A_1014 = arith.index_cast %mul3A_1013 : i32 to index
            %get3A_1015 = arith.constant 224 : index
            %get3A_1016 = tpu.vector_load %arg12[%get3A_1014, %get3A_1015] {strides = array<i32>} : memref<64x256xf32, #tpu.memory_space<vmem>>, vector<16xf32>,
            %mul3A_1017 = arith.constant 2 : i32
            %mul3A_1018 = arith.muli %mul3A_1017, %add3A_701 : i32
            %add3A_1019 = arith.constant 1 : i32
            %add3A_1020 = arith.addi %mul3A_1018, %add3A_1019 : i32
            %get3A_1021 = arith.index_cast %add3A_1020 : i32 to index
            %get3A_1022 = arith.constant 224 : index
            %get3A_1023 = tpu.vector_load %arg12[%get3A_1021, %get3A_1022] {strides = array<i32>} : memref<64x256xf32, #tpu.memory_space<vmem>>, vector<16xf32>,
            %add3A_1024 = arith.addf %get3A_1016, %get3A_1023 : vector<16xf32>
            %ge3A_1025 = arith.constant 0.000000e+00 : f32
            %ge3A_1026 = vector.broadcast %ge3A_1025 : f32 to vector<16xf32>
            %ge3A_1027 = arith.cmpf oge, %add3A_1024, %ge3A_1026 : vector<16xf32>
            %mul3A_1028 = arith.constant 2.000000e-01 : f32
            %mul3A_1029 = vector.broadcast %mul3A_1028 : f32 to vector<16xf32>
            %mul3A_1030 = arith.mulf %mul3A_1029, %add3A_1024 : vector<16xf32>
            %select_n3A_1031 = arith.select %ge3A_1027, %add3A_1024, %mul3A_1030 : vector<16xi1>, vector<16xf32>
            %mul3A_1032 = arith.mulf %select_n3A_1031, %get3A_238 : vector<16xf32>
            %add3A_1033 = arith.addf %add3A_1011, %mul3A_1032 : vector<16xf32>
            %mul3A_1034 = arith.constant 2 : i32
            %mul3A_1035 = arith.muli %mul3A_1034, %add3A_701 : i32
            %get3A_1036 = arith.index_cast %mul3A_1035 : i32 to index
            %get3A_1037 = arith.constant 240 : index
            %get3A_1038 = tpu.vector_load %arg12[%get3A_1036, %get3A_1037] {strides = array<i32>} : memref<64x256xf32, #tpu.memory_space<vmem>>, vector<16xf32>,
            %mul3A_1039 = arith.constant 2 : i32
            %mul3A_1040 = arith.muli %mul3A_1039, %add3A_701 : i32
            %add3A_1041 = arith.constant 1 : i32
            %add3A_1042 = arith.addi %mul3A_1040, %add3A_1041 : i32
            %get3A_1043 = arith.index_cast %add3A_1042 : i32 to index
            %get3A_1044 = arith.constant 240 : index
            %get3A_1045 = tpu.vector_load %arg12[%get3A_1043, %get3A_1044] {strides = array<i32>} : memref<64x256xf32, #tpu.memory_space<vmem>>, vector<16xf32>,
            %add3A_1046 = arith.addf %get3A_1038, %get3A_1045 : vector<16xf32>
            %ge3A_1047 = arith.constant 0.000000e+00 : f32
            %ge3A_1048 = vector.broadcast %ge3A_1047 : f32 to vector<16xf32>
            %ge3A_1049 = arith.cmpf oge, %add3A_1046, %ge3A_1048 : vector<16xf32>
            %mul3A_1050 = arith.constant 2.000000e-01 : f32
            %mul3A_1051 = vector.broadcast %mul3A_1050 : f32 to vector<16xf32>
            %mul3A_1052 = arith.mulf %mul3A_1051, %add3A_1046 : vector<16xf32>
            %select_n3A_1053 = arith.select %ge3A_1049, %add3A_1046, %mul3A_1052 : vector<16xi1>, vector<16xf32>
            %mul3A_1054 = arith.mulf %select_n3A_1053, %get3A_240 : vector<16xf32>
            %add3A_1055 = arith.addf %add3A_1033, %mul3A_1054 : vector<16xf32>
            %reduce_sum3A_1056 = arith.constant true
            %reduce_sum3A_1057 = vector.broadcast %reduce_sum3A_1056 : i1 to vector<16xi1>
            %reduce_sum3A_1058 = tpu.scan <sum>, %add3A_1055 masked %reduce_sum3A_1057 : vector<16xf32>, vector<16xi1> -> vector<16xf32>
            %reduce_sum3A_1059 = vector.extract %reduce_sum3A_1058[15] : f32 from vector<16xf32>
            %mul3A_1060 = arith.constant 32 : i32
            %mul3A_1061 = arith.muli %add3A_130, %mul3A_1060 : i32
            %add3A_1062 = arith.addi %mul3A_1061, %add3A_701 : i32
            %lt3A_1063 = arith.cmpi slt, %add3A_1062, %scan3A_33 : i32
            %convert_element_type3A_1064 = arith.extui %lt3A_1063 : i1 to i32
            %convert_element_type3A_1065 = arith.sitofp %convert_element_type3A_1064 : i32 to f32
            %broadcast_in_dim3A_1066 = vector.broadcast %reduce_sum3A_1059 : f32 to vector<16xf32>
            %exp3A_1067 = math.exp %broadcast_in_dim3A_1066 : vector<16xf32>
            %mul3A_1068 = vector.broadcast %convert_element_type3A_1065 : f32 to vector<16xf32>
            %mul3A_1069 = arith.mulf %mul3A_1068, %exp3A_1067 : vector<16xf32>
            %shift_right_logical3A_1070 = arith.constant 4 : i32
            %shift_right_logical3A_1071 = arith.shrui %add3A_701, %shift_right_logical3A_1070 : i32
            %mul3A_1072 = arith.constant 16 : i32
            %mul3A_1073 = arith.muli %shift_right_logical3A_1071, %mul3A_1072 : i32
            %get3A_1074 = arith.index_cast %mul3A_1073 : i32 to index
            %get3A_1075 = tpu.vector_load %arg14[%get3A_1074] {strides = array<i32>} : memref<32xi32, #tpu.memory_space<vmem>>, vector<16xi32>,
            %sub3A_1076 = arith.subi %add3A_701, %mul3A_1073 : i32
            %eq3A_1077 = vector.broadcast %sub3A_1076 : i32 to vector<16xi32>
            %eq3A_1078 = arith.cmpi eq, %iota3A, %eq3A_1077 : vector<16xi32>
            %sub3A_1079 = arith.subi %add3A_701, %mul3A_1073 : i32
            %broadcast_in_dim3A_1080 = vector.broadcast %sub3A_1079 : i32 to vector<16x1xi32>
            %gather3A_1081 = vector.shape_cast %broadcast_in_dim3A_1080 : vector<16x1xi32> to vector<16xi32>
            %gather3A_1082 = tpu.dynamic_gather %get3A_1075[%gather3A_1081] in [0] : vector<16xi32>, vector<16xi32> -> vector<16xi32>
            %mul3A_1083 = arith.constant 256 : i32
            %mul3A_1084 = vector.broadcast %mul3A_1083 : i32 to vector<16xi32>
            %mul3A_1085 = arith.muli %gather3A_1082, %mul3A_1084 : vector<16xi32>
            %add3A_1086 = arith.addi %mul3A_1085, %iota3A : vector<16xi32>
            %add3A_1087 = arith.constant 0 : i32
            %add3A_1088 = vector.broadcast %add3A_1087 : i32 to vector<16xi32>
            %add3A_1089 = arith.addi %add3A_1086, %add3A_1088 : vector<16xi32>
            %mul3A_1090 = arith.mulf %mul3A_1069, %get3A_708 : vector<16xf32>
            tpu.vector_store_idx %arg8[%add3A_1089], %mul3A_1090 {add = true} : memref<81920xf32, #tpu.memory_space<vmem>>[vector<16xi32>], vector<16xf32>,
            %add3A_1091 = arith.constant 16 : i32
            %add3A_1092 = vector.broadcast %add3A_1091 : i32 to vector<16xi32>
            %add3A_1093 = arith.addi %add3A_1086, %add3A_1092 : vector<16xi32>
            %mul3A_1094 = arith.mulf %mul3A_1069, %get3A_730 : vector<16xf32>
            tpu.vector_store_idx %arg8[%add3A_1093], %mul3A_1094 {add = true} : memref<81920xf32, #tpu.memory_space<vmem>>[vector<16xi32>], vector<16xf32>,
            %add3A_1095 = arith.constant 32 : i32
            %add3A_1096 = vector.broadcast %add3A_1095 : i32 to vector<16xi32>
            %add3A_1097 = arith.addi %add3A_1086, %add3A_1096 : vector<16xi32>
            %mul3A_1098 = arith.mulf %mul3A_1069, %get3A_752 : vector<16xf32>
            tpu.vector_store_idx %arg8[%add3A_1097], %mul3A_1098 {add = true} : memref<81920xf32, #tpu.memory_space<vmem>>[vector<16xi32>], vector<16xf32>,
            %add3A_1099 = arith.constant 48 : i32
            %add3A_1100 = vector.broadcast %add3A_1099 : i32 to vector<16xi32>
            %add3A_1101 = arith.addi %add3A_1086, %add3A_1100 : vector<16xi32>
            %mul3A_1102 = arith.mulf %mul3A_1069, %get3A_774 : vector<16xf32>
            tpu.vector_store_idx %arg8[%add3A_1101], %mul3A_1102 {add = true} : memref<81920xf32, #tpu.memory_space<vmem>>[vector<16xi32>], vector<16xf32>,
            %add3A_1103 = arith.constant 64 : i32
            %add3A_1104 = vector.broadcast %add3A_1103 : i32 to vector<16xi32>
            %add3A_1105 = arith.addi %add3A_1086, %add3A_1104 : vector<16xi32>
            %mul3A_1106 = arith.mulf %mul3A_1069, %get3A_796 : vector<16xf32>
            tpu.vector_store_idx %arg8[%add3A_1105], %mul3A_1106 {add = true} : memref<81920xf32, #tpu.memory_space<vmem>>[vector<16xi32>], vector<16xf32>,
            %add3A_1107 = arith.constant 80 : i32
            %add3A_1108 = vector.broadcast %add3A_1107 : i32 to vector<16xi32>
            %add3A_1109 = arith.addi %add3A_1086, %add3A_1108 : vector<16xi32>
            %mul3A_1110 = arith.mulf %mul3A_1069, %get3A_818 : vector<16xf32>
            tpu.vector_store_idx %arg8[%add3A_1109], %mul3A_1110 {add = true} : memref<81920xf32, #tpu.memory_space<vmem>>[vector<16xi32>], vector<16xf32>,
            %add3A_1111 = arith.constant 96 : i32
            %add3A_1112 = vector.broadcast %add3A_1111 : i32 to vector<16xi32>
            %add3A_1113 = arith.addi %add3A_1086, %add3A_1112 : vector<16xi32>
            %mul3A_1114 = arith.mulf %mul3A_1069, %get3A_840 : vector<16xf32>
            tpu.vector_store_idx %arg8[%add3A_1113], %mul3A_1114 {add = true} : memref<81920xf32, #tpu.memory_space<vmem>>[vector<16xi32>], vector<16xf32>,
            %add3A_1115 = arith.constant 112 : i32
            %add3A_1116 = vector.broadcast %add3A_1115 : i32 to vector<16xi32>
            %add3A_1117 = arith.addi %add3A_1086, %add3A_1116 : vector<16xi32>
            %mul3A_1118 = arith.mulf %mul3A_1069, %get3A_862 : vector<16xf32>
            tpu.vector_store_idx %arg8[%add3A_1117], %mul3A_1118 {add = true} : memref<81920xf32, #tpu.memory_space<vmem>>[vector<16xi32>], vector<16xf32>,
            %add3A_1119 = arith.constant 128 : i32
            %add3A_1120 = vector.broadcast %add3A_1119 : i32 to vector<16xi32>
            %add3A_1121 = arith.addi %add3A_1086, %add3A_1120 : vector<16xi32>
            %mul3A_1122 = arith.mulf %mul3A_1069, %get3A_884 : vector<16xf32>
            tpu.vector_store_idx %arg8[%add3A_1121], %mul3A_1122 {add = true} : memref<81920xf32, #tpu.memory_space<vmem>>[vector<16xi32>], vector<16xf32>,
            %add3A_1123 = arith.constant 144 : i32
            %add3A_1124 = vector.broadcast %add3A_1123 : i32 to vector<16xi32>
            %add3A_1125 = arith.addi %add3A_1086, %add3A_1124 : vector<16xi32>
            %mul3A_1126 = arith.mulf %mul3A_1069, %get3A_906 : vector<16xf32>
            tpu.vector_store_idx %arg8[%add3A_1125], %mul3A_1126 {add = true} : memref<81920xf32, #tpu.memory_space<vmem>>[vector<16xi32>], vector<16xf32>,
            %add3A_1127 = arith.constant 160 : i32
            %add3A_1128 = vector.broadcast %add3A_1127 : i32 to vector<16xi32>
            %add3A_1129 = arith.addi %add3A_1086, %add3A_1128 : vector<16xi32>
            %mul3A_1130 = arith.mulf %mul3A_1069, %get3A_928 : vector<16xf32>
            tpu.vector_store_idx %arg8[%add3A_1129], %mul3A_1130 {add = true} : memref<81920xf32, #tpu.memory_space<vmem>>[vector<16xi32>], vector<16xf32>,
            %add3A_1131 = arith.constant 176 : i32
            %add3A_1132 = vector.broadcast %add3A_1131 : i32 to vector<16xi32>
            %add3A_1133 = arith.addi %add3A_1086, %add3A_1132 : vector<16xi32>
            %mul3A_1134 = arith.mulf %mul3A_1069, %get3A_950 : vector<16xf32>
            tpu.vector_store_idx %arg8[%add3A_1133], %mul3A_1134 {add = true} : memref<81920xf32, #tpu.memory_space<vmem>>[vector<16xi32>], vector<16xf32>,
            %add3A_1135 = arith.constant 192 : i32
            %add3A_1136 = vector.broadcast %add3A_1135 : i32 to vector<16xi32>
            %add3A_1137 = arith.addi %add3A_1086, %add3A_1136 : vector<16xi32>
            %mul3A_1138 = arith.mulf %mul3A_1069, %get3A_972 : vector<16xf32>
            tpu.vector_store_idx %arg8[%add3A_1137], %mul3A_1138 {add = true} : memref<81920xf32, #tpu.memory_space<vmem>>[vector<16xi32>], vector<16xf32>,
            %add3A_1139 = arith.constant 208 : i32
            %add3A_1140 = vector.broadcast %add3A_1139 : i32 to vector<16xi32>
            %add3A_1141 = arith.addi %add3A_1086, %add3A_1140 : vector<16xi32>
            %mul3A_1142 = arith.mulf %mul3A_1069, %get3A_994 : vector<16xf32>
            tpu.vector_store_idx %arg8[%add3A_1141], %mul3A_1142 {add = true} : memref<81920xf32, #tpu.memory_space<vmem>>[vector<16xi32>], vector<16xf32>,
            %add3A_1143 = arith.constant 224 : i32
            %add3A_1144 = vector.broadcast %add3A_1143 : i32 to vector<16xi32>
            %add3A_1145 = arith.addi %add3A_1086, %add3A_1144 : vector<16xi32>
            %mul3A_1146 = arith.mulf %mul3A_1069, %get3A_1016 : vector<16xf32>
            tpu.vector_store_idx %arg8[%add3A_1145], %mul3A_1146 {add = true} : memref<81920xf32, #tpu.memory_space<vmem>>[vector<16xi32>], vector<16xf32>,
            %add3A_1147 = arith.constant 240 : i32
            %add3A_1148 = vector.broadcast %add3A_1147 : i32 to vector<16xi32>
            %add3A_1149 = arith.addi %add3A_1086, %add3A_1148 : vector<16xi32>
            %mul3A_1150 = arith.mulf %mul3A_1069, %get3A_1038 : vector<16xf32>
            tpu.vector_store_idx %arg8[%add3A_1149], %mul3A_1150 {add = true} : memref<81920xf32, #tpu.memory_space<vmem>>[vector<16xi32>], vector<16xf32>,
            tpu.vector_store_idx %arg16[%get3A_1075], %mul3A_1069 masked %eq3A_1078 {add = true} : memref<384xf32, #tpu.memory_space<vmem>>[vector<16xi32>], vector<16xf32>, vector<16xi1>
          }
          %scan3A_245 = arith.constant 16 : i32
        } else {
        }
        %mul3A_134 = arith.constant 2 : i32
        %mul3A_135 = arith.muli %while3A_126, %mul3A_134 : i32
        %add3A_136 = arith.constant 1 : i32
        %add3A_137 = arith.addi %mul3A_135, %add3A_136 : i32
        %lt3A_138 = arith.cmpi slt, %add3A_137, %select_n3A : i32
        %convert_element_type3A_139 = arith.extui %lt3A_138 : i1 to i32
        %cond3A_140 = arith.constant 0 : i32
        %cond3A_141 = arith.cmpi ne, %convert_element_type3A_139, %cond3A_140 : i32
        scf.if %cond3A_141 {
          %mul3A_142 = arith.constant 2 : i32
          %mul3A_143 = arith.muli %add3A_137, %mul3A_142 : i32
          %mul3A_144 = arith.constant 32 : i32
          %mul3A_145 = arith.muli %mul3A_143, %mul3A_144 : i32
          %dma_wait3A = tpu.memref_slice %arg11[%mul3A_145] : memref<4064xi32, #tpu.memory_space<vmem>> -> memref<64xi32, #tpu.memory_space<vmem>>
          %dma_wait3A_146 = arith.constant 0 : i32
          %dma_wait3A_147 = arith.constant 0 : i32
          %dma_wait3A_148 = tpu.memref_slice %arg2[%dma_wait3A_146, %dma_wait3A_147] : memref<20000x256xf32, #tpu.memory_space<hbm>> -> memref<20000x256xf32, #tpu.memory_space<hbm>>
          tpu.wait_indirect_dma semaphore(%arg18 : memref<!tpu.dma_semaphore, #tpu.memory_space<semaphore_mem>>) src(%dma_wait3A_148 : memref<20000x256xf32, #tpu.memory_space<hbm>>) dst(%arg13 : memref<64x256xf32, #tpu.memory_space<vmem>>)
          %add3A_149 = arith.constant 1 : i32
          %add3A_150 = arith.addi %add3A_137, %add3A_149 : i32
          %lt3A_151 = arith.cmpi slt, %add3A_150, %select_n3A : i32
          %convert_element_type3A_152 = arith.extui %lt3A_151 : i1 to i32
          %cond3A_153 = arith.constant 0 : i32
          %cond3A_154 = arith.cmpi ne, %convert_element_type3A_152, %cond3A_153 : i32
          scf.if %cond3A_154 {
            %add3A_246 = arith.constant 1 : i32
            %add3A_247 = arith.addi %add3A_137, %add3A_246 : i32
            %mul3A_248 = arith.constant 2 : i32
            %mul3A_249 = arith.muli %add3A_247, %mul3A_248 : i32
            %mul3A_250 = arith.constant 32 : i32
            %mul3A_251 = arith.muli %mul3A_249, %mul3A_250 : i32
            %dma_start3A = tpu.memref_slice %arg11[%mul3A_251] : memref<4064xi32, #tpu.memory_space<vmem>> -> memref<64xi32, #tpu.memory_space<vmem>>
            %dma_start3A_252 = arith.constant 0 : i32
            %dma_start3A_253 = arith.constant 0 : i32
            %dma_start3A_254 = tpu.memref_slice %arg2[%dma_start3A_252, %dma_start3A_253] : memref<20000x256xf32, #tpu.memory_space<hbm>> -> memref<20000x256xf32, #tpu.memory_space<hbm>>
            tpu.enqueue_indirect_dma source(%dma_start3A_254 : memref<20000x256xf32, #tpu.memory_space<hbm>>) target(%arg12 : memref<64x256xf32, #tpu.memory_space<vmem>>) offsets(%dma_start3A : memref<64xi32, #tpu.memory_space<vmem>>) semaphore(%arg17 : memref<!tpu.dma_semaphore, #tpu.memory_space<semaphore_mem>>)
          } else {
          }
          %mul3A_155 = arith.constant 2 : i32
          %mul3A_156 = arith.muli %add3A_137, %mul3A_155 : i32
          %mul3A_157 = arith.constant 32 : i32
          %mul3A_158 = arith.muli %mul3A_156, %mul3A_157 : i32
          %add3A_159 = arith.constant 0 : i32
          %add3A_160 = arith.addi %mul3A_158, %add3A_159 : i32
          %add3A_161 = arith.constant 1 : i32
          %add3A_162 = arith.addi %add3A_160, %add3A_161 : i32
          %mul3A_163 = arith.constant 2 : i32
          %mul3A_164 = vector.broadcast %mul3A_163 : i32 to vector<16xi32>
          %mul3A_165 = arith.muli %mul3A_164, %iota3A : vector<16xi32>
          %add3A_166 = vector.broadcast %add3A_162 : i32 to vector<16xi32>
          %add3A_167 = arith.addi %add3A_166, %mul3A_165 : vector<16xi32>
          %gather3A = tpu.vector_load_idx %arg11[%add3A_167] : memref<4064xi32, #tpu.memory_space<vmem>>[vector<16xi32>], vector<16xi32>,
          %sub3A_168 = arith.constant 1 : i32
          %sub3A_169 = vector.broadcast %sub3A_168 : i32 to vector<16xi32>
          %sub3A_170 = arith.subi %gather3A, %sub3A_169 : vector<16xi32>
          %shift_right_arithmetic3A = arith.constant 1 : i32
          %shift_right_arithmetic3A_171 = vector.broadcast %shift_right_arithmetic3A : i32 to vector<16xi32>
          %shift_right_arithmetic3A_172 = arith.shrsi %sub3A_170, %shift_right_arithmetic3A_171 : vector<16xi32>
          %sub3A_173 = vector.broadcast %mul3A_2 : i32 to vector<16xi32>
          %sub3A_174 = arith.subi %shift_right_arithmetic3A_172, %sub3A_173 : vector<16xi32>
          %max3A = arith.constant 0 : i32
          %max3A_175 = vector.broadcast %max3A : i32 to vector<16xi32>
          %max3A_176 = arith.maxsi %sub3A_174, %max3A_175 : vector<16xi32>
          %min3A = arith.constant 319 : i32
          %min3A_177 = vector.broadcast %min3A : i32 to vector<16xi32>
          %min3A_178 = arith.minsi %max3A_176, %min3A_177 : vector<16xi32>
          %swap3A = arith.constant 0 : index
          %swap3A_179 = tpu.vector_load %arg14[%swap3A] {strides = array<i32>} : memref<32xi32, #tpu.memory_space<vmem>>, vector<16xi32>,
          tpu.vector_store %arg14[%swap3A], %min3A_178 {strides = array<i32>} : memref<32xi32, #tpu.memory_space<vmem>>, vector<16xi32>,
          %mul3A_180 = arith.constant 2 : i32
          %mul3A_181 = arith.muli %add3A_137, %mul3A_180 : i32
          %mul3A_182 = arith.constant 32 : i32
          %mul3A_183 = arith.muli %mul3A_181, %mul3A_182 : i32
          %add3A_184 = arith.constant 32 : i32
          %add3A_185 = arith.addi %mul3A_183, %add3A_184 : i32
          %add3A_186 = arith.constant 1 : i32
          %add3A_187 = arith.addi %add3A_185, %add3A_186 : i32
          %mul3A_188 = arith.constant 2 : i32
          %mul3A_189 = vector.broadcast %mul3A_188 : i32 to vector<16xi32>
          %mul3A_190 = arith.muli %mul3A_189, %iota3A : vector<16xi32>
          %add3A_191 = vector.broadcast %add3A_187 : i32 to vector<16xi32>
          %add3A_192 = arith.addi %add3A_191, %mul3A_190 : vector<16xi32>
          %gather3A_193 = tpu.vector_load_idx %arg11[%add3A_192] : memref<4064xi32, #tpu.memory_space<vmem>>[vector<16xi32>], vector<16xi32>,
          %sub3A_194 = arith.constant 1 : i32
          %sub3A_195 = vector.broadcast %sub3A_194 : i32 to vector<16xi32>
          %sub3A_196 = arith.subi %gather3A_193, %sub3A_195 : vector<16xi32>
          %shift_right_arithmetic3A_197 = arith.constant 1 : i32
          %shift_right_arithmetic3A_198 = vector.broadcast %shift_right_arithmetic3A_197 : i32 to vector<16xi32>
          %shift_right_arithmetic3A_199 = arith.shrsi %sub3A_196, %shift_right_arithmetic3A_198 : vector<16xi32>
          %sub3A_200 = vector.broadcast %mul3A_2 : i32 to vector<16xi32>
          %sub3A_201 = arith.subi %shift_right_arithmetic3A_199, %sub3A_200 : vector<16xi32>
          %max3A_202 = arith.constant 0 : i32
          %max3A_203 = vector.broadcast %max3A_202 : i32 to vector<16xi32>
          %max3A_204 = arith.maxsi %sub3A_201, %max3A_203 : vector<16xi32>
          %min3A_205 = arith.constant 319 : i32
          %min3A_206 = vector.broadcast %min3A_205 : i32 to vector<16xi32>
          %min3A_207 = arith.minsi %max3A_204, %min3A_206 : vector<16xi32>
          %swap3A_208 = arith.constant 16 : index
          %swap3A_209 = tpu.vector_load %arg14[%swap3A_208] {strides = array<i32>} : memref<32xi32, #tpu.memory_space<vmem>>, vector<16xi32>,
          tpu.vector_store %arg14[%swap3A_208], %min3A_207 {strides = array<i32>} : memref<32xi32, #tpu.memory_space<vmem>>, vector<16xi32>,
          %get3A = arith.constant 0 : index
          %get3A_210 = tpu.vector_load %arg15[%get3A] {strides = array<i32>} : memref<256xf32, #tpu.memory_space<vmem>>, vector<16xf32>,
          %get3A_211 = arith.constant 16 : index
          %get3A_212 = tpu.vector_load %arg15[%get3A_211] {strides = array<i32>} : memref<256xf32, #tpu.memory_space<vmem>>, vector<16xf32>,
          %get3A_213 = arith.constant 32 : index
          %get3A_214 = tpu.vector_load %arg15[%get3A_213] {strides = array<i32>} : memref<256xf32, #tpu.memory_space<vmem>>, vector<16xf32>,
          %get3A_215 = arith.constant 48 : index
          %get3A_216 = tpu.vector_load %arg15[%get3A_215] {strides = array<i32>} : memref<256xf32, #tpu.memory_space<vmem>>, vector<16xf32>,
          %get3A_217 = arith.constant 64 : index
          %get3A_218 = tpu.vector_load %arg15[%get3A_217] {strides = array<i32>} : memref<256xf32, #tpu.memory_space<vmem>>, vector<16xf32>,
          %get3A_219 = arith.constant 80 : index
          %get3A_220 = tpu.vector_load %arg15[%get3A_219] {strides = array<i32>} : memref<256xf32, #tpu.memory_space<vmem>>, vector<16xf32>,
          %get3A_221 = arith.constant 96 : index
          %get3A_222 = tpu.vector_load %arg15[%get3A_221] {strides = array<i32>} : memref<256xf32, #tpu.memory_space<vmem>>, vector<16xf32>,
          %get3A_223 = arith.constant 112 : index
          %get3A_224 = tpu.vector_load %arg15[%get3A_223] {strides = array<i32>} : memref<256xf32, #tpu.memory_space<vmem>>, vector<16xf32>,
          %get3A_225 = arith.constant 128 : index
          %get3A_226 = tpu.vector_load %arg15[%get3A_225] {strides = array<i32>} : memref<256xf32, #tpu.memory_space<vmem>>, vector<16xf32>,
          %get3A_227 = arith.constant 144 : index
          %get3A_228 = tpu.vector_load %arg15[%get3A_227] {strides = array<i32>} : memref<256xf32, #tpu.memory_space<vmem>>, vector<16xf32>,
          %get3A_229 = arith.constant 160 : index
          %get3A_230 = tpu.vector_load %arg15[%get3A_229] {strides = array<i32>} : memref<256xf32, #tpu.memory_space<vmem>>, vector<16xf32>,
          %get3A_231 = arith.constant 176 : index
          %get3A_232 = tpu.vector_load %arg15[%get3A_231] {strides = array<i32>} : memref<256xf32, #tpu.memory_space<vmem>>, vector<16xf32>,
          %get3A_233 = arith.constant 192 : index
          %get3A_234 = tpu.vector_load %arg15[%get3A_233] {strides = array<i32>} : memref<256xf32, #tpu.memory_space<vmem>>, vector<16xf32>,
          %get3A_235 = arith.constant 208 : index
          %get3A_236 = tpu.vector_load %arg15[%get3A_235] {strides = array<i32>} : memref<256xf32, #tpu.memory_space<vmem>>, vector<16xf32>,
          %get3A_237 = arith.constant 224 : index
          %get3A_238 = tpu.vector_load %arg15[%get3A_237] {strides = array<i32>} : memref<256xf32, #tpu.memory_space<vmem>>, vector<16xf32>,
          %get3A_239 = arith.constant 240 : index
          %get3A_240 = tpu.vector_load %arg15[%get3A_239] {strides = array<i32>} : memref<256xf32, #tpu.memory_space<vmem>>, vector<16xf32>,
          %scan3A_241 = arith.constant 0 : i32
          %scan3A_242 = arith.constant 16 : i32
          %scan3A_243 = arith.addi %scan3A_241, %scan3A_242 : i32
          %scan3A_244 = arith.constant 1 : i32
          scf.for %scan3A_246 = %scan3A_241 to %scan3A_243 step %scan3A_244  : i32 {
            %mul3A_247 = arith.constant 1 : i32
            %mul3A_248 = arith.muli %scan3A_246, %mul3A_247 : i32
            %add3A_249 = arith.constant 0 : i32
            %add3A_250 = arith.addi %add3A_249, %mul3A_248 : i32
            %mul3A_251 = arith.constant 2 : i32
            %mul3A_252 = arith.muli %mul3A_251, %add3A_250 : i32
            %add3A_253 = arith.constant 0 : i32
            %add3A_254 = arith.addi %mul3A_252, %add3A_253 : i32
            %broadcast_in_dim3A = arith.constant 0.000000e+00 : f32
            %broadcast_in_dim3A_255 = vector.broadcast %broadcast_in_dim3A : f32 to vector<16xf32>
            %mul3A_256 = arith.constant 2 : i32
            %mul3A_257 = arith.muli %mul3A_256, %add3A_254 : i32
            %get3A_258 = arith.index_cast %mul3A_257 : i32 to index
            %get3A_259 = arith.constant 0 : index
            %get3A_260 = tpu.vector_load %arg13[%get3A_258, %get3A_259] {strides = array<i32>} : memref<64x256xf32, #tpu.memory_space<vmem>>, vector<16xf32>,
            %mul3A_261 = arith.constant 2 : i32
            %mul3A_262 = arith.muli %mul3A_261, %add3A_254 : i32
            %add3A_263 = arith.constant 1 : i32
            %add3A_264 = arith.addi %mul3A_262, %add3A_263 : i32
            %get3A_265 = arith.index_cast %add3A_264 : i32 to index
            %get3A_266 = arith.constant 0 : index
            %get3A_267 = tpu.vector_load %arg13[%get3A_265, %get3A_266] {strides = array<i32>} : memref<64x256xf32, #tpu.memory_space<vmem>>, vector<16xf32>,
            %add3A_268 = arith.addf %get3A_260, %get3A_267 : vector<16xf32>
            %ge3A = arith.constant 0.000000e+00 : f32
            %ge3A_269 = vector.broadcast %ge3A : f32 to vector<16xf32>
            %ge3A_270 = arith.cmpf oge, %add3A_268, %ge3A_269 : vector<16xf32>
            %mul3A_271 = arith.constant 2.000000e-01 : f32
            %mul3A_272 = vector.broadcast %mul3A_271 : f32 to vector<16xf32>
            %mul3A_273 = arith.mulf %mul3A_272, %add3A_268 : vector<16xf32>
            %select_n3A_274 = arith.select %ge3A_270, %add3A_268, %mul3A_273 : vector<16xi1>, vector<16xf32>
            %mul3A_275 = arith.mulf %select_n3A_274, %get3A_210 : vector<16xf32>
            %add3A_276 = arith.addf %broadcast_in_dim3A_255, %mul3A_275 : vector<16xf32>
            %mul3A_277 = arith.constant 2 : i32
            %mul3A_278 = arith.muli %mul3A_277, %add3A_254 : i32
            %get3A_279 = arith.index_cast %mul3A_278 : i32 to index
            %get3A_280 = arith.constant 16 : index
            %get3A_281 = tpu.vector_load %arg13[%get3A_279, %get3A_280] {strides = array<i32>} : memref<64x256xf32, #tpu.memory_space<vmem>>, vector<16xf32>,
            %mul3A_282 = arith.constant 2 : i32
            %mul3A_283 = arith.muli %mul3A_282, %add3A_254 : i32
            %add3A_284 = arith.constant 1 : i32
            %add3A_285 = arith.addi %mul3A_283, %add3A_284 : i32
            %get3A_286 = arith.index_cast %add3A_285 : i32 to index
            %get3A_287 = arith.constant 16 : index
            %get3A_288 = tpu.vector_load %arg13[%get3A_286, %get3A_287] {strides = array<i32>} : memref<64x256xf32, #tpu.memory_space<vmem>>, vector<16xf32>,
            %add3A_289 = arith.addf %get3A_281, %get3A_288 : vector<16xf32>
            %ge3A_290 = arith.constant 0.000000e+00 : f32
            %ge3A_291 = vector.broadcast %ge3A_290 : f32 to vector<16xf32>
            %ge3A_292 = arith.cmpf oge, %add3A_289, %ge3A_291 : vector<16xf32>
            %mul3A_293 = arith.constant 2.000000e-01 : f32
            %mul3A_294 = vector.broadcast %mul3A_293 : f32 to vector<16xf32>
            %mul3A_295 = arith.mulf %mul3A_294, %add3A_289 : vector<16xf32>
            %select_n3A_296 = arith.select %ge3A_292, %add3A_289, %mul3A_295 : vector<16xi1>, vector<16xf32>
            %mul3A_297 = arith.mulf %select_n3A_296, %get3A_212 : vector<16xf32>
            %add3A_298 = arith.addf %add3A_276, %mul3A_297 : vector<16xf32>
            %mul3A_299 = arith.constant 2 : i32
            %mul3A_300 = arith.muli %mul3A_299, %add3A_254 : i32
            %get3A_301 = arith.index_cast %mul3A_300 : i32 to index
            %get3A_302 = arith.constant 32 : index
            %get3A_303 = tpu.vector_load %arg13[%get3A_301, %get3A_302] {strides = array<i32>} : memref<64x256xf32, #tpu.memory_space<vmem>>, vector<16xf32>,
            %mul3A_304 = arith.constant 2 : i32
            %mul3A_305 = arith.muli %mul3A_304, %add3A_254 : i32
            %add3A_306 = arith.constant 1 : i32
            %add3A_307 = arith.addi %mul3A_305, %add3A_306 : i32
            %get3A_308 = arith.index_cast %add3A_307 : i32 to index
            %get3A_309 = arith.constant 32 : index
            %get3A_310 = tpu.vector_load %arg13[%get3A_308, %get3A_309] {strides = array<i32>} : memref<64x256xf32, #tpu.memory_space<vmem>>, vector<16xf32>,
            %add3A_311 = arith.addf %get3A_303, %get3A_310 : vector<16xf32>
            %ge3A_312 = arith.constant 0.000000e+00 : f32
            %ge3A_313 = vector.broadcast %ge3A_312 : f32 to vector<16xf32>
            %ge3A_314 = arith.cmpf oge, %add3A_311, %ge3A_313 : vector<16xf32>
            %mul3A_315 = arith.constant 2.000000e-01 : f32
            %mul3A_316 = vector.broadcast %mul3A_315 : f32 to vector<16xf32>
            %mul3A_317 = arith.mulf %mul3A_316, %add3A_311 : vector<16xf32>
            %select_n3A_318 = arith.select %ge3A_314, %add3A_311, %mul3A_317 : vector<16xi1>, vector<16xf32>
            %mul3A_319 = arith.mulf %select_n3A_318, %get3A_214 : vector<16xf32>
            %add3A_320 = arith.addf %add3A_298, %mul3A_319 : vector<16xf32>
            %mul3A_321 = arith.constant 2 : i32
            %mul3A_322 = arith.muli %mul3A_321, %add3A_254 : i32
            %get3A_323 = arith.index_cast %mul3A_322 : i32 to index
            %get3A_324 = arith.constant 48 : index
            %get3A_325 = tpu.vector_load %arg13[%get3A_323, %get3A_324] {strides = array<i32>} : memref<64x256xf32, #tpu.memory_space<vmem>>, vector<16xf32>,
            %mul3A_326 = arith.constant 2 : i32
            %mul3A_327 = arith.muli %mul3A_326, %add3A_254 : i32
            %add3A_328 = arith.constant 1 : i32
            %add3A_329 = arith.addi %mul3A_327, %add3A_328 : i32
            %get3A_330 = arith.index_cast %add3A_329 : i32 to index
            %get3A_331 = arith.constant 48 : index
            %get3A_332 = tpu.vector_load %arg13[%get3A_330, %get3A_331] {strides = array<i32>} : memref<64x256xf32, #tpu.memory_space<vmem>>, vector<16xf32>,
            %add3A_333 = arith.addf %get3A_325, %get3A_332 : vector<16xf32>
            %ge3A_334 = arith.constant 0.000000e+00 : f32
            %ge3A_335 = vector.broadcast %ge3A_334 : f32 to vector<16xf32>
            %ge3A_336 = arith.cmpf oge, %add3A_333, %ge3A_335 : vector<16xf32>
            %mul3A_337 = arith.constant 2.000000e-01 : f32
            %mul3A_338 = vector.broadcast %mul3A_337 : f32 to vector<16xf32>
            %mul3A_339 = arith.mulf %mul3A_338, %add3A_333 : vector<16xf32>
            %select_n3A_340 = arith.select %ge3A_336, %add3A_333, %mul3A_339 : vector<16xi1>, vector<16xf32>
            %mul3A_341 = arith.mulf %select_n3A_340, %get3A_216 : vector<16xf32>
            %add3A_342 = arith.addf %add3A_320, %mul3A_341 : vector<16xf32>
            %mul3A_343 = arith.constant 2 : i32
            %mul3A_344 = arith.muli %mul3A_343, %add3A_254 : i32
            %get3A_345 = arith.index_cast %mul3A_344 : i32 to index
            %get3A_346 = arith.constant 64 : index
            %get3A_347 = tpu.vector_load %arg13[%get3A_345, %get3A_346] {strides = array<i32>} : memref<64x256xf32, #tpu.memory_space<vmem>>, vector<16xf32>,
            %mul3A_348 = arith.constant 2 : i32
            %mul3A_349 = arith.muli %mul3A_348, %add3A_254 : i32
            %add3A_350 = arith.constant 1 : i32
            %add3A_351 = arith.addi %mul3A_349, %add3A_350 : i32
            %get3A_352 = arith.index_cast %add3A_351 : i32 to index
            %get3A_353 = arith.constant 64 : index
            %get3A_354 = tpu.vector_load %arg13[%get3A_352, %get3A_353] {strides = array<i32>} : memref<64x256xf32, #tpu.memory_space<vmem>>, vector<16xf32>,
            %add3A_355 = arith.addf %get3A_347, %get3A_354 : vector<16xf32>
            %ge3A_356 = arith.constant 0.000000e+00 : f32
            %ge3A_357 = vector.broadcast %ge3A_356 : f32 to vector<16xf32>
            %ge3A_358 = arith.cmpf oge, %add3A_355, %ge3A_357 : vector<16xf32>
            %mul3A_359 = arith.constant 2.000000e-01 : f32
            %mul3A_360 = vector.broadcast %mul3A_359 : f32 to vector<16xf32>
            %mul3A_361 = arith.mulf %mul3A_360, %add3A_355 : vector<16xf32>
            %select_n3A_362 = arith.select %ge3A_358, %add3A_355, %mul3A_361 : vector<16xi1>, vector<16xf32>
            %mul3A_363 = arith.mulf %select_n3A_362, %get3A_218 : vector<16xf32>
            %add3A_364 = arith.addf %add3A_342, %mul3A_363 : vector<16xf32>
            %mul3A_365 = arith.constant 2 : i32
            %mul3A_366 = arith.muli %mul3A_365, %add3A_254 : i32
            %get3A_367 = arith.index_cast %mul3A_366 : i32 to index
            %get3A_368 = arith.constant 80 : index
            %get3A_369 = tpu.vector_load %arg13[%get3A_367, %get3A_368] {strides = array<i32>} : memref<64x256xf32, #tpu.memory_space<vmem>>, vector<16xf32>,
            %mul3A_370 = arith.constant 2 : i32
            %mul3A_371 = arith.muli %mul3A_370, %add3A_254 : i32
            %add3A_372 = arith.constant 1 : i32
            %add3A_373 = arith.addi %mul3A_371, %add3A_372 : i32
            %get3A_374 = arith.index_cast %add3A_373 : i32 to index
            %get3A_375 = arith.constant 80 : index
            %get3A_376 = tpu.vector_load %arg13[%get3A_374, %get3A_375] {strides = array<i32>} : memref<64x256xf32, #tpu.memory_space<vmem>>, vector<16xf32>,
            %add3A_377 = arith.addf %get3A_369, %get3A_376 : vector<16xf32>
            %ge3A_378 = arith.constant 0.000000e+00 : f32
            %ge3A_379 = vector.broadcast %ge3A_378 : f32 to vector<16xf32>
            %ge3A_380 = arith.cmpf oge, %add3A_377, %ge3A_379 : vector<16xf32>
            %mul3A_381 = arith.constant 2.000000e-01 : f32
            %mul3A_382 = vector.broadcast %mul3A_381 : f32 to vector<16xf32>
            %mul3A_383 = arith.mulf %mul3A_382, %add3A_377 : vector<16xf32>
            %select_n3A_384 = arith.select %ge3A_380, %add3A_377, %mul3A_383 : vector<16xi1>, vector<16xf32>
            %mul3A_385 = arith.mulf %select_n3A_384, %get3A_220 : vector<16xf32>
            %add3A_386 = arith.addf %add3A_364, %mul3A_385 : vector<16xf32>
            %mul3A_387 = arith.constant 2 : i32
            %mul3A_388 = arith.muli %mul3A_387, %add3A_254 : i32
            %get3A_389 = arith.index_cast %mul3A_388 : i32 to index
            %get3A_390 = arith.constant 96 : index
            %get3A_391 = tpu.vector_load %arg13[%get3A_389, %get3A_390] {strides = array<i32>} : memref<64x256xf32, #tpu.memory_space<vmem>>, vector<16xf32>,
            %mul3A_392 = arith.constant 2 : i32
            %mul3A_393 = arith.muli %mul3A_392, %add3A_254 : i32
            %add3A_394 = arith.constant 1 : i32
            %add3A_395 = arith.addi %mul3A_393, %add3A_394 : i32
            %get3A_396 = arith.index_cast %add3A_395 : i32 to index
            %get3A_397 = arith.constant 96 : index
            %get3A_398 = tpu.vector_load %arg13[%get3A_396, %get3A_397] {strides = array<i32>} : memref<64x256xf32, #tpu.memory_space<vmem>>, vector<16xf32>,
            %add3A_399 = arith.addf %get3A_391, %get3A_398 : vector<16xf32>
            %ge3A_400 = arith.constant 0.000000e+00 : f32
            %ge3A_401 = vector.broadcast %ge3A_400 : f32 to vector<16xf32>
            %ge3A_402 = arith.cmpf oge, %add3A_399, %ge3A_401 : vector<16xf32>
            %mul3A_403 = arith.constant 2.000000e-01 : f32
            %mul3A_404 = vector.broadcast %mul3A_403 : f32 to vector<16xf32>
            %mul3A_405 = arith.mulf %mul3A_404, %add3A_399 : vector<16xf32>
            %select_n3A_406 = arith.select %ge3A_402, %add3A_399, %mul3A_405 : vector<16xi1>, vector<16xf32>
            %mul3A_407 = arith.mulf %select_n3A_406, %get3A_222 : vector<16xf32>
            %add3A_408 = arith.addf %add3A_386, %mul3A_407 : vector<16xf32>
            %mul3A_409 = arith.constant 2 : i32
            %mul3A_410 = arith.muli %mul3A_409, %add3A_254 : i32
            %get3A_411 = arith.index_cast %mul3A_410 : i32 to index
            %get3A_412 = arith.constant 112 : index
            %get3A_413 = tpu.vector_load %arg13[%get3A_411, %get3A_412] {strides = array<i32>} : memref<64x256xf32, #tpu.memory_space<vmem>>, vector<16xf32>,
            %mul3A_414 = arith.constant 2 : i32
            %mul3A_415 = arith.muli %mul3A_414, %add3A_254 : i32
            %add3A_416 = arith.constant 1 : i32
            %add3A_417 = arith.addi %mul3A_415, %add3A_416 : i32
            %get3A_418 = arith.index_cast %add3A_417 : i32 to index
            %get3A_419 = arith.constant 112 : index
            %get3A_420 = tpu.vector_load %arg13[%get3A_418, %get3A_419] {strides = array<i32>} : memref<64x256xf32, #tpu.memory_space<vmem>>, vector<16xf32>,
            %add3A_421 = arith.addf %get3A_413, %get3A_420 : vector<16xf32>
            %ge3A_422 = arith.constant 0.000000e+00 : f32
            %ge3A_423 = vector.broadcast %ge3A_422 : f32 to vector<16xf32>
            %ge3A_424 = arith.cmpf oge, %add3A_421, %ge3A_423 : vector<16xf32>
            %mul3A_425 = arith.constant 2.000000e-01 : f32
            %mul3A_426 = vector.broadcast %mul3A_425 : f32 to vector<16xf32>
            %mul3A_427 = arith.mulf %mul3A_426, %add3A_421 : vector<16xf32>
            %select_n3A_428 = arith.select %ge3A_424, %add3A_421, %mul3A_427 : vector<16xi1>, vector<16xf32>
            %mul3A_429 = arith.mulf %select_n3A_428, %get3A_224 : vector<16xf32>
            %add3A_430 = arith.addf %add3A_408, %mul3A_429 : vector<16xf32>
            %mul3A_431 = arith.constant 2 : i32
            %mul3A_432 = arith.muli %mul3A_431, %add3A_254 : i32
            %get3A_433 = arith.index_cast %mul3A_432 : i32 to index
            %get3A_434 = arith.constant 128 : index
            %get3A_435 = tpu.vector_load %arg13[%get3A_433, %get3A_434] {strides = array<i32>} : memref<64x256xf32, #tpu.memory_space<vmem>>, vector<16xf32>,
            %mul3A_436 = arith.constant 2 : i32
            %mul3A_437 = arith.muli %mul3A_436, %add3A_254 : i32
            %add3A_438 = arith.constant 1 : i32
            %add3A_439 = arith.addi %mul3A_437, %add3A_438 : i32
            %get3A_440 = arith.index_cast %add3A_439 : i32 to index
            %get3A_441 = arith.constant 128 : index
            %get3A_442 = tpu.vector_load %arg13[%get3A_440, %get3A_441] {strides = array<i32>} : memref<64x256xf32, #tpu.memory_space<vmem>>, vector<16xf32>,
            %add3A_443 = arith.addf %get3A_435, %get3A_442 : vector<16xf32>
            %ge3A_444 = arith.constant 0.000000e+00 : f32
            %ge3A_445 = vector.broadcast %ge3A_444 : f32 to vector<16xf32>
            %ge3A_446 = arith.cmpf oge, %add3A_443, %ge3A_445 : vector<16xf32>
            %mul3A_447 = arith.constant 2.000000e-01 : f32
            %mul3A_448 = vector.broadcast %mul3A_447 : f32 to vector<16xf32>
            %mul3A_449 = arith.mulf %mul3A_448, %add3A_443 : vector<16xf32>
            %select_n3A_450 = arith.select %ge3A_446, %add3A_443, %mul3A_449 : vector<16xi1>, vector<16xf32>
            %mul3A_451 = arith.mulf %select_n3A_450, %get3A_226 : vector<16xf32>
            %add3A_452 = arith.addf %add3A_430, %mul3A_451 : vector<16xf32>
            %mul3A_453 = arith.constant 2 : i32
            %mul3A_454 = arith.muli %mul3A_453, %add3A_254 : i32
            %get3A_455 = arith.index_cast %mul3A_454 : i32 to index
            %get3A_456 = arith.constant 144 : index
            %get3A_457 = tpu.vector_load %arg13[%get3A_455, %get3A_456] {strides = array<i32>} : memref<64x256xf32, #tpu.memory_space<vmem>>, vector<16xf32>,
            %mul3A_458 = arith.constant 2 : i32
            %mul3A_459 = arith.muli %mul3A_458, %add3A_254 : i32
            %add3A_460 = arith.constant 1 : i32
            %add3A_461 = arith.addi %mul3A_459, %add3A_460 : i32
            %get3A_462 = arith.index_cast %add3A_461 : i32 to index
            %get3A_463 = arith.constant 144 : index
            %get3A_464 = tpu.vector_load %arg13[%get3A_462, %get3A_463] {strides = array<i32>} : memref<64x256xf32, #tpu.memory_space<vmem>>, vector<16xf32>,
            %add3A_465 = arith.addf %get3A_457, %get3A_464 : vector<16xf32>
            %ge3A_466 = arith.constant 0.000000e+00 : f32
            %ge3A_467 = vector.broadcast %ge3A_466 : f32 to vector<16xf32>
            %ge3A_468 = arith.cmpf oge, %add3A_465, %ge3A_467 : vector<16xf32>
            %mul3A_469 = arith.constant 2.000000e-01 : f32
            %mul3A_470 = vector.broadcast %mul3A_469 : f32 to vector<16xf32>
            %mul3A_471 = arith.mulf %mul3A_470, %add3A_465 : vector<16xf32>
            %select_n3A_472 = arith.select %ge3A_468, %add3A_465, %mul3A_471 : vector<16xi1>, vector<16xf32>
            %mul3A_473 = arith.mulf %select_n3A_472, %get3A_228 : vector<16xf32>
            %add3A_474 = arith.addf %add3A_452, %mul3A_473 : vector<16xf32>
            %mul3A_475 = arith.constant 2 : i32
            %mul3A_476 = arith.muli %mul3A_475, %add3A_254 : i32
            %get3A_477 = arith.index_cast %mul3A_476 : i32 to index
            %get3A_478 = arith.constant 160 : index
            %get3A_479 = tpu.vector_load %arg13[%get3A_477, %get3A_478] {strides = array<i32>} : memref<64x256xf32, #tpu.memory_space<vmem>>, vector<16xf32>,
            %mul3A_480 = arith.constant 2 : i32
            %mul3A_481 = arith.muli %mul3A_480, %add3A_254 : i32
            %add3A_482 = arith.constant 1 : i32
            %add3A_483 = arith.addi %mul3A_481, %add3A_482 : i32
            %get3A_484 = arith.index_cast %add3A_483 : i32 to index
            %get3A_485 = arith.constant 160 : index
            %get3A_486 = tpu.vector_load %arg13[%get3A_484, %get3A_485] {strides = array<i32>} : memref<64x256xf32, #tpu.memory_space<vmem>>, vector<16xf32>,
            %add3A_487 = arith.addf %get3A_479, %get3A_486 : vector<16xf32>
            %ge3A_488 = arith.constant 0.000000e+00 : f32
            %ge3A_489 = vector.broadcast %ge3A_488 : f32 to vector<16xf32>
            %ge3A_490 = arith.cmpf oge, %add3A_487, %ge3A_489 : vector<16xf32>
            %mul3A_491 = arith.constant 2.000000e-01 : f32
            %mul3A_492 = vector.broadcast %mul3A_491 : f32 to vector<16xf32>
            %mul3A_493 = arith.mulf %mul3A_492, %add3A_487 : vector<16xf32>
            %select_n3A_494 = arith.select %ge3A_490, %add3A_487, %mul3A_493 : vector<16xi1>, vector<16xf32>
            %mul3A_495 = arith.mulf %select_n3A_494, %get3A_230 : vector<16xf32>
            %add3A_496 = arith.addf %add3A_474, %mul3A_495 : vector<16xf32>
            %mul3A_497 = arith.constant 2 : i32
            %mul3A_498 = arith.muli %mul3A_497, %add3A_254 : i32
            %get3A_499 = arith.index_cast %mul3A_498 : i32 to index
            %get3A_500 = arith.constant 176 : index
            %get3A_501 = tpu.vector_load %arg13[%get3A_499, %get3A_500] {strides = array<i32>} : memref<64x256xf32, #tpu.memory_space<vmem>>, vector<16xf32>,
            %mul3A_502 = arith.constant 2 : i32
            %mul3A_503 = arith.muli %mul3A_502, %add3A_254 : i32
            %add3A_504 = arith.constant 1 : i32
            %add3A_505 = arith.addi %mul3A_503, %add3A_504 : i32
            %get3A_506 = arith.index_cast %add3A_505 : i32 to index
            %get3A_507 = arith.constant 176 : index
            %get3A_508 = tpu.vector_load %arg13[%get3A_506, %get3A_507] {strides = array<i32>} : memref<64x256xf32, #tpu.memory_space<vmem>>, vector<16xf32>,
            %add3A_509 = arith.addf %get3A_501, %get3A_508 : vector<16xf32>
            %ge3A_510 = arith.constant 0.000000e+00 : f32
            %ge3A_511 = vector.broadcast %ge3A_510 : f32 to vector<16xf32>
            %ge3A_512 = arith.cmpf oge, %add3A_509, %ge3A_511 : vector<16xf32>
            %mul3A_513 = arith.constant 2.000000e-01 : f32
            %mul3A_514 = vector.broadcast %mul3A_513 : f32 to vector<16xf32>
            %mul3A_515 = arith.mulf %mul3A_514, %add3A_509 : vector<16xf32>
            %select_n3A_516 = arith.select %ge3A_512, %add3A_509, %mul3A_515 : vector<16xi1>, vector<16xf32>
            %mul3A_517 = arith.mulf %select_n3A_516, %get3A_232 : vector<16xf32>
            %add3A_518 = arith.addf %add3A_496, %mul3A_517 : vector<16xf32>
            %mul3A_519 = arith.constant 2 : i32
            %mul3A_520 = arith.muli %mul3A_519, %add3A_254 : i32
            %get3A_521 = arith.index_cast %mul3A_520 : i32 to index
            %get3A_522 = arith.constant 192 : index
            %get3A_523 = tpu.vector_load %arg13[%get3A_521, %get3A_522] {strides = array<i32>} : memref<64x256xf32, #tpu.memory_space<vmem>>, vector<16xf32>,
            %mul3A_524 = arith.constant 2 : i32
            %mul3A_525 = arith.muli %mul3A_524, %add3A_254 : i32
            %add3A_526 = arith.constant 1 : i32
            %add3A_527 = arith.addi %mul3A_525, %add3A_526 : i32
            %get3A_528 = arith.index_cast %add3A_527 : i32 to index
            %get3A_529 = arith.constant 192 : index
            %get3A_530 = tpu.vector_load %arg13[%get3A_528, %get3A_529] {strides = array<i32>} : memref<64x256xf32, #tpu.memory_space<vmem>>, vector<16xf32>,
            %add3A_531 = arith.addf %get3A_523, %get3A_530 : vector<16xf32>
            %ge3A_532 = arith.constant 0.000000e+00 : f32
            %ge3A_533 = vector.broadcast %ge3A_532 : f32 to vector<16xf32>
            %ge3A_534 = arith.cmpf oge, %add3A_531, %ge3A_533 : vector<16xf32>
            %mul3A_535 = arith.constant 2.000000e-01 : f32
            %mul3A_536 = vector.broadcast %mul3A_535 : f32 to vector<16xf32>
            %mul3A_537 = arith.mulf %mul3A_536, %add3A_531 : vector<16xf32>
            %select_n3A_538 = arith.select %ge3A_534, %add3A_531, %mul3A_537 : vector<16xi1>, vector<16xf32>
            %mul3A_539 = arith.mulf %select_n3A_538, %get3A_234 : vector<16xf32>
            %add3A_540 = arith.addf %add3A_518, %mul3A_539 : vector<16xf32>
            %mul3A_541 = arith.constant 2 : i32
            %mul3A_542 = arith.muli %mul3A_541, %add3A_254 : i32
            %get3A_543 = arith.index_cast %mul3A_542 : i32 to index
            %get3A_544 = arith.constant 208 : index
            %get3A_545 = tpu.vector_load %arg13[%get3A_543, %get3A_544] {strides = array<i32>} : memref<64x256xf32, #tpu.memory_space<vmem>>, vector<16xf32>,
            %mul3A_546 = arith.constant 2 : i32
            %mul3A_547 = arith.muli %mul3A_546, %add3A_254 : i32
            %add3A_548 = arith.constant 1 : i32
            %add3A_549 = arith.addi %mul3A_547, %add3A_548 : i32
            %get3A_550 = arith.index_cast %add3A_549 : i32 to index
            %get3A_551 = arith.constant 208 : index
            %get3A_552 = tpu.vector_load %arg13[%get3A_550, %get3A_551] {strides = array<i32>} : memref<64x256xf32, #tpu.memory_space<vmem>>, vector<16xf32>,
            %add3A_553 = arith.addf %get3A_545, %get3A_552 : vector<16xf32>
            %ge3A_554 = arith.constant 0.000000e+00 : f32
            %ge3A_555 = vector.broadcast %ge3A_554 : f32 to vector<16xf32>
            %ge3A_556 = arith.cmpf oge, %add3A_553, %ge3A_555 : vector<16xf32>
            %mul3A_557 = arith.constant 2.000000e-01 : f32
            %mul3A_558 = vector.broadcast %mul3A_557 : f32 to vector<16xf32>
            %mul3A_559 = arith.mulf %mul3A_558, %add3A_553 : vector<16xf32>
            %select_n3A_560 = arith.select %ge3A_556, %add3A_553, %mul3A_559 : vector<16xi1>, vector<16xf32>
            %mul3A_561 = arith.mulf %select_n3A_560, %get3A_236 : vector<16xf32>
            %add3A_562 = arith.addf %add3A_540, %mul3A_561 : vector<16xf32>
            %mul3A_563 = arith.constant 2 : i32
            %mul3A_564 = arith.muli %mul3A_563, %add3A_254 : i32
            %get3A_565 = arith.index_cast %mul3A_564 : i32 to index
            %get3A_566 = arith.constant 224 : index
            %get3A_567 = tpu.vector_load %arg13[%get3A_565, %get3A_566] {strides = array<i32>} : memref<64x256xf32, #tpu.memory_space<vmem>>, vector<16xf32>,
            %mul3A_568 = arith.constant 2 : i32
            %mul3A_569 = arith.muli %mul3A_568, %add3A_254 : i32
            %add3A_570 = arith.constant 1 : i32
            %add3A_571 = arith.addi %mul3A_569, %add3A_570 : i32
            %get3A_572 = arith.index_cast %add3A_571 : i32 to index
            %get3A_573 = arith.constant 224 : index
            %get3A_574 = tpu.vector_load %arg13[%get3A_572, %get3A_573] {strides = array<i32>} : memref<64x256xf32, #tpu.memory_space<vmem>>, vector<16xf32>,
            %add3A_575 = arith.addf %get3A_567, %get3A_574 : vector<16xf32>
            %ge3A_576 = arith.constant 0.000000e+00 : f32
            %ge3A_577 = vector.broadcast %ge3A_576 : f32 to vector<16xf32>
            %ge3A_578 = arith.cmpf oge, %add3A_575, %ge3A_577 : vector<16xf32>
            %mul3A_579 = arith.constant 2.000000e-01 : f32
            %mul3A_580 = vector.broadcast %mul3A_579 : f32 to vector<16xf32>
            %mul3A_581 = arith.mulf %mul3A_580, %add3A_575 : vector<16xf32>
            %select_n3A_582 = arith.select %ge3A_578, %add3A_575, %mul3A_581 : vector<16xi1>, vector<16xf32>
            %mul3A_583 = arith.mulf %select_n3A_582, %get3A_238 : vector<16xf32>
            %add3A_584 = arith.addf %add3A_562, %mul3A_583 : vector<16xf32>
            %mul3A_585 = arith.constant 2 : i32
            %mul3A_586 = arith.muli %mul3A_585, %add3A_254 : i32
            %get3A_587 = arith.index_cast %mul3A_586 : i32 to index
            %get3A_588 = arith.constant 240 : index
            %get3A_589 = tpu.vector_load %arg13[%get3A_587, %get3A_588] {strides = array<i32>} : memref<64x256xf32, #tpu.memory_space<vmem>>, vector<16xf32>,
            %mul3A_590 = arith.constant 2 : i32
            %mul3A_591 = arith.muli %mul3A_590, %add3A_254 : i32
            %add3A_592 = arith.constant 1 : i32
            %add3A_593 = arith.addi %mul3A_591, %add3A_592 : i32
            %get3A_594 = arith.index_cast %add3A_593 : i32 to index
            %get3A_595 = arith.constant 240 : index
            %get3A_596 = tpu.vector_load %arg13[%get3A_594, %get3A_595] {strides = array<i32>} : memref<64x256xf32, #tpu.memory_space<vmem>>, vector<16xf32>,
            %add3A_597 = arith.addf %get3A_589, %get3A_596 : vector<16xf32>
            %ge3A_598 = arith.constant 0.000000e+00 : f32
            %ge3A_599 = vector.broadcast %ge3A_598 : f32 to vector<16xf32>
            %ge3A_600 = arith.cmpf oge, %add3A_597, %ge3A_599 : vector<16xf32>
            %mul3A_601 = arith.constant 2.000000e-01 : f32
            %mul3A_602 = vector.broadcast %mul3A_601 : f32 to vector<16xf32>
            %mul3A_603 = arith.mulf %mul3A_602, %add3A_597 : vector<16xf32>
            %select_n3A_604 = arith.select %ge3A_600, %add3A_597, %mul3A_603 : vector<16xi1>, vector<16xf32>
            %mul3A_605 = arith.mulf %select_n3A_604, %get3A_240 : vector<16xf32>
            %add3A_606 = arith.addf %add3A_584, %mul3A_605 : vector<16xf32>
            %reduce_sum3A = arith.constant true
            %reduce_sum3A_607 = vector.broadcast %reduce_sum3A : i1 to vector<16xi1>
            %reduce_sum3A_608 = tpu.scan <sum>, %add3A_606 masked %reduce_sum3A_607 : vector<16xf32>, vector<16xi1> -> vector<16xf32>
            %reduce_sum3A_609 = vector.extract %reduce_sum3A_608[15] : f32 from vector<16xf32>
            %mul3A_610 = arith.constant 32 : i32
            %mul3A_611 = arith.muli %add3A_137, %mul3A_610 : i32
            %add3A_612 = arith.addi %mul3A_611, %add3A_254 : i32
            %lt3A_613 = arith.cmpi slt, %add3A_612, %scan3A_33 : i32
            %convert_element_type3A_614 = arith.extui %lt3A_613 : i1 to i32
            %convert_element_type3A_615 = arith.sitofp %convert_element_type3A_614 : i32 to f32
            %broadcast_in_dim3A_616 = vector.broadcast %reduce_sum3A_609 : f32 to vector<16xf32>
            %exp3A = math.exp %broadcast_in_dim3A_616 : vector<16xf32>
            %mul3A_617 = vector.broadcast %convert_element_type3A_615 : f32 to vector<16xf32>
            %mul3A_618 = arith.mulf %mul3A_617, %exp3A : vector<16xf32>
            %shift_right_logical3A = arith.constant 4 : i32
            %shift_right_logical3A_619 = arith.shrui %add3A_254, %shift_right_logical3A : i32
            %mul3A_620 = arith.constant 16 : i32
            %mul3A_621 = arith.muli %shift_right_logical3A_619, %mul3A_620 : i32
            %get3A_622 = arith.index_cast %mul3A_621 : i32 to index
            %get3A_623 = tpu.vector_load %arg14[%get3A_622] {strides = array<i32>} : memref<32xi32, #tpu.memory_space<vmem>>, vector<16xi32>,
            %sub3A_624 = arith.subi %add3A_254, %mul3A_621 : i32
            %eq3A = vector.broadcast %sub3A_624 : i32 to vector<16xi32>
            %eq3A_625 = arith.cmpi eq, %iota3A, %eq3A : vector<16xi32>
            %sub3A_626 = arith.subi %add3A_254, %mul3A_621 : i32
            %broadcast_in_dim3A_627 = vector.broadcast %sub3A_626 : i32 to vector<16x1xi32>
            %gather3A_628 = vector.shape_cast %broadcast_in_dim3A_627 : vector<16x1xi32> to vector<16xi32>
            %gather3A_629 = tpu.dynamic_gather %get3A_623[%gather3A_628] in [0] : vector<16xi32>, vector<16xi32> -> vector<16xi32>
            %mul3A_630 = arith.constant 256 : i32
            %mul3A_631 = vector.broadcast %mul3A_630 : i32 to vector<16xi32>
            %mul3A_632 = arith.muli %gather3A_629, %mul3A_631 : vector<16xi32>
            %add3A_633 = arith.addi %mul3A_632, %iota3A : vector<16xi32>
            %add3A_634 = arith.constant 0 : i32
            %add3A_635 = vector.broadcast %add3A_634 : i32 to vector<16xi32>
            %add3A_636 = arith.addi %add3A_633, %add3A_635 : vector<16xi32>
            %mul3A_637 = arith.mulf %mul3A_618, %get3A_260 : vector<16xf32>
            tpu.vector_store_idx %arg8[%add3A_636], %mul3A_637 {add = true} : memref<81920xf32, #tpu.memory_space<vmem>>[vector<16xi32>], vector<16xf32>,
            %add3A_638 = arith.constant 16 : i32
            %add3A_639 = vector.broadcast %add3A_638 : i32 to vector<16xi32>
            %add3A_640 = arith.addi %add3A_633, %add3A_639 : vector<16xi32>
            %mul3A_641 = arith.mulf %mul3A_618, %get3A_281 : vector<16xf32>
            tpu.vector_store_idx %arg8[%add3A_640], %mul3A_641 {add = true} : memref<81920xf32, #tpu.memory_space<vmem>>[vector<16xi32>], vector<16xf32>,
            %add3A_642 = arith.constant 32 : i32
            %add3A_643 = vector.broadcast %add3A_642 : i32 to vector<16xi32>
            %add3A_644 = arith.addi %add3A_633, %add3A_643 : vector<16xi32>
            %mul3A_645 = arith.mulf %mul3A_618, %get3A_303 : vector<16xf32>
            tpu.vector_store_idx %arg8[%add3A_644], %mul3A_645 {add = true} : memref<81920xf32, #tpu.memory_space<vmem>>[vector<16xi32>], vector<16xf32>,
            %add3A_646 = arith.constant 48 : i32
            %add3A_647 = vector.broadcast %add3A_646 : i32 to vector<16xi32>
            %add3A_648 = arith.addi %add3A_633, %add3A_647 : vector<16xi32>
            %mul3A_649 = arith.mulf %mul3A_618, %get3A_325 : vector<16xf32>
            tpu.vector_store_idx %arg8[%add3A_648], %mul3A_649 {add = true} : memref<81920xf32, #tpu.memory_space<vmem>>[vector<16xi32>], vector<16xf32>,
            %add3A_650 = arith.constant 64 : i32
            %add3A_651 = vector.broadcast %add3A_650 : i32 to vector<16xi32>
            %add3A_652 = arith.addi %add3A_633, %add3A_651 : vector<16xi32>
            %mul3A_653 = arith.mulf %mul3A_618, %get3A_347 : vector<16xf32>
            tpu.vector_store_idx %arg8[%add3A_652], %mul3A_653 {add = true} : memref<81920xf32, #tpu.memory_space<vmem>>[vector<16xi32>], vector<16xf32>,
            %add3A_654 = arith.constant 80 : i32
            %add3A_655 = vector.broadcast %add3A_654 : i32 to vector<16xi32>
            %add3A_656 = arith.addi %add3A_633, %add3A_655 : vector<16xi32>
            %mul3A_657 = arith.mulf %mul3A_618, %get3A_369 : vector<16xf32>
            tpu.vector_store_idx %arg8[%add3A_656], %mul3A_657 {add = true} : memref<81920xf32, #tpu.memory_space<vmem>>[vector<16xi32>], vector<16xf32>,
            %add3A_658 = arith.constant 96 : i32
            %add3A_659 = vector.broadcast %add3A_658 : i32 to vector<16xi32>
            %add3A_660 = arith.addi %add3A_633, %add3A_659 : vector<16xi32>
            %mul3A_661 = arith.mulf %mul3A_618, %get3A_391 : vector<16xf32>
            tpu.vector_store_idx %arg8[%add3A_660], %mul3A_661 {add = true} : memref<81920xf32, #tpu.memory_space<vmem>>[vector<16xi32>], vector<16xf32>,
            %add3A_662 = arith.constant 112 : i32
            %add3A_663 = vector.broadcast %add3A_662 : i32 to vector<16xi32>
            %add3A_664 = arith.addi %add3A_633, %add3A_663 : vector<16xi32>
            %mul3A_665 = arith.mulf %mul3A_618, %get3A_413 : vector<16xf32>
            tpu.vector_store_idx %arg8[%add3A_664], %mul3A_665 {add = true} : memref<81920xf32, #tpu.memory_space<vmem>>[vector<16xi32>], vector<16xf32>,
            %add3A_666 = arith.constant 128 : i32
            %add3A_667 = vector.broadcast %add3A_666 : i32 to vector<16xi32>
            %add3A_668 = arith.addi %add3A_633, %add3A_667 : vector<16xi32>
            %mul3A_669 = arith.mulf %mul3A_618, %get3A_435 : vector<16xf32>
            tpu.vector_store_idx %arg8[%add3A_668], %mul3A_669 {add = true} : memref<81920xf32, #tpu.memory_space<vmem>>[vector<16xi32>], vector<16xf32>,
            %add3A_670 = arith.constant 144 : i32
            %add3A_671 = vector.broadcast %add3A_670 : i32 to vector<16xi32>
            %add3A_672 = arith.addi %add3A_633, %add3A_671 : vector<16xi32>
            %mul3A_673 = arith.mulf %mul3A_618, %get3A_457 : vector<16xf32>
            tpu.vector_store_idx %arg8[%add3A_672], %mul3A_673 {add = true} : memref<81920xf32, #tpu.memory_space<vmem>>[vector<16xi32>], vector<16xf32>,
            %add3A_674 = arith.constant 160 : i32
            %add3A_675 = vector.broadcast %add3A_674 : i32 to vector<16xi32>
            %add3A_676 = arith.addi %add3A_633, %add3A_675 : vector<16xi32>
            %mul3A_677 = arith.mulf %mul3A_618, %get3A_479 : vector<16xf32>
            tpu.vector_store_idx %arg8[%add3A_676], %mul3A_677 {add = true} : memref<81920xf32, #tpu.memory_space<vmem>>[vector<16xi32>], vector<16xf32>,
            %add3A_678 = arith.constant 176 : i32
            %add3A_679 = vector.broadcast %add3A_678 : i32 to vector<16xi32>
            %add3A_680 = arith.addi %add3A_633, %add3A_679 : vector<16xi32>
            %mul3A_681 = arith.mulf %mul3A_618, %get3A_501 : vector<16xf32>
            tpu.vector_store_idx %arg8[%add3A_680], %mul3A_681 {add = true} : memref<81920xf32, #tpu.memory_space<vmem>>[vector<16xi32>], vector<16xf32>,
            %add3A_682 = arith.constant 192 : i32
            %add3A_683 = vector.broadcast %add3A_682 : i32 to vector<16xi32>
            %add3A_684 = arith.addi %add3A_633, %add3A_683 : vector<16xi32>
            %mul3A_685 = arith.mulf %mul3A_618, %get3A_523 : vector<16xf32>
            tpu.vector_store_idx %arg8[%add3A_684], %mul3A_685 {add = true} : memref<81920xf32, #tpu.memory_space<vmem>>[vector<16xi32>], vector<16xf32>,
            %add3A_686 = arith.constant 208 : i32
            %add3A_687 = vector.broadcast %add3A_686 : i32 to vector<16xi32>
            %add3A_688 = arith.addi %add3A_633, %add3A_687 : vector<16xi32>
            %mul3A_689 = arith.mulf %mul3A_618, %get3A_545 : vector<16xf32>
            tpu.vector_store_idx %arg8[%add3A_688], %mul3A_689 {add = true} : memref<81920xf32, #tpu.memory_space<vmem>>[vector<16xi32>], vector<16xf32>,
            %add3A_690 = arith.constant 224 : i32
            %add3A_691 = vector.broadcast %add3A_690 : i32 to vector<16xi32>
            %add3A_692 = arith.addi %add3A_633, %add3A_691 : vector<16xi32>
            %mul3A_693 = arith.mulf %mul3A_618, %get3A_567 : vector<16xf32>
            tpu.vector_store_idx %arg8[%add3A_692], %mul3A_693 {add = true} : memref<81920xf32, #tpu.memory_space<vmem>>[vector<16xi32>], vector<16xf32>,
            %add3A_694 = arith.constant 240 : i32
            %add3A_695 = vector.broadcast %add3A_694 : i32 to vector<16xi32>
            %add3A_696 = arith.addi %add3A_633, %add3A_695 : vector<16xi32>
            %mul3A_697 = arith.mulf %mul3A_618, %get3A_589 : vector<16xf32>
            tpu.vector_store_idx %arg8[%add3A_696], %mul3A_697 {add = true} : memref<81920xf32, #tpu.memory_space<vmem>>[vector<16xi32>], vector<16xf32>,
            tpu.vector_store_idx %arg16[%get3A_623], %mul3A_618 masked %eq3A_625 {add = true} : memref<384xf32, #tpu.memory_space<vmem>>[vector<16xi32>], vector<16xf32>, vector<16xi1>
            %mul3A_698 = arith.constant 2 : i32
            %mul3A_699 = arith.muli %mul3A_698, %add3A_250 : i32
            %add3A_700 = arith.constant 1 : i32
            %add3A_701 = arith.addi %mul3A_699, %add3A_700 : i32
            %broadcast_in_dim3A_702 = arith.constant 0.000000e+00 : f32
            %broadcast_in_dim3A_703 = vector.broadcast %broadcast_in_dim3A_702 : f32 to vector<16xf32>
            %mul3A_704 = arith.constant 2 : i32
            %mul3A_705 = arith.muli %mul3A_704, %add3A_701 : i32
            %get3A_706 = arith.index_cast %mul3A_705 : i32 to index
            %get3A_707 = arith.constant 0 : index
            %get3A_708 = tpu.vector_load %arg13[%get3A_706, %get3A_707] {strides = array<i32>} : memref<64x256xf32, #tpu.memory_space<vmem>>, vector<16xf32>,
            %mul3A_709 = arith.constant 2 : i32
            %mul3A_710 = arith.muli %mul3A_709, %add3A_701 : i32
            %add3A_711 = arith.constant 1 : i32
            %add3A_712 = arith.addi %mul3A_710, %add3A_711 : i32
            %get3A_713 = arith.index_cast %add3A_712 : i32 to index
            %get3A_714 = arith.constant 0 : index
            %get3A_715 = tpu.vector_load %arg13[%get3A_713, %get3A_714] {strides = array<i32>} : memref<64x256xf32, #tpu.memory_space<vmem>>, vector<16xf32>,
            %add3A_716 = arith.addf %get3A_708, %get3A_715 : vector<16xf32>
            %ge3A_717 = arith.constant 0.000000e+00 : f32
            %ge3A_718 = vector.broadcast %ge3A_717 : f32 to vector<16xf32>
            %ge3A_719 = arith.cmpf oge, %add3A_716, %ge3A_718 : vector<16xf32>
            %mul3A_720 = arith.constant 2.000000e-01 : f32
            %mul3A_721 = vector.broadcast %mul3A_720 : f32 to vector<16xf32>
            %mul3A_722 = arith.mulf %mul3A_721, %add3A_716 : vector<16xf32>
            %select_n3A_723 = arith.select %ge3A_719, %add3A_716, %mul3A_722 : vector<16xi1>, vector<16xf32>
            %mul3A_724 = arith.mulf %select_n3A_723, %get3A_210 : vector<16xf32>
            %add3A_725 = arith.addf %broadcast_in_dim3A_703, %mul3A_724 : vector<16xf32>
            %mul3A_726 = arith.constant 2 : i32
            %mul3A_727 = arith.muli %mul3A_726, %add3A_701 : i32
            %get3A_728 = arith.index_cast %mul3A_727 : i32 to index
            %get3A_729 = arith.constant 16 : index
            %get3A_730 = tpu.vector_load %arg13[%get3A_728, %get3A_729] {strides = array<i32>} : memref<64x256xf32, #tpu.memory_space<vmem>>, vector<16xf32>,
            %mul3A_731 = arith.constant 2 : i32
            %mul3A_732 = arith.muli %mul3A_731, %add3A_701 : i32
            %add3A_733 = arith.constant 1 : i32
            %add3A_734 = arith.addi %mul3A_732, %add3A_733 : i32
            %get3A_735 = arith.index_cast %add3A_734 : i32 to index
            %get3A_736 = arith.constant 16 : index
            %get3A_737 = tpu.vector_load %arg13[%get3A_735, %get3A_736] {strides = array<i32>} : memref<64x256xf32, #tpu.memory_space<vmem>>, vector<16xf32>,
            %add3A_738 = arith.addf %get3A_730, %get3A_737 : vector<16xf32>
            %ge3A_739 = arith.constant 0.000000e+00 : f32
            %ge3A_740 = vector.broadcast %ge3A_739 : f32 to vector<16xf32>
            %ge3A_741 = arith.cmpf oge, %add3A_738, %ge3A_740 : vector<16xf32>
            %mul3A_742 = arith.constant 2.000000e-01 : f32
            %mul3A_743 = vector.broadcast %mul3A_742 : f32 to vector<16xf32>
            %mul3A_744 = arith.mulf %mul3A_743, %add3A_738 : vector<16xf32>
            %select_n3A_745 = arith.select %ge3A_741, %add3A_738, %mul3A_744 : vector<16xi1>, vector<16xf32>
            %mul3A_746 = arith.mulf %select_n3A_745, %get3A_212 : vector<16xf32>
            %add3A_747 = arith.addf %add3A_725, %mul3A_746 : vector<16xf32>
            %mul3A_748 = arith.constant 2 : i32
            %mul3A_749 = arith.muli %mul3A_748, %add3A_701 : i32
            %get3A_750 = arith.index_cast %mul3A_749 : i32 to index
            %get3A_751 = arith.constant 32 : index
            %get3A_752 = tpu.vector_load %arg13[%get3A_750, %get3A_751] {strides = array<i32>} : memref<64x256xf32, #tpu.memory_space<vmem>>, vector<16xf32>,
            %mul3A_753 = arith.constant 2 : i32
            %mul3A_754 = arith.muli %mul3A_753, %add3A_701 : i32
            %add3A_755 = arith.constant 1 : i32
            %add3A_756 = arith.addi %mul3A_754, %add3A_755 : i32
            %get3A_757 = arith.index_cast %add3A_756 : i32 to index
            %get3A_758 = arith.constant 32 : index
            %get3A_759 = tpu.vector_load %arg13[%get3A_757, %get3A_758] {strides = array<i32>} : memref<64x256xf32, #tpu.memory_space<vmem>>, vector<16xf32>,
            %add3A_760 = arith.addf %get3A_752, %get3A_759 : vector<16xf32>
            %ge3A_761 = arith.constant 0.000000e+00 : f32
            %ge3A_762 = vector.broadcast %ge3A_761 : f32 to vector<16xf32>
            %ge3A_763 = arith.cmpf oge, %add3A_760, %ge3A_762 : vector<16xf32>
            %mul3A_764 = arith.constant 2.000000e-01 : f32
            %mul3A_765 = vector.broadcast %mul3A_764 : f32 to vector<16xf32>
            %mul3A_766 = arith.mulf %mul3A_765, %add3A_760 : vector<16xf32>
            %select_n3A_767 = arith.select %ge3A_763, %add3A_760, %mul3A_766 : vector<16xi1>, vector<16xf32>
            %mul3A_768 = arith.mulf %select_n3A_767, %get3A_214 : vector<16xf32>
            %add3A_769 = arith.addf %add3A_747, %mul3A_768 : vector<16xf32>
            %mul3A_770 = arith.constant 2 : i32
            %mul3A_771 = arith.muli %mul3A_770, %add3A_701 : i32
            %get3A_772 = arith.index_cast %mul3A_771 : i32 to index
            %get3A_773 = arith.constant 48 : index
            %get3A_774 = tpu.vector_load %arg13[%get3A_772, %get3A_773] {strides = array<i32>} : memref<64x256xf32, #tpu.memory_space<vmem>>, vector<16xf32>,
            %mul3A_775 = arith.constant 2 : i32
            %mul3A_776 = arith.muli %mul3A_775, %add3A_701 : i32
            %add3A_777 = arith.constant 1 : i32
            %add3A_778 = arith.addi %mul3A_776, %add3A_777 : i32
            %get3A_779 = arith.index_cast %add3A_778 : i32 to index
            %get3A_780 = arith.constant 48 : index
            %get3A_781 = tpu.vector_load %arg13[%get3A_779, %get3A_780] {strides = array<i32>} : memref<64x256xf32, #tpu.memory_space<vmem>>, vector<16xf32>,
            %add3A_782 = arith.addf %get3A_774, %get3A_781 : vector<16xf32>
            %ge3A_783 = arith.constant 0.000000e+00 : f32
            %ge3A_784 = vector.broadcast %ge3A_783 : f32 to vector<16xf32>
            %ge3A_785 = arith.cmpf oge, %add3A_782, %ge3A_784 : vector<16xf32>
            %mul3A_786 = arith.constant 2.000000e-01 : f32
            %mul3A_787 = vector.broadcast %mul3A_786 : f32 to vector<16xf32>
            %mul3A_788 = arith.mulf %mul3A_787, %add3A_782 : vector<16xf32>
            %select_n3A_789 = arith.select %ge3A_785, %add3A_782, %mul3A_788 : vector<16xi1>, vector<16xf32>
            %mul3A_790 = arith.mulf %select_n3A_789, %get3A_216 : vector<16xf32>
            %add3A_791 = arith.addf %add3A_769, %mul3A_790 : vector<16xf32>
            %mul3A_792 = arith.constant 2 : i32
            %mul3A_793 = arith.muli %mul3A_792, %add3A_701 : i32
            %get3A_794 = arith.index_cast %mul3A_793 : i32 to index
            %get3A_795 = arith.constant 64 : index
            %get3A_796 = tpu.vector_load %arg13[%get3A_794, %get3A_795] {strides = array<i32>} : memref<64x256xf32, #tpu.memory_space<vmem>>, vector<16xf32>,
            %mul3A_797 = arith.constant 2 : i32
            %mul3A_798 = arith.muli %mul3A_797, %add3A_701 : i32
            %add3A_799 = arith.constant 1 : i32
            %add3A_800 = arith.addi %mul3A_798, %add3A_799 : i32
            %get3A_801 = arith.index_cast %add3A_800 : i32 to index
            %get3A_802 = arith.constant 64 : index
            %get3A_803 = tpu.vector_load %arg13[%get3A_801, %get3A_802] {strides = array<i32>} : memref<64x256xf32, #tpu.memory_space<vmem>>, vector<16xf32>,
            %add3A_804 = arith.addf %get3A_796, %get3A_803 : vector<16xf32>
            %ge3A_805 = arith.constant 0.000000e+00 : f32
            %ge3A_806 = vector.broadcast %ge3A_805 : f32 to vector<16xf32>
            %ge3A_807 = arith.cmpf oge, %add3A_804, %ge3A_806 : vector<16xf32>
            %mul3A_808 = arith.constant 2.000000e-01 : f32
            %mul3A_809 = vector.broadcast %mul3A_808 : f32 to vector<16xf32>
            %mul3A_810 = arith.mulf %mul3A_809, %add3A_804 : vector<16xf32>
            %select_n3A_811 = arith.select %ge3A_807, %add3A_804, %mul3A_810 : vector<16xi1>, vector<16xf32>
            %mul3A_812 = arith.mulf %select_n3A_811, %get3A_218 : vector<16xf32>
            %add3A_813 = arith.addf %add3A_791, %mul3A_812 : vector<16xf32>
            %mul3A_814 = arith.constant 2 : i32
            %mul3A_815 = arith.muli %mul3A_814, %add3A_701 : i32
            %get3A_816 = arith.index_cast %mul3A_815 : i32 to index
            %get3A_817 = arith.constant 80 : index
            %get3A_818 = tpu.vector_load %arg13[%get3A_816, %get3A_817] {strides = array<i32>} : memref<64x256xf32, #tpu.memory_space<vmem>>, vector<16xf32>,
            %mul3A_819 = arith.constant 2 : i32
            %mul3A_820 = arith.muli %mul3A_819, %add3A_701 : i32
            %add3A_821 = arith.constant 1 : i32
            %add3A_822 = arith.addi %mul3A_820, %add3A_821 : i32
            %get3A_823 = arith.index_cast %add3A_822 : i32 to index
            %get3A_824 = arith.constant 80 : index
            %get3A_825 = tpu.vector_load %arg13[%get3A_823, %get3A_824] {strides = array<i32>} : memref<64x256xf32, #tpu.memory_space<vmem>>, vector<16xf32>,
            %add3A_826 = arith.addf %get3A_818, %get3A_825 : vector<16xf32>
            %ge3A_827 = arith.constant 0.000000e+00 : f32
            %ge3A_828 = vector.broadcast %ge3A_827 : f32 to vector<16xf32>
            %ge3A_829 = arith.cmpf oge, %add3A_826, %ge3A_828 : vector<16xf32>
            %mul3A_830 = arith.constant 2.000000e-01 : f32
            %mul3A_831 = vector.broadcast %mul3A_830 : f32 to vector<16xf32>
            %mul3A_832 = arith.mulf %mul3A_831, %add3A_826 : vector<16xf32>
            %select_n3A_833 = arith.select %ge3A_829, %add3A_826, %mul3A_832 : vector<16xi1>, vector<16xf32>
            %mul3A_834 = arith.mulf %select_n3A_833, %get3A_220 : vector<16xf32>
            %add3A_835 = arith.addf %add3A_813, %mul3A_834 : vector<16xf32>
            %mul3A_836 = arith.constant 2 : i32
            %mul3A_837 = arith.muli %mul3A_836, %add3A_701 : i32
            %get3A_838 = arith.index_cast %mul3A_837 : i32 to index
            %get3A_839 = arith.constant 96 : index
            %get3A_840 = tpu.vector_load %arg13[%get3A_838, %get3A_839] {strides = array<i32>} : memref<64x256xf32, #tpu.memory_space<vmem>>, vector<16xf32>,
            %mul3A_841 = arith.constant 2 : i32
            %mul3A_842 = arith.muli %mul3A_841, %add3A_701 : i32
            %add3A_843 = arith.constant 1 : i32
            %add3A_844 = arith.addi %mul3A_842, %add3A_843 : i32
            %get3A_845 = arith.index_cast %add3A_844 : i32 to index
            %get3A_846 = arith.constant 96 : index
            %get3A_847 = tpu.vector_load %arg13[%get3A_845, %get3A_846] {strides = array<i32>} : memref<64x256xf32, #tpu.memory_space<vmem>>, vector<16xf32>,
            %add3A_848 = arith.addf %get3A_840, %get3A_847 : vector<16xf32>
            %ge3A_849 = arith.constant 0.000000e+00 : f32
            %ge3A_850 = vector.broadcast %ge3A_849 : f32 to vector<16xf32>
            %ge3A_851 = arith.cmpf oge, %add3A_848, %ge3A_850 : vector<16xf32>
            %mul3A_852 = arith.constant 2.000000e-01 : f32
            %mul3A_853 = vector.broadcast %mul3A_852 : f32 to vector<16xf32>
            %mul3A_854 = arith.mulf %mul3A_853, %add3A_848 : vector<16xf32>
            %select_n3A_855 = arith.select %ge3A_851, %add3A_848, %mul3A_854 : vector<16xi1>, vector<16xf32>
            %mul3A_856 = arith.mulf %select_n3A_855, %get3A_222 : vector<16xf32>
            %add3A_857 = arith.addf %add3A_835, %mul3A_856 : vector<16xf32>
            %mul3A_858 = arith.constant 2 : i32
            %mul3A_859 = arith.muli %mul3A_858, %add3A_701 : i32
            %get3A_860 = arith.index_cast %mul3A_859 : i32 to index
            %get3A_861 = arith.constant 112 : index
            %get3A_862 = tpu.vector_load %arg13[%get3A_860, %get3A_861] {strides = array<i32>} : memref<64x256xf32, #tpu.memory_space<vmem>>, vector<16xf32>,
            %mul3A_863 = arith.constant 2 : i32
            %mul3A_864 = arith.muli %mul3A_863, %add3A_701 : i32
            %add3A_865 = arith.constant 1 : i32
            %add3A_866 = arith.addi %mul3A_864, %add3A_865 : i32
            %get3A_867 = arith.index_cast %add3A_866 : i32 to index
            %get3A_868 = arith.constant 112 : index
            %get3A_869 = tpu.vector_load %arg13[%get3A_867, %get3A_868] {strides = array<i32>} : memref<64x256xf32, #tpu.memory_space<vmem>>, vector<16xf32>,
            %add3A_870 = arith.addf %get3A_862, %get3A_869 : vector<16xf32>
            %ge3A_871 = arith.constant 0.000000e+00 : f32
            %ge3A_872 = vector.broadcast %ge3A_871 : f32 to vector<16xf32>
            %ge3A_873 = arith.cmpf oge, %add3A_870, %ge3A_872 : vector<16xf32>
            %mul3A_874 = arith.constant 2.000000e-01 : f32
            %mul3A_875 = vector.broadcast %mul3A_874 : f32 to vector<16xf32>
            %mul3A_876 = arith.mulf %mul3A_875, %add3A_870 : vector<16xf32>
            %select_n3A_877 = arith.select %ge3A_873, %add3A_870, %mul3A_876 : vector<16xi1>, vector<16xf32>
            %mul3A_878 = arith.mulf %select_n3A_877, %get3A_224 : vector<16xf32>
            %add3A_879 = arith.addf %add3A_857, %mul3A_878 : vector<16xf32>
            %mul3A_880 = arith.constant 2 : i32
            %mul3A_881 = arith.muli %mul3A_880, %add3A_701 : i32
            %get3A_882 = arith.index_cast %mul3A_881 : i32 to index
            %get3A_883 = arith.constant 128 : index
            %get3A_884 = tpu.vector_load %arg13[%get3A_882, %get3A_883] {strides = array<i32>} : memref<64x256xf32, #tpu.memory_space<vmem>>, vector<16xf32>,
            %mul3A_885 = arith.constant 2 : i32
            %mul3A_886 = arith.muli %mul3A_885, %add3A_701 : i32
            %add3A_887 = arith.constant 1 : i32
            %add3A_888 = arith.addi %mul3A_886, %add3A_887 : i32
            %get3A_889 = arith.index_cast %add3A_888 : i32 to index
            %get3A_890 = arith.constant 128 : index
            %get3A_891 = tpu.vector_load %arg13[%get3A_889, %get3A_890] {strides = array<i32>} : memref<64x256xf32, #tpu.memory_space<vmem>>, vector<16xf32>,
            %add3A_892 = arith.addf %get3A_884, %get3A_891 : vector<16xf32>
            %ge3A_893 = arith.constant 0.000000e+00 : f32
            %ge3A_894 = vector.broadcast %ge3A_893 : f32 to vector<16xf32>
            %ge3A_895 = arith.cmpf oge, %add3A_892, %ge3A_894 : vector<16xf32>
            %mul3A_896 = arith.constant 2.000000e-01 : f32
            %mul3A_897 = vector.broadcast %mul3A_896 : f32 to vector<16xf32>
            %mul3A_898 = arith.mulf %mul3A_897, %add3A_892 : vector<16xf32>
            %select_n3A_899 = arith.select %ge3A_895, %add3A_892, %mul3A_898 : vector<16xi1>, vector<16xf32>
            %mul3A_900 = arith.mulf %select_n3A_899, %get3A_226 : vector<16xf32>
            %add3A_901 = arith.addf %add3A_879, %mul3A_900 : vector<16xf32>
            %mul3A_902 = arith.constant 2 : i32
            %mul3A_903 = arith.muli %mul3A_902, %add3A_701 : i32
            %get3A_904 = arith.index_cast %mul3A_903 : i32 to index
            %get3A_905 = arith.constant 144 : index
            %get3A_906 = tpu.vector_load %arg13[%get3A_904, %get3A_905] {strides = array<i32>} : memref<64x256xf32, #tpu.memory_space<vmem>>, vector<16xf32>,
            %mul3A_907 = arith.constant 2 : i32
            %mul3A_908 = arith.muli %mul3A_907, %add3A_701 : i32
            %add3A_909 = arith.constant 1 : i32
            %add3A_910 = arith.addi %mul3A_908, %add3A_909 : i32
            %get3A_911 = arith.index_cast %add3A_910 : i32 to index
            %get3A_912 = arith.constant 144 : index
            %get3A_913 = tpu.vector_load %arg13[%get3A_911, %get3A_912] {strides = array<i32>} : memref<64x256xf32, #tpu.memory_space<vmem>>, vector<16xf32>,
            %add3A_914 = arith.addf %get3A_906, %get3A_913 : vector<16xf32>
            %ge3A_915 = arith.constant 0.000000e+00 : f32
            %ge3A_916 = vector.broadcast %ge3A_915 : f32 to vector<16xf32>
            %ge3A_917 = arith.cmpf oge, %add3A_914, %ge3A_916 : vector<16xf32>
            %mul3A_918 = arith.constant 2.000000e-01 : f32
            %mul3A_919 = vector.broadcast %mul3A_918 : f32 to vector<16xf32>
            %mul3A_920 = arith.mulf %mul3A_919, %add3A_914 : vector<16xf32>
            %select_n3A_921 = arith.select %ge3A_917, %add3A_914, %mul3A_920 : vector<16xi1>, vector<16xf32>
            %mul3A_922 = arith.mulf %select_n3A_921, %get3A_228 : vector<16xf32>
            %add3A_923 = arith.addf %add3A_901, %mul3A_922 : vector<16xf32>
            %mul3A_924 = arith.constant 2 : i32
            %mul3A_925 = arith.muli %mul3A_924, %add3A_701 : i32
            %get3A_926 = arith.index_cast %mul3A_925 : i32 to index
            %get3A_927 = arith.constant 160 : index
            %get3A_928 = tpu.vector_load %arg13[%get3A_926, %get3A_927] {strides = array<i32>} : memref<64x256xf32, #tpu.memory_space<vmem>>, vector<16xf32>,
            %mul3A_929 = arith.constant 2 : i32
            %mul3A_930 = arith.muli %mul3A_929, %add3A_701 : i32
            %add3A_931 = arith.constant 1 : i32
            %add3A_932 = arith.addi %mul3A_930, %add3A_931 : i32
            %get3A_933 = arith.index_cast %add3A_932 : i32 to index
            %get3A_934 = arith.constant 160 : index
            %get3A_935 = tpu.vector_load %arg13[%get3A_933, %get3A_934] {strides = array<i32>} : memref<64x256xf32, #tpu.memory_space<vmem>>, vector<16xf32>,
            %add3A_936 = arith.addf %get3A_928, %get3A_935 : vector<16xf32>
            %ge3A_937 = arith.constant 0.000000e+00 : f32
            %ge3A_938 = vector.broadcast %ge3A_937 : f32 to vector<16xf32>
            %ge3A_939 = arith.cmpf oge, %add3A_936, %ge3A_938 : vector<16xf32>
            %mul3A_940 = arith.constant 2.000000e-01 : f32
            %mul3A_941 = vector.broadcast %mul3A_940 : f32 to vector<16xf32>
            %mul3A_942 = arith.mulf %mul3A_941, %add3A_936 : vector<16xf32>
            %select_n3A_943 = arith.select %ge3A_939, %add3A_936, %mul3A_942 : vector<16xi1>, vector<16xf32>
            %mul3A_944 = arith.mulf %select_n3A_943, %get3A_230 : vector<16xf32>
            %add3A_945 = arith.addf %add3A_923, %mul3A_944 : vector<16xf32>
            %mul3A_946 = arith.constant 2 : i32
            %mul3A_947 = arith.muli %mul3A_946, %add3A_701 : i32
            %get3A_948 = arith.index_cast %mul3A_947 : i32 to index
            %get3A_949 = arith.constant 176 : index
            %get3A_950 = tpu.vector_load %arg13[%get3A_948, %get3A_949] {strides = array<i32>} : memref<64x256xf32, #tpu.memory_space<vmem>>, vector<16xf32>,
            %mul3A_951 = arith.constant 2 : i32
            %mul3A_952 = arith.muli %mul3A_951, %add3A_701 : i32
            %add3A_953 = arith.constant 1 : i32
            %add3A_954 = arith.addi %mul3A_952, %add3A_953 : i32
            %get3A_955 = arith.index_cast %add3A_954 : i32 to index
            %get3A_956 = arith.constant 176 : index
            %get3A_957 = tpu.vector_load %arg13[%get3A_955, %get3A_956] {strides = array<i32>} : memref<64x256xf32, #tpu.memory_space<vmem>>, vector<16xf32>,
            %add3A_958 = arith.addf %get3A_950, %get3A_957 : vector<16xf32>
            %ge3A_959 = arith.constant 0.000000e+00 : f32
            %ge3A_960 = vector.broadcast %ge3A_959 : f32 to vector<16xf32>
            %ge3A_961 = arith.cmpf oge, %add3A_958, %ge3A_960 : vector<16xf32>
            %mul3A_962 = arith.constant 2.000000e-01 : f32
            %mul3A_963 = vector.broadcast %mul3A_962 : f32 to vector<16xf32>
            %mul3A_964 = arith.mulf %mul3A_963, %add3A_958 : vector<16xf32>
            %select_n3A_965 = arith.select %ge3A_961, %add3A_958, %mul3A_964 : vector<16xi1>, vector<16xf32>
            %mul3A_966 = arith.mulf %select_n3A_965, %get3A_232 : vector<16xf32>
            %add3A_967 = arith.addf %add3A_945, %mul3A_966 : vector<16xf32>
            %mul3A_968 = arith.constant 2 : i32
            %mul3A_969 = arith.muli %mul3A_968, %add3A_701 : i32
            %get3A_970 = arith.index_cast %mul3A_969 : i32 to index
            %get3A_971 = arith.constant 192 : index
            %get3A_972 = tpu.vector_load %arg13[%get3A_970, %get3A_971] {strides = array<i32>} : memref<64x256xf32, #tpu.memory_space<vmem>>, vector<16xf32>,
            %mul3A_973 = arith.constant 2 : i32
            %mul3A_974 = arith.muli %mul3A_973, %add3A_701 : i32
            %add3A_975 = arith.constant 1 : i32
            %add3A_976 = arith.addi %mul3A_974, %add3A_975 : i32
            %get3A_977 = arith.index_cast %add3A_976 : i32 to index
            %get3A_978 = arith.constant 192 : index
            %get3A_979 = tpu.vector_load %arg13[%get3A_977, %get3A_978] {strides = array<i32>} : memref<64x256xf32, #tpu.memory_space<vmem>>, vector<16xf32>,
            %add3A_980 = arith.addf %get3A_972, %get3A_979 : vector<16xf32>
            %ge3A_981 = arith.constant 0.000000e+00 : f32
            %ge3A_982 = vector.broadcast %ge3A_981 : f32 to vector<16xf32>
            %ge3A_983 = arith.cmpf oge, %add3A_980, %ge3A_982 : vector<16xf32>
            %mul3A_984 = arith.constant 2.000000e-01 : f32
            %mul3A_985 = vector.broadcast %mul3A_984 : f32 to vector<16xf32>
            %mul3A_986 = arith.mulf %mul3A_985, %add3A_980 : vector<16xf32>
            %select_n3A_987 = arith.select %ge3A_983, %add3A_980, %mul3A_986 : vector<16xi1>, vector<16xf32>
            %mul3A_988 = arith.mulf %select_n3A_987, %get3A_234 : vector<16xf32>
            %add3A_989 = arith.addf %add3A_967, %mul3A_988 : vector<16xf32>
            %mul3A_990 = arith.constant 2 : i32
            %mul3A_991 = arith.muli %mul3A_990, %add3A_701 : i32
            %get3A_992 = arith.index_cast %mul3A_991 : i32 to index
            %get3A_993 = arith.constant 208 : index
            %get3A_994 = tpu.vector_load %arg13[%get3A_992, %get3A_993] {strides = array<i32>} : memref<64x256xf32, #tpu.memory_space<vmem>>, vector<16xf32>,
            %mul3A_995 = arith.constant 2 : i32
            %mul3A_996 = arith.muli %mul3A_995, %add3A_701 : i32
            %add3A_997 = arith.constant 1 : i32
            %add3A_998 = arith.addi %mul3A_996, %add3A_997 : i32
            %get3A_999 = arith.index_cast %add3A_998 : i32 to index
            %get3A_1000 = arith.constant 208 : index
            %get3A_1001 = tpu.vector_load %arg13[%get3A_999, %get3A_1000] {strides = array<i32>} : memref<64x256xf32, #tpu.memory_space<vmem>>, vector<16xf32>,
            %add3A_1002 = arith.addf %get3A_994, %get3A_1001 : vector<16xf32>
            %ge3A_1003 = arith.constant 0.000000e+00 : f32
            %ge3A_1004 = vector.broadcast %ge3A_1003 : f32 to vector<16xf32>
            %ge3A_1005 = arith.cmpf oge, %add3A_1002, %ge3A_1004 : vector<16xf32>
            %mul3A_1006 = arith.constant 2.000000e-01 : f32
            %mul3A_1007 = vector.broadcast %mul3A_1006 : f32 to vector<16xf32>
            %mul3A_1008 = arith.mulf %mul3A_1007, %add3A_1002 : vector<16xf32>
            %select_n3A_1009 = arith.select %ge3A_1005, %add3A_1002, %mul3A_1008 : vector<16xi1>, vector<16xf32>
            %mul3A_1010 = arith.mulf %select_n3A_1009, %get3A_236 : vector<16xf32>
            %add3A_1011 = arith.addf %add3A_989, %mul3A_1010 : vector<16xf32>
            %mul3A_1012 = arith.constant 2 : i32
            %mul3A_1013 = arith.muli %mul3A_1012, %add3A_701 : i32
            %get3A_1014 = arith.index_cast %mul3A_1013 : i32 to index
            %get3A_1015 = arith.constant 224 : index
            %get3A_1016 = tpu.vector_load %arg13[%get3A_1014, %get3A_1015] {strides = array<i32>} : memref<64x256xf32, #tpu.memory_space<vmem>>, vector<16xf32>,
            %mul3A_1017 = arith.constant 2 : i32
            %mul3A_1018 = arith.muli %mul3A_1017, %add3A_701 : i32
            %add3A_1019 = arith.constant 1 : i32
            %add3A_1020 = arith.addi %mul3A_1018, %add3A_1019 : i32
            %get3A_1021 = arith.index_cast %add3A_1020 : i32 to index
            %get3A_1022 = arith.constant 224 : index
            %get3A_1023 = tpu.vector_load %arg13[%get3A_1021, %get3A_1022] {strides = array<i32>} : memref<64x256xf32, #tpu.memory_space<vmem>>, vector<16xf32>,
            %add3A_1024 = arith.addf %get3A_1016, %get3A_1023 : vector<16xf32>
            %ge3A_1025 = arith.constant 0.000000e+00 : f32
            %ge3A_1026 = vector.broadcast %ge3A_1025 : f32 to vector<16xf32>
            %ge3A_1027 = arith.cmpf oge, %add3A_1024, %ge3A_1026 : vector<16xf32>
            %mul3A_1028 = arith.constant 2.000000e-01 : f32
            %mul3A_1029 = vector.broadcast %mul3A_1028 : f32 to vector<16xf32>
            %mul3A_1030 = arith.mulf %mul3A_1029, %add3A_1024 : vector<16xf32>
            %select_n3A_1031 = arith.select %ge3A_1027, %add3A_1024, %mul3A_1030 : vector<16xi1>, vector<16xf32>
            %mul3A_1032 = arith.mulf %select_n3A_1031, %get3A_238 : vector<16xf32>
            %add3A_1033 = arith.addf %add3A_1011, %mul3A_1032 : vector<16xf32>
            %mul3A_1034 = arith.constant 2 : i32
            %mul3A_1035 = arith.muli %mul3A_1034, %add3A_701 : i32
            %get3A_1036 = arith.index_cast %mul3A_1035 : i32 to index
            %get3A_1037 = arith.constant 240 : index
            %get3A_1038 = tpu.vector_load %arg13[%get3A_1036, %get3A_1037] {strides = array<i32>} : memref<64x256xf32, #tpu.memory_space<vmem>>, vector<16xf32>,
            %mul3A_1039 = arith.constant 2 : i32
            %mul3A_1040 = arith.muli %mul3A_1039, %add3A_701 : i32
            %add3A_1041 = arith.constant 1 : i32
            %add3A_1042 = arith.addi %mul3A_1040, %add3A_1041 : i32
            %get3A_1043 = arith.index_cast %add3A_1042 : i32 to index
            %get3A_1044 = arith.constant 240 : index
            %get3A_1045 = tpu.vector_load %arg13[%get3A_1043, %get3A_1044] {strides = array<i32>} : memref<64x256xf32, #tpu.memory_space<vmem>>, vector<16xf32>,
            %add3A_1046 = arith.addf %get3A_1038, %get3A_1045 : vector<16xf32>
            %ge3A_1047 = arith.constant 0.000000e+00 : f32
            %ge3A_1048 = vector.broadcast %ge3A_1047 : f32 to vector<16xf32>
            %ge3A_1049 = arith.cmpf oge, %add3A_1046, %ge3A_1048 : vector<16xf32>
            %mul3A_1050 = arith.constant 2.000000e-01 : f32
            %mul3A_1051 = vector.broadcast %mul3A_1050 : f32 to vector<16xf32>
            %mul3A_1052 = arith.mulf %mul3A_1051, %add3A_1046 : vector<16xf32>
            %select_n3A_1053 = arith.select %ge3A_1049, %add3A_1046, %mul3A_1052 : vector<16xi1>, vector<16xf32>
            %mul3A_1054 = arith.mulf %select_n3A_1053, %get3A_240 : vector<16xf32>
            %add3A_1055 = arith.addf %add3A_1033, %mul3A_1054 : vector<16xf32>
            %reduce_sum3A_1056 = arith.constant true
            %reduce_sum3A_1057 = vector.broadcast %reduce_sum3A_1056 : i1 to vector<16xi1>
            %reduce_sum3A_1058 = tpu.scan <sum>, %add3A_1055 masked %reduce_sum3A_1057 : vector<16xf32>, vector<16xi1> -> vector<16xf32>
            %reduce_sum3A_1059 = vector.extract %reduce_sum3A_1058[15] : f32 from vector<16xf32>
            %mul3A_1060 = arith.constant 32 : i32
            %mul3A_1061 = arith.muli %add3A_137, %mul3A_1060 : i32
            %add3A_1062 = arith.addi %mul3A_1061, %add3A_701 : i32
            %lt3A_1063 = arith.cmpi slt, %add3A_1062, %scan3A_33 : i32
            %convert_element_type3A_1064 = arith.extui %lt3A_1063 : i1 to i32
            %convert_element_type3A_1065 = arith.sitofp %convert_element_type3A_1064 : i32 to f32
            %broadcast_in_dim3A_1066 = vector.broadcast %reduce_sum3A_1059 : f32 to vector<16xf32>
            %exp3A_1067 = math.exp %broadcast_in_dim3A_1066 : vector<16xf32>
            %mul3A_1068 = vector.broadcast %convert_element_type3A_1065 : f32 to vector<16xf32>
            %mul3A_1069 = arith.mulf %mul3A_1068, %exp3A_1067 : vector<16xf32>
            %shift_right_logical3A_1070 = arith.constant 4 : i32
            %shift_right_logical3A_1071 = arith.shrui %add3A_701, %shift_right_logical3A_1070 : i32
            %mul3A_1072 = arith.constant 16 : i32
            %mul3A_1073 = arith.muli %shift_right_logical3A_1071, %mul3A_1072 : i32
            %get3A_1074 = arith.index_cast %mul3A_1073 : i32 to index
            %get3A_1075 = tpu.vector_load %arg14[%get3A_1074] {strides = array<i32>} : memref<32xi32, #tpu.memory_space<vmem>>, vector<16xi32>,
            %sub3A_1076 = arith.subi %add3A_701, %mul3A_1073 : i32
            %eq3A_1077 = vector.broadcast %sub3A_1076 : i32 to vector<16xi32>
            %eq3A_1078 = arith.cmpi eq, %iota3A, %eq3A_1077 : vector<16xi32>
            %sub3A_1079 = arith.subi %add3A_701, %mul3A_1073 : i32
            %broadcast_in_dim3A_1080 = vector.broadcast %sub3A_1079 : i32 to vector<16x1xi32>
            %gather3A_1081 = vector.shape_cast %broadcast_in_dim3A_1080 : vector<16x1xi32> to vector<16xi32>
            %gather3A_1082 = tpu.dynamic_gather %get3A_1075[%gather3A_1081] in [0] : vector<16xi32>, vector<16xi32> -> vector<16xi32>
            %mul3A_1083 = arith.constant 256 : i32
            %mul3A_1084 = vector.broadcast %mul3A_1083 : i32 to vector<16xi32>
            %mul3A_1085 = arith.muli %gather3A_1082, %mul3A_1084 : vector<16xi32>
            %add3A_1086 = arith.addi %mul3A_1085, %iota3A : vector<16xi32>
            %add3A_1087 = arith.constant 0 : i32
            %add3A_1088 = vector.broadcast %add3A_1087 : i32 to vector<16xi32>
            %add3A_1089 = arith.addi %add3A_1086, %add3A_1088 : vector<16xi32>
            %mul3A_1090 = arith.mulf %mul3A_1069, %get3A_708 : vector<16xf32>
            tpu.vector_store_idx %arg8[%add3A_1089], %mul3A_1090 {add = true} : memref<81920xf32, #tpu.memory_space<vmem>>[vector<16xi32>], vector<16xf32>,
            %add3A_1091 = arith.constant 16 : i32
            %add3A_1092 = vector.broadcast %add3A_1091 : i32 to vector<16xi32>
            %add3A_1093 = arith.addi %add3A_1086, %add3A_1092 : vector<16xi32>
            %mul3A_1094 = arith.mulf %mul3A_1069, %get3A_730 : vector<16xf32>
            tpu.vector_store_idx %arg8[%add3A_1093], %mul3A_1094 {add = true} : memref<81920xf32, #tpu.memory_space<vmem>>[vector<16xi32>], vector<16xf32>,
            %add3A_1095 = arith.constant 32 : i32
            %add3A_1096 = vector.broadcast %add3A_1095 : i32 to vector<16xi32>
            %add3A_1097 = arith.addi %add3A_1086, %add3A_1096 : vector<16xi32>
            %mul3A_1098 = arith.mulf %mul3A_1069, %get3A_752 : vector<16xf32>
            tpu.vector_store_idx %arg8[%add3A_1097], %mul3A_1098 {add = true} : memref<81920xf32, #tpu.memory_space<vmem>>[vector<16xi32>], vector<16xf32>,
            %add3A_1099 = arith.constant 48 : i32
            %add3A_1100 = vector.broadcast %add3A_1099 : i32 to vector<16xi32>
            %add3A_1101 = arith.addi %add3A_1086, %add3A_1100 : vector<16xi32>
            %mul3A_1102 = arith.mulf %mul3A_1069, %get3A_774 : vector<16xf32>
            tpu.vector_store_idx %arg8[%add3A_1101], %mul3A_1102 {add = true} : memref<81920xf32, #tpu.memory_space<vmem>>[vector<16xi32>], vector<16xf32>,
            %add3A_1103 = arith.constant 64 : i32
            %add3A_1104 = vector.broadcast %add3A_1103 : i32 to vector<16xi32>
            %add3A_1105 = arith.addi %add3A_1086, %add3A_1104 : vector<16xi32>
            %mul3A_1106 = arith.mulf %mul3A_1069, %get3A_796 : vector<16xf32>
            tpu.vector_store_idx %arg8[%add3A_1105], %mul3A_1106 {add = true} : memref<81920xf32, #tpu.memory_space<vmem>>[vector<16xi32>], vector<16xf32>,
            %add3A_1107 = arith.constant 80 : i32
            %add3A_1108 = vector.broadcast %add3A_1107 : i32 to vector<16xi32>
            %add3A_1109 = arith.addi %add3A_1086, %add3A_1108 : vector<16xi32>
            %mul3A_1110 = arith.mulf %mul3A_1069, %get3A_818 : vector<16xf32>
            tpu.vector_store_idx %arg8[%add3A_1109], %mul3A_1110 {add = true} : memref<81920xf32, #tpu.memory_space<vmem>>[vector<16xi32>], vector<16xf32>,
            %add3A_1111 = arith.constant 96 : i32
            %add3A_1112 = vector.broadcast %add3A_1111 : i32 to vector<16xi32>
            %add3A_1113 = arith.addi %add3A_1086, %add3A_1112 : vector<16xi32>
            %mul3A_1114 = arith.mulf %mul3A_1069, %get3A_840 : vector<16xf32>
            tpu.vector_store_idx %arg8[%add3A_1113], %mul3A_1114 {add = true} : memref<81920xf32, #tpu.memory_space<vmem>>[vector<16xi32>], vector<16xf32>,
            %add3A_1115 = arith.constant 112 : i32
            %add3A_1116 = vector.broadcast %add3A_1115 : i32 to vector<16xi32>
            %add3A_1117 = arith.addi %add3A_1086, %add3A_1116 : vector<16xi32>
            %mul3A_1118 = arith.mulf %mul3A_1069, %get3A_862 : vector<16xf32>
            tpu.vector_store_idx %arg8[%add3A_1117], %mul3A_1118 {add = true} : memref<81920xf32, #tpu.memory_space<vmem>>[vector<16xi32>], vector<16xf32>,
            %add3A_1119 = arith.constant 128 : i32
            %add3A_1120 = vector.broadcast %add3A_1119 : i32 to vector<16xi32>
            %add3A_1121 = arith.addi %add3A_1086, %add3A_1120 : vector<16xi32>
            %mul3A_1122 = arith.mulf %mul3A_1069, %get3A_884 : vector<16xf32>
            tpu.vector_store_idx %arg8[%add3A_1121], %mul3A_1122 {add = true} : memref<81920xf32, #tpu.memory_space<vmem>>[vector<16xi32>], vector<16xf32>,
            %add3A_1123 = arith.constant 144 : i32
            %add3A_1124 = vector.broadcast %add3A_1123 : i32 to vector<16xi32>
            %add3A_1125 = arith.addi %add3A_1086, %add3A_1124 : vector<16xi32>
            %mul3A_1126 = arith.mulf %mul3A_1069, %get3A_906 : vector<16xf32>
            tpu.vector_store_idx %arg8[%add3A_1125], %mul3A_1126 {add = true} : memref<81920xf32, #tpu.memory_space<vmem>>[vector<16xi32>], vector<16xf32>,
            %add3A_1127 = arith.constant 160 : i32
            %add3A_1128 = vector.broadcast %add3A_1127 : i32 to vector<16xi32>
            %add3A_1129 = arith.addi %add3A_1086, %add3A_1128 : vector<16xi32>
            %mul3A_1130 = arith.mulf %mul3A_1069, %get3A_928 : vector<16xf32>
            tpu.vector_store_idx %arg8[%add3A_1129], %mul3A_1130 {add = true} : memref<81920xf32, #tpu.memory_space<vmem>>[vector<16xi32>], vector<16xf32>,
            %add3A_1131 = arith.constant 176 : i32
            %add3A_1132 = vector.broadcast %add3A_1131 : i32 to vector<16xi32>
            %add3A_1133 = arith.addi %add3A_1086, %add3A_1132 : vector<16xi32>
            %mul3A_1134 = arith.mulf %mul3A_1069, %get3A_950 : vector<16xf32>
            tpu.vector_store_idx %arg8[%add3A_1133], %mul3A_1134 {add = true} : memref<81920xf32, #tpu.memory_space<vmem>>[vector<16xi32>], vector<16xf32>,
            %add3A_1135 = arith.constant 192 : i32
            %add3A_1136 = vector.broadcast %add3A_1135 : i32 to vector<16xi32>
            %add3A_1137 = arith.addi %add3A_1086, %add3A_1136 : vector<16xi32>
            %mul3A_1138 = arith.mulf %mul3A_1069, %get3A_972 : vector<16xf32>
            tpu.vector_store_idx %arg8[%add3A_1137], %mul3A_1138 {add = true} : memref<81920xf32, #tpu.memory_space<vmem>>[vector<16xi32>], vector<16xf32>,
            %add3A_1139 = arith.constant 208 : i32
            %add3A_1140 = vector.broadcast %add3A_1139 : i32 to vector<16xi32>
            %add3A_1141 = arith.addi %add3A_1086, %add3A_1140 : vector<16xi32>
            %mul3A_1142 = arith.mulf %mul3A_1069, %get3A_994 : vector<16xf32>
            tpu.vector_store_idx %arg8[%add3A_1141], %mul3A_1142 {add = true} : memref<81920xf32, #tpu.memory_space<vmem>>[vector<16xi32>], vector<16xf32>,
            %add3A_1143 = arith.constant 224 : i32
            %add3A_1144 = vector.broadcast %add3A_1143 : i32 to vector<16xi32>
            %add3A_1145 = arith.addi %add3A_1086, %add3A_1144 : vector<16xi32>
            %mul3A_1146 = arith.mulf %mul3A_1069, %get3A_1016 : vector<16xf32>
            tpu.vector_store_idx %arg8[%add3A_1145], %mul3A_1146 {add = true} : memref<81920xf32, #tpu.memory_space<vmem>>[vector<16xi32>], vector<16xf32>,
            %add3A_1147 = arith.constant 240 : i32
            %add3A_1148 = vector.broadcast %add3A_1147 : i32 to vector<16xi32>
            %add3A_1149 = arith.addi %add3A_1086, %add3A_1148 : vector<16xi32>
            %mul3A_1150 = arith.mulf %mul3A_1069, %get3A_1038 : vector<16xf32>
            tpu.vector_store_idx %arg8[%add3A_1149], %mul3A_1150 {add = true} : memref<81920xf32, #tpu.memory_space<vmem>>[vector<16xi32>], vector<16xf32>,
            tpu.vector_store_idx %arg16[%get3A_1075], %mul3A_1069 masked %eq3A_1078 {add = true} : memref<384xf32, #tpu.memory_space<vmem>>[vector<16xi32>], vector<16xf32>, vector<16xi1>
          }
          %scan3A_245 = arith.constant 16 : i32
        } else {
        }
      }
      %while3A_125 = arith.constant 1 : i32
      scf.for %while3A_126 = %while3A_123 to %while3A_119 step %while3A_125  : i32 {
        %mul3A_127 = arith.constant 2 : i32
        %mul3A_128 = arith.muli %while3A_126, %mul3A_127 : i32
        %add3A_129 = arith.constant 0 : i32
        %add3A_130 = arith.addi %mul3A_128, %add3A_129 : i32
        %lt3A = arith.cmpi slt, %add3A_130, %select_n3A : i32
        %convert_element_type3A_131 = arith.extui %lt3A : i1 to i32
        %cond3A_132 = arith.constant 0 : i32
        %cond3A_133 = arith.cmpi ne, %convert_element_type3A_131, %cond3A_132 : i32
        scf.if %cond3A_133 {
          %mul3A_142 = arith.constant 2 : i32
          %mul3A_143 = arith.muli %add3A_130, %mul3A_142 : i32
          %mul3A_144 = arith.constant 32 : i32
          %mul3A_145 = arith.muli %mul3A_143, %mul3A_144 : i32
          %dma_wait3A = tpu.memref_slice %arg11[%mul3A_145] : memref<4064xi32, #tpu.memory_space<vmem>> -> memref<64xi32, #tpu.memory_space<vmem>>
          %dma_wait3A_146 = arith.constant 0 : i32
          %dma_wait3A_147 = arith.constant 0 : i32
          %dma_wait3A_148 = tpu.memref_slice %arg2[%dma_wait3A_146, %dma_wait3A_147] : memref<20000x256xf32, #tpu.memory_space<hbm>> -> memref<20000x256xf32, #tpu.memory_space<hbm>>
          tpu.wait_indirect_dma semaphore(%arg17 : memref<!tpu.dma_semaphore, #tpu.memory_space<semaphore_mem>>) src(%dma_wait3A_148 : memref<20000x256xf32, #tpu.memory_space<hbm>>) dst(%arg12 : memref<64x256xf32, #tpu.memory_space<vmem>>)
          %add3A_149 = arith.constant 1 : i32
          %add3A_150 = arith.addi %add3A_130, %add3A_149 : i32
          %lt3A_151 = arith.cmpi slt, %add3A_150, %select_n3A : i32
          %convert_element_type3A_152 = arith.extui %lt3A_151 : i1 to i32
          %cond3A_153 = arith.constant 0 : i32
          %cond3A_154 = arith.cmpi ne, %convert_element_type3A_152, %cond3A_153 : i32
          scf.if %cond3A_154 {
            %add3A_246 = arith.constant 1 : i32
            %add3A_247 = arith.addi %add3A_130, %add3A_246 : i32
            %mul3A_248 = arith.constant 2 : i32
            %mul3A_249 = arith.muli %add3A_247, %mul3A_248 : i32
            %mul3A_250 = arith.constant 32 : i32
            %mul3A_251 = arith.muli %mul3A_249, %mul3A_250 : i32
            %dma_start3A = tpu.memref_slice %arg11[%mul3A_251] : memref<4064xi32, #tpu.memory_space<vmem>> -> memref<64xi32, #tpu.memory_space<vmem>>
            %dma_start3A_252 = arith.constant 0 : i32
            %dma_start3A_253 = arith.constant 0 : i32
            %dma_start3A_254 = tpu.memref_slice %arg2[%dma_start3A_252, %dma_start3A_253] : memref<20000x256xf32, #tpu.memory_space<hbm>> -> memref<20000x256xf32, #tpu.memory_space<hbm>>
            tpu.enqueue_indirect_dma source(%dma_start3A_254 : memref<20000x256xf32, #tpu.memory_space<hbm>>) target(%arg13 : memref<64x256xf32, #tpu.memory_space<vmem>>) offsets(%dma_start3A : memref<64xi32, #tpu.memory_space<vmem>>) semaphore(%arg18 : memref<!tpu.dma_semaphore, #tpu.memory_space<semaphore_mem>>)
          } else {
          }
          %mul3A_155 = arith.constant 2 : i32
          %mul3A_156 = arith.muli %add3A_130, %mul3A_155 : i32
          %mul3A_157 = arith.constant 32 : i32
          %mul3A_158 = arith.muli %mul3A_156, %mul3A_157 : i32
          %add3A_159 = arith.constant 0 : i32
          %add3A_160 = arith.addi %mul3A_158, %add3A_159 : i32
          %add3A_161 = arith.constant 1 : i32
          %add3A_162 = arith.addi %add3A_160, %add3A_161 : i32
          %mul3A_163 = arith.constant 2 : i32
          %mul3A_164 = vector.broadcast %mul3A_163 : i32 to vector<16xi32>
          %mul3A_165 = arith.muli %mul3A_164, %iota3A : vector<16xi32>
          %add3A_166 = vector.broadcast %add3A_162 : i32 to vector<16xi32>
          %add3A_167 = arith.addi %add3A_166, %mul3A_165 : vector<16xi32>
          %gather3A = tpu.vector_load_idx %arg11[%add3A_167] : memref<4064xi32, #tpu.memory_space<vmem>>[vector<16xi32>], vector<16xi32>,
          %sub3A_168 = arith.constant 1 : i32
          %sub3A_169 = vector.broadcast %sub3A_168 : i32 to vector<16xi32>
          %sub3A_170 = arith.subi %gather3A, %sub3A_169 : vector<16xi32>
          %shift_right_arithmetic3A = arith.constant 1 : i32
          %shift_right_arithmetic3A_171 = vector.broadcast %shift_right_arithmetic3A : i32 to vector<16xi32>
          %shift_right_arithmetic3A_172 = arith.shrsi %sub3A_170, %shift_right_arithmetic3A_171 : vector<16xi32>
          %sub3A_173 = vector.broadcast %mul3A_2 : i32 to vector<16xi32>
          %sub3A_174 = arith.subi %shift_right_arithmetic3A_172, %sub3A_173 : vector<16xi32>
          %max3A = arith.constant 0 : i32
          %max3A_175 = vector.broadcast %max3A : i32 to vector<16xi32>
          %max3A_176 = arith.maxsi %sub3A_174, %max3A_175 : vector<16xi32>
          %min3A = arith.constant 319 : i32
          %min3A_177 = vector.broadcast %min3A : i32 to vector<16xi32>
          %min3A_178 = arith.minsi %max3A_176, %min3A_177 : vector<16xi32>
          %swap3A = arith.constant 0 : index
          %swap3A_179 = tpu.vector_load %arg14[%swap3A] {strides = array<i32>} : memref<32xi32, #tpu.memory_space<vmem>>, vector<16xi32>,
          tpu.vector_store %arg14[%swap3A], %min3A_178 {strides = array<i32>} : memref<32xi32, #tpu.memory_space<vmem>>, vector<16xi32>,
          %mul3A_180 = arith.constant 2 : i32
          %mul3A_181 = arith.muli %add3A_130, %mul3A_180 : i32
          %mul3A_182 = arith.constant 32 : i32
          %mul3A_183 = arith.muli %mul3A_181, %mul3A_182 : i32
          %add3A_184 = arith.constant 32 : i32
          %add3A_185 = arith.addi %mul3A_183, %add3A_184 : i32
          %add3A_186 = arith.constant 1 : i32
          %add3A_187 = arith.addi %add3A_185, %add3A_186 : i32
          %mul3A_188 = arith.constant 2 : i32
          %mul3A_189 = vector.broadcast %mul3A_188 : i32 to vector<16xi32>
          %mul3A_190 = arith.muli %mul3A_189, %iota3A : vector<16xi32>
          %add3A_191 = vector.broadcast %add3A_187 : i32 to vector<16xi32>
          %add3A_192 = arith.addi %add3A_191, %mul3A_190 : vector<16xi32>
          %gather3A_193 = tpu.vector_load_idx %arg11[%add3A_192] : memref<4064xi32, #tpu.memory_space<vmem>>[vector<16xi32>], vector<16xi32>,
          %sub3A_194 = arith.constant 1 : i32
          %sub3A_195 = vector.broadcast %sub3A_194 : i32 to vector<16xi32>
          %sub3A_196 = arith.subi %gather3A_193, %sub3A_195 : vector<16xi32>
          %shift_right_arithmetic3A_197 = arith.constant 1 : i32
          %shift_right_arithmetic3A_198 = vector.broadcast %shift_right_arithmetic3A_197 : i32 to vector<16xi32>
          %shift_right_arithmetic3A_199 = arith.shrsi %sub3A_196, %shift_right_arithmetic3A_198 : vector<16xi32>
          %sub3A_200 = vector.broadcast %mul3A_2 : i32 to vector<16xi32>
          %sub3A_201 = arith.subi %shift_right_arithmetic3A_199, %sub3A_200 : vector<16xi32>
          %max3A_202 = arith.constant 0 : i32
          %max3A_203 = vector.broadcast %max3A_202 : i32 to vector<16xi32>
          %max3A_204 = arith.maxsi %sub3A_201, %max3A_203 : vector<16xi32>
          %min3A_205 = arith.constant 319 : i32
          %min3A_206 = vector.broadcast %min3A_205 : i32 to vector<16xi32>
          %min3A_207 = arith.minsi %max3A_204, %min3A_206 : vector<16xi32>
          %swap3A_208 = arith.constant 16 : index
          %swap3A_209 = tpu.vector_load %arg14[%swap3A_208] {strides = array<i32>} : memref<32xi32, #tpu.memory_space<vmem>>, vector<16xi32>,
          tpu.vector_store %arg14[%swap3A_208], %min3A_207 {strides = array<i32>} : memref<32xi32, #tpu.memory_space<vmem>>, vector<16xi32>,
          %get3A = arith.constant 0 : index
          %get3A_210 = tpu.vector_load %arg15[%get3A] {strides = array<i32>} : memref<256xf32, #tpu.memory_space<vmem>>, vector<16xf32>,
          %get3A_211 = arith.constant 16 : index
          %get3A_212 = tpu.vector_load %arg15[%get3A_211] {strides = array<i32>} : memref<256xf32, #tpu.memory_space<vmem>>, vector<16xf32>,
          %get3A_213 = arith.constant 32 : index
          %get3A_214 = tpu.vector_load %arg15[%get3A_213] {strides = array<i32>} : memref<256xf32, #tpu.memory_space<vmem>>, vector<16xf32>,
          %get3A_215 = arith.constant 48 : index
          %get3A_216 = tpu.vector_load %arg15[%get3A_215] {strides = array<i32>} : memref<256xf32, #tpu.memory_space<vmem>>, vector<16xf32>,
          %get3A_217 = arith.constant 64 : index
          %get3A_218 = tpu.vector_load %arg15[%get3A_217] {strides = array<i32>} : memref<256xf32, #tpu.memory_space<vmem>>, vector<16xf32>,
          %get3A_219 = arith.constant 80 : index
          %get3A_220 = tpu.vector_load %arg15[%get3A_219] {strides = array<i32>} : memref<256xf32, #tpu.memory_space<vmem>>, vector<16xf32>,
          %get3A_221 = arith.constant 96 : index
          %get3A_222 = tpu.vector_load %arg15[%get3A_221] {strides = array<i32>} : memref<256xf32, #tpu.memory_space<vmem>>, vector<16xf32>,
          %get3A_223 = arith.constant 112 : index
          %get3A_224 = tpu.vector_load %arg15[%get3A_223] {strides = array<i32>} : memref<256xf32, #tpu.memory_space<vmem>>, vector<16xf32>,
          %get3A_225 = arith.constant 128 : index
          %get3A_226 = tpu.vector_load %arg15[%get3A_225] {strides = array<i32>} : memref<256xf32, #tpu.memory_space<vmem>>, vector<16xf32>,
          %get3A_227 = arith.constant 144 : index
          %get3A_228 = tpu.vector_load %arg15[%get3A_227] {strides = array<i32>} : memref<256xf32, #tpu.memory_space<vmem>>, vector<16xf32>,
          %get3A_229 = arith.constant 160 : index
          %get3A_230 = tpu.vector_load %arg15[%get3A_229] {strides = array<i32>} : memref<256xf32, #tpu.memory_space<vmem>>, vector<16xf32>,
          %get3A_231 = arith.constant 176 : index
          %get3A_232 = tpu.vector_load %arg15[%get3A_231] {strides = array<i32>} : memref<256xf32, #tpu.memory_space<vmem>>, vector<16xf32>,
          %get3A_233 = arith.constant 192 : index
          %get3A_234 = tpu.vector_load %arg15[%get3A_233] {strides = array<i32>} : memref<256xf32, #tpu.memory_space<vmem>>, vector<16xf32>,
          %get3A_235 = arith.constant 208 : index
          %get3A_236 = tpu.vector_load %arg15[%get3A_235] {strides = array<i32>} : memref<256xf32, #tpu.memory_space<vmem>>, vector<16xf32>,
          %get3A_237 = arith.constant 224 : index
          %get3A_238 = tpu.vector_load %arg15[%get3A_237] {strides = array<i32>} : memref<256xf32, #tpu.memory_space<vmem>>, vector<16xf32>,
          %get3A_239 = arith.constant 240 : index
          %get3A_240 = tpu.vector_load %arg15[%get3A_239] {strides = array<i32>} : memref<256xf32, #tpu.memory_space<vmem>>, vector<16xf32>,
          %scan3A_241 = arith.constant 0 : i32
          %scan3A_242 = arith.constant 16 : i32
          %scan3A_243 = arith.addi %scan3A_241, %scan3A_242 : i32
          %scan3A_244 = arith.constant 1 : i32
          scf.for %scan3A_246 = %scan3A_241 to %scan3A_243 step %scan3A_244  : i32 {
            %mul3A_247 = arith.constant 1 : i32
            %mul3A_248 = arith.muli %scan3A_246, %mul3A_247 : i32
            %add3A_249 = arith.constant 0 : i32
            %add3A_250 = arith.addi %add3A_249, %mul3A_248 : i32
            %mul3A_251 = arith.constant 2 : i32
            %mul3A_252 = arith.muli %mul3A_251, %add3A_250 : i32
            %add3A_253 = arith.constant 0 : i32
            %add3A_254 = arith.addi %mul3A_252, %add3A_253 : i32
            %broadcast_in_dim3A = arith.constant 0.000000e+00 : f32
            %broadcast_in_dim3A_255 = vector.broadcast %broadcast_in_dim3A : f32 to vector<16xf32>
            %mul3A_256 = arith.constant 2 : i32
            %mul3A_257 = arith.muli %mul3A_256, %add3A_254 : i32
            %get3A_258 = arith.index_cast %mul3A_257 : i32 to index
            %get3A_259 = arith.constant 0 : index
            %get3A_260 = tpu.vector_load %arg12[%get3A_258, %get3A_259] {strides = array<i32>} : memref<64x256xf32, #tpu.memory_space<vmem>>, vector<16xf32>,
            %mul3A_261 = arith.constant 2 : i32
            %mul3A_262 = arith.muli %mul3A_261, %add3A_254 : i32
            %add3A_263 = arith.constant 1 : i32
            %add3A_264 = arith.addi %mul3A_262, %add3A_263 : i32
            %get3A_265 = arith.index_cast %add3A_264 : i32 to index
            %get3A_266 = arith.constant 0 : index
            %get3A_267 = tpu.vector_load %arg12[%get3A_265, %get3A_266] {strides = array<i32>} : memref<64x256xf32, #tpu.memory_space<vmem>>, vector<16xf32>,
            %add3A_268 = arith.addf %get3A_260, %get3A_267 : vector<16xf32>
            %ge3A = arith.constant 0.000000e+00 : f32
            %ge3A_269 = vector.broadcast %ge3A : f32 to vector<16xf32>
            %ge3A_270 = arith.cmpf oge, %add3A_268, %ge3A_269 : vector<16xf32>
            %mul3A_271 = arith.constant 2.000000e-01 : f32
            %mul3A_272 = vector.broadcast %mul3A_271 : f32 to vector<16xf32>
            %mul3A_273 = arith.mulf %mul3A_272, %add3A_268 : vector<16xf32>
            %select_n3A_274 = arith.select %ge3A_270, %add3A_268, %mul3A_273 : vector<16xi1>, vector<16xf32>
            %mul3A_275 = arith.mulf %select_n3A_274, %get3A_210 : vector<16xf32>
            %add3A_276 = arith.addf %broadcast_in_dim3A_255, %mul3A_275 : vector<16xf32>
            %mul3A_277 = arith.constant 2 : i32
            %mul3A_278 = arith.muli %mul3A_277, %add3A_254 : i32
            %get3A_279 = arith.index_cast %mul3A_278 : i32 to index
            %get3A_280 = arith.constant 16 : index
            %get3A_281 = tpu.vector_load %arg12[%get3A_279, %get3A_280] {strides = array<i32>} : memref<64x256xf32, #tpu.memory_space<vmem>>, vector<16xf32>,
            %mul3A_282 = arith.constant 2 : i32
            %mul3A_283 = arith.muli %mul3A_282, %add3A_254 : i32
            %add3A_284 = arith.constant 1 : i32
            %add3A_285 = arith.addi %mul3A_283, %add3A_284 : i32
            %get3A_286 = arith.index_cast %add3A_285 : i32 to index
            %get3A_287 = arith.constant 16 : index
            %get3A_288 = tpu.vector_load %arg12[%get3A_286, %get3A_287] {strides = array<i32>} : memref<64x256xf32, #tpu.memory_space<vmem>>, vector<16xf32>,
            %add3A_289 = arith.addf %get3A_281, %get3A_288 : vector<16xf32>
            %ge3A_290 = arith.constant 0.000000e+00 : f32
            %ge3A_291 = vector.broadcast %ge3A_290 : f32 to vector<16xf32>
            %ge3A_292 = arith.cmpf oge, %add3A_289, %ge3A_291 : vector<16xf32>
            %mul3A_293 = arith.constant 2.000000e-01 : f32
            %mul3A_294 = vector.broadcast %mul3A_293 : f32 to vector<16xf32>
            %mul3A_295 = arith.mulf %mul3A_294, %add3A_289 : vector<16xf32>
            %select_n3A_296 = arith.select %ge3A_292, %add3A_289, %mul3A_295 : vector<16xi1>, vector<16xf32>
            %mul3A_297 = arith.mulf %select_n3A_296, %get3A_212 : vector<16xf32>
            %add3A_298 = arith.addf %add3A_276, %mul3A_297 : vector<16xf32>
            %mul3A_299 = arith.constant 2 : i32
            %mul3A_300 = arith.muli %mul3A_299, %add3A_254 : i32
            %get3A_301 = arith.index_cast %mul3A_300 : i32 to index
            %get3A_302 = arith.constant 32 : index
            %get3A_303 = tpu.vector_load %arg12[%get3A_301, %get3A_302] {strides = array<i32>} : memref<64x256xf32, #tpu.memory_space<vmem>>, vector<16xf32>,
            %mul3A_304 = arith.constant 2 : i32
            %mul3A_305 = arith.muli %mul3A_304, %add3A_254 : i32
            %add3A_306 = arith.constant 1 : i32
            %add3A_307 = arith.addi %mul3A_305, %add3A_306 : i32
            %get3A_308 = arith.index_cast %add3A_307 : i32 to index
            %get3A_309 = arith.constant 32 : index
            %get3A_310 = tpu.vector_load %arg12[%get3A_308, %get3A_309] {strides = array<i32>} : memref<64x256xf32, #tpu.memory_space<vmem>>, vector<16xf32>,
            %add3A_311 = arith.addf %get3A_303, %get3A_310 : vector<16xf32>
            %ge3A_312 = arith.constant 0.000000e+00 : f32
            %ge3A_313 = vector.broadcast %ge3A_312 : f32 to vector<16xf32>
            %ge3A_314 = arith.cmpf oge, %add3A_311, %ge3A_313 : vector<16xf32>
            %mul3A_315 = arith.constant 2.000000e-01 : f32
            %mul3A_316 = vector.broadcast %mul3A_315 : f32 to vector<16xf32>
            %mul3A_317 = arith.mulf %mul3A_316, %add3A_311 : vector<16xf32>
            %select_n3A_318 = arith.select %ge3A_314, %add3A_311, %mul3A_317 : vector<16xi1>, vector<16xf32>
            %mul3A_319 = arith.mulf %select_n3A_318, %get3A_214 : vector<16xf32>
            %add3A_320 = arith.addf %add3A_298, %mul3A_319 : vector<16xf32>
            %mul3A_321 = arith.constant 2 : i32
            %mul3A_322 = arith.muli %mul3A_321, %add3A_254 : i32
            %get3A_323 = arith.index_cast %mul3A_322 : i32 to index
            %get3A_324 = arith.constant 48 : index
            %get3A_325 = tpu.vector_load %arg12[%get3A_323, %get3A_324] {strides = array<i32>} : memref<64x256xf32, #tpu.memory_space<vmem>>, vector<16xf32>,
            %mul3A_326 = arith.constant 2 : i32
            %mul3A_327 = arith.muli %mul3A_326, %add3A_254 : i32
            %add3A_328 = arith.constant 1 : i32
            %add3A_329 = arith.addi %mul3A_327, %add3A_328 : i32
            %get3A_330 = arith.index_cast %add3A_329 : i32 to index
            %get3A_331 = arith.constant 48 : index
            %get3A_332 = tpu.vector_load %arg12[%get3A_330, %get3A_331] {strides = array<i32>} : memref<64x256xf32, #tpu.memory_space<vmem>>, vector<16xf32>,
            %add3A_333 = arith.addf %get3A_325, %get3A_332 : vector<16xf32>
            %ge3A_334 = arith.constant 0.000000e+00 : f32
            %ge3A_335 = vector.broadcast %ge3A_334 : f32 to vector<16xf32>
            %ge3A_336 = arith.cmpf oge, %add3A_333, %ge3A_335 : vector<16xf32>
            %mul3A_337 = arith.constant 2.000000e-01 : f32
            %mul3A_338 = vector.broadcast %mul3A_337 : f32 to vector<16xf32>
            %mul3A_339 = arith.mulf %mul3A_338, %add3A_333 : vector<16xf32>
            %select_n3A_340 = arith.select %ge3A_336, %add3A_333, %mul3A_339 : vector<16xi1>, vector<16xf32>
            %mul3A_341 = arith.mulf %select_n3A_340, %get3A_216 : vector<16xf32>
            %add3A_342 = arith.addf %add3A_320, %mul3A_341 : vector<16xf32>
            %mul3A_343 = arith.constant 2 : i32
            %mul3A_344 = arith.muli %mul3A_343, %add3A_254 : i32
            %get3A_345 = arith.index_cast %mul3A_344 : i32 to index
            %get3A_346 = arith.constant 64 : index
            %get3A_347 = tpu.vector_load %arg12[%get3A_345, %get3A_346] {strides = array<i32>} : memref<64x256xf32, #tpu.memory_space<vmem>>, vector<16xf32>,
            %mul3A_348 = arith.constant 2 : i32
            %mul3A_349 = arith.muli %mul3A_348, %add3A_254 : i32
            %add3A_350 = arith.constant 1 : i32
            %add3A_351 = arith.addi %mul3A_349, %add3A_350 : i32
            %get3A_352 = arith.index_cast %add3A_351 : i32 to index
            %get3A_353 = arith.constant 64 : index
            %get3A_354 = tpu.vector_load %arg12[%get3A_352, %get3A_353] {strides = array<i32>} : memref<64x256xf32, #tpu.memory_space<vmem>>, vector<16xf32>,
            %add3A_355 = arith.addf %get3A_347, %get3A_354 : vector<16xf32>
            %ge3A_356 = arith.constant 0.000000e+00 : f32
            %ge3A_357 = vector.broadcast %ge3A_356 : f32 to vector<16xf32>
            %ge3A_358 = arith.cmpf oge, %add3A_355, %ge3A_357 : vector<16xf32>
            %mul3A_359 = arith.constant 2.000000e-01 : f32
            %mul3A_360 = vector.broadcast %mul3A_359 : f32 to vector<16xf32>
            %mul3A_361 = arith.mulf %mul3A_360, %add3A_355 : vector<16xf32>
            %select_n3A_362 = arith.select %ge3A_358, %add3A_355, %mul3A_361 : vector<16xi1>, vector<16xf32>
            %mul3A_363 = arith.mulf %select_n3A_362, %get3A_218 : vector<16xf32>
            %add3A_364 = arith.addf %add3A_342, %mul3A_363 : vector<16xf32>
            %mul3A_365 = arith.constant 2 : i32
            %mul3A_366 = arith.muli %mul3A_365, %add3A_254 : i32
            %get3A_367 = arith.index_cast %mul3A_366 : i32 to index
            %get3A_368 = arith.constant 80 : index
            %get3A_369 = tpu.vector_load %arg12[%get3A_367, %get3A_368] {strides = array<i32>} : memref<64x256xf32, #tpu.memory_space<vmem>>, vector<16xf32>,
            %mul3A_370 = arith.constant 2 : i32
            %mul3A_371 = arith.muli %mul3A_370, %add3A_254 : i32
            %add3A_372 = arith.constant 1 : i32
            %add3A_373 = arith.addi %mul3A_371, %add3A_372 : i32
            %get3A_374 = arith.index_cast %add3A_373 : i32 to index
            %get3A_375 = arith.constant 80 : index
            %get3A_376 = tpu.vector_load %arg12[%get3A_374, %get3A_375] {strides = array<i32>} : memref<64x256xf32, #tpu.memory_space<vmem>>, vector<16xf32>,
            %add3A_377 = arith.addf %get3A_369, %get3A_376 : vector<16xf32>
            %ge3A_378 = arith.constant 0.000000e+00 : f32
            %ge3A_379 = vector.broadcast %ge3A_378 : f32 to vector<16xf32>
            %ge3A_380 = arith.cmpf oge, %add3A_377, %ge3A_379 : vector<16xf32>
            %mul3A_381 = arith.constant 2.000000e-01 : f32
            %mul3A_382 = vector.broadcast %mul3A_381 : f32 to vector<16xf32>
            %mul3A_383 = arith.mulf %mul3A_382, %add3A_377 : vector<16xf32>
            %select_n3A_384 = arith.select %ge3A_380, %add3A_377, %mul3A_383 : vector<16xi1>, vector<16xf32>
            %mul3A_385 = arith.mulf %select_n3A_384, %get3A_220 : vector<16xf32>
            %add3A_386 = arith.addf %add3A_364, %mul3A_385 : vector<16xf32>
            %mul3A_387 = arith.constant 2 : i32
            %mul3A_388 = arith.muli %mul3A_387, %add3A_254 : i32
            %get3A_389 = arith.index_cast %mul3A_388 : i32 to index
            %get3A_390 = arith.constant 96 : index
            %get3A_391 = tpu.vector_load %arg12[%get3A_389, %get3A_390] {strides = array<i32>} : memref<64x256xf32, #tpu.memory_space<vmem>>, vector<16xf32>,
            %mul3A_392 = arith.constant 2 : i32
            %mul3A_393 = arith.muli %mul3A_392, %add3A_254 : i32
            %add3A_394 = arith.constant 1 : i32
            %add3A_395 = arith.addi %mul3A_393, %add3A_394 : i32
            %get3A_396 = arith.index_cast %add3A_395 : i32 to index
            %get3A_397 = arith.constant 96 : index
            %get3A_398 = tpu.vector_load %arg12[%get3A_396, %get3A_397] {strides = array<i32>} : memref<64x256xf32, #tpu.memory_space<vmem>>, vector<16xf32>,
            %add3A_399 = arith.addf %get3A_391, %get3A_398 : vector<16xf32>
            %ge3A_400 = arith.constant 0.000000e+00 : f32
            %ge3A_401 = vector.broadcast %ge3A_400 : f32 to vector<16xf32>
            %ge3A_402 = arith.cmpf oge, %add3A_399, %ge3A_401 : vector<16xf32>
            %mul3A_403 = arith.constant 2.000000e-01 : f32
            %mul3A_404 = vector.broadcast %mul3A_403 : f32 to vector<16xf32>
            %mul3A_405 = arith.mulf %mul3A_404, %add3A_399 : vector<16xf32>
            %select_n3A_406 = arith.select %ge3A_402, %add3A_399, %mul3A_405 : vector<16xi1>, vector<16xf32>
            %mul3A_407 = arith.mulf %select_n3A_406, %get3A_222 : vector<16xf32>
            %add3A_408 = arith.addf %add3A_386, %mul3A_407 : vector<16xf32>
            %mul3A_409 = arith.constant 2 : i32
            %mul3A_410 = arith.muli %mul3A_409, %add3A_254 : i32
            %get3A_411 = arith.index_cast %mul3A_410 : i32 to index
            %get3A_412 = arith.constant 112 : index
            %get3A_413 = tpu.vector_load %arg12[%get3A_411, %get3A_412] {strides = array<i32>} : memref<64x256xf32, #tpu.memory_space<vmem>>, vector<16xf32>,
            %mul3A_414 = arith.constant 2 : i32
            %mul3A_415 = arith.muli %mul3A_414, %add3A_254 : i32
            %add3A_416 = arith.constant 1 : i32
            %add3A_417 = arith.addi %mul3A_415, %add3A_416 : i32
            %get3A_418 = arith.index_cast %add3A_417 : i32 to index
            %get3A_419 = arith.constant 112 : index
            %get3A_420 = tpu.vector_load %arg12[%get3A_418, %get3A_419] {strides = array<i32>} : memref<64x256xf32, #tpu.memory_space<vmem>>, vector<16xf32>,
            %add3A_421 = arith.addf %get3A_413, %get3A_420 : vector<16xf32>
            %ge3A_422 = arith.constant 0.000000e+00 : f32
            %ge3A_423 = vector.broadcast %ge3A_422 : f32 to vector<16xf32>
            %ge3A_424 = arith.cmpf oge, %add3A_421, %ge3A_423 : vector<16xf32>
            %mul3A_425 = arith.constant 2.000000e-01 : f32
            %mul3A_426 = vector.broadcast %mul3A_425 : f32 to vector<16xf32>
            %mul3A_427 = arith.mulf %mul3A_426, %add3A_421 : vector<16xf32>
            %select_n3A_428 = arith.select %ge3A_424, %add3A_421, %mul3A_427 : vector<16xi1>, vector<16xf32>
            %mul3A_429 = arith.mulf %select_n3A_428, %get3A_224 : vector<16xf32>
            %add3A_430 = arith.addf %add3A_408, %mul3A_429 : vector<16xf32>
            %mul3A_431 = arith.constant 2 : i32
            %mul3A_432 = arith.muli %mul3A_431, %add3A_254 : i32
            %get3A_433 = arith.index_cast %mul3A_432 : i32 to index
            %get3A_434 = arith.constant 128 : index
            %get3A_435 = tpu.vector_load %arg12[%get3A_433, %get3A_434] {strides = array<i32>} : memref<64x256xf32, #tpu.memory_space<vmem>>, vector<16xf32>,
            %mul3A_436 = arith.constant 2 : i32
            %mul3A_437 = arith.muli %mul3A_436, %add3A_254 : i32
            %add3A_438 = arith.constant 1 : i32
            %add3A_439 = arith.addi %mul3A_437, %add3A_438 : i32
            %get3A_440 = arith.index_cast %add3A_439 : i32 to index
            %get3A_441 = arith.constant 128 : index
            %get3A_442 = tpu.vector_load %arg12[%get3A_440, %get3A_441] {strides = array<i32>} : memref<64x256xf32, #tpu.memory_space<vmem>>, vector<16xf32>,
            %add3A_443 = arith.addf %get3A_435, %get3A_442 : vector<16xf32>
            %ge3A_444 = arith.constant 0.000000e+00 : f32
            %ge3A_445 = vector.broadcast %ge3A_444 : f32 to vector<16xf32>
            %ge3A_446 = arith.cmpf oge, %add3A_443, %ge3A_445 : vector<16xf32>
            %mul3A_447 = arith.constant 2.000000e-01 : f32
            %mul3A_448 = vector.broadcast %mul3A_447 : f32 to vector<16xf32>
            %mul3A_449 = arith.mulf %mul3A_448, %add3A_443 : vector<16xf32>
            %select_n3A_450 = arith.select %ge3A_446, %add3A_443, %mul3A_449 : vector<16xi1>, vector<16xf32>
            %mul3A_451 = arith.mulf %select_n3A_450, %get3A_226 : vector<16xf32>
            %add3A_452 = arith.addf %add3A_430, %mul3A_451 : vector<16xf32>
            %mul3A_453 = arith.constant 2 : i32
            %mul3A_454 = arith.muli %mul3A_453, %add3A_254 : i32
            %get3A_455 = arith.index_cast %mul3A_454 : i32 to index
            %get3A_456 = arith.constant 144 : index
            %get3A_457 = tpu.vector_load %arg12[%get3A_455, %get3A_456] {strides = array<i32>} : memref<64x256xf32, #tpu.memory_space<vmem>>, vector<16xf32>,
            %mul3A_458 = arith.constant 2 : i32
            %mul3A_459 = arith.muli %mul3A_458, %add3A_254 : i32
            %add3A_460 = arith.constant 1 : i32
            %add3A_461 = arith.addi %mul3A_459, %add3A_460 : i32
            %get3A_462 = arith.index_cast %add3A_461 : i32 to index
            %get3A_463 = arith.constant 144 : index
            %get3A_464 = tpu.vector_load %arg12[%get3A_462, %get3A_463] {strides = array<i32>} : memref<64x256xf32, #tpu.memory_space<vmem>>, vector<16xf32>,
            %add3A_465 = arith.addf %get3A_457, %get3A_464 : vector<16xf32>
            %ge3A_466 = arith.constant 0.000000e+00 : f32
            %ge3A_467 = vector.broadcast %ge3A_466 : f32 to vector<16xf32>
            %ge3A_468 = arith.cmpf oge, %add3A_465, %ge3A_467 : vector<16xf32>
            %mul3A_469 = arith.constant 2.000000e-01 : f32
            %mul3A_470 = vector.broadcast %mul3A_469 : f32 to vector<16xf32>
            %mul3A_471 = arith.mulf %mul3A_470, %add3A_465 : vector<16xf32>
            %select_n3A_472 = arith.select %ge3A_468, %add3A_465, %mul3A_471 : vector<16xi1>, vector<16xf32>
            %mul3A_473 = arith.mulf %select_n3A_472, %get3A_228 : vector<16xf32>
            %add3A_474 = arith.addf %add3A_452, %mul3A_473 : vector<16xf32>
            %mul3A_475 = arith.constant 2 : i32
            %mul3A_476 = arith.muli %mul3A_475, %add3A_254 : i32
            %get3A_477 = arith.index_cast %mul3A_476 : i32 to index
            %get3A_478 = arith.constant 160 : index
            %get3A_479 = tpu.vector_load %arg12[%get3A_477, %get3A_478] {strides = array<i32>} : memref<64x256xf32, #tpu.memory_space<vmem>>, vector<16xf32>,
            %mul3A_480 = arith.constant 2 : i32
            %mul3A_481 = arith.muli %mul3A_480, %add3A_254 : i32
            %add3A_482 = arith.constant 1 : i32
            %add3A_483 = arith.addi %mul3A_481, %add3A_482 : i32
            %get3A_484 = arith.index_cast %add3A_483 : i32 to index
            %get3A_485 = arith.constant 160 : index
            %get3A_486 = tpu.vector_load %arg12[%get3A_484, %get3A_485] {strides = array<i32>} : memref<64x256xf32, #tpu.memory_space<vmem>>, vector<16xf32>,
            %add3A_487 = arith.addf %get3A_479, %get3A_486 : vector<16xf32>
            %ge3A_488 = arith.constant 0.000000e+00 : f32
            %ge3A_489 = vector.broadcast %ge3A_488 : f32 to vector<16xf32>
            %ge3A_490 = arith.cmpf oge, %add3A_487, %ge3A_489 : vector<16xf32>
            %mul3A_491 = arith.constant 2.000000e-01 : f32
            %mul3A_492 = vector.broadcast %mul3A_491 : f32 to vector<16xf32>
            %mul3A_493 = arith.mulf %mul3A_492, %add3A_487 : vector<16xf32>
            %select_n3A_494 = arith.select %ge3A_490, %add3A_487, %mul3A_493 : vector<16xi1>, vector<16xf32>
            %mul3A_495 = arith.mulf %select_n3A_494, %get3A_230 : vector<16xf32>
            %add3A_496 = arith.addf %add3A_474, %mul3A_495 : vector<16xf32>
            %mul3A_497 = arith.constant 2 : i32
            %mul3A_498 = arith.muli %mul3A_497, %add3A_254 : i32
            %get3A_499 = arith.index_cast %mul3A_498 : i32 to index
            %get3A_500 = arith.constant 176 : index
            %get3A_501 = tpu.vector_load %arg12[%get3A_499, %get3A_500] {strides = array<i32>} : memref<64x256xf32, #tpu.memory_space<vmem>>, vector<16xf32>,
            %mul3A_502 = arith.constant 2 : i32
            %mul3A_503 = arith.muli %mul3A_502, %add3A_254 : i32
            %add3A_504 = arith.constant 1 : i32
            %add3A_505 = arith.addi %mul3A_503, %add3A_504 : i32
            %get3A_506 = arith.index_cast %add3A_505 : i32 to index
            %get3A_507 = arith.constant 176 : index
            %get3A_508 = tpu.vector_load %arg12[%get3A_506, %get3A_507] {strides = array<i32>} : memref<64x256xf32, #tpu.memory_space<vmem>>, vector<16xf32>,
            %add3A_509 = arith.addf %get3A_501, %get3A_508 : vector<16xf32>
            %ge3A_510 = arith.constant 0.000000e+00 : f32
            %ge3A_511 = vector.broadcast %ge3A_510 : f32 to vector<16xf32>
            %ge3A_512 = arith.cmpf oge, %add3A_509, %ge3A_511 : vector<16xf32>
            %mul3A_513 = arith.constant 2.000000e-01 : f32
            %mul3A_514 = vector.broadcast %mul3A_513 : f32 to vector<16xf32>
            %mul3A_515 = arith.mulf %mul3A_514, %add3A_509 : vector<16xf32>
            %select_n3A_516 = arith.select %ge3A_512, %add3A_509, %mul3A_515 : vector<16xi1>, vector<16xf32>
            %mul3A_517 = arith.mulf %select_n3A_516, %get3A_232 : vector<16xf32>
            %add3A_518 = arith.addf %add3A_496, %mul3A_517 : vector<16xf32>
            %mul3A_519 = arith.constant 2 : i32
            %mul3A_520 = arith.muli %mul3A_519, %add3A_254 : i32
            %get3A_521 = arith.index_cast %mul3A_520 : i32 to index
            %get3A_522 = arith.constant 192 : index
            %get3A_523 = tpu.vector_load %arg12[%get3A_521, %get3A_522] {strides = array<i32>} : memref<64x256xf32, #tpu.memory_space<vmem>>, vector<16xf32>,
            %mul3A_524 = arith.constant 2 : i32
            %mul3A_525 = arith.muli %mul3A_524, %add3A_254 : i32
            %add3A_526 = arith.constant 1 : i32
            %add3A_527 = arith.addi %mul3A_525, %add3A_526 : i32
            %get3A_528 = arith.index_cast %add3A_527 : i32 to index
            %get3A_529 = arith.constant 192 : index
            %get3A_530 = tpu.vector_load %arg12[%get3A_528, %get3A_529] {strides = array<i32>} : memref<64x256xf32, #tpu.memory_space<vmem>>, vector<16xf32>,
            %add3A_531 = arith.addf %get3A_523, %get3A_530 : vector<16xf32>
            %ge3A_532 = arith.constant 0.000000e+00 : f32
            %ge3A_533 = vector.broadcast %ge3A_532 : f32 to vector<16xf32>
            %ge3A_534 = arith.cmpf oge, %add3A_531, %ge3A_533 : vector<16xf32>
            %mul3A_535 = arith.constant 2.000000e-01 : f32
            %mul3A_536 = vector.broadcast %mul3A_535 : f32 to vector<16xf32>
            %mul3A_537 = arith.mulf %mul3A_536, %add3A_531 : vector<16xf32>
            %select_n3A_538 = arith.select %ge3A_534, %add3A_531, %mul3A_537 : vector<16xi1>, vector<16xf32>
            %mul3A_539 = arith.mulf %select_n3A_538, %get3A_234 : vector<16xf32>
            %add3A_540 = arith.addf %add3A_518, %mul3A_539 : vector<16xf32>
            %mul3A_541 = arith.constant 2 : i32
            %mul3A_542 = arith.muli %mul3A_541, %add3A_254 : i32
            %get3A_543 = arith.index_cast %mul3A_542 : i32 to index
            %get3A_544 = arith.constant 208 : index
            %get3A_545 = tpu.vector_load %arg12[%get3A_543, %get3A_544] {strides = array<i32>} : memref<64x256xf32, #tpu.memory_space<vmem>>, vector<16xf32>,
            %mul3A_546 = arith.constant 2 : i32
            %mul3A_547 = arith.muli %mul3A_546, %add3A_254 : i32
            %add3A_548 = arith.constant 1 : i32
            %add3A_549 = arith.addi %mul3A_547, %add3A_548 : i32
            %get3A_550 = arith.index_cast %add3A_549 : i32 to index
            %get3A_551 = arith.constant 208 : index
            %get3A_552 = tpu.vector_load %arg12[%get3A_550, %get3A_551] {strides = array<i32>} : memref<64x256xf32, #tpu.memory_space<vmem>>, vector<16xf32>,
            %add3A_553 = arith.addf %get3A_545, %get3A_552 : vector<16xf32>
            %ge3A_554 = arith.constant 0.000000e+00 : f32
            %ge3A_555 = vector.broadcast %ge3A_554 : f32 to vector<16xf32>
            %ge3A_556 = arith.cmpf oge, %add3A_553, %ge3A_555 : vector<16xf32>
            %mul3A_557 = arith.constant 2.000000e-01 : f32
            %mul3A_558 = vector.broadcast %mul3A_557 : f32 to vector<16xf32>
            %mul3A_559 = arith.mulf %mul3A_558, %add3A_553 : vector<16xf32>
            %select_n3A_560 = arith.select %ge3A_556, %add3A_553, %mul3A_559 : vector<16xi1>, vector<16xf32>
            %mul3A_561 = arith.mulf %select_n3A_560, %get3A_236 : vector<16xf32>
            %add3A_562 = arith.addf %add3A_540, %mul3A_561 : vector<16xf32>
            %mul3A_563 = arith.constant 2 : i32
            %mul3A_564 = arith.muli %mul3A_563, %add3A_254 : i32
            %get3A_565 = arith.index_cast %mul3A_564 : i32 to index
            %get3A_566 = arith.constant 224 : index
            %get3A_567 = tpu.vector_load %arg12[%get3A_565, %get3A_566] {strides = array<i32>} : memref<64x256xf32, #tpu.memory_space<vmem>>, vector<16xf32>,
            %mul3A_568 = arith.constant 2 : i32
            %mul3A_569 = arith.muli %mul3A_568, %add3A_254 : i32
            %add3A_570 = arith.constant 1 : i32
            %add3A_571 = arith.addi %mul3A_569, %add3A_570 : i32
            %get3A_572 = arith.index_cast %add3A_571 : i32 to index
            %get3A_573 = arith.constant 224 : index
            %get3A_574 = tpu.vector_load %arg12[%get3A_572, %get3A_573] {strides = array<i32>} : memref<64x256xf32, #tpu.memory_space<vmem>>, vector<16xf32>,
            %add3A_575 = arith.addf %get3A_567, %get3A_574 : vector<16xf32>
            %ge3A_576 = arith.constant 0.000000e+00 : f32
            %ge3A_577 = vector.broadcast %ge3A_576 : f32 to vector<16xf32>
            %ge3A_578 = arith.cmpf oge, %add3A_575, %ge3A_577 : vector<16xf32>
            %mul3A_579 = arith.constant 2.000000e-01 : f32
            %mul3A_580 = vector.broadcast %mul3A_579 : f32 to vector<16xf32>
            %mul3A_581 = arith.mulf %mul3A_580, %add3A_575 : vector<16xf32>
            %select_n3A_582 = arith.select %ge3A_578, %add3A_575, %mul3A_581 : vector<16xi1>, vector<16xf32>
            %mul3A_583 = arith.mulf %select_n3A_582, %get3A_238 : vector<16xf32>
            %add3A_584 = arith.addf %add3A_562, %mul3A_583 : vector<16xf32>
            %mul3A_585 = arith.constant 2 : i32
            %mul3A_586 = arith.muli %mul3A_585, %add3A_254 : i32
            %get3A_587 = arith.index_cast %mul3A_586 : i32 to index
            %get3A_588 = arith.constant 240 : index
            %get3A_589 = tpu.vector_load %arg12[%get3A_587, %get3A_588] {strides = array<i32>} : memref<64x256xf32, #tpu.memory_space<vmem>>, vector<16xf32>,
            %mul3A_590 = arith.constant 2 : i32
            %mul3A_591 = arith.muli %mul3A_590, %add3A_254 : i32
            %add3A_592 = arith.constant 1 : i32
            %add3A_593 = arith.addi %mul3A_591, %add3A_592 : i32
            %get3A_594 = arith.index_cast %add3A_593 : i32 to index
            %get3A_595 = arith.constant 240 : index
            %get3A_596 = tpu.vector_load %arg12[%get3A_594, %get3A_595] {strides = array<i32>} : memref<64x256xf32, #tpu.memory_space<vmem>>, vector<16xf32>,
            %add3A_597 = arith.addf %get3A_589, %get3A_596 : vector<16xf32>
            %ge3A_598 = arith.constant 0.000000e+00 : f32
            %ge3A_599 = vector.broadcast %ge3A_598 : f32 to vector<16xf32>
            %ge3A_600 = arith.cmpf oge, %add3A_597, %ge3A_599 : vector<16xf32>
            %mul3A_601 = arith.constant 2.000000e-01 : f32
            %mul3A_602 = vector.broadcast %mul3A_601 : f32 to vector<16xf32>
            %mul3A_603 = arith.mulf %mul3A_602, %add3A_597 : vector<16xf32>
            %select_n3A_604 = arith.select %ge3A_600, %add3A_597, %mul3A_603 : vector<16xi1>, vector<16xf32>
            %mul3A_605 = arith.mulf %select_n3A_604, %get3A_240 : vector<16xf32>
            %add3A_606 = arith.addf %add3A_584, %mul3A_605 : vector<16xf32>
            %reduce_sum3A = arith.constant true
            %reduce_sum3A_607 = vector.broadcast %reduce_sum3A : i1 to vector<16xi1>
            %reduce_sum3A_608 = tpu.scan <sum>, %add3A_606 masked %reduce_sum3A_607 : vector<16xf32>, vector<16xi1> -> vector<16xf32>
            %reduce_sum3A_609 = vector.extract %reduce_sum3A_608[15] : f32 from vector<16xf32>
            %mul3A_610 = arith.constant 32 : i32
            %mul3A_611 = arith.muli %add3A_130, %mul3A_610 : i32
            %add3A_612 = arith.addi %mul3A_611, %add3A_254 : i32
            %lt3A_613 = arith.cmpi slt, %add3A_612, %scan3A_33 : i32
            %convert_element_type3A_614 = arith.extui %lt3A_613 : i1 to i32
            %convert_element_type3A_615 = arith.sitofp %convert_element_type3A_614 : i32 to f32
            %broadcast_in_dim3A_616 = vector.broadcast %reduce_sum3A_609 : f32 to vector<16xf32>
            %exp3A = math.exp %broadcast_in_dim3A_616 : vector<16xf32>
            %mul3A_617 = vector.broadcast %convert_element_type3A_615 : f32 to vector<16xf32>
            %mul3A_618 = arith.mulf %mul3A_617, %exp3A : vector<16xf32>
            %shift_right_logical3A = arith.constant 4 : i32
            %shift_right_logical3A_619 = arith.shrui %add3A_254, %shift_right_logical3A : i32
            %mul3A_620 = arith.constant 16 : i32
            %mul3A_621 = arith.muli %shift_right_logical3A_619, %mul3A_620 : i32
            %get3A_622 = arith.index_cast %mul3A_621 : i32 to index
            %get3A_623 = tpu.vector_load %arg14[%get3A_622] {strides = array<i32>} : memref<32xi32, #tpu.memory_space<vmem>>, vector<16xi32>,
            %sub3A_624 = arith.subi %add3A_254, %mul3A_621 : i32
            %eq3A = vector.broadcast %sub3A_624 : i32 to vector<16xi32>
            %eq3A_625 = arith.cmpi eq, %iota3A, %eq3A : vector<16xi32>
            %sub3A_626 = arith.subi %add3A_254, %mul3A_621 : i32
            %broadcast_in_dim3A_627 = vector.broadcast %sub3A_626 : i32 to vector<16x1xi32>
            %gather3A_628 = vector.shape_cast %broadcast_in_dim3A_627 : vector<16x1xi32> to vector<16xi32>
            %gather3A_629 = tpu.dynamic_gather %get3A_623[%gather3A_628] in [0] : vector<16xi32>, vector<16xi32> -> vector<16xi32>
            %mul3A_630 = arith.constant 256 : i32
            %mul3A_631 = vector.broadcast %mul3A_630 : i32 to vector<16xi32>
            %mul3A_632 = arith.muli %gather3A_629, %mul3A_631 : vector<16xi32>
            %add3A_633 = arith.addi %mul3A_632, %iota3A : vector<16xi32>
            %add3A_634 = arith.constant 0 : i32
            %add3A_635 = vector.broadcast %add3A_634 : i32 to vector<16xi32>
            %add3A_636 = arith.addi %add3A_633, %add3A_635 : vector<16xi32>
            %mul3A_637 = arith.mulf %mul3A_618, %get3A_260 : vector<16xf32>
            tpu.vector_store_idx %arg8[%add3A_636], %mul3A_637 {add = true} : memref<81920xf32, #tpu.memory_space<vmem>>[vector<16xi32>], vector<16xf32>,
            %add3A_638 = arith.constant 16 : i32
            %add3A_639 = vector.broadcast %add3A_638 : i32 to vector<16xi32>
            %add3A_640 = arith.addi %add3A_633, %add3A_639 : vector<16xi32>
            %mul3A_641 = arith.mulf %mul3A_618, %get3A_281 : vector<16xf32>
            tpu.vector_store_idx %arg8[%add3A_640], %mul3A_641 {add = true} : memref<81920xf32, #tpu.memory_space<vmem>>[vector<16xi32>], vector<16xf32>,
            %add3A_642 = arith.constant 32 : i32
            %add3A_643 = vector.broadcast %add3A_642 : i32 to vector<16xi32>
            %add3A_644 = arith.addi %add3A_633, %add3A_643 : vector<16xi32>
            %mul3A_645 = arith.mulf %mul3A_618, %get3A_303 : vector<16xf32>
            tpu.vector_store_idx %arg8[%add3A_644], %mul3A_645 {add = true} : memref<81920xf32, #tpu.memory_space<vmem>>[vector<16xi32>], vector<16xf32>,
            %add3A_646 = arith.constant 48 : i32
            %add3A_647 = vector.broadcast %add3A_646 : i32 to vector<16xi32>
            %add3A_648 = arith.addi %add3A_633, %add3A_647 : vector<16xi32>
            %mul3A_649 = arith.mulf %mul3A_618, %get3A_325 : vector<16xf32>
            tpu.vector_store_idx %arg8[%add3A_648], %mul3A_649 {add = true} : memref<81920xf32, #tpu.memory_space<vmem>>[vector<16xi32>], vector<16xf32>,
            %add3A_650 = arith.constant 64 : i32
            %add3A_651 = vector.broadcast %add3A_650 : i32 to vector<16xi32>
            %add3A_652 = arith.addi %add3A_633, %add3A_651 : vector<16xi32>
            %mul3A_653 = arith.mulf %mul3A_618, %get3A_347 : vector<16xf32>
            tpu.vector_store_idx %arg8[%add3A_652], %mul3A_653 {add = true} : memref<81920xf32, #tpu.memory_space<vmem>>[vector<16xi32>], vector<16xf32>,
            %add3A_654 = arith.constant 80 : i32
            %add3A_655 = vector.broadcast %add3A_654 : i32 to vector<16xi32>
            %add3A_656 = arith.addi %add3A_633, %add3A_655 : vector<16xi32>
            %mul3A_657 = arith.mulf %mul3A_618, %get3A_369 : vector<16xf32>
            tpu.vector_store_idx %arg8[%add3A_656], %mul3A_657 {add = true} : memref<81920xf32, #tpu.memory_space<vmem>>[vector<16xi32>], vector<16xf32>,
            %add3A_658 = arith.constant 96 : i32
            %add3A_659 = vector.broadcast %add3A_658 : i32 to vector<16xi32>
            %add3A_660 = arith.addi %add3A_633, %add3A_659 : vector<16xi32>
            %mul3A_661 = arith.mulf %mul3A_618, %get3A_391 : vector<16xf32>
            tpu.vector_store_idx %arg8[%add3A_660], %mul3A_661 {add = true} : memref<81920xf32, #tpu.memory_space<vmem>>[vector<16xi32>], vector<16xf32>,
            %add3A_662 = arith.constant 112 : i32
            %add3A_663 = vector.broadcast %add3A_662 : i32 to vector<16xi32>
            %add3A_664 = arith.addi %add3A_633, %add3A_663 : vector<16xi32>
            %mul3A_665 = arith.mulf %mul3A_618, %get3A_413 : vector<16xf32>
            tpu.vector_store_idx %arg8[%add3A_664], %mul3A_665 {add = true} : memref<81920xf32, #tpu.memory_space<vmem>>[vector<16xi32>], vector<16xf32>,
            %add3A_666 = arith.constant 128 : i32
            %add3A_667 = vector.broadcast %add3A_666 : i32 to vector<16xi32>
            %add3A_668 = arith.addi %add3A_633, %add3A_667 : vector<16xi32>
            %mul3A_669 = arith.mulf %mul3A_618, %get3A_435 : vector<16xf32>
            tpu.vector_store_idx %arg8[%add3A_668], %mul3A_669 {add = true} : memref<81920xf32, #tpu.memory_space<vmem>>[vector<16xi32>], vector<16xf32>,
            %add3A_670 = arith.constant 144 : i32
            %add3A_671 = vector.broadcast %add3A_670 : i32 to vector<16xi32>
            %add3A_672 = arith.addi %add3A_633, %add3A_671 : vector<16xi32>
            %mul3A_673 = arith.mulf %mul3A_618, %get3A_457 : vector<16xf32>
            tpu.vector_store_idx %arg8[%add3A_672], %mul3A_673 {add = true} : memref<81920xf32, #tpu.memory_space<vmem>>[vector<16xi32>], vector<16xf32>,
            %add3A_674 = arith.constant 160 : i32
            %add3A_675 = vector.broadcast %add3A_674 : i32 to vector<16xi32>
            %add3A_676 = arith.addi %add3A_633, %add3A_675 : vector<16xi32>
            %mul3A_677 = arith.mulf %mul3A_618, %get3A_479 : vector<16xf32>
            tpu.vector_store_idx %arg8[%add3A_676], %mul3A_677 {add = true} : memref<81920xf32, #tpu.memory_space<vmem>>[vector<16xi32>], vector<16xf32>,
            %add3A_678 = arith.constant 176 : i32
            %add3A_679 = vector.broadcast %add3A_678 : i32 to vector<16xi32>
            %add3A_680 = arith.addi %add3A_633, %add3A_679 : vector<16xi32>
            %mul3A_681 = arith.mulf %mul3A_618, %get3A_501 : vector<16xf32>
            tpu.vector_store_idx %arg8[%add3A_680], %mul3A_681 {add = true} : memref<81920xf32, #tpu.memory_space<vmem>>[vector<16xi32>], vector<16xf32>,
            %add3A_682 = arith.constant 192 : i32
            %add3A_683 = vector.broadcast %add3A_682 : i32 to vector<16xi32>
            %add3A_684 = arith.addi %add3A_633, %add3A_683 : vector<16xi32>
            %mul3A_685 = arith.mulf %mul3A_618, %get3A_523 : vector<16xf32>
            tpu.vector_store_idx %arg8[%add3A_684], %mul3A_685 {add = true} : memref<81920xf32, #tpu.memory_space<vmem>>[vector<16xi32>], vector<16xf32>,
            %add3A_686 = arith.constant 208 : i32
            %add3A_687 = vector.broadcast %add3A_686 : i32 to vector<16xi32>
            %add3A_688 = arith.addi %add3A_633, %add3A_687 : vector<16xi32>
            %mul3A_689 = arith.mulf %mul3A_618, %get3A_545 : vector<16xf32>
            tpu.vector_store_idx %arg8[%add3A_688], %mul3A_689 {add = true} : memref<81920xf32, #tpu.memory_space<vmem>>[vector<16xi32>], vector<16xf32>,
            %add3A_690 = arith.constant 224 : i32
            %add3A_691 = vector.broadcast %add3A_690 : i32 to vector<16xi32>
            %add3A_692 = arith.addi %add3A_633, %add3A_691 : vector<16xi32>
            %mul3A_693 = arith.mulf %mul3A_618, %get3A_567 : vector<16xf32>
            tpu.vector_store_idx %arg8[%add3A_692], %mul3A_693 {add = true} : memref<81920xf32, #tpu.memory_space<vmem>>[vector<16xi32>], vector<16xf32>,
            %add3A_694 = arith.constant 240 : i32
            %add3A_695 = vector.broadcast %add3A_694 : i32 to vector<16xi32>
            %add3A_696 = arith.addi %add3A_633, %add3A_695 : vector<16xi32>
            %mul3A_697 = arith.mulf %mul3A_618, %get3A_589 : vector<16xf32>
            tpu.vector_store_idx %arg8[%add3A_696], %mul3A_697 {add = true} : memref<81920xf32, #tpu.memory_space<vmem>>[vector<16xi32>], vector<16xf32>,
            tpu.vector_store_idx %arg16[%get3A_623], %mul3A_618 masked %eq3A_625 {add = true} : memref<384xf32, #tpu.memory_space<vmem>>[vector<16xi32>], vector<16xf32>, vector<16xi1>
            %mul3A_698 = arith.constant 2 : i32
            %mul3A_699 = arith.muli %mul3A_698, %add3A_250 : i32
            %add3A_700 = arith.constant 1 : i32
            %add3A_701 = arith.addi %mul3A_699, %add3A_700 : i32
            %broadcast_in_dim3A_702 = arith.constant 0.000000e+00 : f32
            %broadcast_in_dim3A_703 = vector.broadcast %broadcast_in_dim3A_702 : f32 to vector<16xf32>
            %mul3A_704 = arith.constant 2 : i32
            %mul3A_705 = arith.muli %mul3A_704, %add3A_701 : i32
            %get3A_706 = arith.index_cast %mul3A_705 : i32 to index
            %get3A_707 = arith.constant 0 : index
            %get3A_708 = tpu.vector_load %arg12[%get3A_706, %get3A_707] {strides = array<i32>} : memref<64x256xf32, #tpu.memory_space<vmem>>, vector<16xf32>,
            %mul3A_709 = arith.constant 2 : i32
            %mul3A_710 = arith.muli %mul3A_709, %add3A_701 : i32
            %add3A_711 = arith.constant 1 : i32
            %add3A_712 = arith.addi %mul3A_710, %add3A_711 : i32
            %get3A_713 = arith.index_cast %add3A_712 : i32 to index
            %get3A_714 = arith.constant 0 : index
            %get3A_715 = tpu.vector_load %arg12[%get3A_713, %get3A_714] {strides = array<i32>} : memref<64x256xf32, #tpu.memory_space<vmem>>, vector<16xf32>,
            %add3A_716 = arith.addf %get3A_708, %get3A_715 : vector<16xf32>
            %ge3A_717 = arith.constant 0.000000e+00 : f32
            %ge3A_718 = vector.broadcast %ge3A_717 : f32 to vector<16xf32>
            %ge3A_719 = arith.cmpf oge, %add3A_716, %ge3A_718 : vector<16xf32>
            %mul3A_720 = arith.constant 2.000000e-01 : f32
            %mul3A_721 = vector.broadcast %mul3A_720 : f32 to vector<16xf32>
            %mul3A_722 = arith.mulf %mul3A_721, %add3A_716 : vector<16xf32>
            %select_n3A_723 = arith.select %ge3A_719, %add3A_716, %mul3A_722 : vector<16xi1>, vector<16xf32>
            %mul3A_724 = arith.mulf %select_n3A_723, %get3A_210 : vector<16xf32>
            %add3A_725 = arith.addf %broadcast_in_dim3A_703, %mul3A_724 : vector<16xf32>
            %mul3A_726 = arith.constant 2 : i32
            %mul3A_727 = arith.muli %mul3A_726, %add3A_701 : i32
            %get3A_728 = arith.index_cast %mul3A_727 : i32 to index
            %get3A_729 = arith.constant 16 : index
            %get3A_730 = tpu.vector_load %arg12[%get3A_728, %get3A_729] {strides = array<i32>} : memref<64x256xf32, #tpu.memory_space<vmem>>, vector<16xf32>,
            %mul3A_731 = arith.constant 2 : i32
            %mul3A_732 = arith.muli %mul3A_731, %add3A_701 : i32
            %add3A_733 = arith.constant 1 : i32
            %add3A_734 = arith.addi %mul3A_732, %add3A_733 : i32
            %get3A_735 = arith.index_cast %add3A_734 : i32 to index
            %get3A_736 = arith.constant 16 : index
            %get3A_737 = tpu.vector_load %arg12[%get3A_735, %get3A_736] {strides = array<i32>} : memref<64x256xf32, #tpu.memory_space<vmem>>, vector<16xf32>,
            %add3A_738 = arith.addf %get3A_730, %get3A_737 : vector<16xf32>
            %ge3A_739 = arith.constant 0.000000e+00 : f32
            %ge3A_740 = vector.broadcast %ge3A_739 : f32 to vector<16xf32>
            %ge3A_741 = arith.cmpf oge, %add3A_738, %ge3A_740 : vector<16xf32>
            %mul3A_742 = arith.constant 2.000000e-01 : f32
            %mul3A_743 = vector.broadcast %mul3A_742 : f32 to vector<16xf32>
            %mul3A_744 = arith.mulf %mul3A_743, %add3A_738 : vector<16xf32>
            %select_n3A_745 = arith.select %ge3A_741, %add3A_738, %mul3A_744 : vector<16xi1>, vector<16xf32>
            %mul3A_746 = arith.mulf %select_n3A_745, %get3A_212 : vector<16xf32>
            %add3A_747 = arith.addf %add3A_725, %mul3A_746 : vector<16xf32>
            %mul3A_748 = arith.constant 2 : i32
            %mul3A_749 = arith.muli %mul3A_748, %add3A_701 : i32
            %get3A_750 = arith.index_cast %mul3A_749 : i32 to index
            %get3A_751 = arith.constant 32 : index
            %get3A_752 = tpu.vector_load %arg12[%get3A_750, %get3A_751] {strides = array<i32>} : memref<64x256xf32, #tpu.memory_space<vmem>>, vector<16xf32>,
            %mul3A_753 = arith.constant 2 : i32
            %mul3A_754 = arith.muli %mul3A_753, %add3A_701 : i32
            %add3A_755 = arith.constant 1 : i32
            %add3A_756 = arith.addi %mul3A_754, %add3A_755 : i32
            %get3A_757 = arith.index_cast %add3A_756 : i32 to index
            %get3A_758 = arith.constant 32 : index
            %get3A_759 = tpu.vector_load %arg12[%get3A_757, %get3A_758] {strides = array<i32>} : memref<64x256xf32, #tpu.memory_space<vmem>>, vector<16xf32>,
            %add3A_760 = arith.addf %get3A_752, %get3A_759 : vector<16xf32>
            %ge3A_761 = arith.constant 0.000000e+00 : f32
            %ge3A_762 = vector.broadcast %ge3A_761 : f32 to vector<16xf32>
            %ge3A_763 = arith.cmpf oge, %add3A_760, %ge3A_762 : vector<16xf32>
            %mul3A_764 = arith.constant 2.000000e-01 : f32
            %mul3A_765 = vector.broadcast %mul3A_764 : f32 to vector<16xf32>
            %mul3A_766 = arith.mulf %mul3A_765, %add3A_760 : vector<16xf32>
            %select_n3A_767 = arith.select %ge3A_763, %add3A_760, %mul3A_766 : vector<16xi1>, vector<16xf32>
            %mul3A_768 = arith.mulf %select_n3A_767, %get3A_214 : vector<16xf32>
            %add3A_769 = arith.addf %add3A_747, %mul3A_768 : vector<16xf32>
            %mul3A_770 = arith.constant 2 : i32
            %mul3A_771 = arith.muli %mul3A_770, %add3A_701 : i32
            %get3A_772 = arith.index_cast %mul3A_771 : i32 to index
            %get3A_773 = arith.constant 48 : index
            %get3A_774 = tpu.vector_load %arg12[%get3A_772, %get3A_773] {strides = array<i32>} : memref<64x256xf32, #tpu.memory_space<vmem>>, vector<16xf32>,
            %mul3A_775 = arith.constant 2 : i32
            %mul3A_776 = arith.muli %mul3A_775, %add3A_701 : i32
            %add3A_777 = arith.constant 1 : i32
            %add3A_778 = arith.addi %mul3A_776, %add3A_777 : i32
            %get3A_779 = arith.index_cast %add3A_778 : i32 to index
            %get3A_780 = arith.constant 48 : index
            %get3A_781 = tpu.vector_load %arg12[%get3A_779, %get3A_780] {strides = array<i32>} : memref<64x256xf32, #tpu.memory_space<vmem>>, vector<16xf32>,
            %add3A_782 = arith.addf %get3A_774, %get3A_781 : vector<16xf32>
            %ge3A_783 = arith.constant 0.000000e+00 : f32
            %ge3A_784 = vector.broadcast %ge3A_783 : f32 to vector<16xf32>
            %ge3A_785 = arith.cmpf oge, %add3A_782, %ge3A_784 : vector<16xf32>
            %mul3A_786 = arith.constant 2.000000e-01 : f32
            %mul3A_787 = vector.broadcast %mul3A_786 : f32 to vector<16xf32>
            %mul3A_788 = arith.mulf %mul3A_787, %add3A_782 : vector<16xf32>
            %select_n3A_789 = arith.select %ge3A_785, %add3A_782, %mul3A_788 : vector<16xi1>, vector<16xf32>
            %mul3A_790 = arith.mulf %select_n3A_789, %get3A_216 : vector<16xf32>
            %add3A_791 = arith.addf %add3A_769, %mul3A_790 : vector<16xf32>
            %mul3A_792 = arith.constant 2 : i32
            %mul3A_793 = arith.muli %mul3A_792, %add3A_701 : i32
            %get3A_794 = arith.index_cast %mul3A_793 : i32 to index
            %get3A_795 = arith.constant 64 : index
            %get3A_796 = tpu.vector_load %arg12[%get3A_794, %get3A_795] {strides = array<i32>} : memref<64x256xf32, #tpu.memory_space<vmem>>, vector<16xf32>,
            %mul3A_797 = arith.constant 2 : i32
            %mul3A_798 = arith.muli %mul3A_797, %add3A_701 : i32
            %add3A_799 = arith.constant 1 : i32
            %add3A_800 = arith.addi %mul3A_798, %add3A_799 : i32
            %get3A_801 = arith.index_cast %add3A_800 : i32 to index
            %get3A_802 = arith.constant 64 : index
            %get3A_803 = tpu.vector_load %arg12[%get3A_801, %get3A_802] {strides = array<i32>} : memref<64x256xf32, #tpu.memory_space<vmem>>, vector<16xf32>,
            %add3A_804 = arith.addf %get3A_796, %get3A_803 : vector<16xf32>
            %ge3A_805 = arith.constant 0.000000e+00 : f32
            %ge3A_806 = vector.broadcast %ge3A_805 : f32 to vector<16xf32>
            %ge3A_807 = arith.cmpf oge, %add3A_804, %ge3A_806 : vector<16xf32>
            %mul3A_808 = arith.constant 2.000000e-01 : f32
            %mul3A_809 = vector.broadcast %mul3A_808 : f32 to vector<16xf32>
            %mul3A_810 = arith.mulf %mul3A_809, %add3A_804 : vector<16xf32>
            %select_n3A_811 = arith.select %ge3A_807, %add3A_804, %mul3A_810 : vector<16xi1>, vector<16xf32>
            %mul3A_812 = arith.mulf %select_n3A_811, %get3A_218 : vector<16xf32>
            %add3A_813 = arith.addf %add3A_791, %mul3A_812 : vector<16xf32>
            %mul3A_814 = arith.constant 2 : i32
            %mul3A_815 = arith.muli %mul3A_814, %add3A_701 : i32
            %get3A_816 = arith.index_cast %mul3A_815 : i32 to index
            %get3A_817 = arith.constant 80 : index
            %get3A_818 = tpu.vector_load %arg12[%get3A_816, %get3A_817] {strides = array<i32>} : memref<64x256xf32, #tpu.memory_space<vmem>>, vector<16xf32>,
            %mul3A_819 = arith.constant 2 : i32
            %mul3A_820 = arith.muli %mul3A_819, %add3A_701 : i32
            %add3A_821 = arith.constant 1 : i32
            %add3A_822 = arith.addi %mul3A_820, %add3A_821 : i32
            %get3A_823 = arith.index_cast %add3A_822 : i32 to index
            %get3A_824 = arith.constant 80 : index
            %get3A_825 = tpu.vector_load %arg12[%get3A_823, %get3A_824] {strides = array<i32>} : memref<64x256xf32, #tpu.memory_space<vmem>>, vector<16xf32>,
            %add3A_826 = arith.addf %get3A_818, %get3A_825 : vector<16xf32>
            %ge3A_827 = arith.constant 0.000000e+00 : f32
            %ge3A_828 = vector.broadcast %ge3A_827 : f32 to vector<16xf32>
            %ge3A_829 = arith.cmpf oge, %add3A_826, %ge3A_828 : vector<16xf32>
            %mul3A_830 = arith.constant 2.000000e-01 : f32
            %mul3A_831 = vector.broadcast %mul3A_830 : f32 to vector<16xf32>
            %mul3A_832 = arith.mulf %mul3A_831, %add3A_826 : vector<16xf32>
            %select_n3A_833 = arith.select %ge3A_829, %add3A_826, %mul3A_832 : vector<16xi1>, vector<16xf32>
            %mul3A_834 = arith.mulf %select_n3A_833, %get3A_220 : vector<16xf32>
            %add3A_835 = arith.addf %add3A_813, %mul3A_834 : vector<16xf32>
            %mul3A_836 = arith.constant 2 : i32
            %mul3A_837 = arith.muli %mul3A_836, %add3A_701 : i32
            %get3A_838 = arith.index_cast %mul3A_837 : i32 to index
            %get3A_839 = arith.constant 96 : index
            %get3A_840 = tpu.vector_load %arg12[%get3A_838, %get3A_839] {strides = array<i32>} : memref<64x256xf32, #tpu.memory_space<vmem>>, vector<16xf32>,
            %mul3A_841 = arith.constant 2 : i32
            %mul3A_842 = arith.muli %mul3A_841, %add3A_701 : i32
            %add3A_843 = arith.constant 1 : i32
            %add3A_844 = arith.addi %mul3A_842, %add3A_843 : i32
            %get3A_845 = arith.index_cast %add3A_844 : i32 to index
            %get3A_846 = arith.constant 96 : index
            %get3A_847 = tpu.vector_load %arg12[%get3A_845, %get3A_846] {strides = array<i32>} : memref<64x256xf32, #tpu.memory_space<vmem>>, vector<16xf32>,
            %add3A_848 = arith.addf %get3A_840, %get3A_847 : vector<16xf32>
            %ge3A_849 = arith.constant 0.000000e+00 : f32
            %ge3A_850 = vector.broadcast %ge3A_849 : f32 to vector<16xf32>
            %ge3A_851 = arith.cmpf oge, %add3A_848, %ge3A_850 : vector<16xf32>
            %mul3A_852 = arith.constant 2.000000e-01 : f32
            %mul3A_853 = vector.broadcast %mul3A_852 : f32 to vector<16xf32>
            %mul3A_854 = arith.mulf %mul3A_853, %add3A_848 : vector<16xf32>
            %select_n3A_855 = arith.select %ge3A_851, %add3A_848, %mul3A_854 : vector<16xi1>, vector<16xf32>
            %mul3A_856 = arith.mulf %select_n3A_855, %get3A_222 : vector<16xf32>
            %add3A_857 = arith.addf %add3A_835, %mul3A_856 : vector<16xf32>
            %mul3A_858 = arith.constant 2 : i32
            %mul3A_859 = arith.muli %mul3A_858, %add3A_701 : i32
            %get3A_860 = arith.index_cast %mul3A_859 : i32 to index
            %get3A_861 = arith.constant 112 : index
            %get3A_862 = tpu.vector_load %arg12[%get3A_860, %get3A_861] {strides = array<i32>} : memref<64x256xf32, #tpu.memory_space<vmem>>, vector<16xf32>,
            %mul3A_863 = arith.constant 2 : i32
            %mul3A_864 = arith.muli %mul3A_863, %add3A_701 : i32
            %add3A_865 = arith.constant 1 : i32
            %add3A_866 = arith.addi %mul3A_864, %add3A_865 : i32
            %get3A_867 = arith.index_cast %add3A_866 : i32 to index
            %get3A_868 = arith.constant 112 : index
            %get3A_869 = tpu.vector_load %arg12[%get3A_867, %get3A_868] {strides = array<i32>} : memref<64x256xf32, #tpu.memory_space<vmem>>, vector<16xf32>,
            %add3A_870 = arith.addf %get3A_862, %get3A_869 : vector<16xf32>
            %ge3A_871 = arith.constant 0.000000e+00 : f32
            %ge3A_872 = vector.broadcast %ge3A_871 : f32 to vector<16xf32>
            %ge3A_873 = arith.cmpf oge, %add3A_870, %ge3A_872 : vector<16xf32>
            %mul3A_874 = arith.constant 2.000000e-01 : f32
            %mul3A_875 = vector.broadcast %mul3A_874 : f32 to vector<16xf32>
            %mul3A_876 = arith.mulf %mul3A_875, %add3A_870 : vector<16xf32>
            %select_n3A_877 = arith.select %ge3A_873, %add3A_870, %mul3A_876 : vector<16xi1>, vector<16xf32>
            %mul3A_878 = arith.mulf %select_n3A_877, %get3A_224 : vector<16xf32>
            %add3A_879 = arith.addf %add3A_857, %mul3A_878 : vector<16xf32>
            %mul3A_880 = arith.constant 2 : i32
            %mul3A_881 = arith.muli %mul3A_880, %add3A_701 : i32
            %get3A_882 = arith.index_cast %mul3A_881 : i32 to index
            %get3A_883 = arith.constant 128 : index
            %get3A_884 = tpu.vector_load %arg12[%get3A_882, %get3A_883] {strides = array<i32>} : memref<64x256xf32, #tpu.memory_space<vmem>>, vector<16xf32>,
            %mul3A_885 = arith.constant 2 : i32
            %mul3A_886 = arith.muli %mul3A_885, %add3A_701 : i32
            %add3A_887 = arith.constant 1 : i32
            %add3A_888 = arith.addi %mul3A_886, %add3A_887 : i32
            %get3A_889 = arith.index_cast %add3A_888 : i32 to index
            %get3A_890 = arith.constant 128 : index
            %get3A_891 = tpu.vector_load %arg12[%get3A_889, %get3A_890] {strides = array<i32>} : memref<64x256xf32, #tpu.memory_space<vmem>>, vector<16xf32>,
            %add3A_892 = arith.addf %get3A_884, %get3A_891 : vector<16xf32>
            %ge3A_893 = arith.constant 0.000000e+00 : f32
            %ge3A_894 = vector.broadcast %ge3A_893 : f32 to vector<16xf32>
            %ge3A_895 = arith.cmpf oge, %add3A_892, %ge3A_894 : vector<16xf32>
            %mul3A_896 = arith.constant 2.000000e-01 : f32
            %mul3A_897 = vector.broadcast %mul3A_896 : f32 to vector<16xf32>
            %mul3A_898 = arith.mulf %mul3A_897, %add3A_892 : vector<16xf32>
            %select_n3A_899 = arith.select %ge3A_895, %add3A_892, %mul3A_898 : vector<16xi1>, vector<16xf32>
            %mul3A_900 = arith.mulf %select_n3A_899, %get3A_226 : vector<16xf32>
            %add3A_901 = arith.addf %add3A_879, %mul3A_900 : vector<16xf32>
            %mul3A_902 = arith.constant 2 : i32
            %mul3A_903 = arith.muli %mul3A_902, %add3A_701 : i32
            %get3A_904 = arith.index_cast %mul3A_903 : i32 to index
            %get3A_905 = arith.constant 144 : index
            %get3A_906 = tpu.vector_load %arg12[%get3A_904, %get3A_905] {strides = array<i32>} : memref<64x256xf32, #tpu.memory_space<vmem>>, vector<16xf32>,
            %mul3A_907 = arith.constant 2 : i32
            %mul3A_908 = arith.muli %mul3A_907, %add3A_701 : i32
            %add3A_909 = arith.constant 1 : i32
            %add3A_910 = arith.addi %mul3A_908, %add3A_909 : i32
            %get3A_911 = arith.index_cast %add3A_910 : i32 to index
            %get3A_912 = arith.constant 144 : index
            %get3A_913 = tpu.vector_load %arg12[%get3A_911, %get3A_912] {strides = array<i32>} : memref<64x256xf32, #tpu.memory_space<vmem>>, vector<16xf32>,
            %add3A_914 = arith.addf %get3A_906, %get3A_913 : vector<16xf32>
            %ge3A_915 = arith.constant 0.000000e+00 : f32
            %ge3A_916 = vector.broadcast %ge3A_915 : f32 to vector<16xf32>
            %ge3A_917 = arith.cmpf oge, %add3A_914, %ge3A_916 : vector<16xf32>
            %mul3A_918 = arith.constant 2.000000e-01 : f32
            %mul3A_919 = vector.broadcast %mul3A_918 : f32 to vector<16xf32>
            %mul3A_920 = arith.mulf %mul3A_919, %add3A_914 : vector<16xf32>
            %select_n3A_921 = arith.select %ge3A_917, %add3A_914, %mul3A_920 : vector<16xi1>, vector<16xf32>
            %mul3A_922 = arith.mulf %select_n3A_921, %get3A_228 : vector<16xf32>
            %add3A_923 = arith.addf %add3A_901, %mul3A_922 : vector<16xf32>
            %mul3A_924 = arith.constant 2 : i32
            %mul3A_925 = arith.muli %mul3A_924, %add3A_701 : i32
            %get3A_926 = arith.index_cast %mul3A_925 : i32 to index
            %get3A_927 = arith.constant 160 : index
            %get3A_928 = tpu.vector_load %arg12[%get3A_926, %get3A_927] {strides = array<i32>} : memref<64x256xf32, #tpu.memory_space<vmem>>, vector<16xf32>,
            %mul3A_929 = arith.constant 2 : i32
            %mul3A_930 = arith.muli %mul3A_929, %add3A_701 : i32
            %add3A_931 = arith.constant 1 : i32
            %add3A_932 = arith.addi %mul3A_930, %add3A_931 : i32
            %get3A_933 = arith.index_cast %add3A_932 : i32 to index
            %get3A_934 = arith.constant 160 : index
            %get3A_935 = tpu.vector_load %arg12[%get3A_933, %get3A_934] {strides = array<i32>} : memref<64x256xf32, #tpu.memory_space<vmem>>, vector<16xf32>,
            %add3A_936 = arith.addf %get3A_928, %get3A_935 : vector<16xf32>
            %ge3A_937 = arith.constant 0.000000e+00 : f32
            %ge3A_938 = vector.broadcast %ge3A_937 : f32 to vector<16xf32>
            %ge3A_939 = arith.cmpf oge, %add3A_936, %ge3A_938 : vector<16xf32>
            %mul3A_940 = arith.constant 2.000000e-01 : f32
            %mul3A_941 = vector.broadcast %mul3A_940 : f32 to vector<16xf32>
            %mul3A_942 = arith.mulf %mul3A_941, %add3A_936 : vector<16xf32>
            %select_n3A_943 = arith.select %ge3A_939, %add3A_936, %mul3A_942 : vector<16xi1>, vector<16xf32>
            %mul3A_944 = arith.mulf %select_n3A_943, %get3A_230 : vector<16xf32>
            %add3A_945 = arith.addf %add3A_923, %mul3A_944 : vector<16xf32>
            %mul3A_946 = arith.constant 2 : i32
            %mul3A_947 = arith.muli %mul3A_946, %add3A_701 : i32
            %get3A_948 = arith.index_cast %mul3A_947 : i32 to index
            %get3A_949 = arith.constant 176 : index
            %get3A_950 = tpu.vector_load %arg12[%get3A_948, %get3A_949] {strides = array<i32>} : memref<64x256xf32, #tpu.memory_space<vmem>>, vector<16xf32>,
            %mul3A_951 = arith.constant 2 : i32
            %mul3A_952 = arith.muli %mul3A_951, %add3A_701 : i32
            %add3A_953 = arith.constant 1 : i32
            %add3A_954 = arith.addi %mul3A_952, %add3A_953 : i32
            %get3A_955 = arith.index_cast %add3A_954 : i32 to index
            %get3A_956 = arith.constant 176 : index
            %get3A_957 = tpu.vector_load %arg12[%get3A_955, %get3A_956] {strides = array<i32>} : memref<64x256xf32, #tpu.memory_space<vmem>>, vector<16xf32>,
            %add3A_958 = arith.addf %get3A_950, %get3A_957 : vector<16xf32>
            %ge3A_959 = arith.constant 0.000000e+00 : f32
            %ge3A_960 = vector.broadcast %ge3A_959 : f32 to vector<16xf32>
            %ge3A_961 = arith.cmpf oge, %add3A_958, %ge3A_960 : vector<16xf32>
            %mul3A_962 = arith.constant 2.000000e-01 : f32
            %mul3A_963 = vector.broadcast %mul3A_962 : f32 to vector<16xf32>
            %mul3A_964 = arith.mulf %mul3A_963, %add3A_958 : vector<16xf32>
            %select_n3A_965 = arith.select %ge3A_961, %add3A_958, %mul3A_964 : vector<16xi1>, vector<16xf32>
            %mul3A_966 = arith.mulf %select_n3A_965, %get3A_232 : vector<16xf32>
            %add3A_967 = arith.addf %add3A_945, %mul3A_966 : vector<16xf32>
            %mul3A_968 = arith.constant 2 : i32
            %mul3A_969 = arith.muli %mul3A_968, %add3A_701 : i32
            %get3A_970 = arith.index_cast %mul3A_969 : i32 to index
            %get3A_971 = arith.constant 192 : index
            %get3A_972 = tpu.vector_load %arg12[%get3A_970, %get3A_971] {strides = array<i32>} : memref<64x256xf32, #tpu.memory_space<vmem>>, vector<16xf32>,
            %mul3A_973 = arith.constant 2 : i32
            %mul3A_974 = arith.muli %mul3A_973, %add3A_701 : i32
            %add3A_975 = arith.constant 1 : i32
            %add3A_976 = arith.addi %mul3A_974, %add3A_975 : i32
            %get3A_977 = arith.index_cast %add3A_976 : i32 to index
            %get3A_978 = arith.constant 192 : index
            %get3A_979 = tpu.vector_load %arg12[%get3A_977, %get3A_978] {strides = array<i32>} : memref<64x256xf32, #tpu.memory_space<vmem>>, vector<16xf32>,
            %add3A_980 = arith.addf %get3A_972, %get3A_979 : vector<16xf32>
            %ge3A_981 = arith.constant 0.000000e+00 : f32
            %ge3A_982 = vector.broadcast %ge3A_981 : f32 to vector<16xf32>
            %ge3A_983 = arith.cmpf oge, %add3A_980, %ge3A_982 : vector<16xf32>
            %mul3A_984 = arith.constant 2.000000e-01 : f32
            %mul3A_985 = vector.broadcast %mul3A_984 : f32 to vector<16xf32>
            %mul3A_986 = arith.mulf %mul3A_985, %add3A_980 : vector<16xf32>
            %select_n3A_987 = arith.select %ge3A_983, %add3A_980, %mul3A_986 : vector<16xi1>, vector<16xf32>
            %mul3A_988 = arith.mulf %select_n3A_987, %get3A_234 : vector<16xf32>
            %add3A_989 = arith.addf %add3A_967, %mul3A_988 : vector<16xf32>
            %mul3A_990 = arith.constant 2 : i32
            %mul3A_991 = arith.muli %mul3A_990, %add3A_701 : i32
            %get3A_992 = arith.index_cast %mul3A_991 : i32 to index
            %get3A_993 = arith.constant 208 : index
            %get3A_994 = tpu.vector_load %arg12[%get3A_992, %get3A_993] {strides = array<i32>} : memref<64x256xf32, #tpu.memory_space<vmem>>, vector<16xf32>,
            %mul3A_995 = arith.constant 2 : i32
            %mul3A_996 = arith.muli %mul3A_995, %add3A_701 : i32
            %add3A_997 = arith.constant 1 : i32
            %add3A_998 = arith.addi %mul3A_996, %add3A_997 : i32
            %get3A_999 = arith.index_cast %add3A_998 : i32 to index
            %get3A_1000 = arith.constant 208 : index
            %get3A_1001 = tpu.vector_load %arg12[%get3A_999, %get3A_1000] {strides = array<i32>} : memref<64x256xf32, #tpu.memory_space<vmem>>, vector<16xf32>,
            %add3A_1002 = arith.addf %get3A_994, %get3A_1001 : vector<16xf32>
            %ge3A_1003 = arith.constant 0.000000e+00 : f32
            %ge3A_1004 = vector.broadcast %ge3A_1003 : f32 to vector<16xf32>
            %ge3A_1005 = arith.cmpf oge, %add3A_1002, %ge3A_1004 : vector<16xf32>
            %mul3A_1006 = arith.constant 2.000000e-01 : f32
            %mul3A_1007 = vector.broadcast %mul3A_1006 : f32 to vector<16xf32>
            %mul3A_1008 = arith.mulf %mul3A_1007, %add3A_1002 : vector<16xf32>
            %select_n3A_1009 = arith.select %ge3A_1005, %add3A_1002, %mul3A_1008 : vector<16xi1>, vector<16xf32>
            %mul3A_1010 = arith.mulf %select_n3A_1009, %get3A_236 : vector<16xf32>
            %add3A_1011 = arith.addf %add3A_989, %mul3A_1010 : vector<16xf32>
            %mul3A_1012 = arith.constant 2 : i32
            %mul3A_1013 = arith.muli %mul3A_1012, %add3A_701 : i32
            %get3A_1014 = arith.index_cast %mul3A_1013 : i32 to index
            %get3A_1015 = arith.constant 224 : index
            %get3A_1016 = tpu.vector_load %arg12[%get3A_1014, %get3A_1015] {strides = array<i32>} : memref<64x256xf32, #tpu.memory_space<vmem>>, vector<16xf32>,
            %mul3A_1017 = arith.constant 2 : i32
            %mul3A_1018 = arith.muli %mul3A_1017, %add3A_701 : i32
            %add3A_1019 = arith.constant 1 : i32
            %add3A_1020 = arith.addi %mul3A_1018, %add3A_1019 : i32
            %get3A_1021 = arith.index_cast %add3A_1020 : i32 to index
            %get3A_1022 = arith.constant 224 : index
            %get3A_1023 = tpu.vector_load %arg12[%get3A_1021, %get3A_1022] {strides = array<i32>} : memref<64x256xf32, #tpu.memory_space<vmem>>, vector<16xf32>,
            %add3A_1024 = arith.addf %get3A_1016, %get3A_1023 : vector<16xf32>
            %ge3A_1025 = arith.constant 0.000000e+00 : f32
            %ge3A_1026 = vector.broadcast %ge3A_1025 : f32 to vector<16xf32>
            %ge3A_1027 = arith.cmpf oge, %add3A_1024, %ge3A_1026 : vector<16xf32>
            %mul3A_1028 = arith.constant 2.000000e-01 : f32
            %mul3A_1029 = vector.broadcast %mul3A_1028 : f32 to vector<16xf32>
            %mul3A_1030 = arith.mulf %mul3A_1029, %add3A_1024 : vector<16xf32>
            %select_n3A_1031 = arith.select %ge3A_1027, %add3A_1024, %mul3A_1030 : vector<16xi1>, vector<16xf32>
            %mul3A_1032 = arith.mulf %select_n3A_1031, %get3A_238 : vector<16xf32>
            %add3A_1033 = arith.addf %add3A_1011, %mul3A_1032 : vector<16xf32>
            %mul3A_1034 = arith.constant 2 : i32
            %mul3A_1035 = arith.muli %mul3A_1034, %add3A_701 : i32
            %get3A_1036 = arith.index_cast %mul3A_1035 : i32 to index
            %get3A_1037 = arith.constant 240 : index
            %get3A_1038 = tpu.vector_load %arg12[%get3A_1036, %get3A_1037] {strides = array<i32>} : memref<64x256xf32, #tpu.memory_space<vmem>>, vector<16xf32>,
            %mul3A_1039 = arith.constant 2 : i32
            %mul3A_1040 = arith.muli %mul3A_1039, %add3A_701 : i32
            %add3A_1041 = arith.constant 1 : i32
            %add3A_1042 = arith.addi %mul3A_1040, %add3A_1041 : i32
            %get3A_1043 = arith.index_cast %add3A_1042 : i32 to index
            %get3A_1044 = arith.constant 240 : index
            %get3A_1045 = tpu.vector_load %arg12[%get3A_1043, %get3A_1044] {strides = array<i32>} : memref<64x256xf32, #tpu.memory_space<vmem>>, vector<16xf32>,
            %add3A_1046 = arith.addf %get3A_1038, %get3A_1045 : vector<16xf32>
            %ge3A_1047 = arith.constant 0.000000e+00 : f32
            %ge3A_1048 = vector.broadcast %ge3A_1047 : f32 to vector<16xf32>
            %ge3A_1049 = arith.cmpf oge, %add3A_1046, %ge3A_1048 : vector<16xf32>
            %mul3A_1050 = arith.constant 2.000000e-01 : f32
            %mul3A_1051 = vector.broadcast %mul3A_1050 : f32 to vector<16xf32>
            %mul3A_1052 = arith.mulf %mul3A_1051, %add3A_1046 : vector<16xf32>
            %select_n3A_1053 = arith.select %ge3A_1049, %add3A_1046, %mul3A_1052 : vector<16xi1>, vector<16xf32>
            %mul3A_1054 = arith.mulf %select_n3A_1053, %get3A_240 : vector<16xf32>
            %add3A_1055 = arith.addf %add3A_1033, %mul3A_1054 : vector<16xf32>
            %reduce_sum3A_1056 = arith.constant true
            %reduce_sum3A_1057 = vector.broadcast %reduce_sum3A_1056 : i1 to vector<16xi1>
            %reduce_sum3A_1058 = tpu.scan <sum>, %add3A_1055 masked %reduce_sum3A_1057 : vector<16xf32>, vector<16xi1> -> vector<16xf32>
            %reduce_sum3A_1059 = vector.extract %reduce_sum3A_1058[15] : f32 from vector<16xf32>
            %mul3A_1060 = arith.constant 32 : i32
            %mul3A_1061 = arith.muli %add3A_130, %mul3A_1060 : i32
            %add3A_1062 = arith.addi %mul3A_1061, %add3A_701 : i32
            %lt3A_1063 = arith.cmpi slt, %add3A_1062, %scan3A_33 : i32
            %convert_element_type3A_1064 = arith.extui %lt3A_1063 : i1 to i32
            %convert_element_type3A_1065 = arith.sitofp %convert_element_type3A_1064 : i32 to f32
            %broadcast_in_dim3A_1066 = vector.broadcast %reduce_sum3A_1059 : f32 to vector<16xf32>
            %exp3A_1067 = math.exp %broadcast_in_dim3A_1066 : vector<16xf32>
            %mul3A_1068 = vector.broadcast %convert_element_type3A_1065 : f32 to vector<16xf32>
            %mul3A_1069 = arith.mulf %mul3A_1068, %exp3A_1067 : vector<16xf32>
            %shift_right_logical3A_1070 = arith.constant 4 : i32
            %shift_right_logical3A_1071 = arith.shrui %add3A_701, %shift_right_logical3A_1070 : i32
            %mul3A_1072 = arith.constant 16 : i32
            %mul3A_1073 = arith.muli %shift_right_logical3A_1071, %mul3A_1072 : i32
            %get3A_1074 = arith.index_cast %mul3A_1073 : i32 to index
            %get3A_1075 = tpu.vector_load %arg14[%get3A_1074] {strides = array<i32>} : memref<32xi32, #tpu.memory_space<vmem>>, vector<16xi32>,
            %sub3A_1076 = arith.subi %add3A_701, %mul3A_1073 : i32
            %eq3A_1077 = vector.broadcast %sub3A_1076 : i32 to vector<16xi32>
            %eq3A_1078 = arith.cmpi eq, %iota3A, %eq3A_1077 : vector<16xi32>
            %sub3A_1079 = arith.subi %add3A_701, %mul3A_1073 : i32
            %broadcast_in_dim3A_1080 = vector.broadcast %sub3A_1079 : i32 to vector<16x1xi32>
            %gather3A_1081 = vector.shape_cast %broadcast_in_dim3A_1080 : vector<16x1xi32> to vector<16xi32>
            %gather3A_1082 = tpu.dynamic_gather %get3A_1075[%gather3A_1081] in [0] : vector<16xi32>, vector<16xi32> -> vector<16xi32>
            %mul3A_1083 = arith.constant 256 : i32
            %mul3A_1084 = vector.broadcast %mul3A_1083 : i32 to vector<16xi32>
            %mul3A_1085 = arith.muli %gather3A_1082, %mul3A_1084 : vector<16xi32>
            %add3A_1086 = arith.addi %mul3A_1085, %iota3A : vector<16xi32>
            %add3A_1087 = arith.constant 0 : i32
            %add3A_1088 = vector.broadcast %add3A_1087 : i32 to vector<16xi32>
            %add3A_1089 = arith.addi %add3A_1086, %add3A_1088 : vector<16xi32>
            %mul3A_1090 = arith.mulf %mul3A_1069, %get3A_708 : vector<16xf32>
            tpu.vector_store_idx %arg8[%add3A_1089], %mul3A_1090 {add = true} : memref<81920xf32, #tpu.memory_space<vmem>>[vector<16xi32>], vector<16xf32>,
            %add3A_1091 = arith.constant 16 : i32
            %add3A_1092 = vector.broadcast %add3A_1091 : i32 to vector<16xi32>
            %add3A_1093 = arith.addi %add3A_1086, %add3A_1092 : vector<16xi32>
            %mul3A_1094 = arith.mulf %mul3A_1069, %get3A_730 : vector<16xf32>
            tpu.vector_store_idx %arg8[%add3A_1093], %mul3A_1094 {add = true} : memref<81920xf32, #tpu.memory_space<vmem>>[vector<16xi32>], vector<16xf32>,
            %add3A_1095 = arith.constant 32 : i32
            %add3A_1096 = vector.broadcast %add3A_1095 : i32 to vector<16xi32>
            %add3A_1097 = arith.addi %add3A_1086, %add3A_1096 : vector<16xi32>
            %mul3A_1098 = arith.mulf %mul3A_1069, %get3A_752 : vector<16xf32>
            tpu.vector_store_idx %arg8[%add3A_1097], %mul3A_1098 {add = true} : memref<81920xf32, #tpu.memory_space<vmem>>[vector<16xi32>], vector<16xf32>,
            %add3A_1099 = arith.constant 48 : i32
            %add3A_1100 = vector.broadcast %add3A_1099 : i32 to vector<16xi32>
            %add3A_1101 = arith.addi %add3A_1086, %add3A_1100 : vector<16xi32>
            %mul3A_1102 = arith.mulf %mul3A_1069, %get3A_774 : vector<16xf32>
            tpu.vector_store_idx %arg8[%add3A_1101], %mul3A_1102 {add = true} : memref<81920xf32, #tpu.memory_space<vmem>>[vector<16xi32>], vector<16xf32>,
            %add3A_1103 = arith.constant 64 : i32
            %add3A_1104 = vector.broadcast %add3A_1103 : i32 to vector<16xi32>
            %add3A_1105 = arith.addi %add3A_1086, %add3A_1104 : vector<16xi32>
            %mul3A_1106 = arith.mulf %mul3A_1069, %get3A_796 : vector<16xf32>
            tpu.vector_store_idx %arg8[%add3A_1105], %mul3A_1106 {add = true} : memref<81920xf32, #tpu.memory_space<vmem>>[vector<16xi32>], vector<16xf32>,
            %add3A_1107 = arith.constant 80 : i32
            %add3A_1108 = vector.broadcast %add3A_1107 : i32 to vector<16xi32>
            %add3A_1109 = arith.addi %add3A_1086, %add3A_1108 : vector<16xi32>
            %mul3A_1110 = arith.mulf %mul3A_1069, %get3A_818 : vector<16xf32>
            tpu.vector_store_idx %arg8[%add3A_1109], %mul3A_1110 {add = true} : memref<81920xf32, #tpu.memory_space<vmem>>[vector<16xi32>], vector<16xf32>,
            %add3A_1111 = arith.constant 96 : i32
            %add3A_1112 = vector.broadcast %add3A_1111 : i32 to vector<16xi32>
            %add3A_1113 = arith.addi %add3A_1086, %add3A_1112 : vector<16xi32>
            %mul3A_1114 = arith.mulf %mul3A_1069, %get3A_840 : vector<16xf32>
            tpu.vector_store_idx %arg8[%add3A_1113], %mul3A_1114 {add = true} : memref<81920xf32, #tpu.memory_space<vmem>>[vector<16xi32>], vector<16xf32>,
            %add3A_1115 = arith.constant 112 : i32
            %add3A_1116 = vector.broadcast %add3A_1115 : i32 to vector<16xi32>
            %add3A_1117 = arith.addi %add3A_1086, %add3A_1116 : vector<16xi32>
            %mul3A_1118 = arith.mulf %mul3A_1069, %get3A_862 : vector<16xf32>
            tpu.vector_store_idx %arg8[%add3A_1117], %mul3A_1118 {add = true} : memref<81920xf32, #tpu.memory_space<vmem>>[vector<16xi32>], vector<16xf32>,
            %add3A_1119 = arith.constant 128 : i32
            %add3A_1120 = vector.broadcast %add3A_1119 : i32 to vector<16xi32>
            %add3A_1121 = arith.addi %add3A_1086, %add3A_1120 : vector<16xi32>
            %mul3A_1122 = arith.mulf %mul3A_1069, %get3A_884 : vector<16xf32>
            tpu.vector_store_idx %arg8[%add3A_1121], %mul3A_1122 {add = true} : memref<81920xf32, #tpu.memory_space<vmem>>[vector<16xi32>], vector<16xf32>,
            %add3A_1123 = arith.constant 144 : i32
            %add3A_1124 = vector.broadcast %add3A_1123 : i32 to vector<16xi32>
            %add3A_1125 = arith.addi %add3A_1086, %add3A_1124 : vector<16xi32>
            %mul3A_1126 = arith.mulf %mul3A_1069, %get3A_906 : vector<16xf32>
            tpu.vector_store_idx %arg8[%add3A_1125], %mul3A_1126 {add = true} : memref<81920xf32, #tpu.memory_space<vmem>>[vector<16xi32>], vector<16xf32>,
            %add3A_1127 = arith.constant 160 : i32
            %add3A_1128 = vector.broadcast %add3A_1127 : i32 to vector<16xi32>
            %add3A_1129 = arith.addi %add3A_1086, %add3A_1128 : vector<16xi32>
            %mul3A_1130 = arith.mulf %mul3A_1069, %get3A_928 : vector<16xf32>
            tpu.vector_store_idx %arg8[%add3A_1129], %mul3A_1130 {add = true} : memref<81920xf32, #tpu.memory_space<vmem>>[vector<16xi32>], vector<16xf32>,
            %add3A_1131 = arith.constant 176 : i32
            %add3A_1132 = vector.broadcast %add3A_1131 : i32 to vector<16xi32>
            %add3A_1133 = arith.addi %add3A_1086, %add3A_1132 : vector<16xi32>
            %mul3A_1134 = arith.mulf %mul3A_1069, %get3A_950 : vector<16xf32>
            tpu.vector_store_idx %arg8[%add3A_1133], %mul3A_1134 {add = true} : memref<81920xf32, #tpu.memory_space<vmem>>[vector<16xi32>], vector<16xf32>,
            %add3A_1135 = arith.constant 192 : i32
            %add3A_1136 = vector.broadcast %add3A_1135 : i32 to vector<16xi32>
            %add3A_1137 = arith.addi %add3A_1086, %add3A_1136 : vector<16xi32>
            %mul3A_1138 = arith.mulf %mul3A_1069, %get3A_972 : vector<16xf32>
            tpu.vector_store_idx %arg8[%add3A_1137], %mul3A_1138 {add = true} : memref<81920xf32, #tpu.memory_space<vmem>>[vector<16xi32>], vector<16xf32>,
            %add3A_1139 = arith.constant 208 : i32
            %add3A_1140 = vector.broadcast %add3A_1139 : i32 to vector<16xi32>
            %add3A_1141 = arith.addi %add3A_1086, %add3A_1140 : vector<16xi32>
            %mul3A_1142 = arith.mulf %mul3A_1069, %get3A_994 : vector<16xf32>
            tpu.vector_store_idx %arg8[%add3A_1141], %mul3A_1142 {add = true} : memref<81920xf32, #tpu.memory_space<vmem>>[vector<16xi32>], vector<16xf32>,
            %add3A_1143 = arith.constant 224 : i32
            %add3A_1144 = vector.broadcast %add3A_1143 : i32 to vector<16xi32>
            %add3A_1145 = arith.addi %add3A_1086, %add3A_1144 : vector<16xi32>
            %mul3A_1146 = arith.mulf %mul3A_1069, %get3A_1016 : vector<16xf32>
            tpu.vector_store_idx %arg8[%add3A_1145], %mul3A_1146 {add = true} : memref<81920xf32, #tpu.memory_space<vmem>>[vector<16xi32>], vector<16xf32>,
            %add3A_1147 = arith.constant 240 : i32
            %add3A_1148 = vector.broadcast %add3A_1147 : i32 to vector<16xi32>
            %add3A_1149 = arith.addi %add3A_1086, %add3A_1148 : vector<16xi32>
            %mul3A_1150 = arith.mulf %mul3A_1069, %get3A_1038 : vector<16xf32>
            tpu.vector_store_idx %arg8[%add3A_1149], %mul3A_1150 {add = true} : memref<81920xf32, #tpu.memory_space<vmem>>[vector<16xi32>], vector<16xf32>,
            tpu.vector_store_idx %arg16[%get3A_1075], %mul3A_1069 masked %eq3A_1078 {add = true} : memref<384xf32, #tpu.memory_space<vmem>>[vector<16xi32>], vector<16xf32>, vector<16xi1>
          }
          %scan3A_245 = arith.constant 16 : i32
        } else {
        }
        %mul3A_134 = arith.constant 2 : i32
        %mul3A_135 = arith.muli %while3A_126, %mul3A_134 : i32
        %add3A_136 = arith.constant 1 : i32
        %add3A_137 = arith.addi %mul3A_135, %add3A_136 : i32
        %lt3A_138 = arith.cmpi slt, %add3A_137, %select_n3A : i32
        %convert_element_type3A_139 = arith.extui %lt3A_138 : i1 to i32
        %cond3A_140 = arith.constant 0 : i32
        %cond3A_141 = arith.cmpi ne, %convert_element_type3A_139, %cond3A_140 : i32
        scf.if %cond3A_141 {
          %mul3A_142 = arith.constant 2 : i32
          %mul3A_143 = arith.muli %add3A_137, %mul3A_142 : i32
          %mul3A_144 = arith.constant 32 : i32
          %mul3A_145 = arith.muli %mul3A_143, %mul3A_144 : i32
          %dma_wait3A = tpu.memref_slice %arg11[%mul3A_145] : memref<4064xi32, #tpu.memory_space<vmem>> -> memref<64xi32, #tpu.memory_space<vmem>>
          %dma_wait3A_146 = arith.constant 0 : i32
          %dma_wait3A_147 = arith.constant 0 : i32
          %dma_wait3A_148 = tpu.memref_slice %arg2[%dma_wait3A_146, %dma_wait3A_147] : memref<20000x256xf32, #tpu.memory_space<hbm>> -> memref<20000x256xf32, #tpu.memory_space<hbm>>
          tpu.wait_indirect_dma semaphore(%arg18 : memref<!tpu.dma_semaphore, #tpu.memory_space<semaphore_mem>>) src(%dma_wait3A_148 : memref<20000x256xf32, #tpu.memory_space<hbm>>) dst(%arg13 : memref<64x256xf32, #tpu.memory_space<vmem>>)
          %add3A_149 = arith.constant 1 : i32
          %add3A_150 = arith.addi %add3A_137, %add3A_149 : i32
          %lt3A_151 = arith.cmpi slt, %add3A_150, %select_n3A : i32
          %convert_element_type3A_152 = arith.extui %lt3A_151 : i1 to i32
          %cond3A_153 = arith.constant 0 : i32
          %cond3A_154 = arith.cmpi ne, %convert_element_type3A_152, %cond3A_153 : i32
          scf.if %cond3A_154 {
            %add3A_246 = arith.constant 1 : i32
            %add3A_247 = arith.addi %add3A_137, %add3A_246 : i32
            %mul3A_248 = arith.constant 2 : i32
            %mul3A_249 = arith.muli %add3A_247, %mul3A_248 : i32
            %mul3A_250 = arith.constant 32 : i32
            %mul3A_251 = arith.muli %mul3A_249, %mul3A_250 : i32
            %dma_start3A = tpu.memref_slice %arg11[%mul3A_251] : memref<4064xi32, #tpu.memory_space<vmem>> -> memref<64xi32, #tpu.memory_space<vmem>>
            %dma_start3A_252 = arith.constant 0 : i32
            %dma_start3A_253 = arith.constant 0 : i32
            %dma_start3A_254 = tpu.memref_slice %arg2[%dma_start3A_252, %dma_start3A_253] : memref<20000x256xf32, #tpu.memory_space<hbm>> -> memref<20000x256xf32, #tpu.memory_space<hbm>>
            tpu.enqueue_indirect_dma source(%dma_start3A_254 : memref<20000x256xf32, #tpu.memory_space<hbm>>) target(%arg12 : memref<64x256xf32, #tpu.memory_space<vmem>>) offsets(%dma_start3A : memref<64xi32, #tpu.memory_space<vmem>>) semaphore(%arg17 : memref<!tpu.dma_semaphore, #tpu.memory_space<semaphore_mem>>)
          } else {
          }
          %mul3A_155 = arith.constant 2 : i32
          %mul3A_156 = arith.muli %add3A_137, %mul3A_155 : i32
          %mul3A_157 = arith.constant 32 : i32
          %mul3A_158 = arith.muli %mul3A_156, %mul3A_157 : i32
          %add3A_159 = arith.constant 0 : i32
          %add3A_160 = arith.addi %mul3A_158, %add3A_159 : i32
          %add3A_161 = arith.constant 1 : i32
          %add3A_162 = arith.addi %add3A_160, %add3A_161 : i32
          %mul3A_163 = arith.constant 2 : i32
          %mul3A_164 = vector.broadcast %mul3A_163 : i32 to vector<16xi32>
          %mul3A_165 = arith.muli %mul3A_164, %iota3A : vector<16xi32>
          %add3A_166 = vector.broadcast %add3A_162 : i32 to vector<16xi32>
          %add3A_167 = arith.addi %add3A_166, %mul3A_165 : vector<16xi32>
          %gather3A = tpu.vector_load_idx %arg11[%add3A_167] : memref<4064xi32, #tpu.memory_space<vmem>>[vector<16xi32>], vector<16xi32>,
          %sub3A_168 = arith.constant 1 : i32
          %sub3A_169 = vector.broadcast %sub3A_168 : i32 to vector<16xi32>
          %sub3A_170 = arith.subi %gather3A, %sub3A_169 : vector<16xi32>
          %shift_right_arithmetic3A = arith.constant 1 : i32
          %shift_right_arithmetic3A_171 = vector.broadcast %shift_right_arithmetic3A : i32 to vector<16xi32>
          %shift_right_arithmetic3A_172 = arith.shrsi %sub3A_170, %shift_right_arithmetic3A_171 : vector<16xi32>
          %sub3A_173 = vector.broadcast %mul3A_2 : i32 to vector<16xi32>
          %sub3A_174 = arith.subi %shift_right_arithmetic3A_172, %sub3A_173 : vector<16xi32>
          %max3A = arith.constant 0 : i32
          %max3A_175 = vector.broadcast %max3A : i32 to vector<16xi32>
          %max3A_176 = arith.maxsi %sub3A_174, %max3A_175 : vector<16xi32>
          %min3A = arith.constant 319 : i32
          %min3A_177 = vector.broadcast %min3A : i32 to vector<16xi32>
          %min3A_178 = arith.minsi %max3A_176, %min3A_177 : vector<16xi32>
          %swap3A = arith.constant 0 : index
          %swap3A_179 = tpu.vector_load %arg14[%swap3A] {strides = array<i32>} : memref<32xi32, #tpu.memory_space<vmem>>, vector<16xi32>,
          tpu.vector_store %arg14[%swap3A], %min3A_178 {strides = array<i32>} : memref<32xi32, #tpu.memory_space<vmem>>, vector<16xi32>,
          %mul3A_180 = arith.constant 2 : i32
          %mul3A_181 = arith.muli %add3A_137, %mul3A_180 : i32
          %mul3A_182 = arith.constant 32 : i32
          %mul3A_183 = arith.muli %mul3A_181, %mul3A_182 : i32
          %add3A_184 = arith.constant 32 : i32
          %add3A_185 = arith.addi %mul3A_183, %add3A_184 : i32
          %add3A_186 = arith.constant 1 : i32
          %add3A_187 = arith.addi %add3A_185, %add3A_186 : i32
          %mul3A_188 = arith.constant 2 : i32
          %mul3A_189 = vector.broadcast %mul3A_188 : i32 to vector<16xi32>
          %mul3A_190 = arith.muli %mul3A_189, %iota3A : vector<16xi32>
          %add3A_191 = vector.broadcast %add3A_187 : i32 to vector<16xi32>
          %add3A_192 = arith.addi %add3A_191, %mul3A_190 : vector<16xi32>
          %gather3A_193 = tpu.vector_load_idx %arg11[%add3A_192] : memref<4064xi32, #tpu.memory_space<vmem>>[vector<16xi32>], vector<16xi32>,
          %sub3A_194 = arith.constant 1 : i32
          %sub3A_195 = vector.broadcast %sub3A_194 : i32 to vector<16xi32>
          %sub3A_196 = arith.subi %gather3A_193, %sub3A_195 : vector<16xi32>
          %shift_right_arithmetic3A_197 = arith.constant 1 : i32
          %shift_right_arithmetic3A_198 = vector.broadcast %shift_right_arithmetic3A_197 : i32 to vector<16xi32>
          %shift_right_arithmetic3A_199 = arith.shrsi %sub3A_196, %shift_right_arithmetic3A_198 : vector<16xi32>
          %sub3A_200 = vector.broadcast %mul3A_2 : i32 to vector<16xi32>
          %sub3A_201 = arith.subi %shift_right_arithmetic3A_199, %sub3A_200 : vector<16xi32>
          %max3A_202 = arith.constant 0 : i32
          %max3A_203 = vector.broadcast %max3A_202 : i32 to vector<16xi32>
          %max3A_204 = arith.maxsi %sub3A_201, %max3A_203 : vector<16xi32>
          %min3A_205 = arith.constant 319 : i32
          %min3A_206 = vector.broadcast %min3A_205 : i32 to vector<16xi32>
          %min3A_207 = arith.minsi %max3A_204, %min3A_206 : vector<16xi32>
          %swap3A_208 = arith.constant 16 : index
          %swap3A_209 = tpu.vector_load %arg14[%swap3A_208] {strides = array<i32>} : memref<32xi32, #tpu.memory_space<vmem>>, vector<16xi32>,
          tpu.vector_store %arg14[%swap3A_208], %min3A_207 {strides = array<i32>} : memref<32xi32, #tpu.memory_space<vmem>>, vector<16xi32>,
          %get3A = arith.constant 0 : index
          %get3A_210 = tpu.vector_load %arg15[%get3A] {strides = array<i32>} : memref<256xf32, #tpu.memory_space<vmem>>, vector<16xf32>,
          %get3A_211 = arith.constant 16 : index
          %get3A_212 = tpu.vector_load %arg15[%get3A_211] {strides = array<i32>} : memref<256xf32, #tpu.memory_space<vmem>>, vector<16xf32>,
          %get3A_213 = arith.constant 32 : index
          %get3A_214 = tpu.vector_load %arg15[%get3A_213] {strides = array<i32>} : memref<256xf32, #tpu.memory_space<vmem>>, vector<16xf32>,
          %get3A_215 = arith.constant 48 : index
          %get3A_216 = tpu.vector_load %arg15[%get3A_215] {strides = array<i32>} : memref<256xf32, #tpu.memory_space<vmem>>, vector<16xf32>,
          %get3A_217 = arith.constant 64 : index
          %get3A_218 = tpu.vector_load %arg15[%get3A_217] {strides = array<i32>} : memref<256xf32, #tpu.memory_space<vmem>>, vector<16xf32>,
          %get3A_219 = arith.constant 80 : index
          %get3A_220 = tpu.vector_load %arg15[%get3A_219] {strides = array<i32>} : memref<256xf32, #tpu.memory_space<vmem>>, vector<16xf32>,
          %get3A_221 = arith.constant 96 : index
          %get3A_222 = tpu.vector_load %arg15[%get3A_221] {strides = array<i32>} : memref<256xf32, #tpu.memory_space<vmem>>, vector<16xf32>,
          %get3A_223 = arith.constant 112 : index
          %get3A_224 = tpu.vector_load %arg15[%get3A_223] {strides = array<i32>} : memref<256xf32, #tpu.memory_space<vmem>>, vector<16xf32>,
          %get3A_225 = arith.constant 128 : index
          %get3A_226 = tpu.vector_load %arg15[%get3A_225] {strides = array<i32>} : memref<256xf32, #tpu.memory_space<vmem>>, vector<16xf32>,
          %get3A_227 = arith.constant 144 : index
          %get3A_228 = tpu.vector_load %arg15[%get3A_227] {strides = array<i32>} : memref<256xf32, #tpu.memory_space<vmem>>, vector<16xf32>,
          %get3A_229 = arith.constant 160 : index
          %get3A_230 = tpu.vector_load %arg15[%get3A_229] {strides = array<i32>} : memref<256xf32, #tpu.memory_space<vmem>>, vector<16xf32>,
          %get3A_231 = arith.constant 176 : index
          %get3A_232 = tpu.vector_load %arg15[%get3A_231] {strides = array<i32>} : memref<256xf32, #tpu.memory_space<vmem>>, vector<16xf32>,
          %get3A_233 = arith.constant 192 : index
          %get3A_234 = tpu.vector_load %arg15[%get3A_233] {strides = array<i32>} : memref<256xf32, #tpu.memory_space<vmem>>, vector<16xf32>,
          %get3A_235 = arith.constant 208 : index
          %get3A_236 = tpu.vector_load %arg15[%get3A_235] {strides = array<i32>} : memref<256xf32, #tpu.memory_space<vmem>>, vector<16xf32>,
          %get3A_237 = arith.constant 224 : index
          %get3A_238 = tpu.vector_load %arg15[%get3A_237] {strides = array<i32>} : memref<256xf32, #tpu.memory_space<vmem>>, vector<16xf32>,
          %get3A_239 = arith.constant 240 : index
          %get3A_240 = tpu.vector_load %arg15[%get3A_239] {strides = array<i32>} : memref<256xf32, #tpu.memory_space<vmem>>, vector<16xf32>,
          %scan3A_241 = arith.constant 0 : i32
          %scan3A_242 = arith.constant 16 : i32
          %scan3A_243 = arith.addi %scan3A_241, %scan3A_242 : i32
          %scan3A_244 = arith.constant 1 : i32
          scf.for %scan3A_246 = %scan3A_241 to %scan3A_243 step %scan3A_244  : i32 {
            %mul3A_247 = arith.constant 1 : i32
            %mul3A_248 = arith.muli %scan3A_246, %mul3A_247 : i32
            %add3A_249 = arith.constant 0 : i32
            %add3A_250 = arith.addi %add3A_249, %mul3A_248 : i32
            %mul3A_251 = arith.constant 2 : i32
            %mul3A_252 = arith.muli %mul3A_251, %add3A_250 : i32
            %add3A_253 = arith.constant 0 : i32
            %add3A_254 = arith.addi %mul3A_252, %add3A_253 : i32
            %broadcast_in_dim3A = arith.constant 0.000000e+00 : f32
            %broadcast_in_dim3A_255 = vector.broadcast %broadcast_in_dim3A : f32 to vector<16xf32>
            %mul3A_256 = arith.constant 2 : i32
            %mul3A_257 = arith.muli %mul3A_256, %add3A_254 : i32
            %get3A_258 = arith.index_cast %mul3A_257 : i32 to index
            %get3A_259 = arith.constant 0 : index
            %get3A_260 = tpu.vector_load %arg13[%get3A_258, %get3A_259] {strides = array<i32>} : memref<64x256xf32, #tpu.memory_space<vmem>>, vector<16xf32>,
            %mul3A_261 = arith.constant 2 : i32
            %mul3A_262 = arith.muli %mul3A_261, %add3A_254 : i32
            %add3A_263 = arith.constant 1 : i32
            %add3A_264 = arith.addi %mul3A_262, %add3A_263 : i32
            %get3A_265 = arith.index_cast %add3A_264 : i32 to index
            %get3A_266 = arith.constant 0 : index
            %get3A_267 = tpu.vector_load %arg13[%get3A_265, %get3A_266] {strides = array<i32>} : memref<64x256xf32, #tpu.memory_space<vmem>>, vector<16xf32>,
            %add3A_268 = arith.addf %get3A_260, %get3A_267 : vector<16xf32>
            %ge3A = arith.constant 0.000000e+00 : f32
            %ge3A_269 = vector.broadcast %ge3A : f32 to vector<16xf32>
            %ge3A_270 = arith.cmpf oge, %add3A_268, %ge3A_269 : vector<16xf32>
            %mul3A_271 = arith.constant 2.000000e-01 : f32
            %mul3A_272 = vector.broadcast %mul3A_271 : f32 to vector<16xf32>
            %mul3A_273 = arith.mulf %mul3A_272, %add3A_268 : vector<16xf32>
            %select_n3A_274 = arith.select %ge3A_270, %add3A_268, %mul3A_273 : vector<16xi1>, vector<16xf32>
            %mul3A_275 = arith.mulf %select_n3A_274, %get3A_210 : vector<16xf32>
            %add3A_276 = arith.addf %broadcast_in_dim3A_255, %mul3A_275 : vector<16xf32>
            %mul3A_277 = arith.constant 2 : i32
            %mul3A_278 = arith.muli %mul3A_277, %add3A_254 : i32
            %get3A_279 = arith.index_cast %mul3A_278 : i32 to index
            %get3A_280 = arith.constant 16 : index
            %get3A_281 = tpu.vector_load %arg13[%get3A_279, %get3A_280] {strides = array<i32>} : memref<64x256xf32, #tpu.memory_space<vmem>>, vector<16xf32>,
            %mul3A_282 = arith.constant 2 : i32
            %mul3A_283 = arith.muli %mul3A_282, %add3A_254 : i32
            %add3A_284 = arith.constant 1 : i32
            %add3A_285 = arith.addi %mul3A_283, %add3A_284 : i32
            %get3A_286 = arith.index_cast %add3A_285 : i32 to index
            %get3A_287 = arith.constant 16 : index
            %get3A_288 = tpu.vector_load %arg13[%get3A_286, %get3A_287] {strides = array<i32>} : memref<64x256xf32, #tpu.memory_space<vmem>>, vector<16xf32>,
            %add3A_289 = arith.addf %get3A_281, %get3A_288 : vector<16xf32>
            %ge3A_290 = arith.constant 0.000000e+00 : f32
            %ge3A_291 = vector.broadcast %ge3A_290 : f32 to vector<16xf32>
            %ge3A_292 = arith.cmpf oge, %add3A_289, %ge3A_291 : vector<16xf32>
            %mul3A_293 = arith.constant 2.000000e-01 : f32
            %mul3A_294 = vector.broadcast %mul3A_293 : f32 to vector<16xf32>
            %mul3A_295 = arith.mulf %mul3A_294, %add3A_289 : vector<16xf32>
            %select_n3A_296 = arith.select %ge3A_292, %add3A_289, %mul3A_295 : vector<16xi1>, vector<16xf32>
            %mul3A_297 = arith.mulf %select_n3A_296, %get3A_212 : vector<16xf32>
            %add3A_298 = arith.addf %add3A_276, %mul3A_297 : vector<16xf32>
            %mul3A_299 = arith.constant 2 : i32
            %mul3A_300 = arith.muli %mul3A_299, %add3A_254 : i32
            %get3A_301 = arith.index_cast %mul3A_300 : i32 to index
            %get3A_302 = arith.constant 32 : index
            %get3A_303 = tpu.vector_load %arg13[%get3A_301, %get3A_302] {strides = array<i32>} : memref<64x256xf32, #tpu.memory_space<vmem>>, vector<16xf32>,
            %mul3A_304 = arith.constant 2 : i32
            %mul3A_305 = arith.muli %mul3A_304, %add3A_254 : i32
            %add3A_306 = arith.constant 1 : i32
            %add3A_307 = arith.addi %mul3A_305, %add3A_306 : i32
            %get3A_308 = arith.index_cast %add3A_307 : i32 to index
            %get3A_309 = arith.constant 32 : index
            %get3A_310 = tpu.vector_load %arg13[%get3A_308, %get3A_309] {strides = array<i32>} : memref<64x256xf32, #tpu.memory_space<vmem>>, vector<16xf32>,
            %add3A_311 = arith.addf %get3A_303, %get3A_310 : vector<16xf32>
            %ge3A_312 = arith.constant 0.000000e+00 : f32
            %ge3A_313 = vector.broadcast %ge3A_312 : f32 to vector<16xf32>
            %ge3A_314 = arith.cmpf oge, %add3A_311, %ge3A_313 : vector<16xf32>
            %mul3A_315 = arith.constant 2.000000e-01 : f32
            %mul3A_316 = vector.broadcast %mul3A_315 : f32 to vector<16xf32>
            %mul3A_317 = arith.mulf %mul3A_316, %add3A_311 : vector<16xf32>
            %select_n3A_318 = arith.select %ge3A_314, %add3A_311, %mul3A_317 : vector<16xi1>, vector<16xf32>
            %mul3A_319 = arith.mulf %select_n3A_318, %get3A_214 : vector<16xf32>
            %add3A_320 = arith.addf %add3A_298, %mul3A_319 : vector<16xf32>
            %mul3A_321 = arith.constant 2 : i32
            %mul3A_322 = arith.muli %mul3A_321, %add3A_254 : i32
            %get3A_323 = arith.index_cast %mul3A_322 : i32 to index
            %get3A_324 = arith.constant 48 : index
            %get3A_325 = tpu.vector_load %arg13[%get3A_323, %get3A_324] {strides = array<i32>} : memref<64x256xf32, #tpu.memory_space<vmem>>, vector<16xf32>,
            %mul3A_326 = arith.constant 2 : i32
            %mul3A_327 = arith.muli %mul3A_326, %add3A_254 : i32
            %add3A_328 = arith.constant 1 : i32
            %add3A_329 = arith.addi %mul3A_327, %add3A_328 : i32
            %get3A_330 = arith.index_cast %add3A_329 : i32 to index
            %get3A_331 = arith.constant 48 : index
            %get3A_332 = tpu.vector_load %arg13[%get3A_330, %get3A_331] {strides = array<i32>} : memref<64x256xf32, #tpu.memory_space<vmem>>, vector<16xf32>,
            %add3A_333 = arith.addf %get3A_325, %get3A_332 : vector<16xf32>
            %ge3A_334 = arith.constant 0.000000e+00 : f32
            %ge3A_335 = vector.broadcast %ge3A_334 : f32 to vector<16xf32>
            %ge3A_336 = arith.cmpf oge, %add3A_333, %ge3A_335 : vector<16xf32>
            %mul3A_337 = arith.constant 2.000000e-01 : f32
            %mul3A_338 = vector.broadcast %mul3A_337 : f32 to vector<16xf32>
            %mul3A_339 = arith.mulf %mul3A_338, %add3A_333 : vector<16xf32>
            %select_n3A_340 = arith.select %ge3A_336, %add3A_333, %mul3A_339 : vector<16xi1>, vector<16xf32>
            %mul3A_341 = arith.mulf %select_n3A_340, %get3A_216 : vector<16xf32>
            %add3A_342 = arith.addf %add3A_320, %mul3A_341 : vector<16xf32>
            %mul3A_343 = arith.constant 2 : i32
            %mul3A_344 = arith.muli %mul3A_343, %add3A_254 : i32
            %get3A_345 = arith.index_cast %mul3A_344 : i32 to index
            %get3A_346 = arith.constant 64 : index
            %get3A_347 = tpu.vector_load %arg13[%get3A_345, %get3A_346] {strides = array<i32>} : memref<64x256xf32, #tpu.memory_space<vmem>>, vector<16xf32>,
            %mul3A_348 = arith.constant 2 : i32
            %mul3A_349 = arith.muli %mul3A_348, %add3A_254 : i32
            %add3A_350 = arith.constant 1 : i32
            %add3A_351 = arith.addi %mul3A_349, %add3A_350 : i32
            %get3A_352 = arith.index_cast %add3A_351 : i32 to index
            %get3A_353 = arith.constant 64 : index
            %get3A_354 = tpu.vector_load %arg13[%get3A_352, %get3A_353] {strides = array<i32>} : memref<64x256xf32, #tpu.memory_space<vmem>>, vector<16xf32>,
            %add3A_355 = arith.addf %get3A_347, %get3A_354 : vector<16xf32>
            %ge3A_356 = arith.constant 0.000000e+00 : f32
            %ge3A_357 = vector.broadcast %ge3A_356 : f32 to vector<16xf32>
            %ge3A_358 = arith.cmpf oge, %add3A_355, %ge3A_357 : vector<16xf32>
            %mul3A_359 = arith.constant 2.000000e-01 : f32
            %mul3A_360 = vector.broadcast %mul3A_359 : f32 to vector<16xf32>
            %mul3A_361 = arith.mulf %mul3A_360, %add3A_355 : vector<16xf32>
            %select_n3A_362 = arith.select %ge3A_358, %add3A_355, %mul3A_361 : vector<16xi1>, vector<16xf32>
            %mul3A_363 = arith.mulf %select_n3A_362, %get3A_218 : vector<16xf32>
            %add3A_364 = arith.addf %add3A_342, %mul3A_363 : vector<16xf32>
            %mul3A_365 = arith.constant 2 : i32
            %mul3A_366 = arith.muli %mul3A_365, %add3A_254 : i32
            %get3A_367 = arith.index_cast %mul3A_366 : i32 to index
            %get3A_368 = arith.constant 80 : index
            %get3A_369 = tpu.vector_load %arg13[%get3A_367, %get3A_368] {strides = array<i32>} : memref<64x256xf32, #tpu.memory_space<vmem>>, vector<16xf32>,
            %mul3A_370 = arith.constant 2 : i32
            %mul3A_371 = arith.muli %mul3A_370, %add3A_254 : i32
            %add3A_372 = arith.constant 1 : i32
            %add3A_373 = arith.addi %mul3A_371, %add3A_372 : i32
            %get3A_374 = arith.index_cast %add3A_373 : i32 to index
            %get3A_375 = arith.constant 80 : index
            %get3A_376 = tpu.vector_load %arg13[%get3A_374, %get3A_375] {strides = array<i32>} : memref<64x256xf32, #tpu.memory_space<vmem>>, vector<16xf32>,
            %add3A_377 = arith.addf %get3A_369, %get3A_376 : vector<16xf32>
            %ge3A_378 = arith.constant 0.000000e+00 : f32
            %ge3A_379 = vector.broadcast %ge3A_378 : f32 to vector<16xf32>
            %ge3A_380 = arith.cmpf oge, %add3A_377, %ge3A_379 : vector<16xf32>
            %mul3A_381 = arith.constant 2.000000e-01 : f32
            %mul3A_382 = vector.broadcast %mul3A_381 : f32 to vector<16xf32>
            %mul3A_383 = arith.mulf %mul3A_382, %add3A_377 : vector<16xf32>
            %select_n3A_384 = arith.select %ge3A_380, %add3A_377, %mul3A_383 : vector<16xi1>, vector<16xf32>
            %mul3A_385 = arith.mulf %select_n3A_384, %get3A_220 : vector<16xf32>
            %add3A_386 = arith.addf %add3A_364, %mul3A_385 : vector<16xf32>
            %mul3A_387 = arith.constant 2 : i32
            %mul3A_388 = arith.muli %mul3A_387, %add3A_254 : i32
            %get3A_389 = arith.index_cast %mul3A_388 : i32 to index
            %get3A_390 = arith.constant 96 : index
            %get3A_391 = tpu.vector_load %arg13[%get3A_389, %get3A_390] {strides = array<i32>} : memref<64x256xf32, #tpu.memory_space<vmem>>, vector<16xf32>,
            %mul3A_392 = arith.constant 2 : i32
            %mul3A_393 = arith.muli %mul3A_392, %add3A_254 : i32
            %add3A_394 = arith.constant 1 : i32
            %add3A_395 = arith.addi %mul3A_393, %add3A_394 : i32
            %get3A_396 = arith.index_cast %add3A_395 : i32 to index
            %get3A_397 = arith.constant 96 : index
            %get3A_398 = tpu.vector_load %arg13[%get3A_396, %get3A_397] {strides = array<i32>} : memref<64x256xf32, #tpu.memory_space<vmem>>, vector<16xf32>,
            %add3A_399 = arith.addf %get3A_391, %get3A_398 : vector<16xf32>
            %ge3A_400 = arith.constant 0.000000e+00 : f32
            %ge3A_401 = vector.broadcast %ge3A_400 : f32 to vector<16xf32>
            %ge3A_402 = arith.cmpf oge, %add3A_399, %ge3A_401 : vector<16xf32>
            %mul3A_403 = arith.constant 2.000000e-01 : f32
            %mul3A_404 = vector.broadcast %mul3A_403 : f32 to vector<16xf32>
            %mul3A_405 = arith.mulf %mul3A_404, %add3A_399 : vector<16xf32>
            %select_n3A_406 = arith.select %ge3A_402, %add3A_399, %mul3A_405 : vector<16xi1>, vector<16xf32>
            %mul3A_407 = arith.mulf %select_n3A_406, %get3A_222 : vector<16xf32>
            %add3A_408 = arith.addf %add3A_386, %mul3A_407 : vector<16xf32>
            %mul3A_409 = arith.constant 2 : i32
            %mul3A_410 = arith.muli %mul3A_409, %add3A_254 : i32
            %get3A_411 = arith.index_cast %mul3A_410 : i32 to index
            %get3A_412 = arith.constant 112 : index
            %get3A_413 = tpu.vector_load %arg13[%get3A_411, %get3A_412] {strides = array<i32>} : memref<64x256xf32, #tpu.memory_space<vmem>>, vector<16xf32>,
            %mul3A_414 = arith.constant 2 : i32
            %mul3A_415 = arith.muli %mul3A_414, %add3A_254 : i32
            %add3A_416 = arith.constant 1 : i32
            %add3A_417 = arith.addi %mul3A_415, %add3A_416 : i32
            %get3A_418 = arith.index_cast %add3A_417 : i32 to index
            %get3A_419 = arith.constant 112 : index
            %get3A_420 = tpu.vector_load %arg13[%get3A_418, %get3A_419] {strides = array<i32>} : memref<64x256xf32, #tpu.memory_space<vmem>>, vector<16xf32>,
            %add3A_421 = arith.addf %get3A_413, %get3A_420 : vector<16xf32>
            %ge3A_422 = arith.constant 0.000000e+00 : f32
            %ge3A_423 = vector.broadcast %ge3A_422 : f32 to vector<16xf32>
            %ge3A_424 = arith.cmpf oge, %add3A_421, %ge3A_423 : vector<16xf32>
            %mul3A_425 = arith.constant 2.000000e-01 : f32
            %mul3A_426 = vector.broadcast %mul3A_425 : f32 to vector<16xf32>
            %mul3A_427 = arith.mulf %mul3A_426, %add3A_421 : vector<16xf32>
            %select_n3A_428 = arith.select %ge3A_424, %add3A_421, %mul3A_427 : vector<16xi1>, vector<16xf32>
            %mul3A_429 = arith.mulf %select_n3A_428, %get3A_224 : vector<16xf32>
            %add3A_430 = arith.addf %add3A_408, %mul3A_429 : vector<16xf32>
            %mul3A_431 = arith.constant 2 : i32
            %mul3A_432 = arith.muli %mul3A_431, %add3A_254 : i32
            %get3A_433 = arith.index_cast %mul3A_432 : i32 to index
            %get3A_434 = arith.constant 128 : index
            %get3A_435 = tpu.vector_load %arg13[%get3A_433, %get3A_434] {strides = array<i32>} : memref<64x256xf32, #tpu.memory_space<vmem>>, vector<16xf32>,
            %mul3A_436 = arith.constant 2 : i32
            %mul3A_437 = arith.muli %mul3A_436, %add3A_254 : i32
            %add3A_438 = arith.constant 1 : i32
            %add3A_439 = arith.addi %mul3A_437, %add3A_438 : i32
            %get3A_440 = arith.index_cast %add3A_439 : i32 to index
            %get3A_441 = arith.constant 128 : index
            %get3A_442 = tpu.vector_load %arg13[%get3A_440, %get3A_441] {strides = array<i32>} : memref<64x256xf32, #tpu.memory_space<vmem>>, vector<16xf32>,
            %add3A_443 = arith.addf %get3A_435, %get3A_442 : vector<16xf32>
            %ge3A_444 = arith.constant 0.000000e+00 : f32
            %ge3A_445 = vector.broadcast %ge3A_444 : f32 to vector<16xf32>
            %ge3A_446 = arith.cmpf oge, %add3A_443, %ge3A_445 : vector<16xf32>
            %mul3A_447 = arith.constant 2.000000e-01 : f32
            %mul3A_448 = vector.broadcast %mul3A_447 : f32 to vector<16xf32>
            %mul3A_449 = arith.mulf %mul3A_448, %add3A_443 : vector<16xf32>
            %select_n3A_450 = arith.select %ge3A_446, %add3A_443, %mul3A_449 : vector<16xi1>, vector<16xf32>
            %mul3A_451 = arith.mulf %select_n3A_450, %get3A_226 : vector<16xf32>
            %add3A_452 = arith.addf %add3A_430, %mul3A_451 : vector<16xf32>
            %mul3A_453 = arith.constant 2 : i32
            %mul3A_454 = arith.muli %mul3A_453, %add3A_254 : i32
            %get3A_455 = arith.index_cast %mul3A_454 : i32 to index
            %get3A_456 = arith.constant 144 : index
            %get3A_457 = tpu.vector_load %arg13[%get3A_455, %get3A_456] {strides = array<i32>} : memref<64x256xf32, #tpu.memory_space<vmem>>, vector<16xf32>,
            %mul3A_458 = arith.constant 2 : i32
            %mul3A_459 = arith.muli %mul3A_458, %add3A_254 : i32
            %add3A_460 = arith.constant 1 : i32
            %add3A_461 = arith.addi %mul3A_459, %add3A_460 : i32
            %get3A_462 = arith.index_cast %add3A_461 : i32 to index
            %get3A_463 = arith.constant 144 : index
            %get3A_464 = tpu.vector_load %arg13[%get3A_462, %get3A_463] {strides = array<i32>} : memref<64x256xf32, #tpu.memory_space<vmem>>, vector<16xf32>,
            %add3A_465 = arith.addf %get3A_457, %get3A_464 : vector<16xf32>
            %ge3A_466 = arith.constant 0.000000e+00 : f32
            %ge3A_467 = vector.broadcast %ge3A_466 : f32 to vector<16xf32>
            %ge3A_468 = arith.cmpf oge, %add3A_465, %ge3A_467 : vector<16xf32>
            %mul3A_469 = arith.constant 2.000000e-01 : f32
            %mul3A_470 = vector.broadcast %mul3A_469 : f32 to vector<16xf32>
            %mul3A_471 = arith.mulf %mul3A_470, %add3A_465 : vector<16xf32>
            %select_n3A_472 = arith.select %ge3A_468, %add3A_465, %mul3A_471 : vector<16xi1>, vector<16xf32>
            %mul3A_473 = arith.mulf %select_n3A_472, %get3A_228 : vector<16xf32>
            %add3A_474 = arith.addf %add3A_452, %mul3A_473 : vector<16xf32>
            %mul3A_475 = arith.constant 2 : i32
            %mul3A_476 = arith.muli %mul3A_475, %add3A_254 : i32
            %get3A_477 = arith.index_cast %mul3A_476 : i32 to index
            %get3A_478 = arith.constant 160 : index
            %get3A_479 = tpu.vector_load %arg13[%get3A_477, %get3A_478] {strides = array<i32>} : memref<64x256xf32, #tpu.memory_space<vmem>>, vector<16xf32>,
            %mul3A_480 = arith.constant 2 : i32
            %mul3A_481 = arith.muli %mul3A_480, %add3A_254 : i32
            %add3A_482 = arith.constant 1 : i32
            %add3A_483 = arith.addi %mul3A_481, %add3A_482 : i32
            %get3A_484 = arith.index_cast %add3A_483 : i32 to index
            %get3A_485 = arith.constant 160 : index
            %get3A_486 = tpu.vector_load %arg13[%get3A_484, %get3A_485] {strides = array<i32>} : memref<64x256xf32, #tpu.memory_space<vmem>>, vector<16xf32>,
            %add3A_487 = arith.addf %get3A_479, %get3A_486 : vector<16xf32>
            %ge3A_488 = arith.constant 0.000000e+00 : f32
            %ge3A_489 = vector.broadcast %ge3A_488 : f32 to vector<16xf32>
            %ge3A_490 = arith.cmpf oge, %add3A_487, %ge3A_489 : vector<16xf32>
            %mul3A_491 = arith.constant 2.000000e-01 : f32
            %mul3A_492 = vector.broadcast %mul3A_491 : f32 to vector<16xf32>
            %mul3A_493 = arith.mulf %mul3A_492, %add3A_487 : vector<16xf32>
            %select_n3A_494 = arith.select %ge3A_490, %add3A_487, %mul3A_493 : vector<16xi1>, vector<16xf32>
            %mul3A_495 = arith.mulf %select_n3A_494, %get3A_230 : vector<16xf32>
            %add3A_496 = arith.addf %add3A_474, %mul3A_495 : vector<16xf32>
            %mul3A_497 = arith.constant 2 : i32
            %mul3A_498 = arith.muli %mul3A_497, %add3A_254 : i32
            %get3A_499 = arith.index_cast %mul3A_498 : i32 to index
            %get3A_500 = arith.constant 176 : index
            %get3A_501 = tpu.vector_load %arg13[%get3A_499, %get3A_500] {strides = array<i32>} : memref<64x256xf32, #tpu.memory_space<vmem>>, vector<16xf32>,
            %mul3A_502 = arith.constant 2 : i32
            %mul3A_503 = arith.muli %mul3A_502, %add3A_254 : i32
            %add3A_504 = arith.constant 1 : i32
            %add3A_505 = arith.addi %mul3A_503, %add3A_504 : i32
            %get3A_506 = arith.index_cast %add3A_505 : i32 to index
            %get3A_507 = arith.constant 176 : index
            %get3A_508 = tpu.vector_load %arg13[%get3A_506, %get3A_507] {strides = array<i32>} : memref<64x256xf32, #tpu.memory_space<vmem>>, vector<16xf32>,
            %add3A_509 = arith.addf %get3A_501, %get3A_508 : vector<16xf32>
            %ge3A_510 = arith.constant 0.000000e+00 : f32
            %ge3A_511 = vector.broadcast %ge3A_510 : f32 to vector<16xf32>
            %ge3A_512 = arith.cmpf oge, %add3A_509, %ge3A_511 : vector<16xf32>
            %mul3A_513 = arith.constant 2.000000e-01 : f32
            %mul3A_514 = vector.broadcast %mul3A_513 : f32 to vector<16xf32>
            %mul3A_515 = arith.mulf %mul3A_514, %add3A_509 : vector<16xf32>
            %select_n3A_516 = arith.select %ge3A_512, %add3A_509, %mul3A_515 : vector<16xi1>, vector<16xf32>
            %mul3A_517 = arith.mulf %select_n3A_516, %get3A_232 : vector<16xf32>
            %add3A_518 = arith.addf %add3A_496, %mul3A_517 : vector<16xf32>
            %mul3A_519 = arith.constant 2 : i32
            %mul3A_520 = arith.muli %mul3A_519, %add3A_254 : i32
            %get3A_521 = arith.index_cast %mul3A_520 : i32 to index
            %get3A_522 = arith.constant 192 : index
            %get3A_523 = tpu.vector_load %arg13[%get3A_521, %get3A_522] {strides = array<i32>} : memref<64x256xf32, #tpu.memory_space<vmem>>, vector<16xf32>,
            %mul3A_524 = arith.constant 2 : i32
            %mul3A_525 = arith.muli %mul3A_524, %add3A_254 : i32
            %add3A_526 = arith.constant 1 : i32
            %add3A_527 = arith.addi %mul3A_525, %add3A_526 : i32
            %get3A_528 = arith.index_cast %add3A_527 : i32 to index
            %get3A_529 = arith.constant 192 : index
            %get3A_530 = tpu.vector_load %arg13[%get3A_528, %get3A_529] {strides = array<i32>} : memref<64x256xf32, #tpu.memory_space<vmem>>, vector<16xf32>,
            %add3A_531 = arith.addf %get3A_523, %get3A_530 : vector<16xf32>
            %ge3A_532 = arith.constant 0.000000e+00 : f32
            %ge3A_533 = vector.broadcast %ge3A_532 : f32 to vector<16xf32>
            %ge3A_534 = arith.cmpf oge, %add3A_531, %ge3A_533 : vector<16xf32>
            %mul3A_535 = arith.constant 2.000000e-01 : f32
            %mul3A_536 = vector.broadcast %mul3A_535 : f32 to vector<16xf32>
            %mul3A_537 = arith.mulf %mul3A_536, %add3A_531 : vector<16xf32>
            %select_n3A_538 = arith.select %ge3A_534, %add3A_531, %mul3A_537 : vector<16xi1>, vector<16xf32>
            %mul3A_539 = arith.mulf %select_n3A_538, %get3A_234 : vector<16xf32>
            %add3A_540 = arith.addf %add3A_518, %mul3A_539 : vector<16xf32>
            %mul3A_541 = arith.constant 2 : i32
            %mul3A_542 = arith.muli %mul3A_541, %add3A_254 : i32
            %get3A_543 = arith.index_cast %mul3A_542 : i32 to index
            %get3A_544 = arith.constant 208 : index
            %get3A_545 = tpu.vector_load %arg13[%get3A_543, %get3A_544] {strides = array<i32>} : memref<64x256xf32, #tpu.memory_space<vmem>>, vector<16xf32>,
            %mul3A_546 = arith.constant 2 : i32
            %mul3A_547 = arith.muli %mul3A_546, %add3A_254 : i32
            %add3A_548 = arith.constant 1 : i32
            %add3A_549 = arith.addi %mul3A_547, %add3A_548 : i32
            %get3A_550 = arith.index_cast %add3A_549 : i32 to index
            %get3A_551 = arith.constant 208 : index
            %get3A_552 = tpu.vector_load %arg13[%get3A_550, %get3A_551] {strides = array<i32>} : memref<64x256xf32, #tpu.memory_space<vmem>>, vector<16xf32>,
            %add3A_553 = arith.addf %get3A_545, %get3A_552 : vector<16xf32>
            %ge3A_554 = arith.constant 0.000000e+00 : f32
            %ge3A_555 = vector.broadcast %ge3A_554 : f32 to vector<16xf32>
            %ge3A_556 = arith.cmpf oge, %add3A_553, %ge3A_555 : vector<16xf32>
            %mul3A_557 = arith.constant 2.000000e-01 : f32
            %mul3A_558 = vector.broadcast %mul3A_557 : f32 to vector<16xf32>
            %mul3A_559 = arith.mulf %mul3A_558, %add3A_553 : vector<16xf32>
            %select_n3A_560 = arith.select %ge3A_556, %add3A_553, %mul3A_559 : vector<16xi1>, vector<16xf32>
            %mul3A_561 = arith.mulf %select_n3A_560, %get3A_236 : vector<16xf32>
            %add3A_562 = arith.addf %add3A_540, %mul3A_561 : vector<16xf32>
            %mul3A_563 = arith.constant 2 : i32
            %mul3A_564 = arith.muli %mul3A_563, %add3A_254 : i32
            %get3A_565 = arith.index_cast %mul3A_564 : i32 to index
            %get3A_566 = arith.constant 224 : index
            %get3A_567 = tpu.vector_load %arg13[%get3A_565, %get3A_566] {strides = array<i32>} : memref<64x256xf32, #tpu.memory_space<vmem>>, vector<16xf32>,
            %mul3A_568 = arith.constant 2 : i32
            %mul3A_569 = arith.muli %mul3A_568, %add3A_254 : i32
            %add3A_570 = arith.constant 1 : i32
            %add3A_571 = arith.addi %mul3A_569, %add3A_570 : i32
            %get3A_572 = arith.index_cast %add3A_571 : i32 to index
            %get3A_573 = arith.constant 224 : index
            %get3A_574 = tpu.vector_load %arg13[%get3A_572, %get3A_573] {strides = array<i32>} : memref<64x256xf32, #tpu.memory_space<vmem>>, vector<16xf32>,
            %add3A_575 = arith.addf %get3A_567, %get3A_574 : vector<16xf32>
            %ge3A_576 = arith.constant 0.000000e+00 : f32
            %ge3A_577 = vector.broadcast %ge3A_576 : f32 to vector<16xf32>
            %ge3A_578 = arith.cmpf oge, %add3A_575, %ge3A_577 : vector<16xf32>
            %mul3A_579 = arith.constant 2.000000e-01 : f32
            %mul3A_580 = vector.broadcast %mul3A_579 : f32 to vector<16xf32>
            %mul3A_581 = arith.mulf %mul3A_580, %add3A_575 : vector<16xf32>
            %select_n3A_582 = arith.select %ge3A_578, %add3A_575, %mul3A_581 : vector<16xi1>, vector<16xf32>
            %mul3A_583 = arith.mulf %select_n3A_582, %get3A_238 : vector<16xf32>
            %add3A_584 = arith.addf %add3A_562, %mul3A_583 : vector<16xf32>
            %mul3A_585 = arith.constant 2 : i32
            %mul3A_586 = arith.muli %mul3A_585, %add3A_254 : i32
            %get3A_587 = arith.index_cast %mul3A_586 : i32 to index
            %get3A_588 = arith.constant 240 : index
            %get3A_589 = tpu.vector_load %arg13[%get3A_587, %get3A_588] {strides = array<i32>} : memref<64x256xf32, #tpu.memory_space<vmem>>, vector<16xf32>,
            %mul3A_590 = arith.constant 2 : i32
            %mul3A_591 = arith.muli %mul3A_590, %add3A_254 : i32
            %add3A_592 = arith.constant 1 : i32
            %add3A_593 = arith.addi %mul3A_591, %add3A_592 : i32
            %get3A_594 = arith.index_cast %add3A_593 : i32 to index
            %get3A_595 = arith.constant 240 : index
            %get3A_596 = tpu.vector_load %arg13[%get3A_594, %get3A_595] {strides = array<i32>} : memref<64x256xf32, #tpu.memory_space<vmem>>, vector<16xf32>,
            %add3A_597 = arith.addf %get3A_589, %get3A_596 : vector<16xf32>
            %ge3A_598 = arith.constant 0.000000e+00 : f32
            %ge3A_599 = vector.broadcast %ge3A_598 : f32 to vector<16xf32>
            %ge3A_600 = arith.cmpf oge, %add3A_597, %ge3A_599 : vector<16xf32>
            %mul3A_601 = arith.constant 2.000000e-01 : f32
            %mul3A_602 = vector.broadcast %mul3A_601 : f32 to vector<16xf32>
            %mul3A_603 = arith.mulf %mul3A_602, %add3A_597 : vector<16xf32>
            %select_n3A_604 = arith.select %ge3A_600, %add3A_597, %mul3A_603 : vector<16xi1>, vector<16xf32>
            %mul3A_605 = arith.mulf %select_n3A_604, %get3A_240 : vector<16xf32>
            %add3A_606 = arith.addf %add3A_584, %mul3A_605 : vector<16xf32>
            %reduce_sum3A = arith.constant true
            %reduce_sum3A_607 = vector.broadcast %reduce_sum3A : i1 to vector<16xi1>
            %reduce_sum3A_608 = tpu.scan <sum>, %add3A_606 masked %reduce_sum3A_607 : vector<16xf32>, vector<16xi1> -> vector<16xf32>
            %reduce_sum3A_609 = vector.extract %reduce_sum3A_608[15] : f32 from vector<16xf32>
            %mul3A_610 = arith.constant 32 : i32
            %mul3A_611 = arith.muli %add3A_137, %mul3A_610 : i32
            %add3A_612 = arith.addi %mul3A_611, %add3A_254 : i32
            %lt3A_613 = arith.cmpi slt, %add3A_612, %scan3A_33 : i32
            %convert_element_type3A_614 = arith.extui %lt3A_613 : i1 to i32
            %convert_element_type3A_615 = arith.sitofp %convert_element_type3A_614 : i32 to f32
            %broadcast_in_dim3A_616 = vector.broadcast %reduce_sum3A_609 : f32 to vector<16xf32>
            %exp3A = math.exp %broadcast_in_dim3A_616 : vector<16xf32>
            %mul3A_617 = vector.broadcast %convert_element_type3A_615 : f32 to vector<16xf32>
            %mul3A_618 = arith.mulf %mul3A_617, %exp3A : vector<16xf32>
            %shift_right_logical3A = arith.constant 4 : i32
            %shift_right_logical3A_619 = arith.shrui %add3A_254, %shift_right_logical3A : i32
            %mul3A_620 = arith.constant 16 : i32
            %mul3A_621 = arith.muli %shift_right_logical3A_619, %mul3A_620 : i32
            %get3A_622 = arith.index_cast %mul3A_621 : i32 to index
            %get3A_623 = tpu.vector_load %arg14[%get3A_622] {strides = array<i32>} : memref<32xi32, #tpu.memory_space<vmem>>, vector<16xi32>,
            %sub3A_624 = arith.subi %add3A_254, %mul3A_621 : i32
            %eq3A = vector.broadcast %sub3A_624 : i32 to vector<16xi32>
            %eq3A_625 = arith.cmpi eq, %iota3A, %eq3A : vector<16xi32>
            %sub3A_626 = arith.subi %add3A_254, %mul3A_621 : i32
            %broadcast_in_dim3A_627 = vector.broadcast %sub3A_626 : i32 to vector<16x1xi32>
            %gather3A_628 = vector.shape_cast %broadcast_in_dim3A_627 : vector<16x1xi32> to vector<16xi32>
            %gather3A_629 = tpu.dynamic_gather %get3A_623[%gather3A_628] in [0] : vector<16xi32>, vector<16xi32> -> vector<16xi32>
            %mul3A_630 = arith.constant 256 : i32
            %mul3A_631 = vector.broadcast %mul3A_630 : i32 to vector<16xi32>
            %mul3A_632 = arith.muli %gather3A_629, %mul3A_631 : vector<16xi32>
            %add3A_633 = arith.addi %mul3A_632, %iota3A : vector<16xi32>
            %add3A_634 = arith.constant 0 : i32
            %add3A_635 = vector.broadcast %add3A_634 : i32 to vector<16xi32>
            %add3A_636 = arith.addi %add3A_633, %add3A_635 : vector<16xi32>
            %mul3A_637 = arith.mulf %mul3A_618, %get3A_260 : vector<16xf32>
            tpu.vector_store_idx %arg8[%add3A_636], %mul3A_637 {add = true} : memref<81920xf32, #tpu.memory_space<vmem>>[vector<16xi32>], vector<16xf32>,
            %add3A_638 = arith.constant 16 : i32
            %add3A_639 = vector.broadcast %add3A_638 : i32 to vector<16xi32>
            %add3A_640 = arith.addi %add3A_633, %add3A_639 : vector<16xi32>
            %mul3A_641 = arith.mulf %mul3A_618, %get3A_281 : vector<16xf32>
            tpu.vector_store_idx %arg8[%add3A_640], %mul3A_641 {add = true} : memref<81920xf32, #tpu.memory_space<vmem>>[vector<16xi32>], vector<16xf32>,
            %add3A_642 = arith.constant 32 : i32
            %add3A_643 = vector.broadcast %add3A_642 : i32 to vector<16xi32>
            %add3A_644 = arith.addi %add3A_633, %add3A_643 : vector<16xi32>
            %mul3A_645 = arith.mulf %mul3A_618, %get3A_303 : vector<16xf32>
            tpu.vector_store_idx %arg8[%add3A_644], %mul3A_645 {add = true} : memref<81920xf32, #tpu.memory_space<vmem>>[vector<16xi32>], vector<16xf32>,
            %add3A_646 = arith.constant 48 : i32
            %add3A_647 = vector.broadcast %add3A_646 : i32 to vector<16xi32>
            %add3A_648 = arith.addi %add3A_633, %add3A_647 : vector<16xi32>
            %mul3A_649 = arith.mulf %mul3A_618, %get3A_325 : vector<16xf32>
            tpu.vector_store_idx %arg8[%add3A_648], %mul3A_649 {add = true} : memref<81920xf32, #tpu.memory_space<vmem>>[vector<16xi32>], vector<16xf32>,
            %add3A_650 = arith.constant 64 : i32
            %add3A_651 = vector.broadcast %add3A_650 : i32 to vector<16xi32>
            %add3A_652 = arith.addi %add3A_633, %add3A_651 : vector<16xi32>
            %mul3A_653 = arith.mulf %mul3A_618, %get3A_347 : vector<16xf32>
            tpu.vector_store_idx %arg8[%add3A_652], %mul3A_653 {add = true} : memref<81920xf32, #tpu.memory_space<vmem>>[vector<16xi32>], vector<16xf32>,
            %add3A_654 = arith.constant 80 : i32
            %add3A_655 = vector.broadcast %add3A_654 : i32 to vector<16xi32>
            %add3A_656 = arith.addi %add3A_633, %add3A_655 : vector<16xi32>
            %mul3A_657 = arith.mulf %mul3A_618, %get3A_369 : vector<16xf32>
            tpu.vector_store_idx %arg8[%add3A_656], %mul3A_657 {add = true} : memref<81920xf32, #tpu.memory_space<vmem>>[vector<16xi32>], vector<16xf32>,
            %add3A_658 = arith.constant 96 : i32
            %add3A_659 = vector.broadcast %add3A_658 : i32 to vector<16xi32>
            %add3A_660 = arith.addi %add3A_633, %add3A_659 : vector<16xi32>
            %mul3A_661 = arith.mulf %mul3A_618, %get3A_391 : vector<16xf32>
            tpu.vector_store_idx %arg8[%add3A_660], %mul3A_661 {add = true} : memref<81920xf32, #tpu.memory_space<vmem>>[vector<16xi32>], vector<16xf32>,
            %add3A_662 = arith.constant 112 : i32
            %add3A_663 = vector.broadcast %add3A_662 : i32 to vector<16xi32>
            %add3A_664 = arith.addi %add3A_633, %add3A_663 : vector<16xi32>
            %mul3A_665 = arith.mulf %mul3A_618, %get3A_413 : vector<16xf32>
            tpu.vector_store_idx %arg8[%add3A_664], %mul3A_665 {add = true} : memref<81920xf32, #tpu.memory_space<vmem>>[vector<16xi32>], vector<16xf32>,
            %add3A_666 = arith.constant 128 : i32
            %add3A_667 = vector.broadcast %add3A_666 : i32 to vector<16xi32>
            %add3A_668 = arith.addi %add3A_633, %add3A_667 : vector<16xi32>
            %mul3A_669 = arith.mulf %mul3A_618, %get3A_435 : vector<16xf32>
            tpu.vector_store_idx %arg8[%add3A_668], %mul3A_669 {add = true} : memref<81920xf32, #tpu.memory_space<vmem>>[vector<16xi32>], vector<16xf32>,
            %add3A_670 = arith.constant 144 : i32
            %add3A_671 = vector.broadcast %add3A_670 : i32 to vector<16xi32>
            %add3A_672 = arith.addi %add3A_633, %add3A_671 : vector<16xi32>
            %mul3A_673 = arith.mulf %mul3A_618, %get3A_457 : vector<16xf32>
            tpu.vector_store_idx %arg8[%add3A_672], %mul3A_673 {add = true} : memref<81920xf32, #tpu.memory_space<vmem>>[vector<16xi32>], vector<16xf32>,
            %add3A_674 = arith.constant 160 : i32
            %add3A_675 = vector.broadcast %add3A_674 : i32 to vector<16xi32>
            %add3A_676 = arith.addi %add3A_633, %add3A_675 : vector<16xi32>
            %mul3A_677 = arith.mulf %mul3A_618, %get3A_479 : vector<16xf32>
            tpu.vector_store_idx %arg8[%add3A_676], %mul3A_677 {add = true} : memref<81920xf32, #tpu.memory_space<vmem>>[vector<16xi32>], vector<16xf32>,
            %add3A_678 = arith.constant 176 : i32
            %add3A_679 = vector.broadcast %add3A_678 : i32 to vector<16xi32>
            %add3A_680 = arith.addi %add3A_633, %add3A_679 : vector<16xi32>
            %mul3A_681 = arith.mulf %mul3A_618, %get3A_501 : vector<16xf32>
            tpu.vector_store_idx %arg8[%add3A_680], %mul3A_681 {add = true} : memref<81920xf32, #tpu.memory_space<vmem>>[vector<16xi32>], vector<16xf32>,
            %add3A_682 = arith.constant 192 : i32
            %add3A_683 = vector.broadcast %add3A_682 : i32 to vector<16xi32>
            %add3A_684 = arith.addi %add3A_633, %add3A_683 : vector<16xi32>
            %mul3A_685 = arith.mulf %mul3A_618, %get3A_523 : vector<16xf32>
            tpu.vector_store_idx %arg8[%add3A_684], %mul3A_685 {add = true} : memref<81920xf32, #tpu.memory_space<vmem>>[vector<16xi32>], vector<16xf32>,
            %add3A_686 = arith.constant 208 : i32
            %add3A_687 = vector.broadcast %add3A_686 : i32 to vector<16xi32>
            %add3A_688 = arith.addi %add3A_633, %add3A_687 : vector<16xi32>
            %mul3A_689 = arith.mulf %mul3A_618, %get3A_545 : vector<16xf32>
            tpu.vector_store_idx %arg8[%add3A_688], %mul3A_689 {add = true} : memref<81920xf32, #tpu.memory_space<vmem>>[vector<16xi32>], vector<16xf32>,
            %add3A_690 = arith.constant 224 : i32
            %add3A_691 = vector.broadcast %add3A_690 : i32 to vector<16xi32>
            %add3A_692 = arith.addi %add3A_633, %add3A_691 : vector<16xi32>
            %mul3A_693 = arith.mulf %mul3A_618, %get3A_567 : vector<16xf32>
            tpu.vector_store_idx %arg8[%add3A_692], %mul3A_693 {add = true} : memref<81920xf32, #tpu.memory_space<vmem>>[vector<16xi32>], vector<16xf32>,
            %add3A_694 = arith.constant 240 : i32
            %add3A_695 = vector.broadcast %add3A_694 : i32 to vector<16xi32>
            %add3A_696 = arith.addi %add3A_633, %add3A_695 : vector<16xi32>
            %mul3A_697 = arith.mulf %mul3A_618, %get3A_589 : vector<16xf32>
            tpu.vector_store_idx %arg8[%add3A_696], %mul3A_697 {add = true} : memref<81920xf32, #tpu.memory_space<vmem>>[vector<16xi32>], vector<16xf32>,
            tpu.vector_store_idx %arg16[%get3A_623], %mul3A_618 masked %eq3A_625 {add = true} : memref<384xf32, #tpu.memory_space<vmem>>[vector<16xi32>], vector<16xf32>, vector<16xi1>
            %mul3A_698 = arith.constant 2 : i32
            %mul3A_699 = arith.muli %mul3A_698, %add3A_250 : i32
            %add3A_700 = arith.constant 1 : i32
            %add3A_701 = arith.addi %mul3A_699, %add3A_700 : i32
            %broadcast_in_dim3A_702 = arith.constant 0.000000e+00 : f32
            %broadcast_in_dim3A_703 = vector.broadcast %broadcast_in_dim3A_702 : f32 to vector<16xf32>
            %mul3A_704 = arith.constant 2 : i32
            %mul3A_705 = arith.muli %mul3A_704, %add3A_701 : i32
            %get3A_706 = arith.index_cast %mul3A_705 : i32 to index
            %get3A_707 = arith.constant 0 : index
            %get3A_708 = tpu.vector_load %arg13[%get3A_706, %get3A_707] {strides = array<i32>} : memref<64x256xf32, #tpu.memory_space<vmem>>, vector<16xf32>,
            %mul3A_709 = arith.constant 2 : i32
            %mul3A_710 = arith.muli %mul3A_709, %add3A_701 : i32
            %add3A_711 = arith.constant 1 : i32
            %add3A_712 = arith.addi %mul3A_710, %add3A_711 : i32
            %get3A_713 = arith.index_cast %add3A_712 : i32 to index
            %get3A_714 = arith.constant 0 : index
            %get3A_715 = tpu.vector_load %arg13[%get3A_713, %get3A_714] {strides = array<i32>} : memref<64x256xf32, #tpu.memory_space<vmem>>, vector<16xf32>,
            %add3A_716 = arith.addf %get3A_708, %get3A_715 : vector<16xf32>
            %ge3A_717 = arith.constant 0.000000e+00 : f32
            %ge3A_718 = vector.broadcast %ge3A_717 : f32 to vector<16xf32>
            %ge3A_719 = arith.cmpf oge, %add3A_716, %ge3A_718 : vector<16xf32>
            %mul3A_720 = arith.constant 2.000000e-01 : f32
            %mul3A_721 = vector.broadcast %mul3A_720 : f32 to vector<16xf32>
            %mul3A_722 = arith.mulf %mul3A_721, %add3A_716 : vector<16xf32>
            %select_n3A_723 = arith.select %ge3A_719, %add3A_716, %mul3A_722 : vector<16xi1>, vector<16xf32>
            %mul3A_724 = arith.mulf %select_n3A_723, %get3A_210 : vector<16xf32>
            %add3A_725 = arith.addf %broadcast_in_dim3A_703, %mul3A_724 : vector<16xf32>
            %mul3A_726 = arith.constant 2 : i32
            %mul3A_727 = arith.muli %mul3A_726, %add3A_701 : i32
            %get3A_728 = arith.index_cast %mul3A_727 : i32 to index
            %get3A_729 = arith.constant 16 : index
            %get3A_730 = tpu.vector_load %arg13[%get3A_728, %get3A_729] {strides = array<i32>} : memref<64x256xf32, #tpu.memory_space<vmem>>, vector<16xf32>,
            %mul3A_731 = arith.constant 2 : i32
            %mul3A_732 = arith.muli %mul3A_731, %add3A_701 : i32
            %add3A_733 = arith.constant 1 : i32
            %add3A_734 = arith.addi %mul3A_732, %add3A_733 : i32
            %get3A_735 = arith.index_cast %add3A_734 : i32 to index
            %get3A_736 = arith.constant 16 : index
            %get3A_737 = tpu.vector_load %arg13[%get3A_735, %get3A_736] {strides = array<i32>} : memref<64x256xf32, #tpu.memory_space<vmem>>, vector<16xf32>,
            %add3A_738 = arith.addf %get3A_730, %get3A_737 : vector<16xf32>
            %ge3A_739 = arith.constant 0.000000e+00 : f32
            %ge3A_740 = vector.broadcast %ge3A_739 : f32 to vector<16xf32>
            %ge3A_741 = arith.cmpf oge, %add3A_738, %ge3A_740 : vector<16xf32>
            %mul3A_742 = arith.constant 2.000000e-01 : f32
            %mul3A_743 = vector.broadcast %mul3A_742 : f32 to vector<16xf32>
            %mul3A_744 = arith.mulf %mul3A_743, %add3A_738 : vector<16xf32>
            %select_n3A_745 = arith.select %ge3A_741, %add3A_738, %mul3A_744 : vector<16xi1>, vector<16xf32>
            %mul3A_746 = arith.mulf %select_n3A_745, %get3A_212 : vector<16xf32>
            %add3A_747 = arith.addf %add3A_725, %mul3A_746 : vector<16xf32>
            %mul3A_748 = arith.constant 2 : i32
            %mul3A_749 = arith.muli %mul3A_748, %add3A_701 : i32
            %get3A_750 = arith.index_cast %mul3A_749 : i32 to index
            %get3A_751 = arith.constant 32 : index
            %get3A_752 = tpu.vector_load %arg13[%get3A_750, %get3A_751] {strides = array<i32>} : memref<64x256xf32, #tpu.memory_space<vmem>>, vector<16xf32>,
            %mul3A_753 = arith.constant 2 : i32
            %mul3A_754 = arith.muli %mul3A_753, %add3A_701 : i32
            %add3A_755 = arith.constant 1 : i32
            %add3A_756 = arith.addi %mul3A_754, %add3A_755 : i32
            %get3A_757 = arith.index_cast %add3A_756 : i32 to index
            %get3A_758 = arith.constant 32 : index
            %get3A_759 = tpu.vector_load %arg13[%get3A_757, %get3A_758] {strides = array<i32>} : memref<64x256xf32, #tpu.memory_space<vmem>>, vector<16xf32>,
            %add3A_760 = arith.addf %get3A_752, %get3A_759 : vector<16xf32>
            %ge3A_761 = arith.constant 0.000000e+00 : f32
            %ge3A_762 = vector.broadcast %ge3A_761 : f32 to vector<16xf32>
            %ge3A_763 = arith.cmpf oge, %add3A_760, %ge3A_762 : vector<16xf32>
            %mul3A_764 = arith.constant 2.000000e-01 : f32
            %mul3A_765 = vector.broadcast %mul3A_764 : f32 to vector<16xf32>
            %mul3A_766 = arith.mulf %mul3A_765, %add3A_760 : vector<16xf32>
            %select_n3A_767 = arith.select %ge3A_763, %add3A_760, %mul3A_766 : vector<16xi1>, vector<16xf32>
            %mul3A_768 = arith.mulf %select_n3A_767, %get3A_214 : vector<16xf32>
            %add3A_769 = arith.addf %add3A_747, %mul3A_768 : vector<16xf32>
            %mul3A_770 = arith.constant 2 : i32
            %mul3A_771 = arith.muli %mul3A_770, %add3A_701 : i32
            %get3A_772 = arith.index_cast %mul3A_771 : i32 to index
            %get3A_773 = arith.constant 48 : index
            %get3A_774 = tpu.vector_load %arg13[%get3A_772, %get3A_773] {strides = array<i32>} : memref<64x256xf32, #tpu.memory_space<vmem>>, vector<16xf32>,
            %mul3A_775 = arith.constant 2 : i32
            %mul3A_776 = arith.muli %mul3A_775, %add3A_701 : i32
            %add3A_777 = arith.constant 1 : i32
            %add3A_778 = arith.addi %mul3A_776, %add3A_777 : i32
            %get3A_779 = arith.index_cast %add3A_778 : i32 to index
            %get3A_780 = arith.constant 48 : index
            %get3A_781 = tpu.vector_load %arg13[%get3A_779, %get3A_780] {strides = array<i32>} : memref<64x256xf32, #tpu.memory_space<vmem>>, vector<16xf32>,
            %add3A_782 = arith.addf %get3A_774, %get3A_781 : vector<16xf32>
            %ge3A_783 = arith.constant 0.000000e+00 : f32
            %ge3A_784 = vector.broadcast %ge3A_783 : f32 to vector<16xf32>
            %ge3A_785 = arith.cmpf oge, %add3A_782, %ge3A_784 : vector<16xf32>
            %mul3A_786 = arith.constant 2.000000e-01 : f32
            %mul3A_787 = vector.broadcast %mul3A_786 : f32 to vector<16xf32>
            %mul3A_788 = arith.mulf %mul3A_787, %add3A_782 : vector<16xf32>
            %select_n3A_789 = arith.select %ge3A_785, %add3A_782, %mul3A_788 : vector<16xi1>, vector<16xf32>
            %mul3A_790 = arith.mulf %select_n3A_789, %get3A_216 : vector<16xf32>
            %add3A_791 = arith.addf %add3A_769, %mul3A_790 : vector<16xf32>
            %mul3A_792 = arith.constant 2 : i32
            %mul3A_793 = arith.muli %mul3A_792, %add3A_701 : i32
            %get3A_794 = arith.index_cast %mul3A_793 : i32 to index
            %get3A_795 = arith.constant 64 : index
            %get3A_796 = tpu.vector_load %arg13[%get3A_794, %get3A_795] {strides = array<i32>} : memref<64x256xf32, #tpu.memory_space<vmem>>, vector<16xf32>,
            %mul3A_797 = arith.constant 2 : i32
            %mul3A_798 = arith.muli %mul3A_797, %add3A_701 : i32
            %add3A_799 = arith.constant 1 : i32
            %add3A_800 = arith.addi %mul3A_798, %add3A_799 : i32
            %get3A_801 = arith.index_cast %add3A_800 : i32 to index
            %get3A_802 = arith.constant 64 : index
            %get3A_803 = tpu.vector_load %arg13[%get3A_801, %get3A_802] {strides = array<i32>} : memref<64x256xf32, #tpu.memory_space<vmem>>, vector<16xf32>,
            %add3A_804 = arith.addf %get3A_796, %get3A_803 : vector<16xf32>
            %ge3A_805 = arith.constant 0.000000e+00 : f32
            %ge3A_806 = vector.broadcast %ge3A_805 : f32 to vector<16xf32>
            %ge3A_807 = arith.cmpf oge, %add3A_804, %ge3A_806 : vector<16xf32>
            %mul3A_808 = arith.constant 2.000000e-01 : f32
            %mul3A_809 = vector.broadcast %mul3A_808 : f32 to vector<16xf32>
            %mul3A_810 = arith.mulf %mul3A_809, %add3A_804 : vector<16xf32>
            %select_n3A_811 = arith.select %ge3A_807, %add3A_804, %mul3A_810 : vector<16xi1>, vector<16xf32>
            %mul3A_812 = arith.mulf %select_n3A_811, %get3A_218 : vector<16xf32>
            %add3A_813 = arith.addf %add3A_791, %mul3A_812 : vector<16xf32>
            %mul3A_814 = arith.constant 2 : i32
            %mul3A_815 = arith.muli %mul3A_814, %add3A_701 : i32
            %get3A_816 = arith.index_cast %mul3A_815 : i32 to index
            %get3A_817 = arith.constant 80 : index
            %get3A_818 = tpu.vector_load %arg13[%get3A_816, %get3A_817] {strides = array<i32>} : memref<64x256xf32, #tpu.memory_space<vmem>>, vector<16xf32>,
            %mul3A_819 = arith.constant 2 : i32
            %mul3A_820 = arith.muli %mul3A_819, %add3A_701 : i32
            %add3A_821 = arith.constant 1 : i32
            %add3A_822 = arith.addi %mul3A_820, %add3A_821 : i32
            %get3A_823 = arith.index_cast %add3A_822 : i32 to index
            %get3A_824 = arith.constant 80 : index
            %get3A_825 = tpu.vector_load %arg13[%get3A_823, %get3A_824] {strides = array<i32>} : memref<64x256xf32, #tpu.memory_space<vmem>>, vector<16xf32>,
            %add3A_826 = arith.addf %get3A_818, %get3A_825 : vector<16xf32>
            %ge3A_827 = arith.constant 0.000000e+00 : f32
            %ge3A_828 = vector.broadcast %ge3A_827 : f32 to vector<16xf32>
            %ge3A_829 = arith.cmpf oge, %add3A_826, %ge3A_828 : vector<16xf32>
            %mul3A_830 = arith.constant 2.000000e-01 : f32
            %mul3A_831 = vector.broadcast %mul3A_830 : f32 to vector<16xf32>
            %mul3A_832 = arith.mulf %mul3A_831, %add3A_826 : vector<16xf32>
            %select_n3A_833 = arith.select %ge3A_829, %add3A_826, %mul3A_832 : vector<16xi1>, vector<16xf32>
            %mul3A_834 = arith.mulf %select_n3A_833, %get3A_220 : vector<16xf32>
            %add3A_835 = arith.addf %add3A_813, %mul3A_834 : vector<16xf32>
            %mul3A_836 = arith.constant 2 : i32
            %mul3A_837 = arith.muli %mul3A_836, %add3A_701 : i32
            %get3A_838 = arith.index_cast %mul3A_837 : i32 to index
            %get3A_839 = arith.constant 96 : index
            %get3A_840 = tpu.vector_load %arg13[%get3A_838, %get3A_839] {strides = array<i32>} : memref<64x256xf32, #tpu.memory_space<vmem>>, vector<16xf32>,
            %mul3A_841 = arith.constant 2 : i32
            %mul3A_842 = arith.muli %mul3A_841, %add3A_701 : i32
            %add3A_843 = arith.constant 1 : i32
            %add3A_844 = arith.addi %mul3A_842, %add3A_843 : i32
            %get3A_845 = arith.index_cast %add3A_844 : i32 to index
            %get3A_846 = arith.constant 96 : index
            %get3A_847 = tpu.vector_load %arg13[%get3A_845, %get3A_846] {strides = array<i32>} : memref<64x256xf32, #tpu.memory_space<vmem>>, vector<16xf32>,
            %add3A_848 = arith.addf %get3A_840, %get3A_847 : vector<16xf32>
            %ge3A_849 = arith.constant 0.000000e+00 : f32
            %ge3A_850 = vector.broadcast %ge3A_849 : f32 to vector<16xf32>
            %ge3A_851 = arith.cmpf oge, %add3A_848, %ge3A_850 : vector<16xf32>
            %mul3A_852 = arith.constant 2.000000e-01 : f32
            %mul3A_853 = vector.broadcast %mul3A_852 : f32 to vector<16xf32>
            %mul3A_854 = arith.mulf %mul3A_853, %add3A_848 : vector<16xf32>
            %select_n3A_855 = arith.select %ge3A_851, %add3A_848, %mul3A_854 : vector<16xi1>, vector<16xf32>
            %mul3A_856 = arith.mulf %select_n3A_855, %get3A_222 : vector<16xf32>
            %add3A_857 = arith.addf %add3A_835, %mul3A_856 : vector<16xf32>
            %mul3A_858 = arith.constant 2 : i32
            %mul3A_859 = arith.muli %mul3A_858, %add3A_701 : i32
            %get3A_860 = arith.index_cast %mul3A_859 : i32 to index
            %get3A_861 = arith.constant 112 : index
            %get3A_862 = tpu.vector_load %arg13[%get3A_860, %get3A_861] {strides = array<i32>} : memref<64x256xf32, #tpu.memory_space<vmem>>, vector<16xf32>,
            %mul3A_863 = arith.constant 2 : i32
            %mul3A_864 = arith.muli %mul3A_863, %add3A_701 : i32
            %add3A_865 = arith.constant 1 : i32
            %add3A_866 = arith.addi %mul3A_864, %add3A_865 : i32
            %get3A_867 = arith.index_cast %add3A_866 : i32 to index
            %get3A_868 = arith.constant 112 : index
            %get3A_869 = tpu.vector_load %arg13[%get3A_867, %get3A_868] {strides = array<i32>} : memref<64x256xf32, #tpu.memory_space<vmem>>, vector<16xf32>,
            %add3A_870 = arith.addf %get3A_862, %get3A_869 : vector<16xf32>
            %ge3A_871 = arith.constant 0.000000e+00 : f32
            %ge3A_872 = vector.broadcast %ge3A_871 : f32 to vector<16xf32>
            %ge3A_873 = arith.cmpf oge, %add3A_870, %ge3A_872 : vector<16xf32>
            %mul3A_874 = arith.constant 2.000000e-01 : f32
            %mul3A_875 = vector.broadcast %mul3A_874 : f32 to vector<16xf32>
            %mul3A_876 = arith.mulf %mul3A_875, %add3A_870 : vector<16xf32>
            %select_n3A_877 = arith.select %ge3A_873, %add3A_870, %mul3A_876 : vector<16xi1>, vector<16xf32>
            %mul3A_878 = arith.mulf %select_n3A_877, %get3A_224 : vector<16xf32>
            %add3A_879 = arith.addf %add3A_857, %mul3A_878 : vector<16xf32>
            %mul3A_880 = arith.constant 2 : i32
            %mul3A_881 = arith.muli %mul3A_880, %add3A_701 : i32
            %get3A_882 = arith.index_cast %mul3A_881 : i32 to index
            %get3A_883 = arith.constant 128 : index
            %get3A_884 = tpu.vector_load %arg13[%get3A_882, %get3A_883] {strides = array<i32>} : memref<64x256xf32, #tpu.memory_space<vmem>>, vector<16xf32>,
            %mul3A_885 = arith.constant 2 : i32
            %mul3A_886 = arith.muli %mul3A_885, %add3A_701 : i32
            %add3A_887 = arith.constant 1 : i32
            %add3A_888 = arith.addi %mul3A_886, %add3A_887 : i32
            %get3A_889 = arith.index_cast %add3A_888 : i32 to index
            %get3A_890 = arith.constant 128 : index
            %get3A_891 = tpu.vector_load %arg13[%get3A_889, %get3A_890] {strides = array<i32>} : memref<64x256xf32, #tpu.memory_space<vmem>>, vector<16xf32>,
            %add3A_892 = arith.addf %get3A_884, %get3A_891 : vector<16xf32>
            %ge3A_893 = arith.constant 0.000000e+00 : f32
            %ge3A_894 = vector.broadcast %ge3A_893 : f32 to vector<16xf32>
            %ge3A_895 = arith.cmpf oge, %add3A_892, %ge3A_894 : vector<16xf32>
            %mul3A_896 = arith.constant 2.000000e-01 : f32
            %mul3A_897 = vector.broadcast %mul3A_896 : f32 to vector<16xf32>
            %mul3A_898 = arith.mulf %mul3A_897, %add3A_892 : vector<16xf32>
            %select_n3A_899 = arith.select %ge3A_895, %add3A_892, %mul3A_898 : vector<16xi1>, vector<16xf32>
            %mul3A_900 = arith.mulf %select_n3A_899, %get3A_226 : vector<16xf32>
            %add3A_901 = arith.addf %add3A_879, %mul3A_900 : vector<16xf32>
            %mul3A_902 = arith.constant 2 : i32
            %mul3A_903 = arith.muli %mul3A_902, %add3A_701 : i32
            %get3A_904 = arith.index_cast %mul3A_903 : i32 to index
            %get3A_905 = arith.constant 144 : index
            %get3A_906 = tpu.vector_load %arg13[%get3A_904, %get3A_905] {strides = array<i32>} : memref<64x256xf32, #tpu.memory_space<vmem>>, vector<16xf32>,
            %mul3A_907 = arith.constant 2 : i32
            %mul3A_908 = arith.muli %mul3A_907, %add3A_701 : i32
            %add3A_909 = arith.constant 1 : i32
            %add3A_910 = arith.addi %mul3A_908, %add3A_909 : i32
            %get3A_911 = arith.index_cast %add3A_910 : i32 to index
            %get3A_912 = arith.constant 144 : index
            %get3A_913 = tpu.vector_load %arg13[%get3A_911, %get3A_912] {strides = array<i32>} : memref<64x256xf32, #tpu.memory_space<vmem>>, vector<16xf32>,
            %add3A_914 = arith.addf %get3A_906, %get3A_913 : vector<16xf32>
            %ge3A_915 = arith.constant 0.000000e+00 : f32
            %ge3A_916 = vector.broadcast %ge3A_915 : f32 to vector<16xf32>
            %ge3A_917 = arith.cmpf oge, %add3A_914, %ge3A_916 : vector<16xf32>
            %mul3A_918 = arith.constant 2.000000e-01 : f32
            %mul3A_919 = vector.broadcast %mul3A_918 : f32 to vector<16xf32>
            %mul3A_920 = arith.mulf %mul3A_919, %add3A_914 : vector<16xf32>
            %select_n3A_921 = arith.select %ge3A_917, %add3A_914, %mul3A_920 : vector<16xi1>, vector<16xf32>
            %mul3A_922 = arith.mulf %select_n3A_921, %get3A_228 : vector<16xf32>
            %add3A_923 = arith.addf %add3A_901, %mul3A_922 : vector<16xf32>
            %mul3A_924 = arith.constant 2 : i32
            %mul3A_925 = arith.muli %mul3A_924, %add3A_701 : i32
            %get3A_926 = arith.index_cast %mul3A_925 : i32 to index
            %get3A_927 = arith.constant 160 : index
            %get3A_928 = tpu.vector_load %arg13[%get3A_926, %get3A_927] {strides = array<i32>} : memref<64x256xf32, #tpu.memory_space<vmem>>, vector<16xf32>,
            %mul3A_929 = arith.constant 2 : i32
            %mul3A_930 = arith.muli %mul3A_929, %add3A_701 : i32
            %add3A_931 = arith.constant 1 : i32
            %add3A_932 = arith.addi %mul3A_930, %add3A_931 : i32
            %get3A_933 = arith.index_cast %add3A_932 : i32 to index
            %get3A_934 = arith.constant 160 : index
            %get3A_935 = tpu.vector_load %arg13[%get3A_933, %get3A_934] {strides = array<i32>} : memref<64x256xf32, #tpu.memory_space<vmem>>, vector<16xf32>,
            %add3A_936 = arith.addf %get3A_928, %get3A_935 : vector<16xf32>
            %ge3A_937 = arith.constant 0.000000e+00 : f32
            %ge3A_938 = vector.broadcast %ge3A_937 : f32 to vector<16xf32>
            %ge3A_939 = arith.cmpf oge, %add3A_936, %ge3A_938 : vector<16xf32>
            %mul3A_940 = arith.constant 2.000000e-01 : f32
            %mul3A_941 = vector.broadcast %mul3A_940 : f32 to vector<16xf32>
            %mul3A_942 = arith.mulf %mul3A_941, %add3A_936 : vector<16xf32>
            %select_n3A_943 = arith.select %ge3A_939, %add3A_936, %mul3A_942 : vector<16xi1>, vector<16xf32>
            %mul3A_944 = arith.mulf %select_n3A_943, %get3A_230 : vector<16xf32>
            %add3A_945 = arith.addf %add3A_923, %mul3A_944 : vector<16xf32>
            %mul3A_946 = arith.constant 2 : i32
            %mul3A_947 = arith.muli %mul3A_946, %add3A_701 : i32
            %get3A_948 = arith.index_cast %mul3A_947 : i32 to index
            %get3A_949 = arith.constant 176 : index
            %get3A_950 = tpu.vector_load %arg13[%get3A_948, %get3A_949] {strides = array<i32>} : memref<64x256xf32, #tpu.memory_space<vmem>>, vector<16xf32>,
            %mul3A_951 = arith.constant 2 : i32
            %mul3A_952 = arith.muli %mul3A_951, %add3A_701 : i32
            %add3A_953 = arith.constant 1 : i32
            %add3A_954 = arith.addi %mul3A_952, %add3A_953 : i32
            %get3A_955 = arith.index_cast %add3A_954 : i32 to index
            %get3A_956 = arith.constant 176 : index
            %get3A_957 = tpu.vector_load %arg13[%get3A_955, %get3A_956] {strides = array<i32>} : memref<64x256xf32, #tpu.memory_space<vmem>>, vector<16xf32>,
            %add3A_958 = arith.addf %get3A_950, %get3A_957 : vector<16xf32>
            %ge3A_959 = arith.constant 0.000000e+00 : f32
            %ge3A_960 = vector.broadcast %ge3A_959 : f32 to vector<16xf32>
            %ge3A_961 = arith.cmpf oge, %add3A_958, %ge3A_960 : vector<16xf32>
            %mul3A_962 = arith.constant 2.000000e-01 : f32
            %mul3A_963 = vector.broadcast %mul3A_962 : f32 to vector<16xf32>
            %mul3A_964 = arith.mulf %mul3A_963, %add3A_958 : vector<16xf32>
            %select_n3A_965 = arith.select %ge3A_961, %add3A_958, %mul3A_964 : vector<16xi1>, vector<16xf32>
            %mul3A_966 = arith.mulf %select_n3A_965, %get3A_232 : vector<16xf32>
            %add3A_967 = arith.addf %add3A_945, %mul3A_966 : vector<16xf32>
            %mul3A_968 = arith.constant 2 : i32
            %mul3A_969 = arith.muli %mul3A_968, %add3A_701 : i32
            %get3A_970 = arith.index_cast %mul3A_969 : i32 to index
            %get3A_971 = arith.constant 192 : index
            %get3A_972 = tpu.vector_load %arg13[%get3A_970, %get3A_971] {strides = array<i32>} : memref<64x256xf32, #tpu.memory_space<vmem>>, vector<16xf32>,
            %mul3A_973 = arith.constant 2 : i32
            %mul3A_974 = arith.muli %mul3A_973, %add3A_701 : i32
            %add3A_975 = arith.constant 1 : i32
            %add3A_976 = arith.addi %mul3A_974, %add3A_975 : i32
            %get3A_977 = arith.index_cast %add3A_976 : i32 to index
            %get3A_978 = arith.constant 192 : index
            %get3A_979 = tpu.vector_load %arg13[%get3A_977, %get3A_978] {strides = array<i32>} : memref<64x256xf32, #tpu.memory_space<vmem>>, vector<16xf32>,
            %add3A_980 = arith.addf %get3A_972, %get3A_979 : vector<16xf32>
            %ge3A_981 = arith.constant 0.000000e+00 : f32
            %ge3A_982 = vector.broadcast %ge3A_981 : f32 to vector<16xf32>
            %ge3A_983 = arith.cmpf oge, %add3A_980, %ge3A_982 : vector<16xf32>
            %mul3A_984 = arith.constant 2.000000e-01 : f32
            %mul3A_985 = vector.broadcast %mul3A_984 : f32 to vector<16xf32>
            %mul3A_986 = arith.mulf %mul3A_985, %add3A_980 : vector<16xf32>
            %select_n3A_987 = arith.select %ge3A_983, %add3A_980, %mul3A_986 : vector<16xi1>, vector<16xf32>
            %mul3A_988 = arith.mulf %select_n3A_987, %get3A_234 : vector<16xf32>
            %add3A_989 = arith.addf %add3A_967, %mul3A_988 : vector<16xf32>
            %mul3A_990 = arith.constant 2 : i32
            %mul3A_991 = arith.muli %mul3A_990, %add3A_701 : i32
            %get3A_992 = arith.index_cast %mul3A_991 : i32 to index
            %get3A_993 = arith.constant 208 : index
            %get3A_994 = tpu.vector_load %arg13[%get3A_992, %get3A_993] {strides = array<i32>} : memref<64x256xf32, #tpu.memory_space<vmem>>, vector<16xf32>,
            %mul3A_995 = arith.constant 2 : i32
            %mul3A_996 = arith.muli %mul3A_995, %add3A_701 : i32
            %add3A_997 = arith.constant 1 : i32
            %add3A_998 = arith.addi %mul3A_996, %add3A_997 : i32
            %get3A_999 = arith.index_cast %add3A_998 : i32 to index
            %get3A_1000 = arith.constant 208 : index
            %get3A_1001 = tpu.vector_load %arg13[%get3A_999, %get3A_1000] {strides = array<i32>} : memref<64x256xf32, #tpu.memory_space<vmem>>, vector<16xf32>,
            %add3A_1002 = arith.addf %get3A_994, %get3A_1001 : vector<16xf32>
            %ge3A_1003 = arith.constant 0.000000e+00 : f32
            %ge3A_1004 = vector.broadcast %ge3A_1003 : f32 to vector<16xf32>
            %ge3A_1005 = arith.cmpf oge, %add3A_1002, %ge3A_1004 : vector<16xf32>
            %mul3A_1006 = arith.constant 2.000000e-01 : f32
            %mul3A_1007 = vector.broadcast %mul3A_1006 : f32 to vector<16xf32>
            %mul3A_1008 = arith.mulf %mul3A_1007, %add3A_1002 : vector<16xf32>
            %select_n3A_1009 = arith.select %ge3A_1005, %add3A_1002, %mul3A_1008 : vector<16xi1>, vector<16xf32>
            %mul3A_1010 = arith.mulf %select_n3A_1009, %get3A_236 : vector<16xf32>
            %add3A_1011 = arith.addf %add3A_989, %mul3A_1010 : vector<16xf32>
            %mul3A_1012 = arith.constant 2 : i32
            %mul3A_1013 = arith.muli %mul3A_1012, %add3A_701 : i32
            %get3A_1014 = arith.index_cast %mul3A_1013 : i32 to index
            %get3A_1015 = arith.constant 224 : index
            %get3A_1016 = tpu.vector_load %arg13[%get3A_1014, %get3A_1015] {strides = array<i32>} : memref<64x256xf32, #tpu.memory_space<vmem>>, vector<16xf32>,
            %mul3A_1017 = arith.constant 2 : i32
            %mul3A_1018 = arith.muli %mul3A_1017, %add3A_701 : i32
            %add3A_1019 = arith.constant 1 : i32
            %add3A_1020 = arith.addi %mul3A_1018, %add3A_1019 : i32
            %get3A_1021 = arith.index_cast %add3A_1020 : i32 to index
            %get3A_1022 = arith.constant 224 : index
            %get3A_1023 = tpu.vector_load %arg13[%get3A_1021, %get3A_1022] {strides = array<i32>} : memref<64x256xf32, #tpu.memory_space<vmem>>, vector<16xf32>,
            %add3A_1024 = arith.addf %get3A_1016, %get3A_1023 : vector<16xf32>
            %ge3A_1025 = arith.constant 0.000000e+00 : f32
            %ge3A_1026 = vector.broadcast %ge3A_1025 : f32 to vector<16xf32>
            %ge3A_1027 = arith.cmpf oge, %add3A_1024, %ge3A_1026 : vector<16xf32>
            %mul3A_1028 = arith.constant 2.000000e-01 : f32
            %mul3A_1029 = vector.broadcast %mul3A_1028 : f32 to vector<16xf32>
            %mul3A_1030 = arith.mulf %mul3A_1029, %add3A_1024 : vector<16xf32>
            %select_n3A_1031 = arith.select %ge3A_1027, %add3A_1024, %mul3A_1030 : vector<16xi1>, vector<16xf32>
            %mul3A_1032 = arith.mulf %select_n3A_1031, %get3A_238 : vector<16xf32>
            %add3A_1033 = arith.addf %add3A_1011, %mul3A_1032 : vector<16xf32>
            %mul3A_1034 = arith.constant 2 : i32
            %mul3A_1035 = arith.muli %mul3A_1034, %add3A_701 : i32
            %get3A_1036 = arith.index_cast %mul3A_1035 : i32 to index
            %get3A_1037 = arith.constant 240 : index
            %get3A_1038 = tpu.vector_load %arg13[%get3A_1036, %get3A_1037] {strides = array<i32>} : memref<64x256xf32, #tpu.memory_space<vmem>>, vector<16xf32>,
            %mul3A_1039 = arith.constant 2 : i32
            %mul3A_1040 = arith.muli %mul3A_1039, %add3A_701 : i32
            %add3A_1041 = arith.constant 1 : i32
            %add3A_1042 = arith.addi %mul3A_1040, %add3A_1041 : i32
            %get3A_1043 = arith.index_cast %add3A_1042 : i32 to index
            %get3A_1044 = arith.constant 240 : index
            %get3A_1045 = tpu.vector_load %arg13[%get3A_1043, %get3A_1044] {strides = array<i32>} : memref<64x256xf32, #tpu.memory_space<vmem>>, vector<16xf32>,
            %add3A_1046 = arith.addf %get3A_1038, %get3A_1045 : vector<16xf32>
            %ge3A_1047 = arith.constant 0.000000e+00 : f32
            %ge3A_1048 = vector.broadcast %ge3A_1047 : f32 to vector<16xf32>
            %ge3A_1049 = arith.cmpf oge, %add3A_1046, %ge3A_1048 : vector<16xf32>
            %mul3A_1050 = arith.constant 2.000000e-01 : f32
            %mul3A_1051 = vector.broadcast %mul3A_1050 : f32 to vector<16xf32>
            %mul3A_1052 = arith.mulf %mul3A_1051, %add3A_1046 : vector<16xf32>
            %select_n3A_1053 = arith.select %ge3A_1049, %add3A_1046, %mul3A_1052 : vector<16xi1>, vector<16xf32>
            %mul3A_1054 = arith.mulf %select_n3A_1053, %get3A_240 : vector<16xf32>
            %add3A_1055 = arith.addf %add3A_1033, %mul3A_1054 : vector<16xf32>
            %reduce_sum3A_1056 = arith.constant true
            %reduce_sum3A_1057 = vector.broadcast %reduce_sum3A_1056 : i1 to vector<16xi1>
            %reduce_sum3A_1058 = tpu.scan <sum>, %add3A_1055 masked %reduce_sum3A_1057 : vector<16xf32>, vector<16xi1> -> vector<16xf32>
            %reduce_sum3A_1059 = vector.extract %reduce_sum3A_1058[15] : f32 from vector<16xf32>
            %mul3A_1060 = arith.constant 32 : i32
            %mul3A_1061 = arith.muli %add3A_137, %mul3A_1060 : i32
            %add3A_1062 = arith.addi %mul3A_1061, %add3A_701 : i32
            %lt3A_1063 = arith.cmpi slt, %add3A_1062, %scan3A_33 : i32
            %convert_element_type3A_1064 = arith.extui %lt3A_1063 : i1 to i32
            %convert_element_type3A_1065 = arith.sitofp %convert_element_type3A_1064 : i32 to f32
            %broadcast_in_dim3A_1066 = vector.broadcast %reduce_sum3A_1059 : f32 to vector<16xf32>
            %exp3A_1067 = math.exp %broadcast_in_dim3A_1066 : vector<16xf32>
            %mul3A_1068 = vector.broadcast %convert_element_type3A_1065 : f32 to vector<16xf32>
            %mul3A_1069 = arith.mulf %mul3A_1068, %exp3A_1067 : vector<16xf32>
            %shift_right_logical3A_1070 = arith.constant 4 : i32
            %shift_right_logical3A_1071 = arith.shrui %add3A_701, %shift_right_logical3A_1070 : i32
            %mul3A_1072 = arith.constant 16 : i32
            %mul3A_1073 = arith.muli %shift_right_logical3A_1071, %mul3A_1072 : i32
            %get3A_1074 = arith.index_cast %mul3A_1073 : i32 to index
            %get3A_1075 = tpu.vector_load %arg14[%get3A_1074] {strides = array<i32>} : memref<32xi32, #tpu.memory_space<vmem>>, vector<16xi32>,
            %sub3A_1076 = arith.subi %add3A_701, %mul3A_1073 : i32
            %eq3A_1077 = vector.broadcast %sub3A_1076 : i32 to vector<16xi32>
            %eq3A_1078 = arith.cmpi eq, %iota3A, %eq3A_1077 : vector<16xi32>
            %sub3A_1079 = arith.subi %add3A_701, %mul3A_1073 : i32
            %broadcast_in_dim3A_1080 = vector.broadcast %sub3A_1079 : i32 to vector<16x1xi32>
            %gather3A_1081 = vector.shape_cast %broadcast_in_dim3A_1080 : vector<16x1xi32> to vector<16xi32>
            %gather3A_1082 = tpu.dynamic_gather %get3A_1075[%gather3A_1081] in [0] : vector<16xi32>, vector<16xi32> -> vector<16xi32>
            %mul3A_1083 = arith.constant 256 : i32
            %mul3A_1084 = vector.broadcast %mul3A_1083 : i32 to vector<16xi32>
            %mul3A_1085 = arith.muli %gather3A_1082, %mul3A_1084 : vector<16xi32>
            %add3A_1086 = arith.addi %mul3A_1085, %iota3A : vector<16xi32>
            %add3A_1087 = arith.constant 0 : i32
            %add3A_1088 = vector.broadcast %add3A_1087 : i32 to vector<16xi32>
            %add3A_1089 = arith.addi %add3A_1086, %add3A_1088 : vector<16xi32>
            %mul3A_1090 = arith.mulf %mul3A_1069, %get3A_708 : vector<16xf32>
            tpu.vector_store_idx %arg8[%add3A_1089], %mul3A_1090 {add = true} : memref<81920xf32, #tpu.memory_space<vmem>>[vector<16xi32>], vector<16xf32>,
            %add3A_1091 = arith.constant 16 : i32
            %add3A_1092 = vector.broadcast %add3A_1091 : i32 to vector<16xi32>
            %add3A_1093 = arith.addi %add3A_1086, %add3A_1092 : vector<16xi32>
            %mul3A_1094 = arith.mulf %mul3A_1069, %get3A_730 : vector<16xf32>
            tpu.vector_store_idx %arg8[%add3A_1093], %mul3A_1094 {add = true} : memref<81920xf32, #tpu.memory_space<vmem>>[vector<16xi32>], vector<16xf32>,
            %add3A_1095 = arith.constant 32 : i32
            %add3A_1096 = vector.broadcast %add3A_1095 : i32 to vector<16xi32>
            %add3A_1097 = arith.addi %add3A_1086, %add3A_1096 : vector<16xi32>
            %mul3A_1098 = arith.mulf %mul3A_1069, %get3A_752 : vector<16xf32>
            tpu.vector_store_idx %arg8[%add3A_1097], %mul3A_1098 {add = true} : memref<81920xf32, #tpu.memory_space<vmem>>[vector<16xi32>], vector<16xf32>,
            %add3A_1099 = arith.constant 48 : i32
            %add3A_1100 = vector.broadcast %add3A_1099 : i32 to vector<16xi32>
            %add3A_1101 = arith.addi %add3A_1086, %add3A_1100 : vector<16xi32>
            %mul3A_1102 = arith.mulf %mul3A_1069, %get3A_774 : vector<16xf32>
            tpu.vector_store_idx %arg8[%add3A_1101], %mul3A_1102 {add = true} : memref<81920xf32, #tpu.memory_space<vmem>>[vector<16xi32>], vector<16xf32>,
            %add3A_1103 = arith.constant 64 : i32
            %add3A_1104 = vector.broadcast %add3A_1103 : i32 to vector<16xi32>
            %add3A_1105 = arith.addi %add3A_1086, %add3A_1104 : vector<16xi32>
            %mul3A_1106 = arith.mulf %mul3A_1069, %get3A_796 : vector<16xf32>
            tpu.vector_store_idx %arg8[%add3A_1105], %mul3A_1106 {add = true} : memref<81920xf32, #tpu.memory_space<vmem>>[vector<16xi32>], vector<16xf32>,
            %add3A_1107 = arith.constant 80 : i32
            %add3A_1108 = vector.broadcast %add3A_1107 : i32 to vector<16xi32>
            %add3A_1109 = arith.addi %add3A_1086, %add3A_1108 : vector<16xi32>
            %mul3A_1110 = arith.mulf %mul3A_1069, %get3A_818 : vector<16xf32>
            tpu.vector_store_idx %arg8[%add3A_1109], %mul3A_1110 {add = true} : memref<81920xf32, #tpu.memory_space<vmem>>[vector<16xi32>], vector<16xf32>,
            %add3A_1111 = arith.constant 96 : i32
            %add3A_1112 = vector.broadcast %add3A_1111 : i32 to vector<16xi32>
            %add3A_1113 = arith.addi %add3A_1086, %add3A_1112 : vector<16xi32>
            %mul3A_1114 = arith.mulf %mul3A_1069, %get3A_840 : vector<16xf32>
            tpu.vector_store_idx %arg8[%add3A_1113], %mul3A_1114 {add = true} : memref<81920xf32, #tpu.memory_space<vmem>>[vector<16xi32>], vector<16xf32>,
            %add3A_1115 = arith.constant 112 : i32
            %add3A_1116 = vector.broadcast %add3A_1115 : i32 to vector<16xi32>
            %add3A_1117 = arith.addi %add3A_1086, %add3A_1116 : vector<16xi32>
            %mul3A_1118 = arith.mulf %mul3A_1069, %get3A_862 : vector<16xf32>
            tpu.vector_store_idx %arg8[%add3A_1117], %mul3A_1118 {add = true} : memref<81920xf32, #tpu.memory_space<vmem>>[vector<16xi32>], vector<16xf32>,
            %add3A_1119 = arith.constant 128 : i32
            %add3A_1120 = vector.broadcast %add3A_1119 : i32 to vector<16xi32>
            %add3A_1121 = arith.addi %add3A_1086, %add3A_1120 : vector<16xi32>
            %mul3A_1122 = arith.mulf %mul3A_1069, %get3A_884 : vector<16xf32>
            tpu.vector_store_idx %arg8[%add3A_1121], %mul3A_1122 {add = true} : memref<81920xf32, #tpu.memory_space<vmem>>[vector<16xi32>], vector<16xf32>,
            %add3A_1123 = arith.constant 144 : i32
            %add3A_1124 = vector.broadcast %add3A_1123 : i32 to vector<16xi32>
            %add3A_1125 = arith.addi %add3A_1086, %add3A_1124 : vector<16xi32>
            %mul3A_1126 = arith.mulf %mul3A_1069, %get3A_906 : vector<16xf32>
            tpu.vector_store_idx %arg8[%add3A_1125], %mul3A_1126 {add = true} : memref<81920xf32, #tpu.memory_space<vmem>>[vector<16xi32>], vector<16xf32>,
            %add3A_1127 = arith.constant 160 : i32
            %add3A_1128 = vector.broadcast %add3A_1127 : i32 to vector<16xi32>
            %add3A_1129 = arith.addi %add3A_1086, %add3A_1128 : vector<16xi32>
            %mul3A_1130 = arith.mulf %mul3A_1069, %get3A_928 : vector<16xf32>
            tpu.vector_store_idx %arg8[%add3A_1129], %mul3A_1130 {add = true} : memref<81920xf32, #tpu.memory_space<vmem>>[vector<16xi32>], vector<16xf32>,
            %add3A_1131 = arith.constant 176 : i32
            %add3A_1132 = vector.broadcast %add3A_1131 : i32 to vector<16xi32>
            %add3A_1133 = arith.addi %add3A_1086, %add3A_1132 : vector<16xi32>
            %mul3A_1134 = arith.mulf %mul3A_1069, %get3A_950 : vector<16xf32>
            tpu.vector_store_idx %arg8[%add3A_1133], %mul3A_1134 {add = true} : memref<81920xf32, #tpu.memory_space<vmem>>[vector<16xi32>], vector<16xf32>,
            %add3A_1135 = arith.constant 192 : i32
            %add3A_1136 = vector.broadcast %add3A_1135 : i32 to vector<16xi32>
            %add3A_1137 = arith.addi %add3A_1086, %add3A_1136 : vector<16xi32>
            %mul3A_1138 = arith.mulf %mul3A_1069, %get3A_972 : vector<16xf32>
            tpu.vector_store_idx %arg8[%add3A_1137], %mul3A_1138 {add = true} : memref<81920xf32, #tpu.memory_space<vmem>>[vector<16xi32>], vector<16xf32>,
            %add3A_1139 = arith.constant 208 : i32
            %add3A_1140 = vector.broadcast %add3A_1139 : i32 to vector<16xi32>
            %add3A_1141 = arith.addi %add3A_1086, %add3A_1140 : vector<16xi32>
            %mul3A_1142 = arith.mulf %mul3A_1069, %get3A_994 : vector<16xf32>
            tpu.vector_store_idx %arg8[%add3A_1141], %mul3A_1142 {add = true} : memref<81920xf32, #tpu.memory_space<vmem>>[vector<16xi32>], vector<16xf32>,
            %add3A_1143 = arith.constant 224 : i32
            %add3A_1144 = vector.broadcast %add3A_1143 : i32 to vector<16xi32>
            %add3A_1145 = arith.addi %add3A_1086, %add3A_1144 : vector<16xi32>
            %mul3A_1146 = arith.mulf %mul3A_1069, %get3A_1016 : vector<16xf32>
            tpu.vector_store_idx %arg8[%add3A_1145], %mul3A_1146 {add = true} : memref<81920xf32, #tpu.memory_space<vmem>>[vector<16xi32>], vector<16xf32>,
            %add3A_1147 = arith.constant 240 : i32
            %add3A_1148 = vector.broadcast %add3A_1147 : i32 to vector<16xi32>
            %add3A_1149 = arith.addi %add3A_1086, %add3A_1148 : vector<16xi32>
            %mul3A_1150 = arith.mulf %mul3A_1069, %get3A_1038 : vector<16xf32>
            tpu.vector_store_idx %arg8[%add3A_1149], %mul3A_1150 {add = true} : memref<81920xf32, #tpu.memory_space<vmem>>[vector<16xi32>], vector<16xf32>,
            tpu.vector_store_idx %arg16[%get3A_1075], %mul3A_1069 masked %eq3A_1078 {add = true} : memref<384xf32, #tpu.memory_space<vmem>>[vector<16xi32>], vector<16xf32>, vector<16xi1>
          }
          %scan3A_245 = arith.constant 16 : i32
        } else {
        }
      }
    }
    %scan3A_16 = arith.constant 32 : i32
    %mul3A_17 = arith.constant 256 : i32
    %mul3A_18 = arith.muli %mul3A_2, %mul3A_17 : i32
    "tpu.region"() ({
      %run_scoped3A = tpu.sem_alloc : memref<!tpu.dma_semaphore, #tpu.memory_space<semaphore_mem>>
      %dma_start3A = tpu.memref_slice %arg6[%mul3A_18] : memref<2621440xf32, #tpu.memory_space<hbm>> -> memref<81920xf32, #tpu.memory_space<hbm>>
      %dma_start3A_19 = tpu.memref_slice %arg6[%mul3A_18] : memref<2621440xf32, #tpu.memory_space<hbm>> -> memref<81920xf32, #tpu.memory_space<hbm>>
      tpu.enqueue_dma source(%arg8 : memref<81920xf32, #tpu.memory_space<vmem>>) target(%dma_start3A_19 : memref<81920xf32, #tpu.memory_space<hbm>>) target_semaphore(%run_scoped3A : memref<!tpu.dma_semaphore, #tpu.memory_space<semaphore_mem>>)
      %dma_wait3A = tpu.memref_slice %arg6[%mul3A_18] : memref<2621440xf32, #tpu.memory_space<hbm>> -> memref<81920xf32, #tpu.memory_space<hbm>>
      %dma_wait3A_20 = tpu.memref_slice %arg6[%mul3A_18] : memref<2621440xf32, #tpu.memory_space<hbm>> -> memref<81920xf32, #tpu.memory_space<hbm>>
      tpu.wait_dma2 semaphore(%run_scoped3A : memref<!tpu.dma_semaphore, #tpu.memory_space<semaphore_mem>>) src(%arg8 : memref<81920xf32, #tpu.memory_space<vmem>>) dst(%dma_wait3A_20 : memref<81920xf32, #tpu.memory_space<hbm>>)
      tpu.yield
    }) : () -> ()
    "tpu.region"() ({
      %run_scoped3A = tpu.sem_alloc : memref<!tpu.dma_semaphore, #tpu.memory_space<semaphore_mem>>
      %dma_start3A = arith.constant 0 : i32
      %dma_start3A_19 = tpu.memref_slice %arg16[%dma_start3A] : memref<384xf32, #tpu.memory_space<vmem>> -> memref<320xf32, #tpu.memory_space<vmem>>
      %dma_start3A_20 = tpu.memref_slice %arg7[%mul3A_2] : memref<10240xf32, #tpu.memory_space<hbm>> -> memref<320xf32, #tpu.memory_space<hbm>>
      %dma_start3A_21 = tpu.memref_slice %arg7[%mul3A_2] : memref<10240xf32, #tpu.memory_space<hbm>> -> memref<320xf32, #tpu.memory_space<hbm>>
      %dma_start3A_22 = arith.constant 0 : i32
      %dma_start3A_23 = tpu.memref_slice %arg16[%dma_start3A_22] : memref<384xf32, #tpu.memory_space<vmem>> -> memref<320xf32, #tpu.memory_space<vmem>>
      tpu.enqueue_dma source(%dma_start3A_23 : memref<320xf32, #tpu.memory_space<vmem>>) target(%dma_start3A_21 : memref<320xf32, #tpu.memory_space<hbm>>) target_semaphore(%run_scoped3A : memref<!tpu.dma_semaphore, #tpu.memory_space<semaphore_mem>>)
      %dma_wait3A = arith.constant 0 : i32
      %dma_wait3A_24 = tpu.memref_slice %arg16[%dma_wait3A] : memref<384xf32, #tpu.memory_space<vmem>> -> memref<320xf32, #tpu.memory_space<vmem>>
      %dma_wait3A_25 = tpu.memref_slice %arg7[%mul3A_2] : memref<10240xf32, #tpu.memory_space<hbm>> -> memref<320xf32, #tpu.memory_space<hbm>>
      %dma_wait3A_26 = tpu.memref_slice %arg7[%mul3A_2] : memref<10240xf32, #tpu.memory_space<hbm>> -> memref<320xf32, #tpu.memory_space<hbm>>
      %dma_wait3A_27 = arith.constant 0 : i32
      %dma_wait3A_28 = tpu.memref_slice %arg16[%dma_wait3A_27] : memref<384xf32, #tpu.memory_space<vmem>> -> memref<320xf32, #tpu.memory_space<vmem>>
      tpu.wait_dma2 semaphore(%run_scoped3A : memref<!tpu.dma_semaphore, #tpu.memory_space<semaphore_mem>>) src(%dma_wait3A_28 : memref<320xf32, #tpu.memory_space<vmem>>) dst(%dma_wait3A_26 : memref<320xf32, #tpu.memory_space<hbm>>)
      tpu.yield
    }) : () -> ()
    return
  }
}

module attributes {stable_mosaic.version = 14 : i64} {
  func.func @_stage1_body(%arg0: i32, %arg1: memref<400x1028xf32, #tpu.memory_space<vmem>>, %arg2: memref<1028x512xf32, #tpu.memory_space<vmem>>, %arg3: memref<1x512xf32, #tpu.memory_space<vmem>>, %arg4: memref<400x2x256xf32, #tpu.memory_space<vmem>>) attributes {dimension_semantics = [#tpu.dimension_semantics<arbitrary>], iteration_bounds = array<i64: 25>, scalar_prefetch = 0 : i64, scratch_operands = 0 : i64, tpu.core_type = #tpu.core_type<tc>, window_params = [{transform_indices = @transform_0, window_bounds = array<i64: 400, 1028>}, {pipeline_mode = #tpu.pipeline_mode<synchronous>, transform_indices = @transform_1, window_bounds = array<i64: 1028, 512>}, {pipeline_mode = #tpu.pipeline_mode<synchronous>, transform_indices = @transform_2, window_bounds = array<i64: 1, 512>}, {transform_indices = @transform_3, window_bounds = array<i64: 400, 2, 256>}]} {
    %get3A = arith.constant 0 : index
    %get3A_0 = arith.constant 0 : index
    %get3A_1 = vector.load %arg1[%get3A, %get3A_0] : memref<400x1028xf32, #tpu.memory_space<vmem>>, vector<400x1028xf32>
    %get3A_2 = arith.constant 0 : index
    %get3A_3 = arith.constant 0 : index
    %get3A_4 = vector.load %arg2[%get3A_2, %get3A_3] : memref<1028x512xf32, #tpu.memory_space<vmem>>, vector<1028x512xf32>
    %dot_general3A = arith.constant dense<0.000000e+00> : vector<400x512xf32>
    %dot_general3A_5 = tpu.matmul %get3A_1, %get3A_4, %dot_general3A {dimension_numbers = #tpu.dot_dimension_numbers<[1], [0], [0], [1], [0, 0, 1, 1], [], []>, transpose_lhs_hint = false} : vector<400x1028xf32>, vector<1028x512xf32>, vector<400x512xf32> -> vector<400x512xf32>
    %get3A_6 = arith.constant 0 : index
    %get3A_7 = arith.constant 0 : index
    %get3A_8 = vector.load %arg3[%get3A_6, %get3A_7] : memref<1x512xf32, #tpu.memory_space<vmem>>, vector<1x512xf32>
    %add3A = vector.broadcast %get3A_8 : vector<1x512xf32> to vector<400x512xf32>
    %add3A_9 = arith.addf %dot_general3A_5, %add3A : vector<400x512xf32>
    %reshape3A = vector.shape_cast %add3A_9 : vector<400x512xf32> to vector<400x2x256xf32>
    %swap3A = arith.constant 0 : index
    %swap3A_10 = arith.constant 0 : index
    %swap3A_11 = arith.constant 0 : index
    %swap3A_12 = vector.load %arg4[%swap3A, %swap3A_10, %swap3A_11] : memref<400x2x256xf32, #tpu.memory_space<vmem>>, vector<400x2x256xf32>
    tpu.vector_store %arg4[%swap3A, %swap3A_10, %swap3A_11], %reshape3A {strides = array<i32>} : memref<400x2x256xf32, #tpu.memory_space<vmem>>, vector<400x2x256xf32>,
    return
  }
  func.func @transform_0(%arg0: i32) -> (i32, i32) {
    %c0_i32 = arith.constant 0 : i32
    %c0_i32_0 = arith.constant 0 : i32
    return %arg0, %c0_i32 : i32, i32
  }
  func.func @transform_1(%arg0: i32) -> (i32, i32) {
    %c0_i32 = arith.constant 0 : i32
    %c0_i32_0 = arith.constant 0 : i32
    %c0_i32_1 = arith.constant 0 : i32
    return %c0_i32, %c0_i32_0 : i32, i32
  }
  func.func @transform_2(%arg0: i32) -> (i32, i32) {
    %c0_i32 = arith.constant 0 : i32
    %c0_i32_0 = arith.constant 0 : i32
    %c0_i32_1 = arith.constant 0 : i32
    return %c0_i32, %c0_i32_0 : i32, i32
  }
  func.func @transform_3(%arg0: i32) -> (i32, i32, i32) {
    %c0_i32 = arith.constant 0 : i32
    %c0_i32_0 = arith.constant 0 : i32
    %c0_i32_1 = arith.constant 0 : i32
    return %arg0, %c0_i32, %c0_i32_0 : i32, i32, i32
  }
}

module attributes {stable_mosaic.version = 14 : i64} {
  func.func @_stage3_body(%arg0: i32, %arg1: memref<1x625x256xf32, #tpu.memory_space<vmem>>, %arg2: memref<1x625x1xf32, #tpu.memory_space<vmem>>, %arg3: memref<256x256xf32, #tpu.memory_space<vmem>>, %arg4: memref<1x256xf32, #tpu.memory_space<vmem>>, %arg5: memref<1x256xf32, #tpu.memory_space<vmem>>, %arg6: memref<1x1x256xf32, #tpu.memory_space<vmem>>) attributes {dimension_semantics = [#tpu.dimension_semantics<arbitrary>], iteration_bounds = array<i64: 16>, scalar_prefetch = 0 : i64, scratch_operands = 0 : i64, tpu.core_type = #tpu.core_type<tc>, window_params = [{transform_indices = @transform_0, window_bounds = array<i64: 1, 625, 256>}, {transform_indices = @transform_1, window_bounds = array<i64: 1, 625, 1>}, {pipeline_mode = #tpu.pipeline_mode<synchronous>, transform_indices = @transform_2, window_bounds = array<i64: 256, 256>}, {pipeline_mode = #tpu.pipeline_mode<synchronous>, transform_indices = @transform_3, window_bounds = array<i64: 1, 256>}, {pipeline_mode = #tpu.pipeline_mode<synchronous>, transform_indices = @transform_4, window_bounds = array<i64: 1, 256>}, {transform_indices = @transform_5, window_bounds = array<i64: 1, 1, 256>}]} {
    %get3A = arith.constant 0 : index
    %get3A_0 = arith.constant 0 : index
    %get3A_1 = arith.constant 0 : index
    %get3A_2 = vector.load %arg1[%get3A, %get3A_0, %get3A_1] : memref<1x625x256xf32, #tpu.memory_space<vmem>>, vector<1x625x256xf32>
    %get3A_3 = vector.shape_cast %get3A_2 : vector<1x625x256xf32> to vector<625x256xf32>
    %get3A_4 = arith.constant 0 : index
    %get3A_5 = arith.constant 0 : index
    %get3A_6 = arith.constant 0 : index
    %get3A_7 = vector.load %arg2[%get3A_4, %get3A_5, %get3A_6] : memref<1x625x1xf32, #tpu.memory_space<vmem>>, vector<1x625x1xf32>
    %get3A_8 = vector.shape_cast %get3A_7 : vector<1x625x1xf32> to vector<625x1xf32>
    %max3A = arith.constant 1.000000e-16 : f32
    %max3A_9 = vector.broadcast %max3A : f32 to vector<625x1xf32>
    %max3A_10 = arith.maximumf %get3A_8, %max3A_9 : vector<625x1xf32>
    %div3A = vector.broadcast %max3A_10 : vector<625x1xf32> to vector<625x256xf32>
    %div3A_11 = arith.divf %get3A_3, %div3A : vector<625x256xf32>
    %get3A_12 = arith.constant 0 : index
    %get3A_13 = arith.constant 0 : index
    %get3A_14 = vector.load %arg5[%get3A_12, %get3A_13] : memref<1x256xf32, #tpu.memory_space<vmem>>, vector<1x256xf32>
    %add3A = vector.broadcast %get3A_14 : vector<1x256xf32> to vector<625x256xf32>
    %add3A_15 = arith.addf %div3A_11, %add3A : vector<625x256xf32>
    %get3A_16 = arith.constant 0 : index
    %get3A_17 = arith.constant 0 : index
    %get3A_18 = vector.load %arg3[%get3A_16, %get3A_17] : memref<256x256xf32, #tpu.memory_space<vmem>>, vector<256x256xf32>
    %dot_general3A = arith.constant dense<0.000000e+00> : vector<625x256xf32>
    %dot_general3A_19 = tpu.matmul %add3A_15, %get3A_18, %dot_general3A {dimension_numbers = #tpu.dot_dimension_numbers<[1], [0], [0], [1], [0, 0, 1, 1], [], []>, transpose_lhs_hint = false} : vector<625x256xf32>, vector<256x256xf32>, vector<625x256xf32> -> vector<625x256xf32>
    %get3A_20 = arith.constant 0 : index
    %get3A_21 = arith.constant 0 : index
    %get3A_22 = vector.load %arg4[%get3A_20, %get3A_21] : memref<1x256xf32, #tpu.memory_space<vmem>>, vector<1x256xf32>
    %add3A_23 = vector.broadcast %get3A_22 : vector<1x256xf32> to vector<625x256xf32>
    %add3A_24 = arith.addf %dot_general3A_19, %add3A_23 : vector<625x256xf32>
    %reduce_sum3A = arith.constant dense<0.000000e+00> : vector<256xf32>
    %reduce_sum3A_25 = vector.multi_reduction <add>, %add3A_24, %reduce_sum3A [0] : vector<625x256xf32> to vector<256xf32>
    %div3A_26 = arith.constant 6.250000e+02 : f32
    %div3A_27 = vector.broadcast %div3A_26 : f32 to vector<256xf32>
    %div3A_28 = arith.divf %reduce_sum3A_25, %div3A_27 : vector<256xf32>
    %reshape3A = vector.shape_cast %div3A_28 : vector<256xf32> to vector<1x1x256xf32>
    %swap3A = arith.constant 0 : index
    %swap3A_29 = arith.constant 0 : index
    %swap3A_30 = arith.constant 0 : index
    %swap3A_31 = vector.load %arg6[%swap3A, %swap3A_29, %swap3A_30] : memref<1x1x256xf32, #tpu.memory_space<vmem>>, vector<1x1x256xf32>
    tpu.vector_store %arg6[%swap3A, %swap3A_29, %swap3A_30], %reshape3A {strides = array<i32>} : memref<1x1x256xf32, #tpu.memory_space<vmem>>, vector<1x1x256xf32>,
    return
  }
  func.func @transform_0(%arg0: i32) -> (i32, i32, i32) {
    %c0_i32 = arith.constant 0 : i32
    %c0_i32_0 = arith.constant 0 : i32
    %c0_i32_1 = arith.constant 0 : i32
    return %arg0, %c0_i32, %c0_i32_0 : i32, i32, i32
  }
  func.func @transform_1(%arg0: i32) -> (i32, i32, i32) {
    %c0_i32 = arith.constant 0 : i32
    %c0_i32_0 = arith.constant 0 : i32
    %c0_i32_1 = arith.constant 0 : i32
    return %arg0, %c0_i32, %c0_i32_0 : i32, i32, i32
  }
  func.func @transform_2(%arg0: i32) -> (i32, i32) {
    %c0_i32 = arith.constant 0 : i32
    %c0_i32_0 = arith.constant 0 : i32
    %c0_i32_1 = arith.constant 0 : i32
    return %c0_i32, %c0_i32_0 : i32, i32
  }
  func.func @transform_3(%arg0: i32) -> (i32, i32) {
    %c0_i32 = arith.constant 0 : i32
    %c0_i32_0 = arith.constant 0 : i32
    %c0_i32_1 = arith.constant 0 : i32
    return %c0_i32, %c0_i32_0 : i32, i32
  }
  func.func @transform_4(%arg0: i32) -> (i32, i32) {
    %c0_i32 = arith.constant 0 : i32
    %c0_i32_0 = arith.constant 0 : i32
    %c0_i32_1 = arith.constant 0 : i32
    return %c0_i32, %c0_i32_0 : i32, i32
  }
  func.func @transform_5(%arg0: i32) -> (i32, i32, i32) {
    %c0_i32 = arith.constant 0 : i32
    %c0_i32_0 = arith.constant 0 : i32
    %c0_i32_1 = arith.constant 0 : i32
    return %arg0, %c0_i32, %c0_i32_0 : i32, i32, i32
  }
}

module attributes {stable_mosaic.version = 14 : i64} {
  func.func @_stage4_body(%arg0: i32, %arg1: memref<16x256xf32, #tpu.memory_space<vmem>>, %arg2: memref<16x1028xf32, #tpu.memory_space<vmem>>, %arg3: memref<1028x256xf32, #tpu.memory_space<vmem>>, %arg4: memref<1x256xf32, #tpu.memory_space<vmem>>, %arg5: memref<4x512x512xf32, #tpu.memory_space<vmem>>, %arg6: memref<4x1x512xf32, #tpu.memory_space<vmem>>, %arg7: memref<4x1x512xf32, #tpu.memory_space<vmem>>, %arg8: memref<4x1x512xf32, #tpu.memory_space<vmem>>, %arg9: memref<512x32xf32, #tpu.memory_space<vmem>>, %arg10: memref<1x32xf32, #tpu.memory_space<vmem>>, %arg11: memref<1x1xf32, #tpu.memory_space<vmem>>, %arg12: memref<8x2xf32, #tpu.memory_space<vmem>>) attributes {dimension_semantics = [#tpu.dimension_semantics<arbitrary>], iteration_bounds = array<i64: 1>, scalar_prefetch = 0 : i64, scratch_operands = 0 : i64, tpu.core_type = #tpu.core_type<tc>, window_params = [{pipeline_mode = #tpu.pipeline_mode<synchronous>, transform_indices = @transform_0, window_bounds = array<i64: 16, 256>}, {pipeline_mode = #tpu.pipeline_mode<synchronous>, transform_indices = @transform_1, window_bounds = array<i64: 16, 1028>}, {pipeline_mode = #tpu.pipeline_mode<synchronous>, transform_indices = @transform_2, window_bounds = array<i64: 1028, 256>}, {pipeline_mode = #tpu.pipeline_mode<synchronous>, transform_indices = @transform_3, window_bounds = array<i64: 1, 256>}, {pipeline_mode = #tpu.pipeline_mode<synchronous>, transform_indices = @transform_4, window_bounds = array<i64: 4, 512, 512>}, {pipeline_mode = #tpu.pipeline_mode<synchronous>, transform_indices = @transform_5, window_bounds = array<i64: 4, 1, 512>}, {pipeline_mode = #tpu.pipeline_mode<synchronous>, transform_indices = @transform_6, window_bounds = array<i64: 4, 1, 512>}, {pipeline_mode = #tpu.pipeline_mode<synchronous>, transform_indices = @transform_7, window_bounds = array<i64: 4, 1, 512>}, {pipeline_mode = #tpu.pipeline_mode<synchronous>, transform_indices = @transform_8, window_bounds = array<i64: 512, 32>}, {pipeline_mode = #tpu.pipeline_mode<synchronous>, transform_indices = @transform_9, window_bounds = array<i64: 1, 32>}, {pipeline_mode = #tpu.pipeline_mode<synchronous>, transform_indices = @transform_10, window_bounds = array<i64: 1, 1>}, {pipeline_mode = #tpu.pipeline_mode<synchronous>, transform_indices = @transform_11, window_bounds = array<i64: 8, 2>}]} {
    %get3A = arith.constant 0 : index
    %get3A_0 = arith.constant 0 : index
    %get3A_1 = vector.load %arg2[%get3A, %get3A_0] : memref<16x1028xf32, #tpu.memory_space<vmem>>, vector<16x1028xf32>
    %get3A_2 = arith.constant 0 : index
    %get3A_3 = arith.constant 0 : index
    %get3A_4 = vector.load %arg3[%get3A_2, %get3A_3] : memref<1028x256xf32, #tpu.memory_space<vmem>>, vector<1028x256xf32>
    %dot_general3A = arith.constant dense<0.000000e+00> : vector<16x256xf32>
    %dot_general3A_5 = tpu.matmul %get3A_1, %get3A_4, %dot_general3A {dimension_numbers = #tpu.dot_dimension_numbers<[1], [0], [0], [1], [0, 0, 1, 1], [], []>, transpose_lhs_hint = false} : vector<16x1028xf32>, vector<1028x256xf32>, vector<16x256xf32> -> vector<16x256xf32>
    %get3A_6 = arith.constant 0 : index
    %get3A_7 = arith.constant 0 : index
    %get3A_8 = vector.load %arg4[%get3A_6, %get3A_7] : memref<1x256xf32, #tpu.memory_space<vmem>>, vector<1x256xf32>
    %add3A = vector.broadcast %get3A_8 : vector<1x256xf32> to vector<16x256xf32>
    %add3A_9 = arith.addf %dot_general3A_5, %add3A : vector<16x256xf32>
    %get3A_10 = arith.constant 0 : index
    %get3A_11 = arith.constant 0 : index
    %get3A_12 = vector.load %arg1[%get3A_10, %get3A_11] : memref<16x256xf32, #tpu.memory_space<vmem>>, vector<16x256xf32>
    %concatenate3A = tpu.concatenate %add3A_9, %get3A_12 in 1 : vector<16x256xf32>, vector<16x256xf32> -> vector<16x512xf32>
    %get3A_13 = arith.constant 0 : index
    %get3A_14 = arith.constant 0 : index
    %get3A_15 = arith.constant 0 : index
    %get3A_16 = vector.load %arg5[%get3A_13, %get3A_14, %get3A_15] : memref<4x512x512xf32, #tpu.memory_space<vmem>>, vector<1x512x512xf32>
    %get3A_17 = vector.shape_cast %get3A_16 : vector<1x512x512xf32> to vector<512x512xf32>
    %dot_general3A_18 = arith.constant dense<0.000000e+00> : vector<16x512xf32>
    %dot_general3A_19 = tpu.matmul %concatenate3A, %get3A_17, %dot_general3A_18 {dimension_numbers = #tpu.dot_dimension_numbers<[1], [0], [0], [1], [0, 0, 1, 1], [], []>, transpose_lhs_hint = false} : vector<16x512xf32>, vector<512x512xf32>, vector<16x512xf32> -> vector<16x512xf32>
    %get3A_20 = arith.constant 0 : index
    %get3A_21 = arith.constant 0 : index
    %get3A_22 = arith.constant 0 : index
    %get3A_23 = vector.load %arg6[%get3A_20, %get3A_21, %get3A_22] : memref<4x1x512xf32, #tpu.memory_space<vmem>>, vector<1x1x512xf32>
    %get3A_24 = vector.shape_cast %get3A_23 : vector<1x1x512xf32> to vector<1x512xf32>
    %add3A_25 = vector.broadcast %get3A_24 : vector<1x512xf32> to vector<16x512xf32>
    %add3A_26 = arith.addf %dot_general3A_19, %add3A_25 : vector<16x512xf32>
    %ge3A = arith.constant 0.000000e+00 : f32
    %ge3A_27 = vector.broadcast %ge3A : f32 to vector<16x512xf32>
    %ge3A_28 = arith.cmpf oge, %add3A_26, %ge3A_27 : vector<16x512xf32>
    %mul3A = arith.constant 0.00999999977 : f32
    %mul3A_29 = vector.broadcast %mul3A : f32 to vector<16x512xf32>
    %mul3A_30 = arith.mulf %mul3A_29, %add3A_26 : vector<16x512xf32>
    %select_n3A = arith.select %ge3A_28, %add3A_26, %mul3A_30 : vector<16x512xi1>, vector<16x512xf32>
    %reduce_sum3A = arith.constant dense<0.000000e+00> : vector<16xf32>
    %reduce_sum3A_31 = vector.multi_reduction <add>, %select_n3A, %reduce_sum3A [1] : vector<16x512xf32> to vector<16xf32>
    %broadcast_in_dim3A = vector.shape_cast %reduce_sum3A_31 : vector<16xf32> to vector<16x1xf32>
    %div3A = arith.constant 5.120000e+02 : f32
    %div3A_32 = vector.broadcast %div3A : f32 to vector<16x1xf32>
    %div3A_33 = arith.divf %broadcast_in_dim3A, %div3A_32 : vector<16x1xf32>
    %sub3A = vector.broadcast %div3A_33 : vector<16x1xf32> to vector<16x512xf32>
    %sub3A_34 = arith.subf %select_n3A, %sub3A : vector<16x512xf32>
    %integer_pow3A = arith.mulf %sub3A_34, %sub3A_34 : vector<16x512xf32>
    %reduce_sum3A_35 = arith.constant dense<0.000000e+00> : vector<16xf32>
    %reduce_sum3A_36 = vector.multi_reduction <add>, %integer_pow3A, %reduce_sum3A_35 [1] : vector<16x512xf32> to vector<16xf32>
    %broadcast_in_dim3A_37 = vector.shape_cast %reduce_sum3A_36 : vector<16xf32> to vector<16x1xf32>
    %div3A_38 = arith.constant 5.120000e+02 : f32
    %div3A_39 = vector.broadcast %div3A_38 : f32 to vector<16x1xf32>
    %div3A_40 = arith.divf %broadcast_in_dim3A_37, %div3A_39 : vector<16x1xf32>
    %sub3A_41 = vector.broadcast %div3A_33 : vector<16x1xf32> to vector<16x512xf32>
    %sub3A_42 = arith.subf %select_n3A, %sub3A_41 : vector<16x512xf32>
    %add3A_43 = arith.constant 9.99999974E-6 : f32
    %add3A_44 = vector.broadcast %add3A_43 : f32 to vector<16x1xf32>
    %add3A_45 = arith.addf %div3A_40, %add3A_44 : vector<16x1xf32>
    %sqrt3A = math.sqrt %add3A_45 : vector<16x1xf32>
    %div3A_46 = vector.broadcast %sqrt3A : vector<16x1xf32> to vector<16x512xf32>
    %div3A_47 = arith.divf %sub3A_42, %div3A_46 : vector<16x512xf32>
    %get3A_48 = arith.constant 0 : index
    %get3A_49 = arith.constant 0 : index
    %get3A_50 = arith.constant 0 : index
    %get3A_51 = vector.load %arg7[%get3A_48, %get3A_49, %get3A_50] : memref<4x1x512xf32, #tpu.memory_space<vmem>>, vector<1x1x512xf32>
    %get3A_52 = vector.shape_cast %get3A_51 : vector<1x1x512xf32> to vector<1x512xf32>
    %mul3A_53 = vector.broadcast %get3A_52 : vector<1x512xf32> to vector<16x512xf32>
    %mul3A_54 = arith.mulf %div3A_47, %mul3A_53 : vector<16x512xf32>
    %get3A_55 = arith.constant 0 : index
    %get3A_56 = arith.constant 0 : index
    %get3A_57 = arith.constant 0 : index
    %get3A_58 = vector.load %arg8[%get3A_55, %get3A_56, %get3A_57] : memref<4x1x512xf32, #tpu.memory_space<vmem>>, vector<1x1x512xf32>
    %get3A_59 = vector.shape_cast %get3A_58 : vector<1x1x512xf32> to vector<1x512xf32>
    %add3A_60 = vector.broadcast %get3A_59 : vector<1x512xf32> to vector<16x512xf32>
    %add3A_61 = arith.addf %mul3A_54, %add3A_60 : vector<16x512xf32>
    %get3A_62 = arith.constant 1 : index
    %get3A_63 = arith.constant 0 : index
    %get3A_64 = arith.constant 0 : index
    %get3A_65 = vector.load %arg5[%get3A_62, %get3A_63, %get3A_64] : memref<4x512x512xf32, #tpu.memory_space<vmem>>, vector<1x512x512xf32>
    %get3A_66 = vector.shape_cast %get3A_65 : vector<1x512x512xf32> to vector<512x512xf32>
    %dot_general3A_67 = arith.constant dense<0.000000e+00> : vector<16x512xf32>
    %dot_general3A_68 = tpu.matmul %add3A_61, %get3A_66, %dot_general3A_67 {dimension_numbers = #tpu.dot_dimension_numbers<[1], [0], [0], [1], [0, 0, 1, 1], [], []>, transpose_lhs_hint = false} : vector<16x512xf32>, vector<512x512xf32>, vector<16x512xf32> -> vector<16x512xf32>
    %get3A_69 = arith.constant 1 : index
    %get3A_70 = arith.constant 0 : index
    %get3A_71 = arith.constant 0 : index
    %get3A_72 = vector.load %arg6[%get3A_69, %get3A_70, %get3A_71] : memref<4x1x512xf32, #tpu.memory_space<vmem>>, vector<1x1x512xf32>
    %get3A_73 = vector.shape_cast %get3A_72 : vector<1x1x512xf32> to vector<1x512xf32>
    %add3A_74 = vector.broadcast %get3A_73 : vector<1x512xf32> to vector<16x512xf32>
    %add3A_75 = arith.addf %dot_general3A_68, %add3A_74 : vector<16x512xf32>
    %ge3A_76 = arith.constant 0.000000e+00 : f32
    %ge3A_77 = vector.broadcast %ge3A_76 : f32 to vector<16x512xf32>
    %ge3A_78 = arith.cmpf oge, %add3A_75, %ge3A_77 : vector<16x512xf32>
    %mul3A_79 = arith.constant 0.00999999977 : f32
    %mul3A_80 = vector.broadcast %mul3A_79 : f32 to vector<16x512xf32>
    %mul3A_81 = arith.mulf %mul3A_80, %add3A_75 : vector<16x512xf32>
    %select_n3A_82 = arith.select %ge3A_78, %add3A_75, %mul3A_81 : vector<16x512xi1>, vector<16x512xf32>
    %reduce_sum3A_83 = arith.constant dense<0.000000e+00> : vector<16xf32>
    %reduce_sum3A_84 = vector.multi_reduction <add>, %select_n3A_82, %reduce_sum3A_83 [1] : vector<16x512xf32> to vector<16xf32>
    %broadcast_in_dim3A_85 = vector.shape_cast %reduce_sum3A_84 : vector<16xf32> to vector<16x1xf32>
    %div3A_86 = arith.constant 5.120000e+02 : f32
    %div3A_87 = vector.broadcast %div3A_86 : f32 to vector<16x1xf32>
    %div3A_88 = arith.divf %broadcast_in_dim3A_85, %div3A_87 : vector<16x1xf32>
    %sub3A_89 = vector.broadcast %div3A_88 : vector<16x1xf32> to vector<16x512xf32>
    %sub3A_90 = arith.subf %select_n3A_82, %sub3A_89 : vector<16x512xf32>
    %integer_pow3A_91 = arith.mulf %sub3A_90, %sub3A_90 : vector<16x512xf32>
    %reduce_sum3A_92 = arith.constant dense<0.000000e+00> : vector<16xf32>
    %reduce_sum3A_93 = vector.multi_reduction <add>, %integer_pow3A_91, %reduce_sum3A_92 [1] : vector<16x512xf32> to vector<16xf32>
    %broadcast_in_dim3A_94 = vector.shape_cast %reduce_sum3A_93 : vector<16xf32> to vector<16x1xf32>
    %div3A_95 = arith.constant 5.120000e+02 : f32
    %div3A_96 = vector.broadcast %div3A_95 : f32 to vector<16x1xf32>
    %div3A_97 = arith.divf %broadcast_in_dim3A_94, %div3A_96 : vector<16x1xf32>
    %sub3A_98 = vector.broadcast %div3A_88 : vector<16x1xf32> to vector<16x512xf32>
    %sub3A_99 = arith.subf %select_n3A_82, %sub3A_98 : vector<16x512xf32>
    %add3A_100 = arith.constant 9.99999974E-6 : f32
    %add3A_101 = vector.broadcast %add3A_100 : f32 to vector<16x1xf32>
    %add3A_102 = arith.addf %div3A_97, %add3A_101 : vector<16x1xf32>
    %sqrt3A_103 = math.sqrt %add3A_102 : vector<16x1xf32>
    %div3A_104 = vector.broadcast %sqrt3A_103 : vector<16x1xf32> to vector<16x512xf32>
    %div3A_105 = arith.divf %sub3A_99, %div3A_104 : vector<16x512xf32>
    %get3A_106 = arith.constant 1 : index
    %get3A_107 = arith.constant 0 : index
    %get3A_108 = arith.constant 0 : index
    %get3A_109 = vector.load %arg7[%get3A_106, %get3A_107, %get3A_108] : memref<4x1x512xf32, #tpu.memory_space<vmem>>, vector<1x1x512xf32>
    %get3A_110 = vector.shape_cast %get3A_109 : vector<1x1x512xf32> to vector<1x512xf32>
    %mul3A_111 = vector.broadcast %get3A_110 : vector<1x512xf32> to vector<16x512xf32>
    %mul3A_112 = arith.mulf %div3A_105, %mul3A_111 : vector<16x512xf32>
    %get3A_113 = arith.constant 1 : index
    %get3A_114 = arith.constant 0 : index
    %get3A_115 = arith.constant 0 : index
    %get3A_116 = vector.load %arg8[%get3A_113, %get3A_114, %get3A_115] : memref<4x1x512xf32, #tpu.memory_space<vmem>>, vector<1x1x512xf32>
    %get3A_117 = vector.shape_cast %get3A_116 : vector<1x1x512xf32> to vector<1x512xf32>
    %add3A_118 = vector.broadcast %get3A_117 : vector<1x512xf32> to vector<16x512xf32>
    %add3A_119 = arith.addf %mul3A_112, %add3A_118 : vector<16x512xf32>
    %get3A_120 = arith.constant 2 : index
    %get3A_121 = arith.constant 0 : index
    %get3A_122 = arith.constant 0 : index
    %get3A_123 = vector.load %arg5[%get3A_120, %get3A_121, %get3A_122] : memref<4x512x512xf32, #tpu.memory_space<vmem>>, vector<1x512x512xf32>
    %get3A_124 = vector.shape_cast %get3A_123 : vector<1x512x512xf32> to vector<512x512xf32>
    %dot_general3A_125 = arith.constant dense<0.000000e+00> : vector<16x512xf32>
    %dot_general3A_126 = tpu.matmul %add3A_119, %get3A_124, %dot_general3A_125 {dimension_numbers = #tpu.dot_dimension_numbers<[1], [0], [0], [1], [0, 0, 1, 1], [], []>, transpose_lhs_hint = false} : vector<16x512xf32>, vector<512x512xf32>, vector<16x512xf32> -> vector<16x512xf32>
    %get3A_127 = arith.constant 2 : index
    %get3A_128 = arith.constant 0 : index
    %get3A_129 = arith.constant 0 : index
    %get3A_130 = vector.load %arg6[%get3A_127, %get3A_128, %get3A_129] : memref<4x1x512xf32, #tpu.memory_space<vmem>>, vector<1x1x512xf32>
    %get3A_131 = vector.shape_cast %get3A_130 : vector<1x1x512xf32> to vector<1x512xf32>
    %add3A_132 = vector.broadcast %get3A_131 : vector<1x512xf32> to vector<16x512xf32>
    %add3A_133 = arith.addf %dot_general3A_126, %add3A_132 : vector<16x512xf32>
    %ge3A_134 = arith.constant 0.000000e+00 : f32
    %ge3A_135 = vector.broadcast %ge3A_134 : f32 to vector<16x512xf32>
    %ge3A_136 = arith.cmpf oge, %add3A_133, %ge3A_135 : vector<16x512xf32>
    %mul3A_137 = arith.constant 0.00999999977 : f32
    %mul3A_138 = vector.broadcast %mul3A_137 : f32 to vector<16x512xf32>
    %mul3A_139 = arith.mulf %mul3A_138, %add3A_133 : vector<16x512xf32>
    %select_n3A_140 = arith.select %ge3A_136, %add3A_133, %mul3A_139 : vector<16x512xi1>, vector<16x512xf32>
    %reduce_sum3A_141 = arith.constant dense<0.000000e+00> : vector<16xf32>
    %reduce_sum3A_142 = vector.multi_reduction <add>, %select_n3A_140, %reduce_sum3A_141 [1] : vector<16x512xf32> to vector<16xf32>
    %broadcast_in_dim3A_143 = vector.shape_cast %reduce_sum3A_142 : vector<16xf32> to vector<16x1xf32>
    %div3A_144 = arith.constant 5.120000e+02 : f32
    %div3A_145 = vector.broadcast %div3A_144 : f32 to vector<16x1xf32>
    %div3A_146 = arith.divf %broadcast_in_dim3A_143, %div3A_145 : vector<16x1xf32>
    %sub3A_147 = vector.broadcast %div3A_146 : vector<16x1xf32> to vector<16x512xf32>
    %sub3A_148 = arith.subf %select_n3A_140, %sub3A_147 : vector<16x512xf32>
    %integer_pow3A_149 = arith.mulf %sub3A_148, %sub3A_148 : vector<16x512xf32>
    %reduce_sum3A_150 = arith.constant dense<0.000000e+00> : vector<16xf32>
    %reduce_sum3A_151 = vector.multi_reduction <add>, %integer_pow3A_149, %reduce_sum3A_150 [1] : vector<16x512xf32> to vector<16xf32>
    %broadcast_in_dim3A_152 = vector.shape_cast %reduce_sum3A_151 : vector<16xf32> to vector<16x1xf32>
    %div3A_153 = arith.constant 5.120000e+02 : f32
    %div3A_154 = vector.broadcast %div3A_153 : f32 to vector<16x1xf32>
    %div3A_155 = arith.divf %broadcast_in_dim3A_152, %div3A_154 : vector<16x1xf32>
    %sub3A_156 = vector.broadcast %div3A_146 : vector<16x1xf32> to vector<16x512xf32>
    %sub3A_157 = arith.subf %select_n3A_140, %sub3A_156 : vector<16x512xf32>
    %add3A_158 = arith.constant 9.99999974E-6 : f32
    %add3A_159 = vector.broadcast %add3A_158 : f32 to vector<16x1xf32>
    %add3A_160 = arith.addf %div3A_155, %add3A_159 : vector<16x1xf32>
    %sqrt3A_161 = math.sqrt %add3A_160 : vector<16x1xf32>
    %div3A_162 = vector.broadcast %sqrt3A_161 : vector<16x1xf32> to vector<16x512xf32>
    %div3A_163 = arith.divf %sub3A_157, %div3A_162 : vector<16x512xf32>
    %get3A_164 = arith.constant 2 : index
    %get3A_165 = arith.constant 0 : index
    %get3A_166 = arith.constant 0 : index
    %get3A_167 = vector.load %arg7[%get3A_164, %get3A_165, %get3A_166] : memref<4x1x512xf32, #tpu.memory_space<vmem>>, vector<1x1x512xf32>
    %get3A_168 = vector.shape_cast %get3A_167 : vector<1x1x512xf32> to vector<1x512xf32>
    %mul3A_169 = vector.broadcast %get3A_168 : vector<1x512xf32> to vector<16x512xf32>
    %mul3A_170 = arith.mulf %div3A_163, %mul3A_169 : vector<16x512xf32>
    %get3A_171 = arith.constant 2 : index
    %get3A_172 = arith.constant 0 : index
    %get3A_173 = arith.constant 0 : index
    %get3A_174 = vector.load %arg8[%get3A_171, %get3A_172, %get3A_173] : memref<4x1x512xf32, #tpu.memory_space<vmem>>, vector<1x1x512xf32>
    %get3A_175 = vector.shape_cast %get3A_174 : vector<1x1x512xf32> to vector<1x512xf32>
    %add3A_176 = vector.broadcast %get3A_175 : vector<1x512xf32> to vector<16x512xf32>
    %add3A_177 = arith.addf %mul3A_170, %add3A_176 : vector<16x512xf32>
    %get3A_178 = arith.constant 3 : index
    %get3A_179 = arith.constant 0 : index
    %get3A_180 = arith.constant 0 : index
    %get3A_181 = vector.load %arg5[%get3A_178, %get3A_179, %get3A_180] : memref<4x512x512xf32, #tpu.memory_space<vmem>>, vector<1x512x512xf32>
    %get3A_182 = vector.shape_cast %get3A_181 : vector<1x512x512xf32> to vector<512x512xf32>
    %dot_general3A_183 = arith.constant dense<0.000000e+00> : vector<16x512xf32>
    %dot_general3A_184 = tpu.matmul %add3A_177, %get3A_182, %dot_general3A_183 {dimension_numbers = #tpu.dot_dimension_numbers<[1], [0], [0], [1], [0, 0, 1, 1], [], []>, transpose_lhs_hint = false} : vector<16x512xf32>, vector<512x512xf32>, vector<16x512xf32> -> vector<16x512xf32>
    %get3A_185 = arith.constant 3 : index
    %get3A_186 = arith.constant 0 : index
    %get3A_187 = arith.constant 0 : index
    %get3A_188 = vector.load %arg6[%get3A_185, %get3A_186, %get3A_187] : memref<4x1x512xf32, #tpu.memory_space<vmem>>, vector<1x1x512xf32>
    %get3A_189 = vector.shape_cast %get3A_188 : vector<1x1x512xf32> to vector<1x512xf32>
    %add3A_190 = vector.broadcast %get3A_189 : vector<1x512xf32> to vector<16x512xf32>
    %add3A_191 = arith.addf %dot_general3A_184, %add3A_190 : vector<16x512xf32>
    %ge3A_192 = arith.constant 0.000000e+00 : f32
    %ge3A_193 = vector.broadcast %ge3A_192 : f32 to vector<16x512xf32>
    %ge3A_194 = arith.cmpf oge, %add3A_191, %ge3A_193 : vector<16x512xf32>
    %mul3A_195 = arith.constant 0.00999999977 : f32
    %mul3A_196 = vector.broadcast %mul3A_195 : f32 to vector<16x512xf32>
    %mul3A_197 = arith.mulf %mul3A_196, %add3A_191 : vector<16x512xf32>
    %select_n3A_198 = arith.select %ge3A_194, %add3A_191, %mul3A_197 : vector<16x512xi1>, vector<16x512xf32>
    %reduce_sum3A_199 = arith.constant dense<0.000000e+00> : vector<16xf32>
    %reduce_sum3A_200 = vector.multi_reduction <add>, %select_n3A_198, %reduce_sum3A_199 [1] : vector<16x512xf32> to vector<16xf32>
    %broadcast_in_dim3A_201 = vector.shape_cast %reduce_sum3A_200 : vector<16xf32> to vector<16x1xf32>
    %div3A_202 = arith.constant 5.120000e+02 : f32
    %div3A_203 = vector.broadcast %div3A_202 : f32 to vector<16x1xf32>
    %div3A_204 = arith.divf %broadcast_in_dim3A_201, %div3A_203 : vector<16x1xf32>
    %sub3A_205 = vector.broadcast %div3A_204 : vector<16x1xf32> to vector<16x512xf32>
    %sub3A_206 = arith.subf %select_n3A_198, %sub3A_205 : vector<16x512xf32>
    %integer_pow3A_207 = arith.mulf %sub3A_206, %sub3A_206 : vector<16x512xf32>
    %reduce_sum3A_208 = arith.constant dense<0.000000e+00> : vector<16xf32>
    %reduce_sum3A_209 = vector.multi_reduction <add>, %integer_pow3A_207, %reduce_sum3A_208 [1] : vector<16x512xf32> to vector<16xf32>
    %broadcast_in_dim3A_210 = vector.shape_cast %reduce_sum3A_209 : vector<16xf32> to vector<16x1xf32>
    %div3A_211 = arith.constant 5.120000e+02 : f32
    %div3A_212 = vector.broadcast %div3A_211 : f32 to vector<16x1xf32>
    %div3A_213 = arith.divf %broadcast_in_dim3A_210, %div3A_212 : vector<16x1xf32>
    %sub3A_214 = vector.broadcast %div3A_204 : vector<16x1xf32> to vector<16x512xf32>
    %sub3A_215 = arith.subf %select_n3A_198, %sub3A_214 : vector<16x512xf32>
    %add3A_216 = arith.constant 9.99999974E-6 : f32
    %add3A_217 = vector.broadcast %add3A_216 : f32 to vector<16x1xf32>
    %add3A_218 = arith.addf %div3A_213, %add3A_217 : vector<16x1xf32>
    %sqrt3A_219 = math.sqrt %add3A_218 : vector<16x1xf32>
    %div3A_220 = vector.broadcast %sqrt3A_219 : vector<16x1xf32> to vector<16x512xf32>
    %div3A_221 = arith.divf %sub3A_215, %div3A_220 : vector<16x512xf32>
    %get3A_222 = arith.constant 3 : index
    %get3A_223 = arith.constant 0 : index
    %get3A_224 = arith.constant 0 : index
    %get3A_225 = vector.load %arg7[%get3A_222, %get3A_223, %get3A_224] : memref<4x1x512xf32, #tpu.memory_space<vmem>>, vector<1x1x512xf32>
    %get3A_226 = vector.shape_cast %get3A_225 : vector<1x1x512xf32> to vector<1x512xf32>
    %mul3A_227 = vector.broadcast %get3A_226 : vector<1x512xf32> to vector<16x512xf32>
    %mul3A_228 = arith.mulf %div3A_221, %mul3A_227 : vector<16x512xf32>
    %get3A_229 = arith.constant 3 : index
    %get3A_230 = arith.constant 0 : index
    %get3A_231 = arith.constant 0 : index
    %get3A_232 = vector.load %arg8[%get3A_229, %get3A_230, %get3A_231] : memref<4x1x512xf32, #tpu.memory_space<vmem>>, vector<1x1x512xf32>
    %get3A_233 = vector.shape_cast %get3A_232 : vector<1x1x512xf32> to vector<1x512xf32>
    %add3A_234 = vector.broadcast %get3A_233 : vector<1x512xf32> to vector<16x512xf32>
    %add3A_235 = arith.addf %mul3A_228, %add3A_234 : vector<16x512xf32>
    %get3A_236 = arith.constant 0 : index
    %get3A_237 = arith.constant 0 : index
    %get3A_238 = vector.load %arg9[%get3A_236, %get3A_237] : memref<512x32xf32, #tpu.memory_space<vmem>>, vector<512x32xf32>
    %dot_general3A_239 = arith.constant dense<0.000000e+00> : vector<16x32xf32>
    %dot_general3A_240 = tpu.matmul %add3A_235, %get3A_238, %dot_general3A_239 {dimension_numbers = #tpu.dot_dimension_numbers<[1], [0], [0], [1], [0, 0, 1, 1], [], []>, transpose_lhs_hint = false} : vector<16x512xf32>, vector<512x32xf32>, vector<16x32xf32> -> vector<16x32xf32>
    %get3A_241 = arith.constant 0 : index
    %get3A_242 = arith.constant 0 : index
    %get3A_243 = vector.load %arg10[%get3A_241, %get3A_242] : memref<1x32xf32, #tpu.memory_space<vmem>>, vector<1x32xf32>
    %add3A_244 = vector.broadcast %get3A_243 : vector<1x32xf32> to vector<16x32xf32>
    %add3A_245 = arith.addf %dot_general3A_240, %add3A_244 : vector<16x32xf32>
    %slice3A = vector.extract_strided_slice %add3A_245 {offsets = [0, 0], sizes = [8, 32], strides = [1, 1]} : vector<16x32xf32> to vector<8x32xf32>
    %reduce_sum3A_246 = arith.constant dense<0.000000e+00> : vector<32xf32>
    %reduce_sum3A_247 = vector.multi_reduction <add>, %slice3A, %reduce_sum3A_246 [0] : vector<8x32xf32> to vector<32xf32>
    %div3A_248 = arith.constant 8.000000e+00 : f32
    %div3A_249 = vector.broadcast %div3A_248 : f32 to vector<32xf32>
    %div3A_250 = arith.divf %reduce_sum3A_247, %div3A_249 : vector<32xf32>
    %slice3A_251 = vector.extract_strided_slice %add3A_245 {offsets = [8, 0], sizes = [8, 32], strides = [1, 1]} : vector<16x32xf32> to vector<8x32xf32>
    %broadcast_in_dim3A_252 = vector.shape_cast %div3A_250 : vector<32xf32> to vector<1x32xf32>
    %sub3A_253 = vector.broadcast %broadcast_in_dim3A_252 : vector<1x32xf32> to vector<8x32xf32>
    %sub3A_254 = arith.subf %slice3A_251, %sub3A_253 : vector<8x32xf32>
    %mul3A_255 = arith.mulf %sub3A_254, %sub3A_254 : vector<8x32xf32>
    %reduce_sum3A_256 = arith.constant dense<0.000000e+00> : vector<8xf32>
    %reduce_sum3A_257 = vector.multi_reduction <add>, %mul3A_255, %reduce_sum3A_256 [1] : vector<8x32xf32> to vector<8xf32>
    %broadcast_in_dim3A_258 = vector.shape_cast %reduce_sum3A_257 : vector<8xf32> to vector<8x1xf32>
    %sqrt3A_259 = math.sqrt %broadcast_in_dim3A_258 : vector<8x1xf32>
    %log3A = arith.constant 2.000000e+00 : f32
    %log3A_260 = math.log %log3A : f32
    %get3A_261 = arith.constant 0 : index
    %get3A_262 = arith.constant 0 : index
    %get3A_263 = vector.load %arg11[%get3A_261, %get3A_262] : memref<1x1xf32, #tpu.memory_space<vmem>>, vector<1x1xf32>
    %get3A_264 = vector.extract %get3A_263[0, 0] : f32 from vector<1x1xf32>
    %div3A_265 = arith.divf %log3A_260, %get3A_264 : f32
    %neg3A = arith.constant 0.000000e+00 : f32
    %neg3A_266 = vector.broadcast %neg3A : f32 to vector<8x1xf32>
    %neg3A_267 = arith.subf %neg3A_266, %sqrt3A_259 : vector<8x1xf32>
    %mul3A_268 = vector.broadcast %div3A_265 : f32 to vector<8x1xf32>
    %mul3A_269 = arith.mulf %neg3A_267, %mul3A_268 : vector<8x1xf32>
    %exp3A = math.exp %mul3A_269 : vector<8x1xf32>
    %sub3A_270 = arith.constant 1.000000e+00 : f32
    %sub3A_271 = vector.broadcast %sub3A_270 : f32 to vector<8x1xf32>
    %sub3A_272 = arith.subf %sub3A_271, %exp3A : vector<8x1xf32>
    %concatenate3A_273 = tpu.concatenate %exp3A, %sub3A_272 in 1 : vector<8x1xf32>, vector<8x1xf32> -> vector<8x2xf32>
    %swap3A = arith.constant 0 : index
    %swap3A_274 = arith.constant 0 : index
    %swap3A_275 = vector.load %arg12[%swap3A, %swap3A_274] : memref<8x2xf32, #tpu.memory_space<vmem>>, vector<8x2xf32>
    tpu.vector_store %arg12[%swap3A, %swap3A_274], %concatenate3A_273 {strides = array<i32>} : memref<8x2xf32, #tpu.memory_space<vmem>>, vector<8x2xf32>,
    return
  }
  func.func @transform_0(%arg0: i32) -> (i32, i32) {
    %c0_i32 = arith.constant 0 : i32
    %c0_i32_0 = arith.constant 0 : i32
    %c0_i32_1 = arith.constant 0 : i32
    return %c0_i32, %c0_i32_0 : i32, i32
  }
  func.func @transform_1(%arg0: i32) -> (i32, i32) {
    %c0_i32 = arith.constant 0 : i32
    %c0_i32_0 = arith.constant 0 : i32
    %c0_i32_1 = arith.constant 0 : i32
    return %c0_i32, %c0_i32_0 : i32, i32
  }
  func.func @transform_2(%arg0: i32) -> (i32, i32) {
    %c0_i32 = arith.constant 0 : i32
    %c0_i32_0 = arith.constant 0 : i32
    %c0_i32_1 = arith.constant 0 : i32
    return %c0_i32, %c0_i32_0 : i32, i32
  }
  func.func @transform_3(%arg0: i32) -> (i32, i32) {
    %c0_i32 = arith.constant 0 : i32
    %c0_i32_0 = arith.constant 0 : i32
    %c0_i32_1 = arith.constant 0 : i32
    return %c0_i32, %c0_i32_0 : i32, i32
  }
  func.func @transform_4(%arg0: i32) -> (i32, i32, i32) {
    %c0_i32 = arith.constant 0 : i32
    %c0_i32_0 = arith.constant 0 : i32
    %c0_i32_1 = arith.constant 0 : i32
    %c0_i32_2 = arith.constant 0 : i32
    return %c0_i32, %c0_i32_0, %c0_i32_1 : i32, i32, i32
  }
  func.func @transform_5(%arg0: i32) -> (i32, i32, i32) {
    %c0_i32 = arith.constant 0 : i32
    %c0_i32_0 = arith.constant 0 : i32
    %c0_i32_1 = arith.constant 0 : i32
    %c0_i32_2 = arith.constant 0 : i32
    return %c0_i32, %c0_i32_0, %c0_i32_1 : i32, i32, i32
  }
  func.func @transform_6(%arg0: i32) -> (i32, i32, i32) {
    %c0_i32 = arith.constant 0 : i32
    %c0_i32_0 = arith.constant 0 : i32
    %c0_i32_1 = arith.constant 0 : i32
    %c0_i32_2 = arith.constant 0 : i32
    return %c0_i32, %c0_i32_0, %c0_i32_1 : i32, i32, i32
  }
  func.func @transform_7(%arg0: i32) -> (i32, i32, i32) {
    %c0_i32 = arith.constant 0 : i32
    %c0_i32_0 = arith.constant 0 : i32
    %c0_i32_1 = arith.constant 0 : i32
    %c0_i32_2 = arith.constant 0 : i32
    return %c0_i32, %c0_i32_0, %c0_i32_1 : i32, i32, i32
  }
  func.func @transform_8(%arg0: i32) -> (i32, i32) {
    %c0_i32 = arith.constant 0 : i32
    %c0_i32_0 = arith.constant 0 : i32
    %c0_i32_1 = arith.constant 0 : i32
    return %c0_i32, %c0_i32_0 : i32, i32
  }
  func.func @transform_9(%arg0: i32) -> (i32, i32) {
    %c0_i32 = arith.constant 0 : i32
    %c0_i32_0 = arith.constant 0 : i32
    %c0_i32_1 = arith.constant 0 : i32
    return %c0_i32, %c0_i32_0 : i32, i32
  }
  func.func @transform_10(%arg0: i32) -> (i32, i32) {
    %c0_i32 = arith.constant 0 : i32
    %c0_i32_0 = arith.constant 0 : i32
    %c0_i32_1 = arith.constant 0 : i32
    return %c0_i32, %c0_i32_0 : i32, i32
  }
  func.func @transform_11(%arg0: i32) -> (i32, i32) {
    %c0_i32 = arith.constant 0 : i32
    %c0_i32_0 = arith.constant 0 : i32
    %c0_i32_1 = arith.constant 0 : i32
    return %c0_i32, %c0_i32_0 : i32, i32
  }
}

</mosaic_0001>

<sc_bundles>
// kernel: kernel.6.cloned.1.call-start
scs
__scs_entry_jumppad:
0x0: {  	(pc) =	sbr.rel $0x88, $3  }
0x1: {  	(tag) =	ssettag $0x0;
	lr =	simm.s32 $0x1  }
0x2: {  	[smem:$0x3F81] =	sst lr;
	_ =	strace $0xD0000000  }
0x3: {  	_ = 	snop  }
0x4: {  	_ = 	snop  }
0x5: {  	_ = 	snop  }
0x6: {  	_ = 	snop  }
0x7: {  	_ = 	snop  }
__scs_overlays_trampoline_lowered:
0x8: {  	[smem:$0x3F90] =	sst s0  }
0x9: {  	[smem:$0x3F91] =	sst s1  }
0xa: {  	[smem:$0x3F92] =	sst s2  }
0xb: {  	[smem:$0x3F93] =	sst s3  }
0xc: {  	[smem:$0x3F94] =	sst s4  }
0xd: {  	[smem:$0x3F95] =	sst s5  }
0xe: {  	[smem:$0x3F96] =	sst s6  }
0xf: {  	[smem:$0x3F97] =	sst s7  }
0x10: {  	[smem:$0x3F98] =	sst s8  }
0x11: {  	[smem:$0x3F99] =	sst s9;
	s0 =	simm.s32 @!p0 $0x0  }
0x12: {  	s1 =	sld [smem:$0x3F7F];
	s0 =	simm.s32 @p0 $0x1  }
0x13: {  	[smem:$0x3F9A] =	sst s0;
	s0 =	simm.s32 @!p1 $0x0  }
0x14: {  	s2 =	sld [smem:$0x3F7E];
	s0 =	simm.s32 @p1 $0x1  }
0x15: {  	[smem:$0x3F9B] =	sst s0;
	s0 =	simm.s32 @!p2 $0x0  }
0x16: {  	s3 =	sld [smem:$0x3FDB];
	s0 =	simm.s32 @p2 $0x1  }
0x17: {  	s4 =	simm.s32 $0x1BF5;
	[smem:$0x3F9D] =	sst s0  }
0x18: {  	s0 =	sld [smem:$0x3F80];
	_ =	swait.ge [sflag:s4], $0x0  }
0x19: {  	s7 =	sld [smem:$0x3F81]  }
0x1a: {  	s8 =	sadd.s32 $0xFFFFE003, lr  }
0x1b: {  	s9 =	sadd.s32 $0xFFFFFEF7, lr;
	s5 =	simm.s32 $0xFFFFFFFF;
	p2 =	slt.u32 s8, $0xFFFFF086  }
0x1c: {  	p1 =	slt.u32 s9, $0xF7A;
	s5 =	simm.s32 @!p2 $0x0  }
0x1d: {  	s5 =	simm.s32 @p1 $0x1;
	p0 =	seq.s32 s7, s2  }
0x1e: {  	s7 =	smul.u32 @!p0 $0xF7A, s2;
	p2 =	seq.s32 @!p0 s5, $0x0  }
0x1f: {  	s9 =	smul.u32 $0xF7A, s1;
	s8 =	simm.s32 @!p0 $0x1BF5;
	p2 =	por !p2, p0  }
0x20: {  	[sflag:s8] =	ssyncset.s32 @!p0 $0xFFFFF086;
	s6 =	sadd.s32 @!p0 s3, s7;
	s7 =	simm.s32 @!p0 $0x108  }
0x21: {  	s3 =	sadd.s32 s3, s9;
	s6 =	sadd.s32 @!p0 $0x88, s6;
	s7 =	simm.s32 @p2 $0x1082  }
0x22: {  	[simem:s7], [sflag:s8] =	dma.local @!p0 [hbm:s6], $0xF7A  }
0x23: {  	s9 =	sor.u32 $0xD0000000, s2;
	s6 =	simm.s32 $0x108;
	_ =	swait.ge @!p0 [sflag:s8], $0x0  }
0x24: {  	s3 =	sadd.s32 $0x88, s3;
	s6 =	simm.s32 @!p1 $0x1082;
	[sflag:s4] =	ssyncset.s32 $0xFFFFF086  }
0x25: {  	[simem:s6], [sflag:s4] =	dma.local [hbm:s3], $0xF7A  }
0x26: {  	[smem:$0x3F81] =	sst s1;
	(tag) =	ssettag s2;
	_ =	strace s9  }
0x27: {  	s1 =	sld [smem:$0x3F91]  }
0x28: {  	s2 =	sld [smem:$0x3F92]  }
0x29: {  	s4 =	sld [smem:$0x3F94]  }
0x2a: {  	p0 =	seq.s32 s5, $0x0;
	s5 =	sld [smem:$0x3F95]  }
0x2b: {  	s6 =	sld [smem:$0x3F96]  }
0x2c: {  	s7 =	sld [smem:$0x3F97]  }
0x2d: {  	s3 =	simm.s32 $0x108;
	s8 =	sld [smem:$0x3F98]  }
0x2e: {  	s3 =	simm.s32 @!p0 $0x1082;
	s9 =	sld [smem:$0x3F99]  }
0x2f: {  	lr =	sadd.s32 s0, s3;
	s0 =	sld [smem:$0x3F90]  }
0x30: {  	s3 =	sld [smem:$0x3F93]  }
0x31: {  	[smem:$0x3F9C] =	sst s10  }
0x32: {  	s10 =	sld [smem:$0x3F9A];
	_ =	sdelay $0x3  }
0x33: {  	p0 =	seq.s32 s10, $0x1;
	s10 =	sld [smem:$0x3F9C];
	_ =	sdelay $0x3  }
0x34: {  	[smem:$0x3F9C] =	sst s10  }
0x35: {  	s10 =	sld [smem:$0x3F9B];
	_ =	sdelay $0x3  }
0x36: {  	p1 =	seq.s32 s10, $0x1;
	s10 =	sld [smem:$0x3F9C];
	_ =	sdelay $0x3  }
0x37: {  	[smem:$0x3F9C] =	sst s10  }
0x38: {  	s10 =	sld [smem:$0x3F9D]  }
0x39: {  	_ = 	snop;
	(pc) =	sbr.ind lr, $3  }
0x3a: {  	_ = 	snop  }
0x3b: {  	_ = 	snop  }
0x3c: {  	p2 =	seq.s32 s10, $0x1;
	s10 =	sld [smem:$0x3F9C]  }
0x3d: {  	_ =	shalt  }
0x3e: {  	_ =	shalt  }
0x3f: {  	_ =	shalt  }
0x40: {  	_ =	shalt  }
0x41: {  	_ =	shalt  }
0x42: {  	_ =	shalt  }
0x43: {  	_ =	shalt  }
0x44: {  	_ =	shalt  }
0x45: {  	_ =	shalt  }
0x46: {  	_ =	shalt  }
0x47: {  	_ =	shalt  }
0x48: {  	_ =	shalt  }
0x49: {  	_ =	shalt  }
0x4a: {  	_ =	shalt  }
0x4b: {  	_ =	shalt  }
0x4c: {  	_ =	shalt  }
0x4d: {  	_ =	shalt  }
0x4e: {  	_ =	shalt  }
0x4f: {  	_ =	shalt  }
0x50: {  	_ =	shalt  }
0x51: {  	_ =	shalt  }
0x52: {  	_ =	shalt  }
0x53: {  	_ =	shalt  }
0x54: {  	_ =	shalt  }
0x55: {  	_ =	shalt  }
0x56: {  	_ =	shalt  }
0x57: {  	_ =	shalt  }
0x58: {  	_ =	shalt  }
0x59: {  	_ =	shalt  }
0x5a: {  	_ =	shalt  }
0x5b: {  	_ =	shalt  }
0x5c: {  	_ =	shalt  }
0x5d: {  	_ =	shalt  }
0x5e: {  	_ =	shalt  }
0x5f: {  	_ =	shalt  }
0x60: {  	_ =	shalt  }
0x61: {  	_ =	shalt  }
0x62: {  	_ =	shalt  }
0x63: {  	_ =	shalt  }
0x64: {  	_ =	shalt  }
0x65: {  	_ =	shalt  }
0x66: {  	_ =	shalt  }
0x67: {  	_ =	shalt  }
0x68: {  	_ =	shalt  }
0x69: {  	_ =	shalt  }
0x6a: {  	_ =	shalt  }
0x6b: {  	_ =	shalt  }
0x6c: {  	_ =	shalt  }
0x6d: {  	_ =	shalt  }
0x6e: {  	_ =	shalt  }
0x6f: {  	_ =	shalt  }
0x70: {  	_ =	shalt  }
0x71: {  	_ =	shalt  }
0x72: {  	_ =	shalt  }
0x73: {  	_ =	shalt  }
0x74: {  	_ =	shalt  }
0x75: {  	_ =	shalt  }
0x76: {  	_ =	shalt  }
0x77: {  	_ =	shalt  }
0x78: {  	_ =	shalt  }
0x79: {  	_ =	shalt  }
0x7a: {  	_ =	shalt  }
0x7b: {  	_ =	shalt  }
0x7c: {  	_ =	shalt  }
0x7d: {  	_ =	shalt  }
0x7e: {  	_ =	shalt  }
0x7f: {  	_ =	shalt  }
0x80: {  	_ =	shalt  }
0x81: {  	_ =	shalt  }
0x82: {  	_ =	shalt  }
0x83: {  	_ =	shalt  }
0x84: {  	_ =	shalt  }
0x85: {  	_ =	shalt  }
0x86: {  	_ =	shalt  }
0x87: {  	_ =	shalt  }
.Lfunc_end0:
.L_simem_size_0:
called_computation_lowered:
.L_overlay_start_0:
0x88: {  	s2 =	sld [smem:$0x3FD9]  }
0x89: {  	s3 =	sld [smem:$0x3FFE];
	_ =	sdelay $0x1  }
0x8a: {  	s1 =	srdreg.scid  }
0x8b: {  	s0 =	sand.u32 $0x1, s1  }
0x8c: {  	s17 =	sshll.u32 s0, $0xA;
	s2 =	sadd.s32 s3, s2  }
0x8d: {  	s2 =	sadd.s32 s2, s17  }
0x8e: {  	[smem:$0x3FA8] =	sst s2  }
0x8f: {  	_ = 	snop  }
0x90: {  	s2 =	sld [smem:$0x3FC4];
	(tm) =	ssettm $0x1  }
0x91: {  	s18 =	sld [smem:$0x3FFB];
	_ =	sdelay $0x3  }
0x92: {  	_ =	strace s18  }
0x93: {  	s3 =	sld [smem:$0x3FFC];
	_ =	sdelay $0x3  }
0x94: {  	_ =	strace s3  }
0x95: {  	s3 =	sld [smem:$0x3FFD];
	_ =	sdelay $0x3  }
0x96: {  	_ =	strace s3  }
0x97: {  	_ =	strace $0x8FFFFFFF  }
0x98: {  	s19 =	sld [smem:$0x3FDB];
	_ =	sdelay $0x1  }
0x99: {  	s4 =	simm.s32 $_scs_section_size  }
0x9a: {  	s5 =	simm.s32 $_size__tile_overlayer_lowered;
	s6 =	simm.s32 $_tile_overlayer_lowered  }
0x9b: {  	s22 =	simm.s32 $0x1BFF;
	s21 =	sshll.u32 s6, $0x1;
	s3 =	sadd.s32 s4, s19  }
0x9c: {  	s7 =	simm.s32 $0x0;
	s20 =	sshll.u32 s5, $0x1;
	s5 =	sadd.s32 s21, s3  }
0x9d: {  	[timem:s7], [sflag:s22] =	dma.local [hbm:s5], s20  }
0x9e: {  	_ =	swait.ge [sflag:s22], s20  }
0x9f: {  	s4 =	ssub.s32 $0x0, s20;
	[sflag:s22] =	ssyncset.done $0x0  }
0xa0: {  	[sflag:s22] =	ssyncadd.s32 s4;
	_ =	sdelay $0x1  }
0xa1: {  	s23 =	simm.s32 $0x1B8B  }
0xa2: {  	_ =	swait.ge [sflag:s23], $0x1  }
0xa3: {  	[sflag:s23] =	ssyncset.done $0x0  }
0xa4: {  	s25 =	simm.s32 $0x1B8E;
	s24 =	sld [smem:$0x3FFE];
	[sflag:s23] =	ssyncadd.s32 $0xFFFFFFFF  }
0xa5: {  	s26 =	simm.s32 $execute0_lowered;
	[smem:$0x3FD2] =	sst s25  }
0xa6: {  	s5 =	sshll.u32 s26, $0x1;
	_ =	strace $0x80000046;
	[dreg:$0x1] =	wrdreg $0xFFFFFFFF  }
0xa7: {  	s28 =	simm.s32 $_size_execute0_lowered;
	s3 =	sadd.s32 s3, s5;
	[dreg:$0x0] =	wrdreg $0x0  }
0xa8: {  	s5 =	sshll.u32 s28, $0x1;
	[dreg:$0x2] =	wrdreg s3  }
0xa9: {  	[dreg:$0x3] =	wrdreg s5  }
0xaa: {  	[dreg:$0x4] =	wrdreg $0xC0  }
0xab: {  	_ =	task [dreg:s7], $0x5FFFF  }
0xac: {  	[dreg:$0x1] =	wrdreg $0xFFFFFFFF  }
0xad: {  	[dreg:$0x0] =	wrdreg $0x60  }
0xae: {  	[dreg:$0x2] =	wrdreg s24  }
0xaf: {  	[dreg:$0x3] =	wrdreg s2  }
0xb0: {  	[dreg:$0x4] =	wrdreg $0x9  }
0xb1: {  	_ =	task.clear_ibuf [dreg:s7], $0x5FFFF;
	_ =	strace $0x90000046  }
0xb2: {  	s29 =	simm.s32 $0x9;
	_ =	strace $0x80000048  }
0xb3: {  	_ =	swait.ge [sflag:s29], $0x1  }
0xb4: {  	[sflag:s29] =	ssyncadd.s32 $0xFFFFFFFF  }
0xb5: {  	_ =	strace $0x90000048  }
0xb6: {  	_ =	sfence  }
0xb7: {  	s30 =	sld [smem:$0x0];
	_ =	sdelay $0x2  }
0xb8: {  	s31 =	sshll.u32 s1, $0xD;
	s1 =	sshrl.u32 s1, $0x2  }
0xb9: {  	s3 =	sand.u32 $0x4000, s31;
	s1 =	sadd.s32 s1, s30  }
0xba: {  	s0 =	sor.u32 s3, s0;
	s1 =	sshll.u32 s1, $0x11  }
0xbb: {  	s0 =	sor.u32 s1, s0  }
0xbc: {  	s0 =	sadd.s32 $0x8F2B, s0  }
0xbd: {  	[sflag:s0] =	ssyncadd.remote.s32 $0x1  }
0xbe: {  	_ =	sfence.sel $0xFFFF  }
0xbf: {  	[dreg:$0x0] =	wrdreg $0xFFFFFFFF;
	(pc) =	sbr.abs _section_cstart, $3  }
0xc0: {  	[dreg:$0x1] =	wrdreg $0xFFFFFFFF  }
0xc1: {  	_ =	task.clear_ibuf [dreg:s7], $0x2FFFF;
	_ =	strace $0x9FFFFFFF  }
0xc2: {  	(tm) =	ssettm $0x7FFFFFFF  }
0xc3: {  	_ =	shalt  }
tec
execute0_lowered:
.L_overlay_start_1:
0x0: {  	(tag) =	ssettag $0x1  }
0x1: {  	s0 =	srdreg.scid;
	s1 =	rddreg [dreg:$0x0]  }
0x2: {  	s4 =	stileid.u32;
	s3 =	simm.s32 $0x0;
	s14 =	simm.s32 $0x15000  }
0x3: {  	s15 =	simm.s32 $0x1;
	s16 =	simm.s32 $0x1E180;
	s0 =	sand.u32 $0x1, s0  }
0x4: {  	[smem:$0x7FF] =	sst s3;
	s5 =	sadd.s32 $0xA2000, s1;
	s2 =	sshll.u32 s0, $0x4  }
0x5: {  	s31 =	sadd.s32 $0xA0000, s1;
	_ =	strace $0x80000047;
	s2 =	sor.u32 s4, s2  }
0x6: {  	v0 =	vlaneseq.u32;
	v60 =	vimm.f32 $0.0e+00;
	[dreg:$0x3] =	wrdreg s5;
	s0 =	ssub.s32 $0x2, s0;
	s7 =	smul.u32 $0x140, s2  }
0x7: {  	v5 =	vimm.s32 $0x0;
	v1 =	vmul.u32 $0x2, v0;
	v4 =	vand.u32 $0x1, v0;
	[dreg:$0x4] =	wrdreg s31;
	s10 =	sshrl.u32 s0, $0x1;
	s2 =	smul.u32 $0x2800, s2  }
.Ltmp0:
0x8: {  	v9 =	vor.u32 $0x10, v0;
	v10 =	vor.u32 $0x20, v0;
	v11 =	vor.u32 $0x30, v0;
	s4 =	sadd.s32 $0x3C00, s1;
	s0 =	ssub.s32 s0, s10;
	(pc) =	sbr.rel .LBB2_1-.Ltmp0, $4  }
0x9: {  	v12 =	vor.u32 $0x40, v0;
	v13 =	vor.u32 $0x50, v0;
	v14 =	vor.u32 $0x60, v0;
	[tilespmem:$0x1FFC0] =	vst v4;
	s0 =	smax.u32 s0, $0x1;
	s9 =	sshrl.u32 s7, $0x3;
	s2 =	sadd.s32 s2, s1  }
0xa: {  	v15 =	vor.u32 $0x70, v0;
	v16 =	vor.u32 $0x80, v0;
	v4 =	vor.u32 $0x1, v1;
	[tilespmem:$0x1FFE0] =	vst v1;
	[dreg:$0x7] =	wrdreg s0;
	s1 =	sadd.s32 s9, s1;
	s2 =	sadd.s32 $0xA4000, s2  }
0xb: {  	v17 =	vor.u32 $0x90, v0;
	v18 =	vor.u32 $0xA0, v0;
	v1 =	vor.u32 $0x21, v1;
	[tilespmem:$0x1FFD0] =	vst v4;
	s8 =	sadd.s32 $0x140, s7;
	[dreg:$0x5] =	wrdreg s2;
	s1 =	sadd.s32 $0xF4000, s1  }
0xc: {  	s17 =	simm.s32 $0x2;
	v19 =	vor.u32 $0xB0, v0;
	[tilespmem:$0x1FFF0] =	vst v1;
	v2 =	vmov s7;
	v3 =	vmov s8;
	s2 =	simm.s32 $0x0;
	[dreg:$0x6] =	wrdreg s1  }
.LBB2_17:
0xd: {  	s0 =	rddreg [dreg:$0x5];
	s1 =	simm.s32 $0x3  }
0xe: {  	[hbm4b:s0+s3] =	stream.linear.scatter [tilespmem:s3], [sflag:$0x3], $0x14000, $0x38;
	[tilespmem:$0x1E300] =	vst v63  }
0xf: {  	_ =	swait.ge [sflag:s1], $0x14000  }
0x10: {  	[sflag:s1] =	ssyncset.done $0x0  }
0x11: {  	s30 =	rddreg [dreg:$0x6];
	[sflag:s1] =	ssyncadd.s32 $0xFFFEC000  }
0x12: {  	[hbm4b:s30+s3] =	stream.linear.scatter [tilespmem:s16], [sflag:$0x3], $0x140, $0x38;
	[tilespmem:$0x1E300] =	vst v63  }
0x13: {  	_ =	swait.ge [sflag:s1], $0x140  }
0x14: {  	s2 =	rddreg [dreg:$0x8]  }
0x15: {  	s31 =	rddreg [dreg:$0x7];
	s2 =	sadd.s32 $0x1, s2  }
0x16: {  	p0 =	sne.s32 s2, s31  }
.Ltmp1:
0x17: {  	_ = 	snop;
	(pc) =	sbr.rel @!p0 .LBB2_18-.Ltmp1, $3  }
0x18: {  	_ =	sdelay $0x1  }
0x19: {  	[sflag:s1] =	ssyncset.done $0x0  }
0x1a: {  	[sflag:s1] =	ssyncadd.s32 $0xFFFFFEC0  }
.LBB2_1:
0x1b: {  	[dreg:$0x8] =	wrdreg s2;
	s0 =	simm.s32 $0x0;
	s1 =	simm.s32 $0x400  }
.LBB2_2:
0x1c: {  	p0 =	sne.s32 s1, $0x4FC00;
	[tilespmem:s0+$0xF0] =	vst v60  }
0x1d: {  	[tilespmem:s0+$0x0] =	vst v60  }
0x1e: {  	[tilespmem:s0+$0x10] =	vst v60  }
0x1f: {  	[tilespmem:s0+$0x20] =	vst v60  }
0x20: {  	[tilespmem:s0+$0x30] =	vst v60  }
0x21: {  	[tilespmem:s0+$0x40] =	vst v60  }
0x22: {  	[tilespmem:s0+$0x50] =	vst v60  }
0x23: {  	[tilespmem:s0+$0x60] =	vst v60  }
0x24: {  	[tilespmem:s0+$0x70] =	vst v60  }
0x25: {  	[tilespmem:s0+$0x80] =	vst v60  }
0x26: {  	[tilespmem:s0+$0x90] =	vst v60  }
.Ltmp2:
0x27: {  	[tilespmem:s0+$0xA0] =	vst v60;
	(pc) =	sbr.rel @p0 .LBB2_2-.Ltmp2, $4  }
0x28: {  	[tilespmem:s0+$0xB0] =	vst v60  }
0x29: {  	[tilespmem:s0+$0xC0] =	vst v60  }
0x2a: {  	[tilespmem:s0+$0xD0] =	vst v60  }
0x2b: {  	[tilespmem:s0+$0xE0] =	vst v60;
	s0 =	sshra.s32 s1, $0x2;
	s1 =	sadd.s32 $0x400, s1  }
0x2c: {  	[tilespmem:s0+$0xF0] =	vst v60  }
0x2d: {  	[tilespmem:s0+$0x0] =	vst v60  }
0x2e: {  	[tilespmem:s0+$0x10] =	vst v60  }
0x2f: {  	[tilespmem:s0+$0x20] =	vst v60  }
0x30: {  	[tilespmem:s0+$0x30] =	vst v60  }
0x31: {  	[tilespmem:s0+$0x40] =	vst v60  }
0x32: {  	[tilespmem:s0+$0x50] =	vst v60  }
0x33: {  	[tilespmem:s0+$0x60] =	vst v60  }
0x34: {  	[tilespmem:s0+$0x70] =	vst v60  }
0x35: {  	[tilespmem:s0+$0x80] =	vst v60  }
0x36: {  	[tilespmem:s0+$0x90] =	vst v60  }
0x37: {  	[tilespmem:s0+$0xA0] =	vst v60  }
0x38: {  	[tilespmem:s0+$0xB0] =	vst v60  }
0x39: {  	[tilespmem:s0+$0xC0] =	vst v60  }
0x3a: {  	[tilespmem:s0+$0xD0] =	vst v60  }
0x3b: {  	[tilespmem:s0+$0xE0] =	vst v60  }
0x3c: {  	[tilespmem:$0x1E180] =	vst v60  }
0x3d: {  	[tilespmem:$0x1E190] =	vst v60  }
0x3e: {  	[tilespmem:$0x1E1A0] =	vst v60  }
0x3f: {  	[tilespmem:$0x1E1B0] =	vst v60  }
0x40: {  	[tilespmem:$0x1E1C0] =	vst v60  }
0x41: {  	[tilespmem:$0x1E1D0] =	vst v60  }
0x42: {  	[tilespmem:$0x1E1E0] =	vst v60  }
0x43: {  	[tilespmem:$0x1E1F0] =	vst v60  }
0x44: {  	[tilespmem:$0x1E200] =	vst v60  }
0x45: {  	[tilespmem:$0x1E210] =	vst v60  }
0x46: {  	[tilespmem:$0x1E220] =	vst v60  }
0x47: {  	[tilespmem:$0x1E230] =	vst v60  }
0x48: {  	[tilespmem:$0x1E240] =	vst v60  }
0x49: {  	[tilespmem:$0x1E250] =	vst v60  }
0x4a: {  	[tilespmem:$0x1E260] =	vst v60  }
0x4b: {  	[tilespmem:$0x1E270] =	vst v60  }
0x4c: {  	[tilespmem:$0x1E280] =	vst v60  }
0x4d: {  	[tilespmem:$0x1E290] =	vst v60  }
0x4e: {  	s2 =	simm.s32 $0x0;
	s30 =	rddreg [dreg:$0x1];
	[tilespmem:$0x1E2A0] =	vst v60  }
.Ltmp3:
0x4f: {  	s1 =	simm.s32 $0x1E080;
	s31 =	simm.s32 $0x3;
	[tilespmem:$0x1E2B0] =	vst v60;
	(pc) =	sbr.rel .LBB2_4-.Ltmp3, $4  }
0x50: {  	[tilespmem:s1], [sflag:$0x3] =	stream.linear.gather [hbm4b:s30+s2], $0x100, $0x38;
	[tilespmem:$0x1E300] =	vst v63  }
0x51: {  	_ =	swait.ge [sflag:s31], $0x100  }
0x52: {  	[sflag:s31] =	ssyncset.done $0x0  }
0x53: {  	s0 =	simm.s32 $0x0;
	[sflag:s31] =	ssyncadd.s32 $0xFFFFFF00  }
.LBB2_16:
0x54: {  	s0 =	rddreg [dreg:$0x9]  }
0x55: {  	s0 =	sadd.s32 $0x1, s0  }
0x56: {  	p0 =	sne.s32 s0, $0x20  }
.Ltmp4:
0x57: {  	_ = 	snop;
	(pc) =	sbr.rel @!p0 .LBB2_17-.Ltmp4, $1  }
0x58: {  	_ =	sdelay $0x3  }
.LBB2_4:
0x59: {  	[dreg:$0x9] =	wrdreg s0;
	s26 =	smul.u32 $0xFA, s0  }
0x5a: {  	s1 =	rddreg [dreg:$0x3];
	s2 =	simm.s32 $0x14000  }
0x5b: {  	s5 =	simm.s32 $0x0;
	s28 =	simm.s32 $0x3;
	s1 =	sadd.s32 s1, s26  }
0x5c: {  	[tilespmem:s2], [sflag:$0x3] =	stream.linear.gather [hbm4b:s1+s5], $0x7D0, $0x38;
	[tilespmem:$0x1E300] =	vst v63  }
0x5d: {  	_ =	swait.ge [sflag:s28], $0x7D0  }
0x5e: {  	[sflag:s28] =	ssyncset.done $0x0;
	s29 =	rddreg [dreg:$0x4]  }
0x5f: {  	s30 =	simm.s32 $0x14800;
	[sflag:s28] =	ssyncadd.s32 $0xFFFFF830;
	s0 =	sadd.s32 s29, s26  }
0x60: {  	[tilespmem:s30], [sflag:$0x3] =	stream.linear.gather [hbm4b:s0+s5], $0x7D0, $0x38;
	[tilespmem:$0x1E300] =	vst v63  }
0x61: {  	_ =	swait.ge [sflag:s28], $0x7D0  }
0x62: {  	[sflag:s28] =	ssyncset.done $0x0  }
0x63: {  	s31 =	simm.s32 $0x0;
	[sflag:s28] =	ssyncadd.s32 $0xFFFFF830  }
0x64: {  	v20 =	vld [tilespmem:s31+$0x14800];
	_ =	sdelay $0x4  }
0x65: {  	vm0 =	vge.s32 v20, v2;
	vm1 =	vlt.s32 v20, v3  }
0x66: {  	vm0 =	vmand vm0, vm1  }
0x67: {  	v21 =	vsel vm0, $0x1, v5  }
0x68: {  	(xrf0) =	vadd.scan.msk.s32 $0xffff, v21;
	_ =	sdelay $0x5  }
0x69: {  	v21, _, _ =	vpop (xrf0)  }
0x6a: {  	v22 =	vxor.u32 $0x80000000, v21  }
0x6b: {  	v21 =	vadd.s32 s5, v21;
	(xrf0) =	vmax.scan.msk.u32 $0xffff, v22  }
0x6c: {  	v63 =	vld [tilespmem:s31+$0x14000];
	v21 =	vshll.u32 v21, $0x1  }
0x6d: {  	v23 =	vadd.s32 $0xFFFFFFFE, v21  }
0x6e: {  	v21 =	vadd.s32 $0xFFFFFFFF, v21;
	_ =	sdelay $0x2  }
0x6f: {  	v20 =	vshll.u32 v20, $0x1;
	v22 =	vshll.u32 v63, $0x1;
	v24, _, _ =	vpop (xrf0)  }
0x70: {  	v20 =	vor.u32 $0x1, v20;
	[tilespmem:v23+s14+$0x0] =	vst.idx.msk vm0, v22;
	(v2sf) =	vpush v24, $0xF  }
0x71: {  	s1 =	simm.s32 $0x10;
	s2 =	simm.s32 $0x80;
	s0 =	simm.s32 $0x0;
	[tilespmem:v21+s14+$0x0] =	vst.idx.msk vm0, v20  }
.LBB2_5:
0x72: {  	p0 =	sne.s32 s2, $0x1F00;
	v20 =	vld [tilespmem:s1+$0x14800];
	_ =	sdelay $0x4  }
0x73: {  	vm0 =	vge.s32 v20, v2;
	vm1 =	vlt.s32 v20, v3;
	v20 =	vshll.u32 v20, $0x1  }
0x74: {  	vm0 =	vmand vm0, vm1  }
0x75: {  	v21 =	vsel vm0, $0x1, v5  }
0x76: {  	(xrf0) =	vadd.scan.msk.s32 $0xffff, v21;
	_ =	sdelay $0x4  }
0x77: {  	s7 =	spop (v2sf)  }
0x78: {  	v21, _, _ =	vpop (xrf0);
	s0 =	sadd.s32 s7, s0  }
0x79: {  	v22 =	vxor.u32 $0x80000000, v21;
	s0 =	sadd.s32 $0x80000000, s0  }
0x7a: {  	v21 =	vadd.s32 s0, v21;
	(xrf0) =	vmax.scan.msk.u32 $0xffff, v22  }
0x7b: {  	v22 =	vld [tilespmem:s1+$0x14000];
	v21 =	vshll.u32 v21, $0x1  }
0x7c: {  	v23 =	vadd.s32 $0xFFFFFFFE, v21;
	v21 =	vadd.s32 $0xFFFFFFFF, v21;
	_ =	sdelay $0x1  }
.Ltmp5:
0x7d: {  	(pc) =	sbr.rel @p0 .LBB2_5-.Ltmp5, $4  }
0x7e: {  	_ = 	snop  }
0x7f: {  	v22 =	vshll.u32 v22, $0x1;
	v24, _, _ =	vpop (xrf0)  }
0x80: {  	v20 =	vor.u32 $0x1, v20;
	[tilespmem:v23+s14+$0x0] =	vst.idx.msk vm0, v22;
	(v2sf) =	vpush v24, $0xF  }
0x81: {  	s1 =	sshra.s32 s2, $0x2;
	s2 =	sadd.s32 $0x40, s2;
	[tilespmem:v21+s14+$0x0] =	vst.idx.msk vm0, v20  }
0x82: {  	v20 =	vld [tilespmem:s1+$0x14800];
	_ =	sdelay $0x4  }
0x83: {  	vm0 =	vge.s32 v20, v2;
	vm1 =	vlt.s32 v20, v3  }
0x84: {  	vm0 =	vmand vm0, vm1  }
0x85: {  	v21 =	vsel vm0, $0x1, v5  }
0x86: {  	(xrf0) =	vadd.scan.msk.s32 $0xffff, v21;
	_ =	sdelay $0x5  }
0x87: {  	v21, _, _ =	vpop (xrf0)  }
0x88: {  	v22 =	vxor.u32 $0x80000000, v21  }
0x89: {  	(xrf0) =	vmax.scan.msk.u32 $0xffff, v22;
	_ =	sdelay $0x5  }
0x8a: {  	v22, _, _ =	vpop (xrf0)  }
0x8b: {  	(v2sf) =	vpush v22, $0xF;
	_ =	sdelay $0xb  }
0x8c: {  	s2 =	spop (v2sf)  }
0x8d: {  	s0 =	sadd.s32 s2, s0  }
0x8e: {  	s0 =	sadd.s32 $0x80000000, s0  }
0x8f: {  	v21 =	vadd.s32 s0, v21;
	s22 =	spop (v2sf)  }
0x90: {  	v62 =	vld [tilespmem:s1+$0x14000];
	v21 =	vshll.u32 v21, $0x1;
	s0 =	sadd.s32 s22, s0  }
0x91: {  	v23 =	vadd.s32 $0xFFFFFFFE, v21;
	s21 =	sadd.s32 $0x80000000, s0  }
0x92: {  	v21 =	vadd.s32 $0xFFFFFFFF, v21;
	s0 =	sshll.u32 s21, $0x1  }
0x93: {  	v1 =	vld [tilespmem:$0x1FFC0];
	v24 =	vadd.s32 s0, v0;
	s23 =	sadd.s32 $0x10, s0  }
0x94: {  	s25 =	sadd.s32 $0x1F, s21;
	s24 =	sadd.s32 $0x20, s0;
	v25 =	vadd.s32 s23, v0  }
0x95: {  	v20 =	vshll.u32 v20, $0x1;
	v22 =	vshll.u32 v62, $0x1;
	s0 =	sadd.s32 $0x30, s0;
	s26 =	sand.u32 $0x1F, s25;
	v26 =	vadd.s32 s24, v0  }
0x96: {  	v20 =	vor.u32 $0x1, v20;
	[tilespmem:v23+s14+$0x0] =	vst.idx.msk vm0, v22;
	s28 =	sshra.s32 s25, $0x1F;
	p0 =	slt.s32 s25, $0x1;
	v63 =	vadd.s32 s0, v0;
	p1 =	sne.s32 s26, $0x0  }
0x97: {  	[tilespmem:v21+s14+$0x0] =	vst.idx.msk vm0, v20;
	s0 =	sshrl.u32 s28, $0x1B;
	p0 =	por !p0, !p1  }
0x98: {  	s1 =	simm.s32 $0x1;
	s0 =	sadd.s32 s0, s25;
	p0 =	por !p0, !p0;
	[tilespmem:v24+s14+$0x0] =	vst.idx.msk $0xffff, v1  }
0x99: {  	s0 =	sshra.s32 s0, $0x5;
	s1 =	simm.s32 @!p0 $0x0;
	[tilespmem:v25+s14+$0x0] =	vst.idx.msk $0xffff, v1  }
0x9a: {  	s22 =	ssub.s32 s0, s1;
	[tilespmem:v26+s14+$0x0] =	vst.idx.msk $0xffff, v1  }
0x9b: {  	p0 =	slt.s32 s22, $0x1;
	[tilespmem:v63+s14+$0x0] =	vst.idx.msk $0xffff, v1  }
0x9c: {  	v20 =	vld @!p0 [tilespmem:$0x15000];
	_ =	sdelay $0x4  }
0x9d: {  	v21 =	vshll.u32 @!p0 v20, $0x1  }
0x9e: {  	v22 =	vlaneseq.u32 @!p0;
	v20 =	vand.u32 @!p0 $0x7, v20;
	v21 =	vand.u32 @!p0 $0xFFFFFFF0, v21  }
0x9f: {  	v23 =	vshrl.u32 @!p0 v22, $0x3;
	v20 =	vor.u32 @!p0 v20, v21;
	v21 =	vand.u32 @!p0 $0x7, v22  }
0xa0: {  	v23 =	vmul.u32 @!p0 $0x8, v23;
	v24 =	vperm.xlane @!p0 v20, v21  }
0xa1: {  	v22 =	vor.u32 @!p0 $0x8, v22  }
0xa2: {  	v20 =	vperm.xlane @!p0 v20, v22;
	v24 =	vadd.s32 @!p0 v23, v24;
	_ =	sdelay $0x1  }
0xa3: {  	v20 =	vadd.s32 @!p0 v23, v20;
	_ =	sdelay $0x1  }
0xa4: {  	vm0 =	vmmov @!p0 $0xffff;
	s0 =	simm.s32 @!p0 $0x0;
	s1 =	simm.s32 @!p0 $0x16000  }
0xa5: {  	[tilespmem:s1], [sflag:$0x1] =	stream.indirect_vreg.gather @!p0 [hbm4b:s4+s0], $0x80, v24, vm0, $0xb8;
	[tilespmem:$0x1E300] =	vst v63  }
0xa6: {  	s1 =	simm.s32 @!p0 $0x16800  }
0xa7: {  	[tilespmem:s1], [sflag:$0x1] =	stream.indirect_vreg.gather @!p0 [hbm4b:s4+s0], $0x80, v20, vm0, $0xb8;
	[tilespmem:$0x1E300] =	vst v63  }
0xa8: {  	v20 =	vld @!p0 [tilespmem:$0x15010];
	_ =	sdelay $0x4  }
0xa9: {  	v24 =	vshll.u32 @!p0 v20, $0x1  }
0xaa: {  	v20 =	vand.u32 @!p0 $0x7, v20;
	v24 =	vand.u32 @!p0 $0xFFFFFFF0, v24  }
0xab: {  	v20 =	vor.u32 @!p0 v20, v24  }
0xac: {  	v24 =	vperm.xlane @!p0 v20, v21;
	_ =	sdelay $0x1  }
0xad: {  	v20 =	vperm.xlane @!p0 v20, v22;
	v24 =	vadd.s32 @!p0 v23, v24;
	_ =	sdelay $0x1  }
0xae: {  	v20 =	vadd.s32 @!p0 v23, v20;
	_ =	sdelay $0x1  }
0xaf: {  	s1 =	simm.s32 @!p0 $0x17000  }
0xb0: {  	[tilespmem:s1], [sflag:$0x1] =	stream.indirect_vreg.gather @!p0 [hbm4b:s4+s0], $0x80, v24, vm0, $0xb8;
	[tilespmem:$0x1E300] =	vst v63  }
0xb1: {  	s1 =	simm.s32 @!p0 $0x17800  }
0xb2: {  	[tilespmem:s1], [sflag:$0x1] =	stream.indirect_vreg.gather @!p0 [hbm4b:s4+s0], $0x80, v20, vm0, $0xb8;
	[tilespmem:$0x1E300] =	vst v63  }
0xb3: {  	v20 =	vld @!p0 [tilespmem:$0x15020];
	_ =	sdelay $0x4  }
0xb4: {  	v24 =	vshll.u32 @!p0 v20, $0x1  }
0xb5: {  	v20 =	vand.u32 @!p0 $0x7, v20;
	v24 =	vand.u32 @!p0 $0xFFFFFFF0, v24  }
0xb6: {  	v20 =	vor.u32 @!p0 v20, v24  }
0xb7: {  	v24 =	vperm.xlane @!p0 v20, v21;
	_ =	sdelay $0x1  }
0xb8: {  	v20 =	vperm.xlane @!p0 v20, v22;
	v24 =	vadd.s32 @!p0 v23, v24;
	_ =	sdelay $0x1  }
0xb9: {  	v20 =	vadd.s32 @!p0 v23, v20;
	_ =	sdelay $0x1  }
0xba: {  	s1 =	simm.s32 @!p0 $0x18000  }
0xbb: {  	[tilespmem:s1], [sflag:$0x1] =	stream.indirect_vreg.gather @!p0 [hbm4b:s4+s0], $0x80, v24, vm0, $0xb8;
	[tilespmem:$0x1E300] =	vst v63  }
0xbc: {  	s1 =	simm.s32 @!p0 $0x18800  }
0xbd: {  	[tilespmem:s1], [sflag:$0x1] =	stream.indirect_vreg.gather @!p0 [hbm4b:s4+s0], $0x80, v20, vm0, $0xb8;
	[tilespmem:$0x1E300] =	vst v63  }
0xbe: {  	v20 =	vld @!p0 [tilespmem:$0x15030];
	_ =	sdelay $0x4  }
0xbf: {  	v24 =	vshll.u32 @!p0 v20, $0x1  }
0xc0: {  	v20 =	vand.u32 @!p0 $0x7, v20;
	v24 =	vand.u32 @!p0 $0xFFFFFFF0, v24  }
0xc1: {  	v20 =	vor.u32 @!p0 v20, v24  }
0xc2: {  	v21 =	vperm.xlane @!p0 v20, v21;
	_ =	sdelay $0x1  }
0xc3: {  	v20 =	vperm.xlane @!p0 v20, v22;
	v21 =	vadd.s32 @!p0 v23, v21;
	_ =	sdelay $0x1  }
0xc4: {  	v20 =	vadd.s32 @!p0 v23, v20  }
0xc5: {  	s29 =	sadd.s32 $0x1, s22  }
0xc6: {  	s30 =	sand.u32 $0x1, s29;
	s1 =	simm.s32 @!p0 $0x19000  }
0xc7: {  	[tilespmem:s1], [sflag:$0x1] =	stream.indirect_vreg.gather @!p0 [hbm4b:s4+s0], $0x80, v21, vm0, $0xb8;
	[tilespmem:$0x1E300] =	vst v63  }
0xc8: {  	p5 =	slt.s32 s22, $0x0;
	p6 =	seq.s32 s30, $0x1;
	s1 =	simm.s32 @!p0 $0x19800  }
0xc9: {  	[tilespmem:s1], [sflag:$0x1] =	stream.indirect_vreg.gather @!p0 [hbm4b:s4+s0], $0x80, v20, vm0, $0xb8;
	[tilespmem:$0x1E300] =	vst v63  }
0xca: {  	s31 =	sshrl.u32 s29, $0x1F;
	p0 =	por !p5, !p6  }
0xcb: {  	s0 =	sadd.s32 s31, s29;
	s1 =	simm.s32 $0x1;
	p0 =	por !p0, !p0  }
0xcc: {  	s0 =	sshra.s32 s0, $0x1;
	s1 =	simm.s32 @!p0 $0x0  }
0xcd: {  	s23 =	ssub.s32 s0, s1  }
0xce: {  	p0 =	slt.s32 s23, $0x1  }
.Ltmp6:
0xcf: {  	_ = 	snop;
	(pc) =	sbr.rel @!p0 .LBB2_7-.Ltmp6, $4  }
.Ltmp7:
0xd0: {  	_ = 	snop;
	(pc) =	sbr.rel @p0 .LBB2_16-.Ltmp7, $4  }
0xd1: {  	_ = 	snop  }
0xd2: {  	_ = 	snop  }
0xd3: {  	s24 =	simm.s32 $0x0;
	s25 =	simm.s32 $0x0  }
0xd4: {  	_ = 	snop  }
.LBB2_14:
0xd5: {  	_ =	sdelay $0x3  }
0xd6: {  	[tilespmem:v41+s3+$0x0] =	vst.idx.add.f32.msk $0xffff, v45  }
0xd7: {  	[tilespmem:v42+s3+$0x0] =	vst.idx.add.f32.msk $0xffff, v44  }
0xd8: {  	[tilespmem:v43+s3+$0x0] =	vst.idx.add.f32.msk $0xffff, v40  }
0xd9: {  	[tilespmem:v54+s16+$0x0] =	vst.idx.add.f32.msk vm0, v56  }
.LBB2_15:
0xda: {  	s25 =	sadd.s32 $0x1, s25  }
0xdb: {  	p0 =	sne.s32 s25, s23  }
.Ltmp8:
0xdc: {  	_ = 	snop;
	(pc) =	sbr.rel @!p0 .LBB2_16-.Ltmp8, $2  }
0xdd: {  	_ =	sdelay $0x2  }
0xde: {  	s24 =	sadd.s32 $0x40, s24  }
.LBB2_7:
0xdf: {  	s28 =	sshll.u32 s25, $0x1  }
0xe0: {  	p0 =	slt.s32 s28, s22  }
.Ltmp9:
0xe1: {  	_ = 	snop;
	(pc) =	sbr.rel @!p0 .LBB2_11-.Ltmp9, $2  }
0xe2: {  	_ =	sdelay $0x2  }
0xe3: {  	s26 =	sor.u32 $0x1, s28  }
0xe4: {  	s26 =	sor.u32 $0x1, s28  }
0xe5: {  	_ =	swait.ge [sflag:s15], $0x4000;
	p0 =	sge.s32 s26, s22  }
0xe6: {  	[sflag:s15] =	ssyncset.done $0x0;
	s0 =	sshll.u32 @!p0 s26, $0x8  }
0xe7: {  	[sflag:s15] =	ssyncadd.s32 $0xFFFFC000;
	s0 =	sshra.s32 @!p0 s0, $0x2  }
0xe8: {  	v20 =	vld @!p0 [tilespmem:s0+$0x15000];
	_ =	sdelay $0x4  }
0xe9: {  	v21 =	vshll.u32 @!p0 v20, $0x1  }
0xea: {  	v22 =	vlaneseq.u32 @!p0;
	v20 =	vand.u32 @!p0 $0x7, v20;
	v21 =	vand.u32 @!p0 $0xFFFFFFF0, v21  }
0xeb: {  	v23 =	vshrl.u32 @!p0 v22, $0x3;
	v20 =	vor.u32 @!p0 v20, v21;
	v21 =	vand.u32 @!p0 $0x7, v22  }
0xec: {  	v23 =	vmul.u32 @!p0 $0x8, v23;
	v24 =	vperm.xlane @!p0 v20, v21  }
0xed: {  	v22 =	vor.u32 @!p0 $0x8, v22  }
0xee: {  	v20 =	vperm.xlane @!p0 v20, v22;
	v24 =	vadd.s32 @!p0 v23, v24;
	_ =	sdelay $0x1  }
0xef: {  	v20 =	vadd.s32 @!p0 v23, v20;
	_ =	sdelay $0x1  }
0xf0: {  	vm0 =	vmmov @!p0 $0xffff;
	s1 =	simm.s32 @!p0 $0x0;
	s2 =	simm.s32 @!p0 $0x1A000  }
0xf1: {  	[tilespmem:s2], [sflag:$0x2] =	stream.indirect_vreg.gather @!p0 [hbm4b:s4+s1], $0x80, v24, vm0, $0xb8;
	[tilespmem:$0x1E300] =	vst v63  }
0xf2: {  	s2 =	simm.s32 @!p0 $0x1A800  }
0xf3: {  	[tilespmem:s2], [sflag:$0x2] =	stream.indirect_vreg.gather @!p0 [hbm4b:s4+s1], $0x80, v20, vm0, $0xb8;
	[tilespmem:$0x1E300] =	vst v63  }
0xf4: {  	v20 =	vld @!p0 [tilespmem:s0+$0x15010];
	_ =	sdelay $0x4  }
0xf5: {  	v24 =	vshll.u32 @!p0 v20, $0x1  }
0xf6: {  	v20 =	vand.u32 @!p0 $0x7, v20;
	v24 =	vand.u32 @!p0 $0xFFFFFFF0, v24  }
0xf7: {  	v20 =	vor.u32 @!p0 v20, v24  }
0xf8: {  	v24 =	vperm.xlane @!p0 v20, v21;
	_ =	sdelay $0x1  }
0xf9: {  	v20 =	vperm.xlane @!p0 v20, v22;
	v24 =	vadd.s32 @!p0 v23, v24;
	_ =	sdelay $0x1  }
0xfa: {  	v20 =	vadd.s32 @!p0 v23, v20;
	_ =	sdelay $0x1  }
0xfb: {  	s2 =	simm.s32 @!p0 $0x1B000  }
0xfc: {  	[tilespmem:s2], [sflag:$0x2] =	stream.indirect_vreg.gather @!p0 [hbm4b:s4+s1], $0x80, v24, vm0, $0xb8;
	[tilespmem:$0x1E300] =	vst v63  }
0xfd: {  	s2 =	simm.s32 @!p0 $0x1B800  }
0xfe: {  	[tilespmem:s2], [sflag:$0x2] =	stream.indirect_vreg.gather @!p0 [hbm4b:s4+s1], $0x80, v20, vm0, $0xb8;
	[tilespmem:$0x1E300] =	vst v63  }
0xff: {  	v20 =	vld @!p0 [tilespmem:s0+$0x15020];
	_ =	sdelay $0x4  }
0x100: {  	v24 =	vshll.u32 @!p0 v20, $0x1  }
0x101: {  	v20 =	vand.u32 @!p0 $0x7, v20;
	v24 =	vand.u32 @!p0 $0xFFFFFFF0, v24  }
0x102: {  	v20 =	vor.u32 @!p0 v20, v24  }
0x103: {  	v24 =	vperm.xlane @!p0 v20, v21;
	_ =	sdelay $0x1  }
0x104: {  	v20 =	vperm.xlane @!p0 v20, v22;
	v24 =	vadd.s32 @!p0 v23, v24;
	_ =	sdelay $0x1  }
0x105: {  	v20 =	vadd.s32 @!p0 v23, v20;
	_ =	sdelay $0x1  }
0x106: {  	s2 =	simm.s32 @!p0 $0x1C000  }
0x107: {  	[tilespmem:s2], [sflag:$0x2] =	stream.indirect_vreg.gather @!p0 [hbm4b:s4+s1], $0x80, v24, vm0, $0xb8;
	[tilespmem:$0x1E300] =	vst v63  }
0x108: {  	s2 =	simm.s32 @!p0 $0x1C800  }
0x109: {  	[tilespmem:s2], [sflag:$0x2] =	stream.indirect_vreg.gather @!p0 [hbm4b:s4+s1], $0x80, v20, vm0, $0xb8;
	[tilespmem:$0x1E300] =	vst v63  }
0x10a: {  	v20 =	vld @!p0 [tilespmem:s0+$0x15030];
	_ =	sdelay $0x4  }
0x10b: {  	v24 =	vshll.u32 @!p0 v20, $0x1  }
0x10c: {  	v20 =	vand.u32 @!p0 $0x7, v20;
	v24 =	vand.u32 @!p0 $0xFFFFFFF0, v24  }
0x10d: {  	s10 =	sshll.u32 s25, $0x7;
	v20 =	vor.u32 @!p0 v20, v24  }
0x10e: {  	v1 =	vld [tilespmem:$0x1FFD0];
	v24 =	vmov s10;
	v21 =	vperm.xlane @!p0 v20, v21  }
0x10f: {  	v24 =	vshrl.u32 v24, $0x7  }
0x110: {  	v20 =	vperm.xlane @!p0 v20, v22;
	v22 =	vshll.u32 v24, $0x7;
	v21 =	vadd.s32 @!p0 v23, v21  }
0x111: {  	v22 =	vbroadcast v22, $0x0  }
0x112: {  	v20 =	vadd.s32 @!p0 v23, v20  }
0x113: {  	v23 =	vor.u32 v1, v22  }
0x114: {  	s0 =	simm.s32 @!p0 $0x1D000  }
0x115: {  	[tilespmem:s0], [sflag:$0x2] =	stream.indirect_vreg.gather @!p0 [hbm4b:s4+s1], $0x80, v21, vm0, $0xb8;
	[tilespmem:$0x1E300] =	vst v63  }
0x116: {  	s0 =	simm.s32 @!p0 $0x1D800  }
0x117: {  	[tilespmem:s0], [sflag:$0x2] =	stream.indirect_vreg.gather @!p0 [hbm4b:s4+s1], $0x80, v20, vm0, $0xb8;
	[tilespmem:$0x1E300] =	vst v63  }
0x118: {  	v20 =	vld.idx.msk [tilespmem:v23+s14+$0x0], $0xffff;
	_ =	sdelay $0x1  }
0x119: {  	v1 =	vld [tilespmem:$0x1FFF0];
	_ =	sdelay $0x2  }
0x11a: {  	v20 =	vadd.s32 $0xFFFFFFFF, v20  }
0x11b: {  	v20 =	vshra.s32 v20, $0x1  }
0x11c: {  	v21 =	vor.u32 v1, v22;
	v20 =	vsub.s32 v20, v2  }
0x11d: {  	vm0 =	vgt.s32 v20, $0x0  }
0x11e: {  	v20 =	vnsel vm0, $0x0, v20  }
0x11f: {  	v22 =	vld [tilespmem:$0x1E0A0];
	v20 =	vmin.u32 v20, $0x13F  }
0x120: {  	v23 =	vld [tilespmem:$0x1E0B0];
	[tilespmem:$0x1E000] =	vst v20  }
0x121: {  	v26 =	vld.idx.msk [tilespmem:v21+s14+$0x0], $0xffff  }
0x122: {  	v24 =	vld [tilespmem:$0x1E0C0]  }
0x123: {  	v25 =	vld [tilespmem:$0x1E0D0]  }
0x124: {  	v29 =	vld [tilespmem:$0x1E110]  }
0x125: {  	v20 =	vld [tilespmem:$0x1E080]  }
0x126: {  	v21 =	vld [tilespmem:$0x1E090];
	v27 =	vadd.s32 $0xFFFFFFFF, v26  }
0x127: {  	v26 =	vld [tilespmem:$0x1E0E0];
	v28 =	vshra.s32 v27, $0x1  }
0x128: {  	v27 =	vld [tilespmem:$0x1E0F0];
	v30 =	vsub.s32 v28, v2  }
0x129: {  	s29 =	simm.s32 $0x0;
	v28 =	vld [tilespmem:$0x1E100];
	vm0 =	vgt.s32 v30, $0x0  }
0x12a: {  	s11 =	sand.u32 $0x3800, s29;
	v31 =	vnsel vm0, $0x0, v30;
	v30 =	vld [tilespmem:$0x1E120]  }
0x12b: {  	s12 =	sand.u32 $0x200, s29;
	s0 =	sadd.s32 $0x16000, s11;
	v32 =	vmin.u32 v31, $0x13F;
	v31 =	vld [tilespmem:$0x1E130]  }
0x12c: {  	s7 =	sor.u32 s12, s0;
	[tilespmem:$0x1E010] =	vst v32;
	v32 =	vld [tilespmem:$0x1E140]  }
0x12d: {  	v39 =	vld [tilespmem:s7+$0x0]  }
0x12e: {  	v33 =	vld [tilespmem:s7+$0x80]  }
0x12f: {  	v36 =	vld [tilespmem:s7+$0x10]  }
0x130: {  	v34 =	vld [tilespmem:s7+$0x90]  }
0x131: {  	v35 =	vld [tilespmem:s7+$0xA0]  }
0x132: {  	v37 =	vld [tilespmem:s7+$0x20]  }
0x133: {  	v42 =	vld [tilespmem:s7+$0xB0];
	v33 =	vadd.f32 v33, v39  }
0x134: {  	v38 =	vld [tilespmem:s7+$0x30]  }
0x135: {  	v44 =	vld [tilespmem:s7+$0xC0];
	v34 =	vadd.f32 v34, v36;
	v41 =	vmul.f32 $2.000000030e-01, v33  }
0x136: {  	v40 =	vld [tilespmem:s7+$0x40];
	vm0 =	vge.f32 v33, $0.0e+00  }
0x137: {  	p0 =	por $0x0, $0x0;
	s1 =	simm.s32 $0x1;
	v45 =	vld [tilespmem:s7+$0xD0];
	v35 =	vadd.f32 v35, v37;
	v43 =	vmul.f32 $2.000000030e-01, v34;
	v33 =	vsel vm0, v33, v41  }
0x138: {  	s1 =	simm.s32 @!p0 $0x0;
	vm0 =	vge.f32 v34, $0.0e+00;
	v41 =	vld [tilespmem:s7+$0x50];
	v33 =	vmul.f32 v33, v20  }
0x139: {  	s1 =	sshll.u32 s1, $0x9;
	v48 =	vld [tilespmem:s7+$0xE0];
	v47 =	vadd.f32 v42, v38;
	v46 =	vmul.f32 $2.000000030e-01, v35;
	v34 =	vsel vm0, v34, v43  }
0x13a: {  	s1 =	sadd.s32 $0x0, s1;
	vm0 =	vge.f32 v35, $0.0e+00;
	v43 =	vld [tilespmem:s7+$0x60];
	v34 =	vmul.f32 v34, v21;
	v33 =	vadd.f32 $0.0e+00, v33  }
0x13b: {  	s2 =	sadd.s32 $0x80, s1;
	v49 =	vld [tilespmem:s7+$0xF0];
	v44 =	vadd.f32 v44, v40;
	v52 =	vmul.f32 $2.000000030e-01, v47;
	v35 =	vsel vm0, v35, v46  }
0x13c: {  	s13 =	sor.u32 $0x400, s2;
	v42 =	vld [tilespmem:s7+$0x70];
	vm0 =	vge.f32 v47, $0.0e+00;
	v53 =	vmul.f32 v35, v22;
	v33 =	vadd.f32 v34, v33  }
0x13d: {  	s8 =	sor.u32 $0x400, s1;
	v50 =	vld [tilespmem:s13+$0x16000];
	v55 =	vmul.f32 $2.000000030e-01, v44;
	v54 =	vsel vm0, v47, v52;
	v56 =	vadd.f32 v45, v41  }
0x13e: {  	s19 =	sor.u32 $0x410, s2;
	vm0 =	vge.f32 v44, $0.0e+00;
	v57 =	vmul.f32 v54, v23;
	v45 =	vld [tilespmem:s8+$0x16000];
	v33 =	vadd.f32 v53, v33  }
0x13f: {  	s18 =	sor.u32 $0x410, s1;
	v61 =	vld [tilespmem:s19+$0x16000];
	v58 =	vsel vm0, v44, v55;
	v48 =	vadd.f32 v48, v43;
	v59 =	vmul.f32 $2.000000030e-01, v56  }
0x140: {  	s20 =	sor.u32 $0x420, s1;
	v44 =	vld [tilespmem:s18+$0x16000];
	v60 =	vmul.f32 v58, v24;
	vm0 =	vge.f32 v56, $0.0e+00;
	v33 =	vadd.f32 v57, v33  }
0x141: {  	s5 =	sor.u32 $0x420, s2;
	v49 =	vadd.f32 v49, v42;
	v46 =	vld [tilespmem:s20+$0x16000];
	v51 =	vmul.f32 $2.000000030e-01, v48;
	v47 =	vsel vm0, v56, v59  }
0x142: {  	s9 =	sor.u32 $0x430, s2;
	v52 =	vld [tilespmem:s5+$0x16000];
	vm0 =	vge.f32 v48, $0.0e+00;
	v62 =	vmul.f32 v47, v25;
	v33 =	vadd.f32 v60, v33  }
0x143: {  	s6 =	sor.u32 $0x430, s1;
	v63 =	vmul.f32 $2.000000030e-01, v49;
	v53 =	vld [tilespmem:s9+$0x16000];
	v48 =	vsel vm0, v48, v51;
	v50 =	vadd.f32 v50, v45  }
0x144: {  	s11 =	sor.u32 $0x440, s2;
	v47 =	vld [tilespmem:s6+$0x16000];
	vm0 =	vge.f32 v49, $0.0e+00;
	v54 =	vmul.f32 v48, v26;
	v33 =	vadd.f32 v62, v33  }
0x145: {  	s10 =	sor.u32 $0x440, s1;
	v58 =	vld [tilespmem:s11+$0x16000];
	v35 =	vadd.f32 v61, v44;
	v55 =	vsel vm0, v49, v63;
	v56 =	vmul.f32 $2.000000030e-01, v50  }
0x146: {  	s12 =	sor.u32 $0x450, s1;
	v51 =	vld [tilespmem:s10+$0x16000];
	v57 =	vmul.f32 v55, v27;
	vm0 =	vge.f32 v50, $0.0e+00;
	v33 =	vadd.f32 v54, v33  }
0x147: {  	s13 =	sor.u32 $0x450, s2;
	v52 =	vadd.f32 v52, v46;
	v59 =	vmul.f32 $2.000000030e-01, v35;
	v49 =	vsel vm0, v50, v56;
	v54 =	vld [tilespmem:s12+$0x16000]  }
0x148: {  	s19 =	sor.u32 $0x460, s2;
	vm0 =	vge.f32 v35, $0.0e+00;
	v60 =	vmul.f32 v49, v28;
	v49 =	vld [tilespmem:s13+$0x16000];
	v33 =	vadd.f32 v57, v33  }
0x149: {  	s18 =	sor.u32 $0x460, s1;
	v61 =	vmul.f32 $2.000000030e-01, v52;
	v63 =	vld [tilespmem:s19+$0x16000];
	v35 =	vsel vm0, v35, v59;
	v53 =	vadd.f32 v53, v47  }
0x14a: {  	s1 =	sor.u32 $0x470, s1;
	v55 =	vld [tilespmem:s18+$0x16000];
	vm0 =	vge.f32 v52, $0.0e+00;
	v62 =	vmul.f32 v35, v29;
	v33 =	vadd.f32 v60, v33  }
0x14b: {  	s2 =	sor.u32 $0x470, s2;
	v56 =	vld [tilespmem:s1+$0x16000];
	v48 =	vadd.f32 v58, v51;
	v50 =	vsel vm0, v52, v61;
	v60 =	vmul.f32 $2.000000030e-01, v53  }
0x14c: {  	vm0 =	vge.f32 v53, $0.0e+00;
	v50 =	vmul.f32 v50, v30;
	v57 =	vld [tilespmem:s2+$0x16000];
	v34 =	vadd.f32 v62, v33  }
0x14d: {  	v58 =	vmul.f32 $2.000000030e-01, v48;
	v49 =	vadd.f32 v49, v54;
	v33 =	vld [tilespmem:$0x1E150];
	v52 =	vsel vm0, v53, v60  }
0x14e: {  	vm0 =	vge.f32 v48, $0.0e+00;
	v52 =	vmul.f32 v52, v31;
	v50 =	vadd.f32 v50, v34  }
0x14f: {  	v62 =	vadd.f32 v63, v55;
	v48 =	vsel vm0, v48, v58;
	v61 =	vmul.f32 $2.000000030e-01, v49;
	v34 =	vld [tilespmem:$0x1E160]  }
0x150: {  	vm0 =	vge.f32 v49, $0.0e+00;
	v48 =	vmul.f32 v48, v32;
	v50 =	vadd.f32 v52, v50  }
0x151: {  	v35 =	vld [tilespmem:$0x1E170];
	v59 =	vadd.f32 v57, v56;
	v63 =	vmul.f32 $2.000000030e-01, v62;
	v49 =	vsel vm0, v49, v61  }
0x152: {  	vm0 =	vge.f32 v62, $0.0e+00;
	v49 =	vmul.f32 v49, v33;
	v48 =	vadd.f32 v48, v50  }
0x153: {  	v61 =	vmul.f32 $2.000000030e-01, v59;
	v60 =	vsel vm0, v62, v63  }
0x154: {  	vm0 =	vge.f32 v59, $0.0e+00;
	v62 =	vmul.f32 v60, v34;
	v48 =	vadd.f32 v49, v48  }
0x155: {  	v63 =	vsel vm0, v59, v61  }
0x156: {  	v52 =	vmul.f32 v63, v35;
	v48 =	vadd.f32 v62, v48;
	_ =	sdelay $0x1  }
0x157: {  	v48 =	vadd.f32 v52, v48;
	_ =	sdelay $0x1  }
0x158: {  	(xrf2) =	vadd.scan.msk.f32 $0xffff, v48;
	_ =	sdelay $0x9  }
0x159: {  	v48, _, _ =	vpop (xrf2)  }
0x15a: {  	v48 =	vmul.f32 $1.442695020e+00, v48;
	_ =	sdelay $0x1  }
0x15b: {  	v48 =	vbroadcast v48, $0xF;
	_ =	sdelay $0x1  }
0x15c: {  	s1 =	sand.u32 $0x10, s29;
	(erf) = vpow2.f32 v48  }
0x15d: {  	v48 =	vld [tilespmem:s1+$0x1E000];
	_ =	sdelay $0x2  }
0x15e: {  	s20 =	sand.u32 $0xE, s29  }
0x15f: {  	v49 =	vmov s20  }
0x160: {  	v53 =	vperm.xlane v48, v49  }
0x161: {  	s2 =	sadd.s32 $0x0, s24  }
0x162: {  	s7 =	simm.f32 $1.000000000e+00;
	p1 =	slt.s32 s2, s21;
	v50 =	vshll.u32 v53, $0x8  }
0x163: {  	s7 =	simm.s32 @!p1 $0x0;
	v52 =	vor.u32 v0, v50;
	v57 =	vpop (erf)  }
0x164: {  	v53 =	vmul.f32 s7, v57;
	v57 =	vor.u32 v9, v50  }
0x165: {  	v58 =	vor.u32 v10, v50  }
0x166: {  	v59 =	vor.u32 v11, v50;
	v39 =	vmul.f32 v53, v39  }
0x167: {  	vm0 =	veq.s32 v49, v0;
	v61 =	vor.u32 v12, v50;
	v36 =	vmul.f32 v53, v36  }
0x168: {  	v62 =	vor.u32 v13, v50;
	v37 =	vmul.f32 v53, v37;
	[tilespmem:v52+s3+$0x0] =	vst.idx.add.f32.msk $0xffff, v39  }
0x169: {  	v38 =	vmul.f32 v53, v38;
	v39 =	vor.u32 v14, v50;
	[tilespmem:v57+s3+$0x0] =	vst.idx.add.f32.msk $0xffff, v36  }
0x16a: {  	v52 =	vor.u32 v15, v50;
	v36 =	vmul.f32 v53, v40;
	[tilespmem:v58+s3+$0x0] =	vst.idx.add.f32.msk $0xffff, v37  }
0x16b: {  	v60 =	vor.u32 v16, v50;
	v58 =	vmul.f32 v53, v41;
	[tilespmem:v59+s3+$0x0] =	vst.idx.add.f32.msk $0xffff, v38  }
0x16c: {  	v63 =	vmul.f32 v53, v43;
	v41 =	vor.u32 v17, v50;
	[tilespmem:v61+s3+$0x0] =	vst.idx.add.f32.msk $0xffff, v36  }
0x16d: {  	[tilespmem:v62+s3+$0x0] =	vst.idx.add.f32.msk $0xffff, v58;
	v58 =	vmul.f32 v53, v42;
	v42 =	vor.u32 v18, v50  }
0x16e: {  	v57 =	vmul.f32 v53, v45;
	v40 =	vor.u32 v19, v50;
	v36 =	vor.u32 $0xC0, v0;
	[tilespmem:v39+s3+$0x0] =	vst.idx.add.f32.msk $0xffff, v63  }
0x16f: {  	v37 =	vor.u32 $0xD0, v0;
	v59 =	vmul.f32 v53, v44;
	v62 =	vor.u32 v36, v50;
	[tilespmem:v52+s3+$0x0] =	vst.idx.add.f32.msk $0xffff, v58  }
0x170: {  	v38 =	vor.u32 $0xE0, v0;
	v61 =	vmul.f32 v53, v46;
	[tilespmem:v60+s3+$0x0] =	vst.idx.add.f32.msk $0xffff, v57;
	v57 =	vor.u32 v37, v50  }
0x171: {  	v63 =	vmul.f32 v53, v47;
	v39 =	vor.u32 $0xF0, v0;
	v58 =	vor.u32 v38, v50;
	[tilespmem:v41+s3+$0x0] =	vst.idx.add.f32.msk $0xffff, v59  }
0x172: {  	v51 =	vmul.f32 v53, v51;
	v59 =	vor.u32 v39, v50;
	[tilespmem:v42+s3+$0x0] =	vst.idx.add.f32.msk $0xffff, v61  }
0x173: {  	v60 =	vmul.f32 v53, v54;
	[tilespmem:v40+s3+$0x0] =	vst.idx.add.f32.msk $0xffff, v63  }
0x174: {  	v61 =	vmul.f32 v53, v55;
	[tilespmem:v62+s3+$0x0] =	vst.idx.add.f32.msk $0xffff, v51  }
0x175: {  	v62 =	vmul.f32 v53, v56;
	[tilespmem:v57+s3+$0x0] =	vst.idx.add.f32.msk $0xffff, v60  }
0x176: {  	s5 =	simm.s32 $0x100;
	[tilespmem:v58+s3+$0x0] =	vst.idx.add.f32.msk $0xffff, v61  }
0x177: {  	s7 =	sand.u32 $0x300, s5;
	[tilespmem:v59+s3+$0x0] =	vst.idx.add.f32.msk $0xffff, v62  }
0x178: {  	s7 =	sor.u32 s7, s0;
	[tilespmem:v48+s16+$0x0] =	vst.idx.add.f32.msk vm0, v53  }
0x179: {  	v45 =	vld [tilespmem:s7+$0x0]  }
0x17a: {  	v40 =	vld [tilespmem:s7+$0x80]  }
0x17b: {  	v41 =	vld [tilespmem:s7+$0x90]  }
0x17c: {  	v46 =	vld [tilespmem:s7+$0x10]  }
0x17d: {  	v42 =	vld [tilespmem:s7+$0xA0]  }
0x17e: {  	v43 =	vld [tilespmem:s7+$0x20]  }
0x17f: {  	v63 =	vld [tilespmem:s7+$0xB0];
	v40 =	vadd.f32 v40, v45  }
0x180: {  	v44 =	vld [tilespmem:s7+$0x30]  }
0x181: {  	v57 =	vld [tilespmem:s7+$0xC0];
	v41 =	vadd.f32 v41, v46;
	v56 =	vmul.f32 $2.000000030e-01, v40  }
0x182: {  	v47 =	vld [tilespmem:s7+$0x40];
	vm0 =	vge.f32 v40, $0.0e+00  }
0x183: {  	v52 =	vld [tilespmem:s7+$0xD0];
	v42 =	vadd.f32 v42, v43;
	v58 =	vmul.f32 $2.000000030e-01, v41;
	v40 =	vsel vm0, v40, v56  }
0x184: {  	s6 =	sand.u32 $0x3, s29;
	v48 =	vld [tilespmem:s7+$0x50];
	vm0 =	vge.f32 v41, $0.0e+00;
	v40 =	vmul.f32 v40, v20  }
0x185: {  	s0 =	sshll.u32 s6, $0x8;
	v54 =	vld [tilespmem:s7+$0xE0];
	v60 =	vadd.f32 v63, v44;
	v59 =	vmul.f32 $2.000000030e-01, v42;
	v41 =	vsel vm0, v41, v58  }
0x186: {  	s0 =	sadd.s32 $0x0, s0;
	v49 =	vld [tilespmem:s7+$0x60];
	vm0 =	vge.f32 v42, $0.0e+00;
	v41 =	vmul.f32 v41, v21;
	v40 =	vadd.f32 $0.0e+00, v40  }
0x187: {  	s10 =	sadd.s32 $0x180, s0;
	s0 =	sadd.s32 $0x100, s0;
	v50 =	vld [tilespmem:s7+$0x70];
	v55 =	vadd.f32 v57, v47;
	v61 =	vmul.f32 $2.000000030e-01, v60;
	v42 =	vsel vm0, v42, v59  }
0x188: {  	s9 =	sor.u32 $0x400, s0;
	v56 =	vld [tilespmem:s7+$0xF0];
	vm0 =	vge.f32 v60, $0.0e+00;
	v62 =	vmul.f32 v42, v22;
	v40 =	vadd.f32 v41, v40  }
0x189: {  	s8 =	sor.u32 $0x400, s10;
	v51 =	vld [tilespmem:s9+$0x16000];
	v63 =	vsel vm0, v60, v61;
	v60 =	vmul.f32 $2.000000030e-01, v55;
	v61 =	vadd.f32 v52, v48  }
0x18a: {  	s12 =	sor.u32 $0x410, s0;
	v58 =	vld [tilespmem:s8+$0x16000];
	vm0 =	vge.f32 v55, $0.0e+00;
	v40 =	vadd.f32 v62, v40;
	v62 =	vmul.f32 v63, v23  }
0x18b: {  	s11 =	sor.u32 $0x410, s10;
	v54 =	vadd.f32 v54, v49;
	v52 =	vld [tilespmem:s12+$0x16000];
	v59 =	vmul.f32 $2.000000030e-01, v61;
	v63 =	vsel vm0, v55, v60  }
0x18c: {  	s18 =	sor.u32 $0x420, s0;
	v55 =	vld [tilespmem:s11+$0x16000];
	vm0 =	vge.f32 v61, $0.0e+00;
	v60 =	vmul.f32 v63, v24;
	v40 =	vadd.f32 v62, v40  }
0x18d: {  	s13 =	sor.u32 $0x420, s10;
	v53 =	vld [tilespmem:s18+$0x16000];
	v56 =	vadd.f32 v56, v50;
	v61 =	vsel vm0, v61, v59;
	v62 =	vmul.f32 $2.000000030e-01, v54  }
0x18e: {  	s19 =	sor.u32 $0x430, s10;
	v59 =	vld [tilespmem:s13+$0x16000];
	vm0 =	vge.f32 v54, $0.0e+00;
	v63 =	vmul.f32 v61, v25;
	v40 =	vadd.f32 v60, v40  }
0x18f: {  	s20 =	sor.u32 $0x430, s0;
	v57 =	vadd.f32 v58, v51;
	v58 =	vld [tilespmem:s19+$0x16000];
	v60 =	vsel vm0, v54, v62;
	v54 =	vmul.f32 $2.000000030e-01, v56  }
0x190: {  	s5 =	sor.u32 $0x440, s10;
	vm0 =	vge.f32 v56, $0.0e+00;
	v41 =	vmul.f32 v60, v26;
	v60 =	vld [tilespmem:s20+$0x16000];
	v40 =	vadd.f32 v63, v40  }
0x191: {  	s6 =	sor.u32 $0x440, s0;
	v55 =	vadd.f32 v55, v52;
	v61 =	vsel vm0, v56, v54;
	v54 =	vmul.f32 $2.000000030e-01, v57;
	v56 =	vld [tilespmem:s5+$0x16000]  }
0x192: {  	s9 =	sor.u32 $0x450, s10;
	vm0 =	vge.f32 v57, $0.0e+00;
	v40 =	vadd.f32 v41, v40;
	v41 =	vmul.f32 v61, v27;
	v61 =	vld [tilespmem:s6+$0x16000]  }
0x193: {  	s11 =	sor.u32 $0x450, s0;
	v63 =	vmul.f32 $2.000000030e-01, v55;
	v62 =	vsel vm0, v57, v54;
	v57 =	vadd.f32 v59, v53;
	v59 =	vld [tilespmem:s9+$0x16000]  }
0x194: {  	s12 =	sor.u32 $0x460, s10;
	vm0 =	vge.f32 v55, $0.0e+00;
	v42 =	vmul.f32 v62, v28;
	v41 =	vadd.f32 v41, v40;
	v40 =	vld [tilespmem:s11+$0x16000]  }
0x195: {  	s13 =	sor.u32 $0x460, s0;
	v54 =	vsel vm0, v55, v63;
	v62 =	vld [tilespmem:s12+$0x16000];
	v55 =	vmul.f32 $2.000000030e-01, v57;
	v58 =	vadd.f32 v58, v60  }
0x196: {  	s18 =	sor.u32 $0x470, s10;
	v54 =	vmul.f32 v54, v29;
	vm0 =	vge.f32 v57, $0.0e+00;
	v42 =	vadd.f32 v42, v41;
	v41 =	vld [tilespmem:s13+$0x16000]  }
0x197: {  	s0 =	sor.u32 $0x470, s0;
	v63 =	vld [tilespmem:s18+$0x16000];
	v55 =	vsel vm0, v57, v55;
	v57 =	vmul.f32 $2.000000030e-01, v58;
	v56 =	vadd.f32 v56, v61  }
0x198: {  	vm0 =	vge.f32 v58, $0.0e+00;
	v55 =	vmul.f32 v55, v30;
	v54 =	vadd.f32 v54, v42;
	v42 =	vld [tilespmem:s0+$0x16000]  }
0x199: {  	v57 =	vsel vm0, v58, v57;
	v58 =	vmul.f32 $2.000000030e-01, v56;
	v59 =	vadd.f32 v59, v40  }
0x19a: {  	vm0 =	vge.f32 v56, $0.0e+00;
	v54 =	vadd.f32 v55, v54;
	v55 =	vmul.f32 v57, v31  }
0x19b: {  	v56 =	vsel vm0, v56, v58;
	v57 =	vmul.f32 $2.000000030e-01, v59;
	v58 =	vadd.f32 v62, v41  }
0x19c: {  	vm0 =	vge.f32 v59, $0.0e+00;
	v54 =	vadd.f32 v55, v54;
	v55 =	vmul.f32 v56, v32  }
0x19d: {  	v56 =	vsel vm0, v59, v57;
	v62 =	vmul.f32 $2.000000030e-01, v58;
	v59 =	vadd.f32 v63, v42  }
0x19e: {  	vm0 =	vge.f32 v58, $0.0e+00;
	v54 =	vadd.f32 v55, v54;
	v55 =	vmul.f32 v56, v33  }
0x19f: {  	v62 =	vsel vm0, v58, v62;
	v63 =	vmul.f32 $2.000000030e-01, v59  }
0x1a0: {  	vm0 =	vge.f32 v59, $0.0e+00;
	v54 =	vadd.f32 v55, v54;
	v62 =	vmul.f32 v62, v34  }
0x1a1: {  	v63 =	vsel vm0, v59, v63  }
0x1a2: {  	v54 =	vadd.f32 v62, v54;
	v59 =	vmul.f32 v63, v35;
	_ =	sdelay $0x1  }
0x1a3: {  	v54 =	vadd.f32 v59, v54;
	_ =	sdelay $0x1  }
0x1a4: {  	(xrf2) =	vadd.scan.msk.f32 $0xffff, v54;
	_ =	sdelay $0x9  }
0x1a5: {  	v54, _, _ =	vpop (xrf2)  }
0x1a6: {  	v54 =	vmul.f32 $1.442695020e+00, v54;
	_ =	sdelay $0x1  }
0x1a7: {  	v54 =	vbroadcast v54, $0xF;
	_ =	sdelay $0x1  }
0x1a8: {  	(erf) = vpow2.f32 v54  }
0x1a9: {  	v55 =	vld [tilespmem:s1+$0x1E000];
	_ =	sdelay $0x1  }
0x1aa: {  	s19 =	sand.u32 $0xF, s29  }
0x1ab: {  	s0 =	sadd.s32 $0x1, s19  }
0x1ac: {  	v54 =	vmov s0  }
0x1ad: {  	v62 =	vperm.xlane v55, v54  }
0x1ae: {  	s20 =	sadd.s32 $0x1, s2  }
0x1af: {  	p1 =	slt.s32 s20, s21;
	s0 =	simm.f32 $1.000000000e+00;
	v58 =	vshll.u32 v62, $0x8  }
0x1b0: {  	s0 =	simm.s32 @!p1 $0x0;
	v57 =	vor.u32 v0, v58;
	v63 =	vpop (erf)  }
0x1b1: {  	v59 =	vor.u32 v9, v58;
	v56 =	vmul.f32 s0, v63  }
0x1b2: {  	v62 =	vor.u32 v10, v58  }
0x1b3: {  	v63 =	vor.u32 v11, v58;
	v45 =	vmul.f32 v56, v45  }
0x1b4: {  	vm0 =	veq.s32 v54, v0;
	v54 =	vor.u32 v12, v58;
	v46 =	vmul.f32 v56, v46  }
0x1b5: {  	v43 =	vmul.f32 v56, v43;
	[tilespmem:v57+s3+$0x0] =	vst.idx.add.f32.msk $0xffff, v45;
	v45 =	vor.u32 v13, v58  }
0x1b6: {  	v44 =	vmul.f32 v56, v44;
	[tilespmem:v59+s3+$0x0] =	vst.idx.add.f32.msk $0xffff, v46;
	v46 =	vor.u32 v14, v58  }
0x1b7: {  	v57 =	vmul.f32 v56, v47;
	v47 =	vor.u32 v15, v58;
	[tilespmem:v62+s3+$0x0] =	vst.idx.add.f32.msk $0xffff, v43  }
0x1b8: {  	v59 =	vmul.f32 v56, v48;
	v48 =	vor.u32 v16, v58;
	[tilespmem:v63+s3+$0x0] =	vst.idx.add.f32.msk $0xffff, v44  }
0x1b9: {  	v62 =	vmul.f32 v56, v49;
	v49 =	vor.u32 v17, v58;
	[tilespmem:v54+s3+$0x0] =	vst.idx.add.f32.msk $0xffff, v57  }
0x1ba: {  	v63 =	vmul.f32 v56, v50;
	v54 =	vor.u32 v18, v58;
	[tilespmem:v45+s3+$0x0] =	vst.idx.add.f32.msk $0xffff, v59  }
0x1bb: {  	v43 =	vmul.f32 v56, v61;
	v59 =	vmul.f32 v56, v51;
	[tilespmem:v46+s3+$0x0] =	vst.idx.add.f32.msk $0xffff, v62  }
0x1bc: {  	v44 =	vor.u32 v19, v58;
	v62 =	vmul.f32 v56, v52;
	[tilespmem:v47+s3+$0x0] =	vst.idx.add.f32.msk $0xffff, v63  }
0x1bd: {  	v45 =	vor.u32 v36, v58;
	v63 =	vmul.f32 v56, v53;
	[tilespmem:v48+s3+$0x0] =	vst.idx.add.f32.msk $0xffff, v59  }
0x1be: {  	v57 =	vor.u32 v39, v58;
	v46 =	vor.u32 v37, v58;
	[tilespmem:v49+s3+$0x0] =	vst.idx.add.f32.msk $0xffff, v62  }
0x1bf: {  	s30 =	simm.s32 $0x400;
	s31 =	simm.s32 $0x2;
	s0 =	simm.s32 $0x0;
	v47 =	vor.u32 v38, v58;
	v48 =	vmul.f32 v56, v60;
	[tilespmem:v54+s3+$0x0] =	vst.idx.add.f32.msk $0xffff, v63  }
.LBB2_9:
0x1c0: {  	s29 =	sadd.s32 $0x2, s29;
	p0 =	por !p0, !p0;
	s0 =	sadd.s32 $0x200, s0  }
0x1c1: {  	p1 =	sne.s32 s30, $0x3C00;
	v40 =	vmul.f32 v56, v40;
	s1 =	smov.u32 s30;
	s30 =	sadd.s32 $0x400, s30;
	[tilespmem:v44+s3+$0x0] =	vst.idx.add.f32.msk $0xffff, v48  }
0x1c2: {  	v41 =	vmul.f32 v56, v41;
	[tilespmem:v45+s3+$0x0] =	vst.idx.add.f32.msk $0xffff, v43  }
0x1c3: {  	[tilespmem:v46+s3+$0x0] =	vst.idx.add.f32.msk $0xffff, v40;
	v40 =	vmul.f32 v56, v42  }
0x1c4: {  	s2 =	sand.u32 $0x3800, s1;
	[tilespmem:v47+s3+$0x0] =	vst.idx.add.f32.msk $0xffff, v41  }
0x1c5: {  	s7 =	sand.u32 $0x200, s0;
	s2 =	sadd.s32 $0x16000, s2;
	[tilespmem:v57+s3+$0x0] =	vst.idx.add.f32.msk $0xffff, v40  }
0x1c6: {  	s7 =	sor.u32 s7, s2;
	[tilespmem:v55+s16+$0x0] =	vst.idx.add.f32.msk vm0, v56  }
0x1c7: {  	v41 =	vld [tilespmem:s7+$0x10]  }
0x1c8: {  	v42 =	vld [tilespmem:s7+$0x0]  }
0x1c9: {  	v43 =	vld [tilespmem:s7+$0x90]  }
0x1ca: {  	v44 =	vld [tilespmem:s7+$0x80];
	_ =	sdelay $0x1  }
0x1cb: {  	v40 =	vld [tilespmem:s7+$0x70]  }
0x1cc: {  	v46 =	vld [tilespmem:s7+$0xA0]  }
0x1cd: {  	v45 =	vadd.f32 v43, v41;
	v43 =	vld [tilespmem:s7+$0x20]  }
0x1ce: {  	v47 =	vadd.f32 v44, v42;
	v48 =	vld [tilespmem:s7+$0xB0]  }
0x1cf: {  	v49 =	vmul.f32 $2.000000030e-01, v45;
	v44 =	vld [tilespmem:s7+$0x30]  }
0x1d0: {  	vm0 =	vge.f32 v45, $0.0e+00;
	v50 =	vmul.f32 $2.000000030e-01, v47;
	v51 =	vld [tilespmem:s7+$0xC0]  }
0x1d1: {  	vm1 =	vge.f32 v47, $0.0e+00;
	v49 =	vsel vm0, v45, v49;
	v45 =	vld [tilespmem:s7+$0x40]  }
0x1d2: {  	s8 =	simm.s32 $0x1;
	v47 =	vsel vm1, v47, v50;
	v50 =	vadd.f32 v46, v43;
	v52 =	vld [tilespmem:s7+$0xD0]  }
0x1d3: {  	s8 =	simm.s32 @!p0 $0x0;
	v47 =	vmul.f32 v47, v20;
	v46 =	vld [tilespmem:s7+$0x50]  }
0x1d4: {  	s8 =	sshll.u32 s8, $0x9;
	v53 =	vmul.f32 $2.000000030e-01, v50;
	v54 =	vadd.f32 v48, v44;
	v55 =	vld [tilespmem:s7+$0xE0]  }
0x1d5: {  	s13 =	sadd.s32 s8, s1;
	v49 =	vmul.f32 v49, v21;
	vm0 =	vge.f32 v50, $0.0e+00;
	v48 =	vadd.f32 $0.0e+00, v47;
	v47 =	vld [tilespmem:s7+$0x60]  }
0x1d6: {  	s5 =	sadd.s32 $0x80, s13;
	s12 =	sor.u32 $0x440, s13;
	v50 =	vsel vm0, v50, v53;
	v53 =	vmul.f32 $2.000000030e-01, v54;
	v51 =	vadd.f32 v51, v45;
	v56 =	vld [tilespmem:s7+$0xF0];
	s7 =	sor.u32 $0x430, s13  }
0x1d7: {  	s8 =	sor.u32 $0x400, s5;
	s6 =	sor.u32 $0x430, s5;
	s19 =	sor.u32 $0x440, s5;
	vm0 =	vge.f32 v54, $0.0e+00;
	v49 =	vadd.f32 v49, v48;
	v50 =	vmul.f32 v50, v22;
	v48 =	vld [tilespmem:s7+$0x16000]  }
0x1d8: {  	s11 =	sor.u32 $0x450, s13;
	s7 =	sor.u32 $0x400, s13;
	v53 =	vsel vm0, v54, v53;
	v54 =	vmul.f32 $2.000000030e-01, v51;
	v52 =	vadd.f32 v52, v46;
	v57 =	vld [tilespmem:s8+$0x16000];
	s8 =	sor.u32 $0x450, s5  }
0x1d9: {  	s9 =	sor.u32 $0x410, s13;
	s18 =	sor.u32 $0x460, s13;
	vm0 =	vge.f32 v51, $0.0e+00;
	v58 =	vadd.f32 v50, v49;
	v53 =	vmul.f32 v53, v23;
	v49 =	vld [tilespmem:s7+$0x16000];
	s7 =	sor.u32 $0x460, s5  }
0x1da: {  	s20 =	sor.u32 $0x410, s5;
	s10 =	sor.u32 $0x470, s5;
	v51 =	vsel vm0, v51, v54;
	v54 =	vmul.f32 $2.000000030e-01, v52;
	v55 =	vadd.f32 v55, v47;
	v50 =	vld [tilespmem:s9+$0x16000];
	s9 =	sor.u32 $0x470, s13  }
0x1db: {  	vm0 =	vge.f32 v52, $0.0e+00;
	s13 =	sor.u32 $0x420, s13;
	v53 =	vadd.f32 v53, v58;
	v58 =	vmul.f32 v51, v24;
	v59 =	vld [tilespmem:s20+$0x16000]  }
0x1dc: {  	s5 =	sor.u32 $0x420, s5;
	v56 =	vadd.f32 v56, v40;
	v52 =	vsel vm0, v52, v54;
	v54 =	vmul.f32 $2.000000030e-01, v55;
	v51 =	vld [tilespmem:s13+$0x16000]  }
0x1dd: {  	vm0 =	vge.f32 v55, $0.0e+00;
	v53 =	vadd.f32 v58, v53;
	v52 =	vmul.f32 v52, v25;
	v58 =	vld [tilespmem:s5+$0x16000]  }
0x1de: {  	v54 =	vsel vm0, v55, v54;
	v55 =	vmul.f32 $2.000000030e-01, v56;
	v57 =	vadd.f32 v57, v49;
	v60 =	vld [tilespmem:s6+$0x16000]  }
0x1df: {  	vm0 =	vge.f32 v56, $0.0e+00;
	v52 =	vadd.f32 v52, v53;
	v54 =	vmul.f32 v54, v26  }
0x1e0: {  	v55 =	vsel vm0, v56, v55;
	v56 =	vmul.f32 $2.000000030e-01, v57;
	v59 =	vadd.f32 v59, v50;
	v53 =	vld [tilespmem:s12+$0x16000]  }
0x1e1: {  	vm0 =	vge.f32 v57, $0.0e+00;
	v52 =	vadd.f32 v54, v52;
	v54 =	vmul.f32 v55, v27;
	v61 =	vld [tilespmem:s19+$0x16000]  }
0x1e2: {  	v55 =	vsel vm0, v57, v56;
	v56 =	vmul.f32 $2.000000030e-01, v59;
	v57 =	vadd.f32 v58, v51  }
0x1e3: {  	vm0 =	vge.f32 v59, $0.0e+00;
	v52 =	vadd.f32 v54, v52;
	v54 =	vmul.f32 v55, v28;
	v55 =	vld [tilespmem:s11+$0x16000]  }
0x1e4: {  	v56 =	vsel vm0, v59, v56;
	v58 =	vmul.f32 $2.000000030e-01, v57;
	v59 =	vadd.f32 v60, v48;
	v60 =	vld [tilespmem:s8+$0x16000]  }
0x1e5: {  	vm0 =	vge.f32 v57, $0.0e+00;
	v54 =	vadd.f32 v54, v52;
	v56 =	vmul.f32 v56, v29;
	v52 =	vld [tilespmem:s18+$0x16000]  }
0x1e6: {  	v57 =	vsel vm0, v57, v58;
	vm0 =	vge.f32 v59, $0.0e+00;
	v58 =	vadd.f32 v61, v53;
	v61 =	vld [tilespmem:s7+$0x16000]  }
0x1e7: {  	v62 =	vmul.f32 $2.000000030e-01, v59;
	v56 =	vadd.f32 v56, v54;
	v57 =	vmul.f32 v57, v30;
	v54 =	vld [tilespmem:s9+$0x16000]  }
0x1e8: {  	vm1 =	vge.f32 v58, $0.0e+00;
	v63 =	vmul.f32 $2.000000030e-01, v58;
	v6 =	vld [tilespmem:s10+$0x16000]  }
0x1e9: {  	v56 =	vadd.f32 v57, v56;
	v57 =	vsel vm0, v59, v62;
	v59 =	vadd.f32 v60, v55  }
0x1ea: {  	v57 =	vmul.f32 v57, v31;
	v58 =	vsel vm1, v58, v63  }
0x1eb: {  	v60 =	vmul.f32 $2.000000030e-01, v59;
	v61 =	vadd.f32 v61, v52  }
0x1ec: {  	vm0 =	vge.f32 v59, $0.0e+00;
	v56 =	vadd.f32 v57, v56;
	v57 =	vmul.f32 v58, v32  }
0x1ed: {  	v58 =	vsel vm0, v59, v60;
	v59 =	vmul.f32 $2.000000030e-01, v61;
	v6 =	vadd.f32 v6, v54  }
0x1ee: {  	vm0 =	vge.f32 v61, $0.0e+00;
	v56 =	vadd.f32 v57, v56;
	v57 =	vmul.f32 v58, v33  }
0x1ef: {  	v58 =	vsel vm0, v61, v59;
	v59 =	vmul.f32 $2.000000030e-01, v6  }
0x1f0: {  	vm0 =	vge.f32 v6, $0.0e+00;
	v56 =	vadd.f32 v57, v56;
	v57 =	vmul.f32 v58, v34  }
0x1f1: {  	v6 =	vsel vm0, v6, v59  }
0x1f2: {  	v56 =	vadd.f32 v57, v56;
	v6 =	vmul.f32 v6, v35;
	_ =	sdelay $0x1  }
0x1f3: {  	v6 =	vadd.f32 v6, v56;
	_ =	sdelay $0x1  }
0x1f4: {  	(xrf2) =	vadd.scan.msk.f32 $0xffff, v6;
	_ =	sdelay $0x9  }
0x1f5: {  	v6, _, _ =	vpop (xrf2)  }
0x1f6: {  	v6 =	vmul.f32 $1.442695020e+00, v6;
	_ =	sdelay $0x1  }
0x1f7: {  	v6 =	vbroadcast v6, $0xF;
	_ =	sdelay $0x1  }
0x1f8: {  	s10 =	sand.u32 $0x10, s31;
	(erf) = vpow2.f32 v6  }
0x1f9: {  	v6 =	vld [tilespmem:s10+$0x1E000];
	_ =	sdelay $0x2  }
0x1fa: {  	s5 =	sand.u32 $0xE, s31  }
0x1fb: {  	v56 =	vmov s5  }
0x1fc: {  	v57 =	vperm.xlane v6, v56  }
0x1fd: {  	s5 =	sadd.s32 s31, s24  }
0x1fe: {  	s6 =	simm.f32 $1.000000000e+00;
	p2 =	slt.s32 s5, s21;
	s5 =	sadd.s32 $0x1, s5;
	v57 =	vshll.u32 v57, $0x8  }
0x1ff: {  	s6 =	simm.s32 @!p2 $0x0;
	p2 =	slt.s32 s5, s21;
	v58 =	vor.u32 v0, v57;
	v59 =	vor.u32 v16, v57;
	v60 =	vpop (erf)  }
0x200: {  	v61 =	vor.u32 v9, v57;
	v62 =	vor.u32 v15, v57;
	v60 =	vmul.f32 s6, v60  }
0x201: {  	v63 =	vor.u32 v10, v57;
	v7 =	vor.u32 v13, v57;
	v8 =	vor.u32 v14, v57  }
0x202: {  	v1 =	vor.u32 v11, v57;
	v42 =	vmul.f32 v60, v42;
	v41 =	vmul.f32 v60, v41  }
0x203: {  	v4 =	vor.u32 v12, v57;
	v43 =	vmul.f32 v60, v43;
	v44 =	vmul.f32 v60, v44  }
0x204: {  	[tilespmem:v58+s3+$0x0] =	vst.idx.add.f32.msk $0xffff, v42;
	v42 =	vmul.f32 v60, v45;
	v45 =	vmul.f32 v60, v46  }
0x205: {  	v46 =	vmul.f32 v60, v49;
	[tilespmem:v61+s3+$0x0] =	vst.idx.add.f32.msk $0xffff, v41;
	v41 =	vmul.f32 v60, v47  }
0x206: {  	v47 =	vmul.f32 v60, v51;
	[tilespmem:v63+s3+$0x0] =	vst.idx.add.f32.msk $0xffff, v43;
	v43 =	vmul.f32 v60, v50  }
0x207: {  	[tilespmem:v1+s3+$0x0] =	vst.idx.add.f32.msk $0xffff, v44;
	v1 =	vmul.f32 v60, v48;
	v44 =	vmul.f32 v60, v53  }
0x208: {  	[tilespmem:v4+s3+$0x0] =	vst.idx.add.f32.msk $0xffff, v42;
	v4 =	vor.u32 v17, v57;
	v42 =	vmul.f32 v60, v55  }
0x209: {  	[tilespmem:v7+s3+$0x0] =	vst.idx.add.f32.msk $0xffff, v45;
	v7 =	vmul.f32 v60, v40;
	v40 =	vor.u32 v18, v57  }
0x20a: {  	[tilespmem:v8+s3+$0x0] =	vst.idx.add.f32.msk $0xffff, v41;
	v8 =	vor.u32 v19, v57  }
0x20b: {  	[tilespmem:v62+s3+$0x0] =	vst.idx.add.f32.msk $0xffff, v7;
	v7 =	vor.u32 v36, v57  }
0x20c: {  	v41 =	vor.u32 v37, v57;
	[tilespmem:v59+s3+$0x0] =	vst.idx.add.f32.msk $0xffff, v46  }
0x20d: {  	[tilespmem:v4+s3+$0x0] =	vst.idx.add.f32.msk $0xffff, v43;
	v4 =	vor.u32 v38, v57  }
0x20e: {  	vm0 =	veq.s32 v56, v0;
	[tilespmem:v40+s3+$0x0] =	vst.idx.add.f32.msk $0xffff, v47;
	v40 =	vor.u32 v39, v57  }
0x20f: {  	[tilespmem:v8+s3+$0x0] =	vst.idx.add.f32.msk $0xffff, v1  }
0x210: {  	v1 =	vmul.f32 v60, v52;
	[tilespmem:v7+s3+$0x0] =	vst.idx.add.f32.msk $0xffff, v44  }
0x211: {  	v7 =	vmul.f32 v60, v54;
	[tilespmem:v41+s3+$0x0] =	vst.idx.add.f32.msk $0xffff, v42  }
0x212: {  	s5 =	sadd.s32 $0x100, s0;
	[tilespmem:v4+s3+$0x0] =	vst.idx.add.f32.msk $0xffff, v1  }
0x213: {  	s5 =	sand.u32 $0x300, s5;
	[tilespmem:v40+s3+$0x0] =	vst.idx.add.f32.msk $0xffff, v7  }
0x214: {  	s5 =	sor.u32 s5, s2;
	[tilespmem:v6+s16+$0x0] =	vst.idx.add.f32.msk vm0, v60  }
0x215: {  	v43 =	vld [tilespmem:s5+$0x0]  }
0x216: {  	v1 =	vld [tilespmem:s5+$0x80]  }
0x217: {  	v4 =	vld [tilespmem:s5+$0x90]  }
0x218: {  	v44 =	vld [tilespmem:s5+$0x10]  }
0x219: {  	v6 =	vld [tilespmem:s5+$0xA0]  }
0x21a: {  	v45 =	vld [tilespmem:s5+$0x20]  }
0x21b: {  	v1 =	vadd.f32 v1, v43;
	v7 =	vld [tilespmem:s5+$0xB0]  }
0x21c: {  	v46 =	vld [tilespmem:s5+$0x30]  }
0x21d: {  	v8 =	vmul.f32 $2.000000030e-01, v1;
	v4 =	vadd.f32 v4, v44;
	v40 =	vld [tilespmem:s5+$0xC0]  }
0x21e: {  	vm0 =	vge.f32 v1, $0.0e+00;
	v47 =	vld [tilespmem:s5+$0x40]  }
0x21f: {  	v1 =	vsel vm0, v1, v8;
	v8 =	vmul.f32 $2.000000030e-01, v4;
	v6 =	vadd.f32 v6, v45;
	v41 =	vld [tilespmem:s5+$0xD0]  }
0x220: {  	s2 =	sand.u32 $0x3, s29;
	vm0 =	vge.f32 v4, $0.0e+00;
	v1 =	vmul.f32 v1, v20;
	v48 =	vld [tilespmem:s5+$0x50]  }
0x221: {  	s2 =	sshll.u32 s2, $0x8;
	v4 =	vsel vm0, v4, v8;
	v8 =	vmul.f32 $2.000000030e-01, v6;
	v7 =	vadd.f32 v7, v46;
	v42 =	vld [tilespmem:s5+$0xE0]  }
0x222: {  	s2 =	sadd.s32 s1, s2;
	vm0 =	vge.f32 v6, $0.0e+00;
	v1 =	vadd.f32 $0.0e+00, v1;
	v4 =	vmul.f32 v4, v21;
	v49 =	vld [tilespmem:s5+$0x60]  }
0x223: {  	s1 =	sadd.s32 $0x100, s2;
	s2 =	sadd.s32 $0x180, s2;
	v6 =	vsel vm0, v6, v8;
	v8 =	vmul.f32 $2.000000030e-01, v7;
	v40 =	vadd.f32 v40, v47;
	v53 =	vld [tilespmem:s5+$0xF0]  }
0x224: {  	vm0 =	vge.f32 v7, $0.0e+00;
	v1 =	vadd.f32 v4, v1;
	v4 =	vmul.f32 v6, v22;
	v50 =	vld [tilespmem:s5+$0x70];
	s5 =	sor.u32 $0x400, s2  }
0x225: {  	s6 =	sor.u32 $0x400, s1;
	v6 =	vsel vm0, v7, v8;
	v7 =	vmul.f32 $2.000000030e-01, v40;
	v8 =	vadd.f32 v41, v48;
	v41 =	vld [tilespmem:s5+$0x16000]  }
0x226: {  	vm0 =	vge.f32 v40, $0.0e+00;
	s5 =	sor.u32 $0x410, s2;
	v1 =	vadd.f32 v4, v1;
	v4 =	vmul.f32 v6, v23;
	v51 =	vld [tilespmem:s6+$0x16000]  }
0x227: {  	s6 =	sor.u32 $0x410, s1;
	v6 =	vsel vm0, v40, v7;
	v7 =	vmul.f32 $2.000000030e-01, v8;
	v40 =	vadd.f32 v42, v49;
	v42 =	vld [tilespmem:s5+$0x16000]  }
0x228: {  	vm0 =	vge.f32 v8, $0.0e+00;
	s5 =	sor.u32 $0x420, s2;
	v1 =	vadd.f32 v4, v1;
	v4 =	vmul.f32 v6, v24;
	v52 =	vld [tilespmem:s6+$0x16000]  }
0x229: {  	s6 =	sor.u32 $0x420, s1;
	v6 =	vsel vm0, v8, v7;
	v7 =	vmul.f32 $2.000000030e-01, v40;
	v8 =	vadd.f32 v53, v50;
	v55 =	vld [tilespmem:s5+$0x16000]  }
0x22a: {  	vm0 =	vge.f32 v40, $0.0e+00;
	s5 =	sor.u32 $0x430, s2;
	v1 =	vadd.f32 v4, v1;
	v4 =	vmul.f32 v6, v25;
	v53 =	vld [tilespmem:s6+$0x16000]  }
0x22b: {  	s6 =	sor.u32 $0x430, s1;
	v6 =	vsel vm0, v40, v7;
	v7 =	vmul.f32 $2.000000030e-01, v8;
	v40 =	vadd.f32 v41, v51;
	v41 =	vld [tilespmem:s5+$0x16000]  }
0x22c: {  	vm0 =	vge.f32 v8, $0.0e+00;
	s5 =	sor.u32 $0x440, s2;
	v1 =	vadd.f32 v4, v1;
	v4 =	vmul.f32 v6, v26;
	v54 =	vld [tilespmem:s6+$0x16000]  }
0x22d: {  	s6 =	sor.u32 $0x440, s1;
	v6 =	vsel vm0, v8, v7;
	v7 =	vmul.f32 $2.000000030e-01, v40;
	v8 =	vadd.f32 v42, v52;
	v42 =	vld [tilespmem:s5+$0x16000]  }
0x22e: {  	vm0 =	vge.f32 v40, $0.0e+00;
	s5 =	sor.u32 $0x450, s2;
	v1 =	vadd.f32 v4, v1;
	v4 =	vmul.f32 v6, v27;
	v6 =	vld [tilespmem:s6+$0x16000]  }
0x22f: {  	s6 =	sor.u32 $0x450, s1;
	v7 =	vsel vm0, v40, v7;
	v56 =	vmul.f32 $2.000000030e-01, v8;
	v55 =	vadd.f32 v55, v53;
	v57 =	vld [tilespmem:s5+$0x16000]  }
0x230: {  	vm0 =	vge.f32 v8, $0.0e+00;
	s5 =	sor.u32 $0x460, s2;
	v1 =	vadd.f32 v4, v1;
	v4 =	vmul.f32 v7, v28;
	v40 =	vld [tilespmem:s6+$0x16000]  }
0x231: {  	s6 =	sor.u32 $0x460, s1;
	v7 =	vsel vm0, v8, v56;
	v8 =	vmul.f32 $2.000000030e-01, v55;
	v56 =	vadd.f32 v41, v54;
	v58 =	vld [tilespmem:s5+$0x16000]  }
0x232: {  	s2 =	sor.u32 $0x470, s2;
	vm0 =	vge.f32 v55, $0.0e+00;
	v1 =	vadd.f32 v4, v1;
	v4 =	vmul.f32 v7, v29;
	v41 =	vld [tilespmem:s6+$0x16000]  }
0x233: {  	s1 =	sor.u32 $0x470, s1;
	v7 =	vsel vm0, v55, v8;
	v8 =	vmul.f32 $2.000000030e-01, v56;
	v55 =	vadd.f32 v42, v6;
	v59 =	vld [tilespmem:s2+$0x16000]  }
0x234: {  	vm0 =	vge.f32 v56, $0.0e+00;
	v1 =	vadd.f32 v4, v1;
	v4 =	vmul.f32 v7, v30;
	v42 =	vld [tilespmem:s1+$0x16000]  }
0x235: {  	v7 =	vsel vm0, v56, v8;
	v8 =	vmul.f32 $2.000000030e-01, v55;
	v56 =	vadd.f32 v57, v40  }
0x236: {  	vm0 =	vge.f32 v55, $0.0e+00;
	v1 =	vadd.f32 v4, v1;
	v4 =	vmul.f32 v7, v31  }
0x237: {  	v7 =	vsel vm0, v55, v8;
	v8 =	vmul.f32 $2.000000030e-01, v56;
	v55 =	vadd.f32 v58, v41  }
0x238: {  	vm0 =	vge.f32 v56, $0.0e+00;
	v1 =	vadd.f32 v4, v1;
	v4 =	vmul.f32 v7, v32  }
0x239: {  	v7 =	vsel vm0, v56, v8;
	v8 =	vmul.f32 $2.000000030e-01, v55;
	v56 =	vadd.f32 v59, v42  }
0x23a: {  	vm0 =	vge.f32 v55, $0.0e+00;
	v1 =	vadd.f32 v4, v1;
	v4 =	vmul.f32 v7, v33  }
0x23b: {  	v7 =	vsel vm0, v55, v8;
	v8 =	vmul.f32 $2.000000030e-01, v56  }
0x23c: {  	vm0 =	vge.f32 v56, $0.0e+00;
	v1 =	vadd.f32 v4, v1;
	v4 =	vmul.f32 v7, v34  }
0x23d: {  	v7 =	vsel vm0, v56, v8  }
0x23e: {  	v1 =	vadd.f32 v4, v1;
	v4 =	vmul.f32 v7, v35;
	_ =	sdelay $0x1  }
0x23f: {  	v1 =	vadd.f32 v4, v1;
	_ =	sdelay $0x1  }
0x240: {  	(xrf2) =	vadd.scan.msk.f32 $0xffff, v1;
	_ =	sdelay $0x9  }
0x241: {  	v1, _, _ =	vpop (xrf2)  }
0x242: {  	v1 =	vmul.f32 $1.442695020e+00, v1;
	_ =	sdelay $0x1  }
0x243: {  	v1 =	vbroadcast v1, $0xF;
	_ =	sdelay $0x1  }
0x244: {  	(erf) = vpow2.f32 v1  }
0x245: {  	v55 =	vld [tilespmem:s10+$0x1E000];
	_ =	sdelay $0x1  }
0x246: {  	s1 =	sand.u32 $0xF, s31  }
0x247: {  	s1 =	sadd.s32 $0x1, s1  }
0x248: {  	v1 =	vmov s1  }
0x249: {  	vm0 =	veq.s32 v1, v0;
	v1 =	vperm.xlane v55, v1;
	_ =	sdelay $0x1  }
0x24a: {  	s1 =	simm.f32 $1.000000000e+00;
	v1 =	vshll.u32 v1, $0x8  }
0x24b: {  	s1 =	simm.s32 @!p2 $0x0;
	v4 =	vor.u32 v0, v1;
	v57 =	vor.u32 v39, v1;
	v7 =	vpop (erf)  }
0x24c: {  	v56 =	vmul.f32 s1, v7;
	v7 =	vor.u32 v9, v1  }
0x24d: {  	v8 =	vor.u32 v10, v1  }
0x24e: {  	v59 =	vor.u32 v11, v1;
	v58 =	vmul.f32 v56, v43;
	v43 =	vmul.f32 v56, v6  }
0x24f: {  	v6 =	vmul.f32 v56, v44;
	v44 =	vor.u32 v12, v1  }
0x250: {  	[tilespmem:v4+s3+$0x0] =	vst.idx.add.f32.msk $0xffff, v58;
	v4 =	vmul.f32 v56, v45;
	v45 =	vor.u32 v13, v1  }
0x251: {  	[tilespmem:v7+s3+$0x0] =	vst.idx.add.f32.msk $0xffff, v6;
	v6 =	vmul.f32 v56, v46;
	v7 =	vor.u32 v14, v1  }
0x252: {  	[tilespmem:v8+s3+$0x0] =	vst.idx.add.f32.msk $0xffff, v4;
	v4 =	vmul.f32 v56, v47;
	v8 =	vor.u32 v15, v1  }
0x253: {  	v46 =	vor.u32 v16, v1;
	[tilespmem:v59+s3+$0x0] =	vst.idx.add.f32.msk $0xffff, v6;
	v6 =	vmul.f32 v56, v48  }
0x254: {  	v47 =	vor.u32 v17, v1;
	[tilespmem:v44+s3+$0x0] =	vst.idx.add.f32.msk $0xffff, v4;
	v4 =	vmul.f32 v56, v49  }
0x255: {  	v48 =	vor.u32 v18, v1;
	[tilespmem:v45+s3+$0x0] =	vst.idx.add.f32.msk $0xffff, v6;
	v6 =	vmul.f32 v56, v50  }
.Ltmp10:
0x256: {  	[tilespmem:v7+s3+$0x0] =	vst.idx.add.f32.msk $0xffff, v4;
	v4 =	vmul.f32 v56, v51;
	(pc) =	sbr.rel @p1 .LBB2_9-.Ltmp10, $4  }
0x257: {  	v44 =	vor.u32 v19, v1;
	[tilespmem:v8+s3+$0x0] =	vst.idx.add.f32.msk $0xffff, v6;
	v6 =	vmul.f32 v56, v52  }
0x258: {  	v45 =	vor.u32 v36, v1;
	[tilespmem:v46+s3+$0x0] =	vst.idx.add.f32.msk $0xffff, v4;
	v4 =	vmul.f32 v56, v53  }
0x259: {  	v46 =	vor.u32 v37, v1;
	[tilespmem:v47+s3+$0x0] =	vst.idx.add.f32.msk $0xffff, v6  }
0x25a: {  	s31 =	sadd.s32 $0x2, s31;
	v47 =	vor.u32 v38, v1;
	[tilespmem:v48+s3+$0x0] =	vst.idx.add.f32.msk $0xffff, v4;
	v48 =	vmul.f32 v56, v54  }
0x25b: {  	_ =	sdelay $0x3  }
0x25c: {  	v1 =	vmul.f32 v56, v40;
	[tilespmem:v44+s3+$0x0] =	vst.idx.add.f32.msk $0xffff, v48  }
0x25d: {  	v4 =	vmul.f32 v56, v41;
	[tilespmem:v45+s3+$0x0] =	vst.idx.add.f32.msk $0xffff, v43  }
0x25e: {  	[tilespmem:v46+s3+$0x0] =	vst.idx.add.f32.msk $0xffff, v1;
	v1 =	vmul.f32 v56, v42  }
0x25f: {  	[tilespmem:v47+s3+$0x0] =	vst.idx.add.f32.msk $0xffff, v4  }
0x260: {  	[tilespmem:v57+s3+$0x0] =	vst.idx.add.f32.msk $0xffff, v1  }
0x261: {  	v60 =	vimm.f32 $0.0e+00;
	[tilespmem:v55+s16+$0x0] =	vst.idx.add.f32.msk vm0, v56  }
.LBB2_11:
0x262: {  	p0 =	sge.s32 s26, s22  }
.Ltmp11:
0x263: {  	_ = 	snop;
	(pc) =	sbr.rel @p0 .LBB2_15-.Ltmp11, $1  }
0x264: {  	_ =	sdelay $0x3  }
0x265: {  	s0 =	sadd.s32 $0x2, s28  }
0x266: {  	_ =	swait.ge [sflag:s17], $0x4000;
	p0 =	sge.s32 s0, s22  }
0x267: {  	[sflag:s17] =	ssyncset.done $0x0;
	s0 =	sshll.u32 @!p0 s0, $0x8  }
0x268: {  	[sflag:s17] =	ssyncadd.s32 $0xFFFFC000;
	s0 =	sshra.s32 @!p0 s0, $0x2  }
0x269: {  	v1 =	vld @!p0 [tilespmem:s0+$0x15000];
	_ =	sdelay $0x4  }
0x26a: {  	v4 =	vshll.u32 @!p0 v1, $0x1  }
0x26b: {  	v6 =	vlaneseq.u32 @!p0;
	v1 =	vand.u32 @!p0 $0x7, v1;
	v4 =	vand.u32 @!p0 $0xFFFFFFF0, v4  }
0x26c: {  	v7 =	vshrl.u32 @!p0 v6, $0x3;
	v1 =	vor.u32 @!p0 v1, v4;
	v4 =	vand.u32 @!p0 $0x7, v6  }
0x26d: {  	v7 =	vmul.u32 @!p0 $0x8, v7;
	v8 =	vperm.xlane @!p0 v1, v4  }
0x26e: {  	v6 =	vor.u32 @!p0 $0x8, v6  }
0x26f: {  	v1 =	vperm.xlane @!p0 v1, v6;
	v8 =	vadd.s32 @!p0 v7, v8;
	_ =	sdelay $0x1  }
0x270: {  	v1 =	vadd.s32 @!p0 v7, v1;
	_ =	sdelay $0x1  }
0x271: {  	vm0 =	vmmov @!p0 $0xffff;
	s1 =	simm.s32 @!p0 $0x0;
	s2 =	simm.s32 @!p0 $0x16000  }
0x272: {  	[tilespmem:s2], [sflag:$0x1] =	stream.indirect_vreg.gather @!p0 [hbm4b:s4+s1], $0x80, v8, vm0, $0xb8;
	[tilespmem:$0x1E300] =	vst v63  }
0x273: {  	s2 =	simm.s32 @!p0 $0x16800  }
0x274: {  	[tilespmem:s2], [sflag:$0x1] =	stream.indirect_vreg.gather @!p0 [hbm4b:s4+s1], $0x80, v1, vm0, $0xb8;
	[tilespmem:$0x1E300] =	vst v63  }
0x275: {  	v1 =	vld @!p0 [tilespmem:s0+$0x15010];
	_ =	sdelay $0x4  }
0x276: {  	v8 =	vshll.u32 @!p0 v1, $0x1  }
0x277: {  	v1 =	vand.u32 @!p0 $0x7, v1;
	v8 =	vand.u32 @!p0 $0xFFFFFFF0, v8  }
0x278: {  	v1 =	vor.u32 @!p0 v1, v8  }
0x279: {  	v8 =	vperm.xlane @!p0 v1, v4;
	_ =	sdelay $0x1  }
0x27a: {  	v1 =	vperm.xlane @!p0 v1, v6;
	v8 =	vadd.s32 @!p0 v7, v8;
	_ =	sdelay $0x1  }
0x27b: {  	v1 =	vadd.s32 @!p0 v7, v1;
	_ =	sdelay $0x1  }
0x27c: {  	s2 =	simm.s32 @!p0 $0x17000  }
0x27d: {  	[tilespmem:s2], [sflag:$0x1] =	stream.indirect_vreg.gather @!p0 [hbm4b:s4+s1], $0x80, v8, vm0, $0xb8;
	[tilespmem:$0x1E300] =	vst v63  }
0x27e: {  	s2 =	simm.s32 @!p0 $0x17800  }
0x27f: {  	[tilespmem:s2], [sflag:$0x1] =	stream.indirect_vreg.gather @!p0 [hbm4b:s4+s1], $0x80, v1, vm0, $0xb8;
	[tilespmem:$0x1E300] =	vst v63  }
0x280: {  	v1 =	vld @!p0 [tilespmem:s0+$0x15020];
	_ =	sdelay $0x4  }
0x281: {  	v8 =	vshll.u32 @!p0 v1, $0x1  }
0x282: {  	v1 =	vand.u32 @!p0 $0x7, v1;
	v8 =	vand.u32 @!p0 $0xFFFFFFF0, v8  }
0x283: {  	v1 =	vor.u32 @!p0 v1, v8  }
0x284: {  	v8 =	vperm.xlane @!p0 v1, v4;
	_ =	sdelay $0x1  }
0x285: {  	v1 =	vperm.xlane @!p0 v1, v6;
	v8 =	vadd.s32 @!p0 v7, v8;
	_ =	sdelay $0x1  }
0x286: {  	v1 =	vadd.s32 @!p0 v7, v1;
	_ =	sdelay $0x1  }
0x287: {  	s2 =	simm.s32 @!p0 $0x18000  }
0x288: {  	[tilespmem:s2], [sflag:$0x1] =	stream.indirect_vreg.gather @!p0 [hbm4b:s4+s1], $0x80, v8, vm0, $0xb8;
	[tilespmem:$0x1E300] =	vst v63  }
0x289: {  	s2 =	simm.s32 @!p0 $0x18800  }
0x28a: {  	[tilespmem:s2], [sflag:$0x1] =	stream.indirect_vreg.gather @!p0 [hbm4b:s4+s1], $0x80, v1, vm0, $0xb8;
	[tilespmem:$0x1E300] =	vst v63  }
0x28b: {  	v1 =	vld @!p0 [tilespmem:s0+$0x15030];
	_ =	sdelay $0x4  }
0x28c: {  	v8 =	vshll.u32 @!p0 v1, $0x1  }
0x28d: {  	s31 =	sshll.u32 s26, $0x6;
	v1 =	vand.u32 @!p0 $0x7, v1;
	v8 =	vand.u32 @!p0 $0xFFFFFFF0, v8  }
0x28e: {  	v1 =	vor.u32 @!p0 v1, v8;
	v8 =	vmov s31  }
0x28f: {  	v8 =	vshrl.u32 v8, $0x7  }
0x290: {  	v4 =	vperm.xlane @!p0 v1, v4;
	v1 =	vperm.xlane @!p0 v1, v6;
	v6 =	vshll.u32 v8, $0x7;
	v8 =	vld [tilespmem:$0x1FFE0];
	_ =	sdelay $0x2  }
0x291: {  	v4 =	vadd.s32 @!p0 v7, v4  }
0x292: {  	v6 =	vbroadcast v6, $0x0  }
0x293: {  	v1 =	vadd.s32 @!p0 v7, v1;
	v7 =	vor.u32 $0x41, v8  }
0x294: {  	v7 =	vor.u32 v7, v6  }
0x295: {  	s0 =	simm.s32 @!p0 $0x19000  }
0x296: {  	[tilespmem:s0], [sflag:$0x1] =	stream.indirect_vreg.gather @!p0 [hbm4b:s4+s1], $0x80, v4, vm0, $0xb8;
	[tilespmem:$0x1E300] =	vst v63  }
0x297: {  	s0 =	simm.s32 @!p0 $0x19800  }
0x298: {  	[tilespmem:s0], [sflag:$0x1] =	stream.indirect_vreg.gather @!p0 [hbm4b:s4+s1], $0x80, v1, vm0, $0xb8;
	[tilespmem:$0x1E300] =	vst v63  }
0x299: {  	v1 =	vld.idx.msk [tilespmem:v7+s14+$0x0], $0xffff;
	_ =	sdelay $0x4  }
0x29a: {  	v1 =	vadd.s32 $0xFFFFFFFF, v1  }
0x29b: {  	v4 =	vor.u32 $0x61, v8;
	v1 =	vshra.s32 v1, $0x1  }
0x29c: {  	v4 =	vor.u32 v4, v6;
	v1 =	vsub.s32 v1, v2  }
0x29d: {  	vm0 =	vgt.s32 v1, $0x0  }
0x29e: {  	v1 =	vnsel vm0, $0x0, v1  }
0x29f: {  	v20 =	vld [tilespmem:$0x1E080];
	v1 =	vmin.u32 v1, $0x13F  }
0x2a0: {  	v21 =	vld [tilespmem:$0x1E090];
	[tilespmem:$0x1E000] =	vst v1  }
0x2a1: {  	v1 =	vld.idx.msk [tilespmem:v4+s14+$0x0], $0xffff  }
0x2a2: {  	v22 =	vld [tilespmem:$0x1E0A0]  }
0x2a3: {  	v23 =	vld [tilespmem:$0x1E0B0]  }
0x2a4: {  	v24 =	vld [tilespmem:$0x1E0C0]  }
0x2a5: {  	v25 =	vld [tilespmem:$0x1E0D0]  }
0x2a6: {  	v26 =	vld [tilespmem:$0x1E0E0];
	v1 =	vadd.s32 $0xFFFFFFFF, v1  }
0x2a7: {  	v27 =	vld [tilespmem:$0x1E0F0];
	v1 =	vshra.s32 v1, $0x1  }
0x2a8: {  	v28 =	vld [tilespmem:$0x1E100];
	v1 =	vsub.s32 v1, v2  }
0x2a9: {  	s26 =	simm.s32 $0x0;
	v29 =	vld [tilespmem:$0x1E110];
	vm0 =	vgt.s32 v1, $0x0  }
0x2aa: {  	s2 =	sand.u32 $0x3800, s26;
	v30 =	vld [tilespmem:$0x1E120];
	v1 =	vnsel vm0, $0x0, v1  }
0x2ab: {  	s5 =	sand.u32 $0x200, s26;
	s0 =	sadd.s32 $0x1A000, s2;
	v31 =	vld [tilespmem:$0x1E130];
	v1 =	vmin.u32 v1, $0x13F  }
0x2ac: {  	v32 =	vld [tilespmem:$0x1E140];
	s6 =	sor.u32 s5, s0;
	[tilespmem:$0x1E010] =	vst v1  }
0x2ad: {  	v39 =	vld [tilespmem:s6+$0x0]  }
0x2ae: {  	v1 =	vld [tilespmem:s6+$0x80]  }
0x2af: {  	v38 =	vld [tilespmem:s6+$0x10]  }
0x2b0: {  	v4 =	vld [tilespmem:s6+$0x90]  }
0x2b1: {  	v6 =	vld [tilespmem:s6+$0xA0]  }
0x2b2: {  	v36 =	vld [tilespmem:s6+$0x20]  }
0x2b3: {  	v7 =	vld [tilespmem:s6+$0xB0];
	v1 =	vadd.f32 v1, v39  }
0x2b4: {  	v37 =	vld [tilespmem:s6+$0x30]  }
0x2b5: {  	v33 =	vld [tilespmem:s6+$0xC0];
	v4 =	vadd.f32 v4, v38;
	v8 =	vmul.f32 $2.000000030e-01, v1  }
0x2b6: {  	v40 =	vld [tilespmem:s6+$0x40];
	vm0 =	vge.f32 v1, $0.0e+00  }
0x2b7: {  	v34 =	vld [tilespmem:s6+$0xD0];
	v6 =	vadd.f32 v6, v36;
	v1 =	vsel vm0, v1, v8;
	v8 =	vmul.f32 $2.000000030e-01, v4  }
0x2b8: {  	p0 =	por $0x0, $0x0;
	s1 =	simm.s32 $0x1;
	v41 =	vld [tilespmem:s6+$0x50];
	vm0 =	vge.f32 v4, $0.0e+00;
	v1 =	vmul.f32 v1, v20  }
0x2b9: {  	s1 =	simm.s32 @!p0 $0x0;
	v35 =	vld [tilespmem:s6+$0xE0];
	v7 =	vadd.f32 v7, v37;
	v4 =	vsel vm0, v4, v8;
	v8 =	vmul.f32 $2.000000030e-01, v6  }
0x2ba: {  	s1 =	sshll.u32 s1, $0x9;
	v42 =	vld [tilespmem:s6+$0x60];
	vm0 =	vge.f32 v6, $0.0e+00;
	v1 =	vadd.f32 $0.0e+00, v1;
	v4 =	vmul.f32 v4, v21  }
0x2bb: {  	s1 =	sadd.s32 $0x0, s1;
	v46 =	vld [tilespmem:s6+$0xF0];
	v33 =	vadd.f32 v33, v40;
	v6 =	vsel vm0, v6, v8;
	v8 =	vmul.f32 $2.000000030e-01, v7  }
0x2bc: {  	s5 =	sor.u32 $0x400, s1;
	s2 =	sadd.s32 $0x80, s1;
	v43 =	vld [tilespmem:s6+$0x70];
	vm0 =	vge.f32 v7, $0.0e+00;
	v1 =	vadd.f32 v4, v1;
	v4 =	vmul.f32 v6, v22  }
0x2bd: {  	s7 =	sor.u32 $0x400, s2;
	v44 =	vld [tilespmem:s5+$0x1A000];
	v6 =	vsel vm0, v7, v8;
	v7 =	vmul.f32 $2.000000030e-01, v33;
	v8 =	vadd.f32 v34, v41  }
0x2be: {  	s6 =	sor.u32 $0x410, s1;
	vm0 =	vge.f32 v33, $0.0e+00;
	v1 =	vadd.f32 v4, v1;
	v4 =	vmul.f32 v6, v23;
	v6 =	vld [tilespmem:s7+$0x1A000]  }
0x2bf: {  	s8 =	sor.u32 $0x410, s2;
	v45 =	vld [tilespmem:s6+$0x1A000];
	v48 =	vadd.f32 v35, v42;
	v7 =	vsel vm0, v33, v7;
	v63 =	vmul.f32 $2.000000030e-01, v8  }
0x2c0: {  	s9 =	sor.u32 $0x420, s1;
	vm0 =	vge.f32 v8, $0.0e+00;
	v1 =	vadd.f32 v4, v1;
	v4 =	vmul.f32 v7, v24;
	v7 =	vld [tilespmem:s8+$0x1A000]  }
0x2c1: {  	s10 =	sor.u32 $0x420, s2;
	v50 =	vadd.f32 v46, v43;
	v46 =	vld [tilespmem:s9+$0x1A000];
	v49 =	vmul.f32 $2.000000030e-01, v48;
	v8 =	vsel vm0, v8, v63  }
0x2c2: {  	s11 =	sor.u32 $0x430, s1;
	vm0 =	vge.f32 v48, $0.0e+00;
	v1 =	vadd.f32 v4, v1;
	v4 =	vmul.f32 v8, v25;
	v8 =	vld [tilespmem:s10+$0x1A000]  }
0x2c3: {  	s12 =	sor.u32 $0x430, s2;
	v47 =	vld [tilespmem:s11+$0x1A000];
	v51 =	vmul.f32 $2.000000030e-01, v50;
	v33 =	vsel vm0, v48, v49;
	v6 =	vadd.f32 v6, v44  }
0x2c4: {  	s18 =	sor.u32 $0x440, s2;
	v52 =	vld [tilespmem:s12+$0x1A000];
	vm0 =	vge.f32 v50, $0.0e+00;
	v1 =	vadd.f32 v4, v1;
	v4 =	vmul.f32 v33, v26  }
0x2c5: {  	s13 =	sor.u32 $0x440, s1;
	v54 =	vld [tilespmem:s18+$0x1A000];
	v34 =	vsel vm0, v50, v51;
	v53 =	vmul.f32 $2.000000030e-01, v6;
	v7 =	vadd.f32 v7, v45  }
0x2c6: {  	s19 =	sor.u32 $0x450, s1;
	v48 =	vld [tilespmem:s13+$0x1A000];
	vm0 =	vge.f32 v6, $0.0e+00;
	v1 =	vadd.f32 v4, v1;
	v4 =	vmul.f32 v34, v27  }
0x2c7: {  	s20 =	sor.u32 $0x450, s2;
	v49 =	vld [tilespmem:s19+$0x1A000];
	v6 =	vsel vm0, v6, v53;
	v55 =	vmul.f32 $2.000000030e-01, v7;
	v8 =	vadd.f32 v8, v46  }
0x2c8: {  	s31 =	sor.u32 $0x460, s1;
	vm0 =	vge.f32 v7, $0.0e+00;
	v1 =	vadd.f32 v4, v1;
	v4 =	vmul.f32 v6, v28;
	v6 =	vld [tilespmem:s20+$0x1A000]  }
0x2c9: {  	s7 =	sor.u32 $0x460, s2;
	v50 =	vadd.f32 v52, v47;
	v51 =	vld [tilespmem:s31+$0x1A000];
	v7 =	vsel vm0, v7, v55;
	v56 =	vmul.f32 $2.000000030e-01, v8  }
0x2ca: {  	s1 =	sor.u32 $0x470, s1;
	vm0 =	vge.f32 v8, $0.0e+00;
	v1 =	vadd.f32 v4, v1;
	v4 =	vmul.f32 v7, v29;
	v7 =	vld [tilespmem:s7+$0x1A000]  }
0x2cb: {  	s2 =	sor.u32 $0x470, s2;
	v57 =	vmul.f32 $2.000000030e-01, v50;
	v52 =	vadd.f32 v54, v48;
	v53 =	vld [tilespmem:s1+$0x1A000];
	v8 =	vsel vm0, v8, v56  }
0x2cc: {  	vm0 =	vge.f32 v50, $0.0e+00;
	v1 =	vadd.f32 v4, v1;
	v4 =	vmul.f32 v8, v30;
	v8 =	vld [tilespmem:s2+$0x1A000]  }
0x2cd: {  	v33 =	vld [tilespmem:$0x1E150];
	v59 =	vmul.f32 $2.000000030e-01, v52;
	v58 =	vsel vm0, v50, v57;
	v6 =	vadd.f32 v6, v49  }
0x2ce: {  	vm0 =	vge.f32 v52, $0.0e+00;
	v1 =	vadd.f32 v4, v1;
	v4 =	vmul.f32 v58, v31  }
0x2cf: {  	v34 =	vld [tilespmem:$0x1E160];
	v35 =	vsel vm0, v52, v59;
	v61 =	vmul.f32 $2.000000030e-01, v6;
	v7 =	vadd.f32 v7, v51  }
0x2d0: {  	vm0 =	vge.f32 v6, $0.0e+00;
	v1 =	vadd.f32 v4, v1;
	v4 =	vmul.f32 v35, v32  }
0x2d1: {  	v35 =	vld [tilespmem:$0x1E170];
	v6 =	vsel vm0, v6, v61;
	v62 =	vmul.f32 $2.000000030e-01, v7;
	v8 =	vadd.f32 v8, v53  }
0x2d2: {  	vm0 =	vge.f32 v7, $0.0e+00;
	v1 =	vadd.f32 v4, v1;
	v4 =	vmul.f32 v6, v33  }
0x2d3: {  	v6 =	vsel vm0, v7, v62;
	v7 =	vmul.f32 $2.000000030e-01, v8  }
0x2d4: {  	vm0 =	vge.f32 v8, $0.0e+00;
	v1 =	vadd.f32 v4, v1;
	v4 =	vmul.f32 v6, v34  }
0x2d5: {  	v6 =	vsel vm0, v8, v7  }
0x2d6: {  	v1 =	vadd.f32 v4, v1;
	v4 =	vmul.f32 v6, v35;
	_ =	sdelay $0x1  }
0x2d7: {  	v1 =	vadd.f32 v4, v1;
	_ =	sdelay $0x1  }
0x2d8: {  	(xrf2) =	vadd.scan.msk.f32 $0xffff, v1;
	_ =	sdelay $0x9  }
0x2d9: {  	v1, _, _ =	vpop (xrf2)  }
0x2da: {  	v1 =	vmul.f32 $1.442695020e+00, v1;
	_ =	sdelay $0x1  }
0x2db: {  	v1 =	vbroadcast v1, $0xF;
	_ =	sdelay $0x1  }
0x2dc: {  	s1 =	sand.u32 $0x10, s26;
	(erf) = vpow2.f32 v1  }
0x2dd: {  	v1 =	vld [tilespmem:s1+$0x1E000];
	_ =	sdelay $0x2  }
0x2de: {  	s8 =	sand.u32 $0xE, s26  }
0x2df: {  	v4 =	vmov s8  }
0x2e0: {  	s2 =	sadd.s32 $0x0, s24;
	v6 =	vperm.xlane v1, v4  }
0x2e1: {  	s9 =	sadd.s32 $0x20, s2  }
0x2e2: {  	s5 =	simm.f32 $1.000000000e+00;
	p1 =	slt.s32 s9, s21;
	v6 =	vshll.u32 v6, $0x8  }
0x2e3: {  	s5 =	simm.s32 @!p1 $0x0;
	v7 =	vor.u32 v0, v6;
	v8 =	vpop (erf)  }
0x2e4: {  	v63 =	vor.u32 v9, v6;
	v8 =	vmul.f32 s5, v8  }
0x2e5: {  	v57 =	vor.u32 v10, v6  }
0x2e6: {  	v54 =	vor.u32 v11, v6;
	v39 =	vmul.f32 v8, v39  }
0x2e7: {  	vm0 =	veq.s32 v4, v0;
	v4 =	vor.u32 v12, v6;
	v38 =	vmul.f32 v8, v38  }
0x2e8: {  	v58 =	vor.u32 v13, v6;
	[tilespmem:v7+s3+$0x0] =	vst.idx.add.f32.msk $0xffff, v39;
	v7 =	vmul.f32 v8, v36  }
0x2e9: {  	v59 =	vor.u32 v14, v6;
	v37 =	vmul.f32 v8, v37;
	[tilespmem:v63+s3+$0x0] =	vst.idx.add.f32.msk $0xffff, v38  }
0x2ea: {  	v61 =	vor.u32 v15, v6;
	[tilespmem:v57+s3+$0x0] =	vst.idx.add.f32.msk $0xffff, v7;
	v7 =	vmul.f32 v8, v40  }
0x2eb: {  	v62 =	vmul.f32 v8, v41;
	v63 =	vor.u32 v16, v6;
	[tilespmem:v54+s3+$0x0] =	vst.idx.add.f32.msk $0xffff, v37  }
0x2ec: {  	[tilespmem:v4+s3+$0x0] =	vst.idx.add.f32.msk $0xffff, v7;
	v4 =	vmul.f32 v8, v42;
	v7 =	vor.u32 v17, v6  }
0x2ed: {  	v52 =	vor.u32 v18, v6;
	v50 =	vmul.f32 v8, v43;
	[tilespmem:v58+s3+$0x0] =	vst.idx.add.f32.msk $0xffff, v62  }
0x2ee: {  	v36 =	vor.u32 $0xC0, v0;
	v54 =	vor.u32 v19, v6;
	[tilespmem:v59+s3+$0x0] =	vst.idx.add.f32.msk $0xffff, v4;
	v4 =	vmul.f32 v8, v44  }
0x2ef: {  	v55 =	vmul.f32 v8, v45;
	v56 =	vor.u32 v36, v6;
	v37 =	vor.u32 $0xD0, v0;
	[tilespmem:v61+s3+$0x0] =	vst.idx.add.f32.msk $0xffff, v50  }
0x2f0: {  	v38 =	vor.u32 $0xE0, v0;
	v57 =	vor.u32 v37, v6;
	[tilespmem:v63+s3+$0x0] =	vst.idx.add.f32.msk $0xffff, v4;
	v4 =	vmul.f32 v8, v46  }
0x2f1: {  	v39 =	vor.u32 $0xF0, v0;
	v58 =	vor.u32 v38, v6;
	[tilespmem:v7+s3+$0x0] =	vst.idx.add.f32.msk $0xffff, v55;
	v7 =	vmul.f32 v8, v47  }
0x2f2: {  	v6 =	vor.u32 v39, v6;
	[tilespmem:v52+s3+$0x0] =	vst.idx.add.f32.msk $0xffff, v4;
	v4 =	vmul.f32 v8, v48  }
0x2f3: {  	[tilespmem:v54+s3+$0x0] =	vst.idx.add.f32.msk $0xffff, v7;
	v7 =	vmul.f32 v8, v49  }
0x2f4: {  	[tilespmem:v56+s3+$0x0] =	vst.idx.add.f32.msk $0xffff, v4;
	v4 =	vmul.f32 v8, v51  }
0x2f5: {  	[tilespmem:v57+s3+$0x0] =	vst.idx.add.f32.msk $0xffff, v7;
	v7 =	vmul.f32 v8, v53  }
0x2f6: {  	s10 =	simm.s32 $0x100;
	[tilespmem:v58+s3+$0x0] =	vst.idx.add.f32.msk $0xffff, v4  }
0x2f7: {  	s5 =	sand.u32 $0x300, s10;
	[tilespmem:v6+s3+$0x0] =	vst.idx.add.f32.msk $0xffff, v7  }
0x2f8: {  	s5 =	sor.u32 s5, s0;
	[tilespmem:v1+s16+$0x0] =	vst.idx.add.f32.msk vm0, v8  }
0x2f9: {  	v40 =	vld [tilespmem:s5+$0x0]  }
0x2fa: {  	v1 =	vld [tilespmem:s5+$0x80]  }
0x2fb: {  	v4 =	vld [tilespmem:s5+$0x90]  }
0x2fc: {  	v43 =	vld [tilespmem:s5+$0x10]  }
0x2fd: {  	v6 =	vld [tilespmem:s5+$0xA0]  }
0x2fe: {  	v41 =	vld [tilespmem:s5+$0x20]  }
0x2ff: {  	v7 =	vld [tilespmem:s5+$0xB0];
	v1 =	vadd.f32 v1, v40  }
0x300: {  	v42 =	vld [tilespmem:s5+$0x30]  }
0x301: {  	v59 =	vld [tilespmem:s5+$0xC0];
	v4 =	vadd.f32 v4, v43;
	v8 =	vmul.f32 $2.000000030e-01, v1  }
0x302: {  	v44 =	vld [tilespmem:s5+$0x40];
	vm0 =	vge.f32 v1, $0.0e+00  }
0x303: {  	v61 =	vld [tilespmem:s5+$0xD0];
	v6 =	vadd.f32 v6, v41;
	v1 =	vsel vm0, v1, v8;
	v8 =	vmul.f32 $2.000000030e-01, v4  }
0x304: {  	s11 =	sand.u32 $0x3, s26;
	v45 =	vld [tilespmem:s5+$0x50];
	vm0 =	vge.f32 v4, $0.0e+00;
	v1 =	vmul.f32 v1, v20  }
0x305: {  	s0 =	sshll.u32 s11, $0x8;
	v62 =	vld [tilespmem:s5+$0xE0];
	v7 =	vadd.f32 v7, v42;
	v4 =	vsel vm0, v4, v8;
	v8 =	vmul.f32 $2.000000030e-01, v6  }
0x306: {  	s12 =	sadd.s32 $0x0, s0;
	v46 =	vld [tilespmem:s5+$0x60];
	vm0 =	vge.f32 v6, $0.0e+00;
	v1 =	vadd.f32 $0.0e+00, v1;
	v4 =	vmul.f32 v4, v21  }
0x307: {  	s0 =	sadd.s32 $0x180, s12;
	v56 =	vld [tilespmem:s5+$0xF0];
	v63 =	vadd.f32 v59, v44;
	v6 =	vsel vm0, v6, v8;
	v8 =	vmul.f32 $2.000000030e-01, v7  }
0x308: {  	s10 =	sadd.s32 $0x100, s12;
	s13 =	sor.u32 $0x400, s0;
	v47 =	vld [tilespmem:s5+$0x70];
	vm0 =	vge.f32 v7, $0.0e+00;
	v1 =	vadd.f32 v4, v1;
	v4 =	vmul.f32 v6, v22  }
0x309: {  	s6 =	sor.u32 $0x400, s10;
	v52 =	vld [tilespmem:s13+$0x1A000];
	v6 =	vsel vm0, v7, v8;
	v7 =	vmul.f32 $2.000000030e-01, v63;
	v8 =	vadd.f32 v61, v45  }
0x30a: {  	s18 =	sor.u32 $0x410, s0;
	v48 =	vld [tilespmem:s6+$0x1A000];
	vm0 =	vge.f32 v63, $0.0e+00;
	v1 =	vadd.f32 v4, v1;
	v4 =	vmul.f32 v6, v23  }
0x30b: {  	s19 =	sor.u32 $0x410, s10;
	v58 =	vld [tilespmem:s18+$0x1A000];
	v57 =	vadd.f32 v62, v46;
	v6 =	vsel vm0, v63, v7;
	v7 =	vmul.f32 $2.000000030e-01, v8  }
0x30c: {  	s20 =	sor.u32 $0x420, s0;
	v49 =	vld [tilespmem:s19+$0x1A000];
	vm0 =	vge.f32 v8, $0.0e+00;
	v1 =	vadd.f32 v4, v1;
	v4 =	vmul.f32 v6, v24  }
0x30d: {  	s31 =	sor.u32 $0x420, s10;
	v59 =	vld [tilespmem:s20+$0x1A000];
	v6 =	vsel vm0, v8, v7;
	v7 =	vmul.f32 $2.000000030e-01, v57;
	v8 =	vadd.f32 v56, v47  }
0x30e: {  	s6 =	sor.u32 $0x430, s0;
	vm0 =	vge.f32 v57, $0.0e+00;
	v1 =	vadd.f32 v4, v1;
	v4 =	vmul.f32 v6, v25;
	v6 =	vld [tilespmem:s31+$0x1A000]  }
0x30f: {  	s7 =	sor.u32 $0x430, s10;
	v54 =	vld [tilespmem:s6+$0x1A000];
	v52 =	vadd.f32 v52, v48;
	v7 =	vsel vm0, v57, v7;
	v61 =	vmul.f32 $2.000000030e-01, v8  }
0x310: {  	s8 =	sor.u32 $0x440, s0;
	vm0 =	vge.f32 v8, $0.0e+00;
	v1 =	vadd.f32 v4, v1;
	v4 =	vmul.f32 v7, v26;
	v7 =	vld [tilespmem:s7+$0x1A000]  }
0x311: {  	s9 =	sor.u32 $0x440, s10;
	v55 =	vld [tilespmem:s8+$0x1A000];
	v53 =	vadd.f32 v58, v49;
	v62 =	vmul.f32 $2.000000030e-01, v52;
	v8 =	vsel vm0, v8, v61  }
0x312: {  	s11 =	sor.u32 $0x450, s0;
	vm0 =	vge.f32 v52, $0.0e+00;
	v1 =	vadd.f32 v4, v1;
	v4 =	vmul.f32 v8, v27;
	v8 =	vld [tilespmem:s9+$0x1A000]  }
0x313: {  	s12 =	sor.u32 $0x450, s10;
	v63 =	vmul.f32 $2.000000030e-01, v53;
	v56 =	vld [tilespmem:s11+$0x1A000];
	v50 =	vsel vm0, v52, v62;
	v51 =	vadd.f32 v59, v6  }
0x314: {  	s13 =	sor.u32 $0x460, s0;
	vm0 =	vge.f32 v53, $0.0e+00;
	v1 =	vadd.f32 v4, v1;
	v4 =	vmul.f32 v50, v28;
	v50 =	vld [tilespmem:s12+$0x1A000]  }
0x315: {  	s18 =	sor.u32 $0x460, s10;
	v57 =	vld [tilespmem:s13+$0x1A000];
	v52 =	vsel vm0, v53, v63;
	v61 =	vmul.f32 $2.000000030e-01, v51;
	v54 =	vadd.f32 v54, v7  }
0x316: {  	s0 =	sor.u32 $0x470, s0;
	vm0 =	vge.f32 v51, $0.0e+00;
	v1 =	vadd.f32 v4, v1;
	v4 =	vmul.f32 v52, v29;
	v52 =	vld [tilespmem:s18+$0x1A000]  }
0x317: {  	s19 =	sor.u32 $0x470, s10;
	v58 =	vld [tilespmem:s0+$0x1A000];
	v51 =	vsel vm0, v51, v61;
	v62 =	vmul.f32 $2.000000030e-01, v54;
	v55 =	vadd.f32 v55, v8  }
0x318: {  	vm0 =	vge.f32 v54, $0.0e+00;
	v1 =	vadd.f32 v4, v1;
	v4 =	vmul.f32 v51, v30;
	v51 =	vld [tilespmem:s19+$0x1A000]  }
0x319: {  	v53 =	vsel vm0, v54, v62;
	v63 =	vmul.f32 $2.000000030e-01, v55;
	v56 =	vadd.f32 v56, v50  }
0x31a: {  	vm0 =	vge.f32 v55, $0.0e+00;
	v1 =	vadd.f32 v4, v1;
	v4 =	vmul.f32 v53, v31  }
0x31b: {  	v61 =	vsel vm0, v55, v63;
	v62 =	vmul.f32 $2.000000030e-01, v56;
	v55 =	vadd.f32 v57, v52  }
0x31c: {  	vm0 =	vge.f32 v56, $0.0e+00;
	v1 =	vadd.f32 v4, v1;
	v4 =	vmul.f32 v61, v32  }
0x31d: {  	v63 =	vsel vm0, v56, v62;
	v61 =	vmul.f32 $2.000000030e-01, v55;
	v62 =	vadd.f32 v58, v51  }
0x31e: {  	vm0 =	vge.f32 v55, $0.0e+00;
	v1 =	vadd.f32 v4, v1;
	v4 =	vmul.f32 v63, v33  }
0x31f: {  	v63 =	vsel vm0, v55, v61;
	v57 =	vmul.f32 $2.000000030e-01, v62  }
0x320: {  	vm0 =	vge.f32 v62, $0.0e+00;
	v1 =	vadd.f32 v4, v1;
	v4 =	vmul.f32 v63, v34  }
0x321: {  	v58 =	vsel vm0, v62, v57  }
0x322: {  	v1 =	vadd.f32 v4, v1;
	v4 =	vmul.f32 v58, v35;
	_ =	sdelay $0x1  }
0x323: {  	v1 =	vadd.f32 v4, v1;
	_ =	sdelay $0x1  }
0x324: {  	(xrf2) =	vadd.scan.msk.f32 $0xffff, v1;
	_ =	sdelay $0x9  }
0x325: {  	v1, _, _ =	vpop (xrf2)  }
0x326: {  	v1 =	vmul.f32 $1.442695020e+00, v1;
	_ =	sdelay $0x1  }
0x327: {  	v1 =	vbroadcast v1, $0xF;
	_ =	sdelay $0x1  }
0x328: {  	(erf) = vpow2.f32 v1  }
0x329: {  	v54 =	vld [tilespmem:s1+$0x1E000];
	_ =	sdelay $0x1  }
0x32a: {  	s20 =	sand.u32 $0xF, s26  }
0x32b: {  	s0 =	sadd.s32 $0x1, s20  }
0x32c: {  	v1 =	vmov s0  }
0x32d: {  	v4 =	vperm.xlane v54, v1  }
0x32e: {  	s31 =	sadd.s32 $0x21, s2  }
0x32f: {  	p1 =	slt.s32 s31, s21;
	s0 =	simm.f32 $1.000000000e+00;
	v4 =	vshll.u32 v4, $0x8  }
0x330: {  	s0 =	simm.s32 @!p1 $0x0;
	v53 =	vor.u32 v0, v4;
	v59 =	vpop (erf)  }
0x331: {  	v61 =	vor.u32 v9, v4;
	v56 =	vmul.f32 s0, v59  }
0x332: {  	v62 =	vor.u32 v10, v4  }
0x333: {  	v63 =	vor.u32 v11, v4;
	v40 =	vmul.f32 v56, v40  }
0x334: {  	vm0 =	veq.s32 v1, v0;
	v59 =	vor.u32 v12, v4;
	v43 =	vmul.f32 v56, v43  }
0x335: {  	[tilespmem:v53+s3+$0x0] =	vst.idx.add.f32.msk $0xffff, v40;
	v53 =	vmul.f32 v56, v41;
	v41 =	vor.u32 v13, v4  }
0x336: {  	v42 =	vmul.f32 v56, v42;
	[tilespmem:v61+s3+$0x0] =	vst.idx.add.f32.msk $0xffff, v43;
	v43 =	vor.u32 v14, v4  }
0x337: {  	v61 =	vmul.f32 v56, v44;
	[tilespmem:v62+s3+$0x0] =	vst.idx.add.f32.msk $0xffff, v53;
	v62 =	vor.u32 v15, v4  }
0x338: {  	[tilespmem:v63+s3+$0x0] =	vst.idx.add.f32.msk $0xffff, v42;
	v63 =	vmul.f32 v56, v45;
	v45 =	vor.u32 v16, v4  }
0x339: {  	v55 =	vor.u32 v17, v4;
	v53 =	vmul.f32 v56, v46;
	[tilespmem:v59+s3+$0x0] =	vst.idx.add.f32.msk $0xffff, v61  }
0x33a: {  	v58 =	vor.u32 v18, v4;
	v57 =	vmul.f32 v56, v47;
	[tilespmem:v41+s3+$0x0] =	vst.idx.add.f32.msk $0xffff, v63  }
0x33b: {  	v59 =	vmul.f32 v56, v48;
	v61 =	vor.u32 v19, v4;
	[tilespmem:v43+s3+$0x0] =	vst.idx.add.f32.msk $0xffff, v53  }
0x33c: {  	v63 =	vor.u32 v36, v4;
	[tilespmem:v62+s3+$0x0] =	vst.idx.add.f32.msk $0xffff, v57;
	v62 =	vmul.f32 v56, v49  }
0x33d: {  	v6 =	vmul.f32 v56, v6;
	v41 =	vor.u32 v37, v4;
	[tilespmem:v45+s3+$0x0] =	vst.idx.add.f32.msk $0xffff, v59  }
0x33e: {  	v1 =	vmul.f32 v56, v7;
	v42 =	vor.u32 v38, v4;
	[tilespmem:v55+s3+$0x0] =	vst.idx.add.f32.msk $0xffff, v62  }
0x33f: {  	v43 =	vor.u32 v39, v4;
	[tilespmem:v58+s3+$0x0] =	vst.idx.add.f32.msk $0xffff, v6;
	v6 =	vmul.f32 v56, v8  }
0x340: {  	v45 =	vmul.f32 v56, v50;
	[tilespmem:v61+s3+$0x0] =	vst.idx.add.f32.msk $0xffff, v1  }
0x341: {  	s28 =	simm.s32 $0x400;
	s29 =	simm.s32 $0x2;
	s30 =	simm.s32 $0x0;
	v40 =	vmul.f32 v56, v51;
	v44 =	vmul.f32 v56, v52;
	[tilespmem:v63+s3+$0x0] =	vst.idx.add.f32.msk $0xffff, v6  }
.LBB2_13:
0x342: {  	[tilespmem:v41+s3+$0x0] =	vst.idx.add.f32.msk $0xffff, v45;
	s26 =	sadd.s32 $0x2, s26;
	p0 =	por !p0, !p0;
	s30 =	sadd.s32 $0x200, s30  }
0x343: {  	p1 =	sne.s32 s28, $0x3C00;
	s0 =	smov.u32 s28;
	s28 =	sadd.s32 $0x400, s28;
	[tilespmem:v42+s3+$0x0] =	vst.idx.add.f32.msk $0xffff, v44  }
0x344: {  	[tilespmem:v43+s3+$0x0] =	vst.idx.add.f32.msk $0xffff, v40  }
0x345: {  	[tilespmem:v54+s16+$0x0] =	vst.idx.add.f32.msk vm0, v56  }
0x346: {  	s1 =	sand.u32 $0x3800, s0  }
0x347: {  	s2 =	sand.u32 $0x200, s30;
	s1 =	sadd.s32 $0x1A000, s1  }
0x348: {  	s2 =	sor.u32 s2, s1  }
0x349: {  	v40 =	vld [tilespmem:s2+$0x10]  }
0x34a: {  	v41 =	vld [tilespmem:s2+$0x0]  }
0x34b: {  	v1 =	vld [tilespmem:s2+$0x80];
	_ =	sdelay $0x1  }
0x34c: {  	v4 =	vld [tilespmem:s2+$0x90]  }
0x34d: {  	v6 =	vld [tilespmem:s2+$0xA0]  }
0x34e: {  	v42 =	vld [tilespmem:s2+$0x20]  }
0x34f: {  	v1 =	vadd.f32 v1, v41;
	v7 =	vld [tilespmem:s2+$0xB0]  }
0x350: {  	v43 =	vld [tilespmem:s2+$0x30]  }
0x351: {  	v8 =	vmul.f32 $2.000000030e-01, v1;
	v4 =	vadd.f32 v4, v40;
	v47 =	vld [tilespmem:s2+$0xC0]  }
0x352: {  	vm0 =	vge.f32 v1, $0.0e+00;
	v44 =	vld [tilespmem:s2+$0x40]  }
0x353: {  	s5 =	simm.s32 $0x1;
	v1 =	vsel vm0, v1, v8;
	v8 =	vmul.f32 $2.000000030e-01, v4;
	v6 =	vadd.f32 v6, v42;
	v48 =	vld [tilespmem:s2+$0xD0]  }
0x354: {  	s5 =	simm.s32 @!p0 $0x0;
	vm0 =	vge.f32 v4, $0.0e+00;
	v1 =	vmul.f32 v1, v20;
	v45 =	vld [tilespmem:s2+$0x50]  }
0x355: {  	s5 =	sshll.u32 s5, $0x9;
	v4 =	vsel vm0, v4, v8;
	v8 =	vmul.f32 $2.000000030e-01, v6;
	v7 =	vadd.f32 v7, v43;
	v49 =	vld [tilespmem:s2+$0xE0]  }
0x356: {  	s5 =	sadd.s32 s5, s0;
	vm0 =	vge.f32 v6, $0.0e+00;
	v1 =	vadd.f32 $0.0e+00, v1;
	v4 =	vmul.f32 v4, v21;
	v46 =	vld [tilespmem:s2+$0x60]  }
0x357: {  	s6 =	sadd.s32 $0x80, s5;
	v6 =	vsel vm0, v6, v8;
	v8 =	vmul.f32 $2.000000030e-01, v7;
	v50 =	vadd.f32 v47, v44;
	v51 =	vld [tilespmem:s2+$0xF0]  }
0x358: {  	s7 =	sor.u32 $0x410, s5;
	s8 =	sor.u32 $0x410, s6;
	vm0 =	vge.f32 v7, $0.0e+00;
	v1 =	vadd.f32 v4, v1;
	v4 =	vmul.f32 v6, v22;
	v47 =	vld [tilespmem:s2+$0x70];
	s2 =	sor.u32 $0x400, s5  }
0x359: {  	s9 =	sor.u32 $0x420, s6;
	v6 =	vsel vm0, v7, v8;
	v7 =	vmul.f32 $2.000000030e-01, v50;
	v8 =	vadd.f32 v48, v45;
	v48 =	vld [tilespmem:s2+$0x1A000];
	s2 =	sor.u32 $0x400, s6  }
0x35a: {  	s10 =	sor.u32 $0x430, s5;
	s11 =	sor.u32 $0x430, s6;
	vm0 =	vge.f32 v50, $0.0e+00;
	v1 =	vadd.f32 v4, v1;
	v4 =	vmul.f32 v6, v23;
	v6 =	vld [tilespmem:s2+$0x1A000];
	s2 =	sor.u32 $0x420, s5  }
0x35b: {  	s12 =	sor.u32 $0x440, s6;
	s13 =	sor.u32 $0x450, s6;
	v7 =	vsel vm0, v50, v7;
	v50 =	vmul.f32 $2.000000030e-01, v8;
	v52 =	vadd.f32 v49, v46;
	v49 =	vld [tilespmem:s7+$0x1A000];
	s7 =	sor.u32 $0x440, s5  }
0x35c: {  	s18 =	sor.u32 $0x460, s5;
	s19 =	sor.u32 $0x460, s6;
	vm0 =	vge.f32 v8, $0.0e+00;
	v1 =	vadd.f32 v4, v1;
	v4 =	vmul.f32 v7, v24;
	v7 =	vld [tilespmem:s8+$0x1A000];
	s8 =	sor.u32 $0x450, s5  }
0x35d: {  	v8 =	vsel vm0, v8, v50;
	v53 =	vmul.f32 $2.000000030e-01, v52;
	v54 =	vadd.f32 v51, v47;
	v50 =	vld [tilespmem:s2+$0x1A000];
	s2 =	sor.u32 $0x470, s5;
	s5 =	sor.u32 $0x470, s6  }
0x35e: {  	vm0 =	vge.f32 v52, $0.0e+00;
	v1 =	vadd.f32 v4, v1;
	v4 =	vmul.f32 v8, v25;
	v8 =	vld [tilespmem:s9+$0x1A000]  }
0x35f: {  	v52 =	vsel vm0, v52, v53;
	v53 =	vmul.f32 $2.000000030e-01, v54;
	v6 =	vadd.f32 v6, v48;
	v51 =	vld [tilespmem:s10+$0x1A000]  }
0x360: {  	vm0 =	vge.f32 v54, $0.0e+00;
	v1 =	vadd.f32 v4, v1;
	v4 =	vmul.f32 v52, v26;
	v55 =	vld [tilespmem:s11+$0x1A000]  }
0x361: {  	v53 =	vsel vm0, v54, v53;
	v54 =	vmul.f32 $2.000000030e-01, v6;
	v7 =	vadd.f32 v7, v49;
	v52 =	vld [tilespmem:s7+$0x1A000]  }
0x362: {  	vm0 =	vge.f32 v6, $0.0e+00;
	v1 =	vadd.f32 v4, v1;
	v4 =	vmul.f32 v53, v27;
	v56 =	vld [tilespmem:s12+$0x1A000]  }
0x363: {  	v6 =	vsel vm0, v6, v54;
	v54 =	vmul.f32 $2.000000030e-01, v7;
	v8 =	vadd.f32 v8, v50;
	v53 =	vld [tilespmem:s8+$0x1A000]  }
0x364: {  	vm0 =	vge.f32 v7, $0.0e+00;
	v1 =	vadd.f32 v4, v1;
	v4 =	vmul.f32 v6, v28;
	v6 =	vld [tilespmem:s13+$0x1A000]  }
0x365: {  	v7 =	vsel vm0, v7, v54;
	v57 =	vmul.f32 $2.000000030e-01, v8;
	v58 =	vadd.f32 v55, v51;
	v54 =	vld [tilespmem:s18+$0x1A000]  }
0x366: {  	vm0 =	vge.f32 v8, $0.0e+00;
	v1 =	vadd.f32 v4, v1;
	v4 =	vmul.f32 v7, v29;
	v7 =	vld [tilespmem:s19+$0x1A000]  }
0x367: {  	v8 =	vsel vm0, v8, v57;
	v57 =	vmul.f32 $2.000000030e-01, v58;
	v56 =	vadd.f32 v56, v52;
	v55 =	vld [tilespmem:s2+$0x1A000]  }
0x368: {  	vm0 =	vge.f32 v58, $0.0e+00;
	v1 =	vadd.f32 v4, v1;
	v4 =	vmul.f32 v8, v30;
	v8 =	vld [tilespmem:s5+$0x1A000]  }
0x369: {  	v57 =	vsel vm0, v58, v57;
	v58 =	vmul.f32 $2.000000030e-01, v56;
	v6 =	vadd.f32 v6, v53  }
0x36a: {  	vm0 =	vge.f32 v56, $0.0e+00;
	v1 =	vadd.f32 v4, v1;
	v4 =	vmul.f32 v57, v31  }
0x36b: {  	v56 =	vsel vm0, v56, v58;
	v57 =	vmul.f32 $2.000000030e-01, v6;
	v7 =	vadd.f32 v7, v54  }
0x36c: {  	vm0 =	vge.f32 v6, $0.0e+00;
	v1 =	vadd.f32 v4, v1;
	v4 =	vmul.f32 v56, v32  }
0x36d: {  	v6 =	vsel vm0, v6, v57;
	v56 =	vmul.f32 $2.000000030e-01, v7;
	v8 =	vadd.f32 v8, v55  }
0x36e: {  	vm0 =	vge.f32 v7, $0.0e+00;
	v1 =	vadd.f32 v4, v1;
	v4 =	vmul.f32 v6, v33  }
0x36f: {  	v6 =	vsel vm0, v7, v56;
	v7 =	vmul.f32 $2.000000030e-01, v8  }
0x370: {  	vm0 =	vge.f32 v8, $0.0e+00;
	v1 =	vadd.f32 v4, v1;
	v4 =	vmul.f32 v6, v34  }
0x371: {  	v6 =	vsel vm0, v8, v7  }
0x372: {  	v1 =	vadd.f32 v4, v1;
	v4 =	vmul.f32 v6, v35;
	_ =	sdelay $0x1  }
0x373: {  	v1 =	vadd.f32 v4, v1;
	_ =	sdelay $0x1  }
0x374: {  	(xrf2) =	vadd.scan.msk.f32 $0xffff, v1;
	_ =	sdelay $0x9  }
0x375: {  	v1, _, _ =	vpop (xrf2)  }
0x376: {  	v1 =	vmul.f32 $1.442695020e+00, v1;
	_ =	sdelay $0x1  }
0x377: {  	v1 =	vbroadcast v1, $0xF;
	_ =	sdelay $0x1  }
0x378: {  	s2 =	sand.u32 $0x10, s29;
	(erf) = vpow2.f32 v1  }
0x379: {  	v1 =	vld [tilespmem:s2+$0x1E000];
	_ =	sdelay $0x2  }
0x37a: {  	s5 =	sand.u32 $0xE, s29  }
0x37b: {  	v4 =	vmov s5  }
0x37c: {  	s5 =	sadd.s32 s29, s24;
	v6 =	vperm.xlane v1, v4  }
0x37d: {  	s6 =	sadd.s32 $0x20, s5;
	s10 =	sadd.s32 $0x21, s5  }
0x37e: {  	s5 =	simm.f32 $1.000000000e+00;
	p2 =	slt.s32 s6, s21;
	v6 =	vshll.u32 v6, $0x8  }
0x37f: {  	s5 =	simm.s32 @!p2 $0x0;
	v7 =	vor.u32 v0, v6;
	v8 =	vpop (erf)  }
0x380: {  	v56 =	vor.u32 v9, v6;
	v8 =	vmul.f32 s5, v8  }
0x381: {  	v57 =	vor.u32 v10, v6  }
0x382: {  	v58 =	vor.u32 v11, v6;
	v41 =	vmul.f32 v8, v41;
	v40 =	vmul.f32 v8, v40  }
0x383: {  	vm0 =	veq.s32 v4, v0;
	v4 =	vor.u32 v12, v6  }
0x384: {  	[tilespmem:v7+s3+$0x0] =	vst.idx.add.f32.msk $0xffff, v41;
	v7 =	vmul.f32 v8, v42;
	v41 =	vor.u32 v13, v6  }
0x385: {  	v42 =	vor.u32 v14, v6;
	[tilespmem:v56+s3+$0x0] =	vst.idx.add.f32.msk $0xffff, v40;
	v40 =	vmul.f32 v8, v43  }
0x386: {  	v43 =	vor.u32 v15, v6;
	[tilespmem:v57+s3+$0x0] =	vst.idx.add.f32.msk $0xffff, v7;
	v7 =	vmul.f32 v8, v44  }
0x387: {  	v44 =	vor.u32 v16, v6;
	[tilespmem:v58+s3+$0x0] =	vst.idx.add.f32.msk $0xffff, v40;
	v40 =	vmul.f32 v8, v45  }
0x388: {  	[tilespmem:v4+s3+$0x0] =	vst.idx.add.f32.msk $0xffff, v7;
	v4 =	vmul.f32 v8, v46;
	v7 =	vor.u32 v17, v6  }
0x389: {  	[tilespmem:v41+s3+$0x0] =	vst.idx.add.f32.msk $0xffff, v40;
	v40 =	vmul.f32 v8, v47;
	v41 =	vor.u32 v18, v6  }
0x38a: {  	[tilespmem:v42+s3+$0x0] =	vst.idx.add.f32.msk $0xffff, v4;
	v4 =	vmul.f32 v8, v48;
	v42 =	vor.u32 v19, v6  }
0x38b: {  	[tilespmem:v43+s3+$0x0] =	vst.idx.add.f32.msk $0xffff, v40;
	v40 =	vmul.f32 v8, v49;
	v43 =	vor.u32 v36, v6  }
0x38c: {  	[tilespmem:v44+s3+$0x0] =	vst.idx.add.f32.msk $0xffff, v4;
	v4 =	vmul.f32 v8, v50;
	v44 =	vor.u32 v37, v6  }
0x38d: {  	[tilespmem:v7+s3+$0x0] =	vst.idx.add.f32.msk $0xffff, v40;
	v7 =	vmul.f32 v8, v51;
	v40 =	vor.u32 v38, v6  }
0x38e: {  	v6 =	vor.u32 v39, v6;
	[tilespmem:v41+s3+$0x0] =	vst.idx.add.f32.msk $0xffff, v4;
	v4 =	vmul.f32 v8, v52  }
0x38f: {  	[tilespmem:v42+s3+$0x0] =	vst.idx.add.f32.msk $0xffff, v7;
	v7 =	vmul.f32 v8, v53  }
0x390: {  	[tilespmem:v43+s3+$0x0] =	vst.idx.add.f32.msk $0xffff, v4;
	v4 =	vmul.f32 v8, v54  }
0x391: {  	[tilespmem:v44+s3+$0x0] =	vst.idx.add.f32.msk $0xffff, v7;
	v7 =	vmul.f32 v8, v55  }
0x392: {  	s5 =	sadd.s32 $0x100, s30;
	[tilespmem:v40+s3+$0x0] =	vst.idx.add.f32.msk $0xffff, v4  }
0x393: {  	s5 =	sand.u32 $0x300, s5;
	[tilespmem:v6+s3+$0x0] =	vst.idx.add.f32.msk $0xffff, v7  }
0x394: {  	s1 =	sor.u32 s5, s1;
	[tilespmem:v1+s16+$0x0] =	vst.idx.add.f32.msk vm0, v8  }
0x395: {  	v40 =	vld [tilespmem:s1+$0x0]  }
0x396: {  	v1 =	vld [tilespmem:s1+$0x80]  }
0x397: {  	v4 =	vld [tilespmem:s1+$0x90]  }
0x398: {  	v41 =	vld [tilespmem:s1+$0x10]  }
0x399: {  	v6 =	vld [tilespmem:s1+$0xA0]  }
0x39a: {  	v42 =	vld [tilespmem:s1+$0x20]  }
0x39b: {  	v1 =	vadd.f32 v1, v40;
	v7 =	vld [tilespmem:s1+$0xB0]  }
0x39c: {  	v43 =	vld [tilespmem:s1+$0x30]  }
0x39d: {  	v8 =	vmul.f32 $2.000000030e-01, v1;
	v4 =	vadd.f32 v4, v41;
	v47 =	vld [tilespmem:s1+$0xC0]  }
0x39e: {  	vm0 =	vge.f32 v1, $0.0e+00;
	v44 =	vld [tilespmem:s1+$0x40]  }
0x39f: {  	v1 =	vsel vm0, v1, v8;
	v8 =	vmul.f32 $2.000000030e-01, v4;
	v6 =	vadd.f32 v6, v42;
	v48 =	vld [tilespmem:s1+$0xD0]  }
0x3a0: {  	s5 =	sand.u32 $0x3, s26;
	vm0 =	vge.f32 v4, $0.0e+00;
	v1 =	vmul.f32 v1, v20;
	v45 =	vld [tilespmem:s1+$0x50]  }
0x3a1: {  	s5 =	sshll.u32 s5, $0x8;
	v4 =	vsel vm0, v4, v8;
	v8 =	vmul.f32 $2.000000030e-01, v6;
	v7 =	vadd.f32 v7, v43;
	v49 =	vld [tilespmem:s1+$0xE0]  }
0x3a2: {  	s5 =	sadd.s32 s0, s5;
	vm0 =	vge.f32 v6, $0.0e+00;
	v1 =	vadd.f32 $0.0e+00, v1;
	v4 =	vmul.f32 v4, v21;
	v46 =	vld [tilespmem:s1+$0x60]  }
0x3a3: {  	s0 =	sadd.s32 $0x180, s5;
	v6 =	vsel vm0, v6, v8;
	v8 =	vmul.f32 $2.000000030e-01, v7;
	v50 =	vadd.f32 v47, v44;
	v51 =	vld [tilespmem:s1+$0xF0]  }
0x3a4: {  	vm0 =	vge.f32 v7, $0.0e+00;
	v1 =	vadd.f32 v4, v1;
	v4 =	vmul.f32 v6, v22;
	v47 =	vld [tilespmem:s1+$0x70];
	s1 =	sadd.s32 $0x100, s5;
	s5 =	sor.u32 $0x400, s0  }
0x3a5: {  	v6 =	vsel vm0, v7, v8;
	v7 =	vmul.f32 $2.000000030e-01, v50;
	v8 =	vadd.f32 v48, v45;
	s6 =	sor.u32 $0x400, s1;
	v52 =	vld [tilespmem:s5+$0x1A000]  }
0x3a6: {  	vm0 =	vge.f32 v50, $0.0e+00;
	s5 =	sor.u32 $0x410, s0;
	v1 =	vadd.f32 v4, v1;
	v4 =	vmul.f32 v6, v23;
	v48 =	vld [tilespmem:s6+$0x1A000]  }
0x3a7: {  	s6 =	sor.u32 $0x410, s1;
	v6 =	vsel vm0, v50, v7;
	v7 =	vmul.f32 $2.000000030e-01, v8;
	v53 =	vadd.f32 v49, v46;
	v54 =	vld [tilespmem:s5+$0x1A000]  }
0x3a8: {  	vm0 =	vge.f32 v8, $0.0e+00;
	s5 =	sor.u32 $0x420, s0;
	v1 =	vadd.f32 v4, v1;
	v4 =	vmul.f32 v6, v24;
	v49 =	vld [tilespmem:s6+$0x1A000]  }
0x3a9: {  	s6 =	sor.u32 $0x420, s1;
	v6 =	vsel vm0, v8, v7;
	v7 =	vmul.f32 $2.000000030e-01, v53;
	v8 =	vadd.f32 v51, v47;
	v55 =	vld [tilespmem:s5+$0x1A000]  }
0x3aa: {  	vm0 =	vge.f32 v53, $0.0e+00;
	s5 =	sor.u32 $0x430, s0;
	v1 =	vadd.f32 v4, v1;
	v4 =	vmul.f32 v6, v25;
	v50 =	vld [tilespmem:s6+$0x1A000]  }
0x3ab: {  	s6 =	sor.u32 $0x430, s1;
	v6 =	vsel vm0, v53, v7;
	v7 =	vmul.f32 $2.000000030e-01, v8;
	v53 =	vadd.f32 v52, v48;
	v56 =	vld [tilespmem:s5+$0x1A000]  }
0x3ac: {  	vm0 =	vge.f32 v8, $0.0e+00;
	s5 =	sor.u32 $0x440, s0;
	v1 =	vadd.f32 v4, v1;
	v4 =	vmul.f32 v6, v26;
	v51 =	vld [tilespmem:s6+$0x1A000]  }
0x3ad: {  	s6 =	sor.u32 $0x440, s1;
	v6 =	vsel vm0, v8, v7;
	v7 =	vmul.f32 $2.000000030e-01, v53;
	v8 =	vadd.f32 v54, v49;
	v54 =	vld [tilespmem:s5+$0x1A000]  }
0x3ae: {  	vm0 =	vge.f32 v53, $0.0e+00;
	s5 =	sor.u32 $0x450, s0;
	v1 =	vadd.f32 v4, v1;
	v4 =	vmul.f32 v6, v27;
	v52 =	vld [tilespmem:s6+$0x1A000]  }
0x3af: {  	s6 =	sor.u32 $0x450, s1;
	v6 =	vsel vm0, v53, v7;
	v7 =	vmul.f32 $2.000000030e-01, v8;
	v57 =	vadd.f32 v55, v50;
	v58 =	vld [tilespmem:s5+$0x1A000]  }
0x3b0: {  	vm0 =	vge.f32 v8, $0.0e+00;
	s5 =	sor.u32 $0x460, s0;
	v1 =	vadd.f32 v4, v1;
	v4 =	vmul.f32 v6, v28;
	v53 =	vld [tilespmem:s6+$0x1A000]  }
0x3b1: {  	s6 =	sor.u32 $0x460, s1;
	v6 =	vsel vm0, v8, v7;
	v7 =	vmul.f32 $2.000000030e-01, v57;
	v8 =	vadd.f32 v56, v51;
	v56 =	vld [tilespmem:s5+$0x1A000]  }
0x3b2: {  	s0 =	sor.u32 $0x470, s0;
	vm0 =	vge.f32 v57, $0.0e+00;
	v1 =	vadd.f32 v4, v1;
	v4 =	vmul.f32 v6, v29;
	v55 =	vld [tilespmem:s6+$0x1A000]  }
0x3b3: {  	s1 =	sor.u32 $0x470, s1;
	v6 =	vsel vm0, v57, v7;
	v7 =	vmul.f32 $2.000000030e-01, v8;
	v54 =	vadd.f32 v54, v52;
	v57 =	vld [tilespmem:s0+$0x1A000]  }
0x3b4: {  	vm0 =	vge.f32 v8, $0.0e+00;
	v1 =	vadd.f32 v4, v1;
	v4 =	vmul.f32 v6, v30;
	v6 =	vld [tilespmem:s1+$0x1A000]  }
0x3b5: {  	v7 =	vsel vm0, v8, v7;
	v8 =	vmul.f32 $2.000000030e-01, v54;
	v58 =	vadd.f32 v58, v53  }
0x3b6: {  	vm0 =	vge.f32 v54, $0.0e+00;
	v1 =	vadd.f32 v4, v1;
	v4 =	vmul.f32 v7, v31  }
0x3b7: {  	v7 =	vsel vm0, v54, v8;
	v8 =	vmul.f32 $2.000000030e-01, v58;
	v54 =	vadd.f32 v56, v55  }
0x3b8: {  	vm0 =	vge.f32 v58, $0.0e+00;
	v1 =	vadd.f32 v4, v1;
	v4 =	vmul.f32 v7, v32  }
0x3b9: {  	v7 =	vsel vm0, v58, v8;
	v8 =	vmul.f32 $2.000000030e-01, v54;
	v56 =	vadd.f32 v57, v6  }
0x3ba: {  	vm0 =	vge.f32 v54, $0.0e+00;
	v1 =	vadd.f32 v4, v1;
	v4 =	vmul.f32 v7, v33  }
0x3bb: {  	v7 =	vsel vm0, v54, v8;
	v8 =	vmul.f32 $2.000000030e-01, v56  }
0x3bc: {  	vm0 =	vge.f32 v56, $0.0e+00;
	v1 =	vadd.f32 v4, v1;
	v4 =	vmul.f32 v7, v34  }
0x3bd: {  	v7 =	vsel vm0, v56, v8  }
0x3be: {  	v1 =	vadd.f32 v4, v1;
	v4 =	vmul.f32 v7, v35;
	_ =	sdelay $0x1  }
0x3bf: {  	v1 =	vadd.f32 v4, v1;
	_ =	sdelay $0x1  }
0x3c0: {  	(xrf2) =	vadd.scan.msk.f32 $0xffff, v1;
	_ =	sdelay $0x9  }
0x3c1: {  	v1, _, _ =	vpop (xrf2)  }
0x3c2: {  	v1 =	vmul.f32 $1.442695020e+00, v1;
	_ =	sdelay $0x1  }
0x3c3: {  	v1 =	vbroadcast v1, $0xF;
	_ =	sdelay $0x1  }
0x3c4: {  	(erf) = vpow2.f32 v1  }
0x3c5: {  	v54 =	vld [tilespmem:s2+$0x1E000];
	_ =	sdelay $0x1  }
0x3c6: {  	s0 =	sand.u32 $0xF, s29  }
0x3c7: {  	s0 =	sadd.s32 $0x1, s0  }
0x3c8: {  	v1 =	vmov s0  }
0x3c9: {  	v4 =	vperm.xlane v54, v1;
	_ =	sdelay $0x1  }
0x3ca: {  	p2 =	slt.s32 s10, s21;
	s0 =	simm.f32 $1.000000000e+00;
	v4 =	vshll.u32 v4, $0x8  }
0x3cb: {  	s0 =	simm.s32 @!p2 $0x0;
	v7 =	vor.u32 v0, v4;
	v8 =	vpop (erf)  }
0x3cc: {  	v56 =	vmul.f32 s0, v8;
	v8 =	vor.u32 v9, v4  }
0x3cd: {  	v57 =	vor.u32 v10, v4  }
0x3ce: {  	v59 =	vor.u32 v11, v4;
	v58 =	vmul.f32 v56, v40;
	v40 =	vmul.f32 v56, v6  }
0x3cf: {  	vm0 =	veq.s32 v1, v0;
	v1 =	vmul.f32 v56, v41;
	v6 =	vor.u32 v12, v4  }
0x3d0: {  	v41 =	vor.u32 v13, v4;
	[tilespmem:v7+s3+$0x0] =	vst.idx.add.f32.msk $0xffff, v58;
	v7 =	vmul.f32 v56, v42  }
0x3d1: {  	[tilespmem:v8+s3+$0x0] =	vst.idx.add.f32.msk $0xffff, v1;
	v1 =	vmul.f32 v56, v43;
	v8 =	vor.u32 v14, v4  }
0x3d2: {  	v42 =	vor.u32 v15, v4;
	[tilespmem:v57+s3+$0x0] =	vst.idx.add.f32.msk $0xffff, v7;
	v7 =	vmul.f32 v56, v44  }
0x3d3: {  	v43 =	vor.u32 v16, v4;
	[tilespmem:v59+s3+$0x0] =	vst.idx.add.f32.msk $0xffff, v1;
	v1 =	vmul.f32 v56, v45  }
0x3d4: {  	[tilespmem:v6+s3+$0x0] =	vst.idx.add.f32.msk $0xffff, v7;
	v6 =	vmul.f32 v56, v46;
	v7 =	vor.u32 v17, v4  }
0x3d5: {  	v44 =	vor.u32 v18, v4;
	[tilespmem:v41+s3+$0x0] =	vst.idx.add.f32.msk $0xffff, v1;
	v1 =	vmul.f32 v56, v47  }
0x3d6: {  	[tilespmem:v8+s3+$0x0] =	vst.idx.add.f32.msk $0xffff, v6;
	v6 =	vmul.f32 v56, v48;
	v8 =	vor.u32 v19, v4  }
0x3d7: {  	v46 =	vor.u32 v36, v4;
	[tilespmem:v42+s3+$0x0] =	vst.idx.add.f32.msk $0xffff, v1;
	v1 =	vmul.f32 v56, v49  }
.Ltmp12:
0x3d8: {  	v41 =	vor.u32 v37, v4;
	[tilespmem:v43+s3+$0x0] =	vst.idx.add.f32.msk $0xffff, v6;
	v6 =	vmul.f32 v56, v50;
	(pc) =	sbr.rel @p1 .LBB2_13-.Ltmp12, $4  }
0x3d9: {  	v42 =	vor.u32 v38, v4;
	[tilespmem:v7+s3+$0x0] =	vst.idx.add.f32.msk $0xffff, v1;
	v1 =	vmul.f32 v56, v51  }
0x3da: {  	v43 =	vor.u32 v39, v4;
	[tilespmem:v44+s3+$0x0] =	vst.idx.add.f32.msk $0xffff, v6;
	v6 =	vmul.f32 v56, v52  }
0x3db: {  	v45 =	vmul.f32 v56, v53;
	[tilespmem:v8+s3+$0x0] =	vst.idx.add.f32.msk $0xffff, v1  }
0x3dc: {  	s29 =	sadd.s32 $0x2, s29;
	v44 =	vmul.f32 v56, v55;
	[tilespmem:v46+s3+$0x0] =	vst.idx.add.f32.msk $0xffff, v6  }
.Ltmp13:
0x3dd: {  	_ = 	snop;
	(pc) =	sbr.rel .LBB2_14-.Ltmp13, $1  }
0x3de: {  	_ =	sdelay $0x3  }
.LBB2_18:
0x3df: {  	_ =	sfence.sel $0x180000  }
0x3e0: {  	[bflag:$0x0] =	sbarrier.arrive $0xFFFF  }
0x3e1: {  	_ =	strace $0x90000047  }
0x3e2: {  	s0 =	stileid.u32;
	[bflag:$0x2] =	sbarrier.arrive $0xFFFF  }
0x3e3: {  	p0 =	sne.s32 s0, $0x0;
	s0 =	rddreg [dreg:$0x2]  }
0x3e4: {  	s0 =	sadd.s32 @!p0 $0x100000, s0  }
0x3e5: {  	[sflag:s0] =	ssyncadd.tile.s32 @!p0 $0x1;
	_ =	shalt  }
.Lfunc_end2:
_tile_overlayer_lowered:
.L_overlay_start_2:
0x3e6: {  	(tag) =	ssettag $0x2  }
0x3e7: {  	s0 =	rddreg [dreg:$0x0];
	s2 =	stileid.u32  }
0x3e8: {  	s1 =	rddreg [dreg:$0x1];
	p0 =	sne.s32 s2, $0x0  }
0x3e9: {  	s3 =	rddreg [dreg:$0x2];
	[bflag:$0x3] =	sbarrier.arrive $0xFFFF;
	s2 =	simm.s32 @!p0 $0x1C03  }
0x3ea: {  	[timem:s3], [sflag:s2] =	dma.local @!p0 [hbm:s0], s1  }
0x3eb: {  	s0 =	simm.s32 @!p0 $0x3  }
0x3ec: {  	_ =	swait.ge @!p0 [sflag:s0], s1  }
0x3ed: {  	s1 =	ssub.s32 @!p0 $0x0, s1;
	[sflag:s0] =	ssyncset.done @!p0 $0x0  }
0x3ee: {  	[sflag:s0] =	ssyncadd.s32 @!p0 s1  }
0x3ef: {  	[bflag:$0x3] =	sbarrier.arrive $0xFFFF  }
0x3f0: {  	_ =	shalt  }

</sc_bundles>
